<compile_context>
chip_gen: v7x
topology: tpu7x:2x2x1
jax: 0.10.2.dev20260603
libtpu: 0.0.44.dev20260713+nightly
codegen_flags: <defaults>
</compile_context>

<pallas_src>
import functools

import jax
import jax.numpy as jnp
import numpy as np
from jax import lax
from jax.experimental import pallas as pl
from jax.experimental.pallas import tpu as pltpu
from jax.experimental.pallas import tpu_sc as plsc

_B, _N, _F, _R = 4096, 50, 128, 8
_JT = _B * _R
_TBC = 256
_DBC = 128
_NTB = _B // _TBC
_NDB = _B // _DBC

_TINY = np.float32(np.finfo(np.float32).tiny)


def _threefry_bits(cnt, ks0, ks1, ks2):
    rot = ((13, 15, 26, 6), (17, 29, 16, 24))
    x0 = jnp.zeros_like(cnt) + ks0
    x1 = cnt + ks1
    ks = (ks0, ks1, ks2)
    for i in range(5):
        for r in rot[i % 2]:
            x0 = x0 + x1
            x1 = (x1 << jnp.uint32(r)) | (x1 >> jnp.uint32(32 - r))
            x1 = x1 ^ x0
        x0 = x0 + ks[(i + 1) % 3]
        x1 = x1 + ks[(i + 2) % 3] + jnp.uint32(i + 1)
    return x0 ^ x1


def _gumbel(cnt, ks0, ks1, ks2):
    bits = _threefry_bits(cnt, ks0, ks1, ks2)
    fb = (bits >> jnp.uint32(9)) | jnp.uint32(0x3F800000)
    f = lax.bitcast_convert_type(fb, jnp.float32) - jnp.float32(1.0)
    u = jnp.maximum(_TINY, f * (jnp.float32(1.0) - _TINY) + _TINY)
    return -jnp.log(-jnp.log(u))


def _target_body(keys_ref, zf_ref, labt_ref, out_ref):
    pid = pl.program_id(0)
    ks0, ks1 = keys_ref[0], keys_ref[1]
    ks2 = ks0 ^ ks1 ^ jnp.uint32(0x1BD11BDA)

    nn2 = lax.broadcasted_iota(jnp.uint32, (2 * _N, _TBC), 0)
    bl = lax.broadcasted_iota(jnp.uint32, (2 * _N, _TBC), 1)
    hi = (nn2 >= jnp.uint32(_N)).astype(jnp.uint32)
    n = nn2 - hi * jnp.uint32(_N)
    b = jnp.uint32(pid * _TBC) + bl
    lg = jnp.log(labt_ref[...] + jnp.float32(1e-9))
    lg2 = jnp.concatenate([lg, lg], axis=0)
    b1 = lax.broadcasted_iota(jnp.int32, (_TBC,), 0) + pid * _TBC
    nidx = lax.broadcasted_iota(jnp.int32, (_N, _TBC), 0)

    for rp in range(_R // 2):
        rr = jnp.uint32(2 * rp) + hi
        cnt = (b * jnp.uint32(_R) + rr) * jnp.uint32(_N) + n
        sc2 = _gumbel(cnt, ks0, ks1, ks2) + lg2
        for sc, row in ((sc2[: _N], 2 * rp), (sc2[_N:], 2 * rp + 1)):
            m = jnp.max(sc, axis=0, keepdims=True)
            li = jnp.min(jnp.where(sc == m, nidx, _N), axis=0)
            out_ref[0, row] = (li + zf_ref[0]) * _B + b1


def _distr_body(keys_ref, labt_ref, out_ref):
    pid = pl.program_id(0)
    ks0, ks1 = keys_ref[2], keys_ref[3]
    ks2 = ks0 ^ ks1 ^ jnp.uint32(0x1BD11BDA)

    nn2 = lax.broadcasted_iota(jnp.uint32, (2 * _N, _DBC), 0)
    bl = lax.broadcasted_iota(jnp.uint32, (2 * _N, _DBC), 1)
    hi = (nn2 >= jnp.uint32(_N)).astype(jnp.uint32)
    n = nn2 - hi * jnp.uint32(_N)
    b = jnp.uint32(pid * _DBC) + bl
    lg = jnp.log(jnp.float32(1.0) - labt_ref[...] + jnp.float32(1e-9))
    lg2 = jnp.concatenate([lg, lg], axis=0)
    b1 = lax.broadcasted_iota(jnp.int32, (_DBC,), 0) + pid * _DBC
    nidx = lax.broadcasted_iota(jnp.int32, (_N, _DBC), 0)

    for sp in range(_R):
        s = jnp.uint32(2 * sp) + hi
        cnt = (b * jnp.uint32(2 * _R) + s) * jnp.uint32(_N) + n
        sc2 = _gumbel(cnt, ks0, ks1, ks2) + lg2
        for sc, row in ((sc2[: _N], sp), (sc2[_N:], _R + sp)):
            m = jnp.max(sc, axis=0, keepdims=True)
            li = jnp.min(jnp.where(sc == m, nidx, _N), axis=0)
            out_ref[0, row] = li * _B + b1


def _sample_indices(labels_t, keys, zf):
    idx_d = pl.pallas_call(
        _distr_body,
        grid=(_NDB,),
        in_specs=[
            pl.BlockSpec(memory_space=pltpu.SMEM),
            pl.BlockSpec((_N, _DBC), lambda i: (0, i)),
        ],
        out_specs=pl.BlockSpec((1, 2 * _R, _DBC), lambda i: (i, 0, 0)),
        out_shape=jax.ShapeDtypeStruct((_NDB, 2 * _R, _DBC), jnp.int32),
    )(keys, labels_t)
    idx_t = pl.pallas_call(
        _target_body,
        grid=(_NTB,),
        in_specs=[
            pl.BlockSpec(memory_space=pltpu.SMEM),
            pl.BlockSpec(memory_space=pltpu.SMEM),
            pl.BlockSpec((_N, _TBC), lambda i: (0, i)),
        ],
        out_specs=pl.BlockSpec((1, _R, _TBC), lambda i: (i, 0, 0)),
        out_shape=jax.ShapeDtypeStruct((_NTB, _R, _TBC), jnp.int32),
    )(keys, zf, labels_t)
    return idx_t.reshape(-1), idx_d.reshape(-1)


_NW = 32
_GCH = 128


_NBUF = 4


def _gather_pipeline(table_hbm, out_hbm, b0, chunks, bufs, gsem, wsem):

    def start_gather(i):
        idx_ref, off, _, _ = chunks[i]
        return pltpu.async_copy(
            table_hbm.at[idx_ref.at[pl.ds(off, _GCH)]],
            bufs[i % _NBUF], gsem[i % _NBUF],
        )

    def start_write(i):
        _, _, r, slot = chunks[i]
        return pltpu.async_copy(
            bufs[i % _NBUF].reshape(_GCH, 1, _F),
            out_hbm.at[slot, pl.ds(b0, _GCH), pl.ds(r, 1)],
            wsem[i % _NBUF],
        )

    n = len(chunks)
    g = [None] * n
    w = [None] * n
    for j in range(min(_NBUF - 1, n)):
        g[j] = start_gather(j)
    for i in range(n):
        if i >= 1:
            w[i - 1].wait()
        if i + _NBUF - 1 < n:
            g[i + _NBUF - 1] = start_gather(i + _NBUF - 1)
        g[i].wait()
        w[i] = start_write(i)
    w[n - 1].wait()


def _sc_scratch(n_idx):
    return (
        [pltpu.VMEM((n_idx,), jnp.int32)]
        + [pltpu.VMEM((_GCH, _F), jnp.float32)] * _NBUF
        + [pltpu.SemaphoreType.DMA] * (2 * _NBUF)
    )


def _sc_gather_d(table, idx_d):
    mesh = plsc.VectorSubcoreMesh(core_axis_name="c", subcore_axis_name="s")

    @functools.partial(
        pl.kernel,
        mesh=mesh,
        out_type=jax.ShapeDtypeStruct((3, _B, _R, _F), jnp.float32),
        scratch_types=_sc_scratch(2 * _R * _DBC),
    )
    def k(table_hbm, d_hbm, out_hbm, d_v, *scr):
        bufs, gsem, wsem = scr[:_NBUF], scr[_NBUF:2 * _NBUF], scr[2 * _NBUF:]
        wid = lax.axis_index("s") * 2 + lax.axis_index("c")
        b0 = wid * 128
        pltpu.sync_copy(
            d_hbm.at[pl.ds(wid * (2 * _R) * _DBC, (2 * _R) * _DBC)], d_v)
        chunks = []
        for r in range(_R):
            chunks.append((d_v, r * _DBC, r, 1))
            chunks.append((d_v, (_R + r) * _DBC, r, 2))
        _gather_pipeline(table_hbm, out_hbm, b0, chunks, bufs, gsem, wsem)

    return k(table, idx_d)


def _sc_gather_t(table, idx_t, out_ref_obj):
    mesh = plsc.VectorSubcoreMesh(core_axis_name="c", subcore_axis_name="s")

    @functools.partial(
        pl.kernel,
        mesh=mesh,
        scratch_types=_sc_scratch(_R * _TBC),
    )
    def k(table_hbm, t_hbm, out_hbm, t_v, *scr):
        bufs, gsem, wsem = scr[:_NBUF], scr[_NBUF:2 * _NBUF], scr[2 * _NBUF:]
        wid = lax.axis_index("s") * 2 + lax.axis_index("c")
        b0 = wid * 128
        tchunk = wid // 2
        thalf = wid - tchunk * 2
        pltpu.sync_copy(t_hbm.at[pl.ds(tchunk * _R * _TBC, _R * _TBC)], t_v)
        chunks = [(t_v, r * _TBC + thalf * _GCH, r, 0) for r in range(_R)]
        _gather_pipeline(table_hbm, out_hbm, b0, chunks, bufs, gsem, wsem)

    k(table, idx_t, out_ref_obj)


_KEYS = np.array([1832780943, 270669613, 64467757, 2916123636], np.uint32)


def kernel(stims, labels, n_ref_games):
    bsize, n_stims, n_feats = stims.shape
    zf = jnp.reshape((jnp.asarray(n_ref_games) - _R).astype(jnp.int32), (1,))
    keys = jnp.asarray(_KEYS)
    idx_t, idx_d = _sample_indices(labels.T, keys, zf)
    table = jnp.transpose(stims, (1, 0, 2)).reshape(n_stims * bsize, n_feats)
    out_ref = jax.new_ref(_sc_gather_d(table, idx_d))
    _sc_gather_t(table, idx_t, out_ref)
    return jnp.transpose(out_ref[...].reshape(3, bsize * _R, n_feats),
                         (1, 0, 2))

# --- scband reference (transcript-rebuilt; emitter-appended) ---
"""Pipeline reference for scband-comm-game-72541997629977 (READ-ONLY COPY).

The authoritative reference and input builder live on the scoring server;
editing this copy changes nothing except your own understanding.
"""

import jax, jax.numpy as jnp
import numpy as np

B, N, FEAT = 4096, 50, 128
NREF = 8


def setup_inputs(seed: int = 0) -> dict:
    key = jax.random.key(seed)
    k1, k2 = jax.random.split(key)
    stims = jax.random.normal(k1, (B, N, FEAT), dtype=jnp.float32)
    # per-stimulus positive membership weights in [0,1); both labels and
    # (1 - labels) are valid multinomial weights
    labels = jax.random.uniform(k2, (B, N), dtype=jnp.float32, minval=0.05, maxval=0.95)
    return {"stims": stims, "labels": labels, "n_ref_games": NREF}


def _multinomial(key, weights, n_samples):
    # torch.Tensor.multinomial(n, replacement=True) equivalent:
    # categorical sampling with replacement proportional to weights
    bsz, n = weights.shape
    logits = jax.lax.stop_gradient(jnp.log(weights + 1e-9))
    logits_b = jnp.broadcast_to(logits[:, None, :], (bsz, n_samples, n))
    return jax.random.categorical(key, logits_b, axis=-1)  # (bsz, n_samples) int


def reference(stims, labels, n_ref_games):
    # Faithful JAX translation of CommGame.compute_concept_loss up to the
    # construction of the flattened reference games (the sampling + gather core).
    bsize, n_stims, n_feats = stims.shape
    key = jax.random.key(42)
    k1, k2 = jax.random.split(key)

    r_static = NREF
    zero_fold = jnp.asarray(n_ref_games - r_static).astype(jnp.int32)

    # target_indices = labels.multinomial(n_ref_games, replacement=True)
    target_indices = _multinomial(k1, labels, r_static) + zero_fold  # (B, r_static)
    tgt_idx_expanded = jnp.broadcast_to(
        target_indices[:, :, None], (bsize, r_static, n_feats)
    )
    targets = jnp.take_along_axis(stims, tgt_idx_expanded, axis=1)  # (B, R, F)
    targets = targets[:, :, None, :]  # (B, R, 1, F)

    # distr_indices = (1 - labels).multinomial(n_ref_games * 2, replacement=True)
    distr_indices = _multinomial(k2, 1.0 - labels, r_static * 2)  # (B, 2R)
    distr_idx_expanded = jnp.broadcast_to(
        distr_indices[:, :, None], (bsize, r_static * 2, n_feats)
    )
    distr = jnp.take_along_axis(stims, distr_idx_expanded, axis=1)
    distr = distr.reshape(bsize, r_static, 2, n_feats)

    ref_games = jnp.concatenate((targets, distr), axis=2)  # (B, R, 3, F)
    ref_games_flat = ref_games.reshape(-1, 3, n_feats)  # (B*R, 3, F)
    return ref_games_flat


if False:  # reference __main__ guard neutralized (emitter)
    inp = setup_inputs()
    out = reference(**inp)
    print(out.shape)

if __name__ == "__main__":
    import jax
    _d = setup_inputs()
    print(jax.jit(kernel)(*tuple(_d.values())))

</pallas_src>

<mosaic_0001>
#map = affine_map<(d0, d1) -> (0, 0)>
#map1 = affine_map<(d0, d1) -> (0)>
#map2 = affine_map<(d0, d1) -> (0, 0, 0, 0)>
module attributes {stable_mosaic.version = 14 : i64} {
  func.func @new_body(%arg0: i32, %arg1: i32, %arg2: memref<204800x128xf32, #tpu.memory_space<hbm>>, %arg3: memref<32768xi32, #tpu.memory_space<hbm>>, %arg4: memref<3x4096x8x128xf32, #tpu.memory_space<hbm>>, %arg5: memref<3x4096x8x128xf32, #tpu.memory_space<hbm>>, %arg6: memref<2048xi32, #tpu.memory_space<vmem>>, %arg7: memref<128x128xf32, #tpu.memory_space<vmem>>, %arg8: memref<128x128xf32, #tpu.memory_space<vmem>>, %arg9: memref<128x128xf32, #tpu.memory_space<vmem>>, %arg10: memref<128x128xf32, #tpu.memory_space<vmem>>, %arg11: memref<!tpu.dma_semaphore, #tpu.memory_space<semaphore_mem>>, %arg12: memref<!tpu.dma_semaphore, #tpu.memory_space<semaphore_mem>>, %arg13: memref<!tpu.dma_semaphore, #tpu.memory_space<semaphore_mem>>, %arg14: memref<!tpu.dma_semaphore, #tpu.memory_space<semaphore_mem>>, %arg15: memref<!tpu.dma_semaphore, #tpu.memory_space<semaphore_mem>>, %arg16: memref<!tpu.dma_semaphore, #tpu.memory_space<semaphore_mem>>, %arg17: memref<!tpu.dma_semaphore, #tpu.memory_space<semaphore_mem>>, %arg18: memref<!tpu.dma_semaphore, #tpu.memory_space<semaphore_mem>>) attributes {dimension_semantics = [#tpu.dimension_semantics<core_parallel>, #tpu.dimension_semantics<subcore_parallel>], iteration_bounds = array<i64: 2, 16>, scalar_prefetch = 0 : i64, scratch_operands = 13 : i64, tpu.core_type = #tpu.core_type<sc_vector_subcore>, window_params = [{transform_indices = #map}, {transform_indices = #map1}, {transform_indices = #map2}, {transform_indices = #map2}]} {
    %mul3A = arith.constant 2 : i32
    %mul3A_0 = arith.muli %arg1, %mul3A : i32
    %add3A = arith.addi %mul3A_0, %arg0 : i32
    %mul3A_1 = arith.constant 128 : i32
    %mul3A_2 = arith.muli %add3A, %mul3A_1 : i32
    %jit3A = arith.constant 2 : i32
    %div3A = arith.divsi %add3A, %jit3A : i32
    %sign3A = arith.constant 0 : i32
    %sign3A_3 = arith.cmpi sgt, %add3A, %sign3A : i32
    %sign3A_4 = arith.extui %sign3A_3 : i1 to i32
    %sign3A_5 = arith.constant 0 : i32
    %sign3A_6 = arith.cmpi slt, %add3A, %sign3A_5 : i32
    %sign3A_7 = arith.extui %sign3A_6 : i1 to i32
    %sign3A_8 = arith.subi %sign3A_4, %sign3A_7 : i32
    %sign3A_9 = arith.constant 0 : i32
    %sign3A_10 = arith.cmpi sgt, %jit3A, %sign3A_9 : i32
    %sign3A_11 = arith.extui %sign3A_10 : i1 to i32
    %sign3A_12 = arith.constant 0 : i32
    %sign3A_13 = arith.cmpi slt, %jit3A, %sign3A_12 : i32
    %sign3A_14 = arith.extui %sign3A_13 : i1 to i32
    %sign3A_15 = arith.subi %sign3A_11, %sign3A_14 : i32
    %ne3A = arith.cmpi ne, %sign3A_8, %sign3A_15 : i32
    %rem3A = arith.remsi %add3A, %jit3A : i32
    %ne3A_16 = arith.constant 0 : i32
    %ne3A_17 = arith.cmpi ne, %rem3A, %ne3A_16 : i32
    %and3A = arith.andi %ne3A, %ne3A_17 : i1
    %sub3A = arith.constant 1 : i32
    %sub3A_18 = arith.subi %div3A, %sub3A : i32
    %select_n3A = arith.select %and3A, %sub3A_18, %div3A : i32
    %mul3A_19 = arith.constant 2 : i32
    %mul3A_20 = arith.muli %select_n3A, %mul3A_19 : i32
    %sub3A_21 = arith.subi %add3A, %mul3A_20 : i32
    %mul3A_22 = arith.constant 8 : i32
    %mul3A_23 = arith.muli %select_n3A, %mul3A_22 : i32
    %mul3A_24 = arith.constant 256 : i32
    %mul3A_25 = arith.muli %mul3A_23, %mul3A_24 : i32
    "tpu.region"() ({
      %run_scoped3A = tpu.sem_alloc : memref<!tpu.dma_semaphore, #tpu.memory_space<semaphore_mem>>
      %dma_start3A_296 = tpu.memref_slice %arg3[%mul3A_25] : memref<32768xi32, #tpu.memory_space<hbm>> -> memref<2048xi32, #tpu.memory_space<hbm>>
      %dma_start3A_297 = tpu.memref_slice %arg3[%mul3A_25] : memref<32768xi32, #tpu.memory_space<hbm>> -> memref<2048xi32, #tpu.memory_space<hbm>>
      tpu.enqueue_dma source(%dma_start3A_297 : memref<2048xi32, #tpu.memory_space<hbm>>) target(%arg6 : memref<2048xi32, #tpu.memory_space<vmem>>) target_semaphore(%run_scoped3A : memref<!tpu.dma_semaphore, #tpu.memory_space<semaphore_mem>>)
      %dma_wait3A_298 = tpu.memref_slice %arg3[%mul3A_25] : memref<32768xi32, #tpu.memory_space<hbm>> -> memref<2048xi32, #tpu.memory_space<hbm>>
      %dma_wait3A_299 = tpu.memref_slice %arg3[%mul3A_25] : memref<32768xi32, #tpu.memory_space<hbm>> -> memref<2048xi32, #tpu.memory_space<hbm>>
      tpu.wait_dma2 semaphore(%run_scoped3A : memref<!tpu.dma_semaphore, #tpu.memory_space<semaphore_mem>>) src(%dma_wait3A_299 : memref<2048xi32, #tpu.memory_space<hbm>>) dst(%arg6 : memref<2048xi32, #tpu.memory_space<vmem>>)
      tpu.yield
    }) : () -> ()
    %mul3A_26 = arith.constant 128 : i32
    %mul3A_27 = arith.muli %sub3A_21, %mul3A_26 : i32
    %add3A_28 = arith.constant 0 : i32
    %add3A_29 = arith.addi %add3A_28, %mul3A_27 : i32
    %mul3A_30 = arith.constant 128 : i32
    %mul3A_31 = arith.muli %sub3A_21, %mul3A_30 : i32
    %add3A_32 = arith.constant 256 : i32
    %add3A_33 = arith.addi %add3A_32, %mul3A_31 : i32
    %mul3A_34 = arith.constant 128 : i32
    %mul3A_35 = arith.muli %sub3A_21, %mul3A_34 : i32
    %add3A_36 = arith.constant 512 : i32
    %add3A_37 = arith.addi %add3A_36, %mul3A_35 : i32
    %mul3A_38 = arith.constant 128 : i32
    %mul3A_39 = arith.muli %sub3A_21, %mul3A_38 : i32
    %add3A_40 = arith.constant 768 : i32
    %add3A_41 = arith.addi %add3A_40, %mul3A_39 : i32
    %mul3A_42 = arith.constant 128 : i32
    %mul3A_43 = arith.muli %sub3A_21, %mul3A_42 : i32
    %add3A_44 = arith.constant 1024 : i32
    %add3A_45 = arith.addi %add3A_44, %mul3A_43 : i32
    %mul3A_46 = arith.constant 128 : i32
    %mul3A_47 = arith.muli %sub3A_21, %mul3A_46 : i32
    %add3A_48 = arith.constant 1280 : i32
    %add3A_49 = arith.addi %add3A_48, %mul3A_47 : i32
    %mul3A_50 = arith.constant 128 : i32
    %mul3A_51 = arith.muli %sub3A_21, %mul3A_50 : i32
    %add3A_52 = arith.constant 1536 : i32
    %add3A_53 = arith.addi %add3A_52, %mul3A_51 : i32
    %mul3A_54 = arith.constant 128 : i32
    %mul3A_55 = arith.muli %sub3A_21, %mul3A_54 : i32
    %add3A_56 = arith.constant 1792 : i32
    %add3A_57 = arith.addi %add3A_56, %mul3A_55 : i32
    %dma_start3A = tpu.memref_slice %arg6[%add3A_29] : memref<2048xi32, #tpu.memory_space<vmem>> -> memref<128xi32, #tpu.memory_space<vmem>>
    %dma_start3A_58 = arith.constant 0 : i32
    %dma_start3A_59 = arith.constant 0 : i32
    %dma_start3A_60 = tpu.memref_slice %arg2[%dma_start3A_58, %dma_start3A_59] : memref<204800x128xf32, #tpu.memory_space<hbm>> -> memref<204800x128xf32, #tpu.memory_space<hbm>>
    tpu.enqueue_indirect_dma source(%dma_start3A_60 : memref<204800x128xf32, #tpu.memory_space<hbm>>) target(%arg7 : memref<128x128xf32, #tpu.memory_space<vmem>>) offsets(%dma_start3A : memref<128xi32, #tpu.memory_space<vmem>>) semaphore(%arg11 : memref<!tpu.dma_semaphore, #tpu.memory_space<semaphore_mem>>)
    %dma_start3A_61 = tpu.memref_slice %arg6[%add3A_33] : memref<2048xi32, #tpu.memory_space<vmem>> -> memref<128xi32, #tpu.memory_space<vmem>>
    %dma_start3A_62 = arith.constant 0 : i32
    %dma_start3A_63 = arith.constant 0 : i32
    %dma_start3A_64 = tpu.memref_slice %arg2[%dma_start3A_62, %dma_start3A_63] : memref<204800x128xf32, #tpu.memory_space<hbm>> -> memref<204800x128xf32, #tpu.memory_space<hbm>>
    tpu.enqueue_indirect_dma source(%dma_start3A_64 : memref<204800x128xf32, #tpu.memory_space<hbm>>) target(%arg8 : memref<128x128xf32, #tpu.memory_space<vmem>>) offsets(%dma_start3A_61 : memref<128xi32, #tpu.memory_space<vmem>>) semaphore(%arg12 : memref<!tpu.dma_semaphore, #tpu.memory_space<semaphore_mem>>)
    %dma_start3A_65 = tpu.memref_slice %arg6[%add3A_37] : memref<2048xi32, #tpu.memory_space<vmem>> -> memref<128xi32, #tpu.memory_space<vmem>>
    %dma_start3A_66 = arith.constant 0 : i32
    %dma_start3A_67 = arith.constant 0 : i32
    %dma_start3A_68 = tpu.memref_slice %arg2[%dma_start3A_66, %dma_start3A_67] : memref<204800x128xf32, #tpu.memory_space<hbm>> -> memref<204800x128xf32, #tpu.memory_space<hbm>>
    tpu.enqueue_indirect_dma source(%dma_start3A_68 : memref<204800x128xf32, #tpu.memory_space<hbm>>) target(%arg9 : memref<128x128xf32, #tpu.memory_space<vmem>>) offsets(%dma_start3A_65 : memref<128xi32, #tpu.memory_space<vmem>>) semaphore(%arg13 : memref<!tpu.dma_semaphore, #tpu.memory_space<semaphore_mem>>)
    %dma_start3A_69 = tpu.memref_slice %arg6[%add3A_41] : memref<2048xi32, #tpu.memory_space<vmem>> -> memref<128xi32, #tpu.memory_space<vmem>>
    %dma_start3A_70 = arith.constant 0 : i32
    %dma_start3A_71 = arith.constant 0 : i32
    %dma_start3A_72 = tpu.memref_slice %arg2[%dma_start3A_70, %dma_start3A_71] : memref<204800x128xf32, #tpu.memory_space<hbm>> -> memref<204800x128xf32, #tpu.memory_space<hbm>>
    tpu.enqueue_indirect_dma source(%dma_start3A_72 : memref<204800x128xf32, #tpu.memory_space<hbm>>) target(%arg10 : memref<128x128xf32, #tpu.memory_space<vmem>>) offsets(%dma_start3A_69 : memref<128xi32, #tpu.memory_space<vmem>>) semaphore(%arg14 : memref<!tpu.dma_semaphore, #tpu.memory_space<semaphore_mem>>)
    %dma_wait3A = tpu.memref_slice %arg6[%add3A_29] : memref<2048xi32, #tpu.memory_space<vmem>> -> memref<128xi32, #tpu.memory_space<vmem>>
    %dma_wait3A_73 = arith.constant 0 : i32
    %dma_wait3A_74 = arith.constant 0 : i32
    %dma_wait3A_75 = tpu.memref_slice %arg2[%dma_wait3A_73, %dma_wait3A_74] : memref<204800x128xf32, #tpu.memory_space<hbm>> -> memref<204800x128xf32, #tpu.memory_space<hbm>>
    tpu.wait_indirect_dma semaphore(%arg11 : memref<!tpu.dma_semaphore, #tpu.memory_space<semaphore_mem>>) src(%dma_wait3A_75 : memref<204800x128xf32, #tpu.memory_space<hbm>>) dst(%arg7 : memref<128x128xf32, #tpu.memory_space<vmem>>)
    %dma_start3A_76 = arith.constant 0 : i32
    %dma_start3A_77 = tpu.memref_reshape %arg7 : memref<128x128xf32, #tpu.memory_space<vmem>> -> memref<128x1x128xf32, #tpu.memory_space<vmem>>
    %dma_start3A_78 = arith.constant 0 : i32
    %dma_start3A_79 = arith.constant 0 : i32
    %dma_start3A_80 = tpu.memref_slice %arg4[%dma_start3A_76, %mul3A_2, %dma_start3A_78, %dma_start3A_79] : memref<3x4096x8x128xf32, #tpu.memory_space<hbm>> -> memref<1x128x1x128xf32, #tpu.memory_space<hbm>>
    %dma_start3A_81 = tpu.memref_squeeze %dma_start3A_80 : memref<1x128x1x128xf32, #tpu.memory_space<hbm>> -> memref<128x1x128xf32, #tpu.memory_space<hbm>>
    %dma_start3A_82 = arith.constant 0 : i32
    %dma_start3A_83 = arith.constant 0 : i32
    %dma_start3A_84 = tpu.memref_slice %arg4[%dma_start3A_76, %mul3A_2, %dma_start3A_82, %dma_start3A_83] : memref<3x4096x8x128xf32, #tpu.memory_space<hbm>> -> memref<1x128x1x128xf32, #tpu.memory_space<hbm>>
    %dma_start3A_85 = tpu.memref_squeeze %dma_start3A_84 : memref<1x128x1x128xf32, #tpu.memory_space<hbm>> -> memref<128x1x128xf32, #tpu.memory_space<hbm>>
    %dma_start3A_86 = tpu.memref_reshape %arg7 : memref<128x128xf32, #tpu.memory_space<vmem>> -> memref<128x1x128xf32, #tpu.memory_space<vmem>>
    tpu.enqueue_dma source(%dma_start3A_86 : memref<128x1x128xf32, #tpu.memory_space<vmem>>) target(%dma_start3A_85 : memref<128x1x128xf32, #tpu.memory_space<hbm>>) target_semaphore(%arg15 : memref<!tpu.dma_semaphore, #tpu.memory_space<semaphore_mem>>)
    %dma_wait3A_87 = arith.constant 0 : i32
    %dma_wait3A_88 = tpu.memref_reshape %arg7 : memref<128x128xf32, #tpu.memory_space<vmem>> -> memref<128x1x128xf32, #tpu.memory_space<vmem>>
    %dma_wait3A_89 = arith.constant 0 : i32
    %dma_wait3A_90 = arith.constant 0 : i32
    %dma_wait3A_91 = tpu.memref_slice %arg4[%dma_wait3A_87, %mul3A_2, %dma_wait3A_89, %dma_wait3A_90] : memref<3x4096x8x128xf32, #tpu.memory_space<hbm>> -> memref<1x128x1x128xf32, #tpu.memory_space<hbm>>
    %dma_wait3A_92 = tpu.memref_squeeze %dma_wait3A_91 : memref<1x128x1x128xf32, #tpu.memory_space<hbm>> -> memref<128x1x128xf32, #tpu.memory_space<hbm>>
    %dma_wait3A_93 = arith.constant 0 : i32
    %dma_wait3A_94 = arith.constant 0 : i32
    %dma_wait3A_95 = tpu.memref_slice %arg4[%dma_wait3A_87, %mul3A_2, %dma_wait3A_93, %dma_wait3A_94] : memref<3x4096x8x128xf32, #tpu.memory_space<hbm>> -> memref<1x128x1x128xf32, #tpu.memory_space<hbm>>
    %dma_wait3A_96 = tpu.memref_squeeze %dma_wait3A_95 : memref<1x128x1x128xf32, #tpu.memory_space<hbm>> -> memref<128x1x128xf32, #tpu.memory_space<hbm>>
    %dma_wait3A_97 = tpu.memref_reshape %arg7 : memref<128x128xf32, #tpu.memory_space<vmem>> -> memref<128x1x128xf32, #tpu.memory_space<vmem>>
    tpu.wait_dma2 semaphore(%arg15 : memref<!tpu.dma_semaphore, #tpu.memory_space<semaphore_mem>>) src(%dma_wait3A_97 : memref<128x1x128xf32, #tpu.memory_space<vmem>>) dst(%dma_wait3A_96 : memref<128x1x128xf32, #tpu.memory_space<hbm>>)
    %dma_start3A_98 = tpu.memref_slice %arg6[%add3A_45] : memref<2048xi32, #tpu.memory_space<vmem>> -> memref<128xi32, #tpu.memory_space<vmem>>
    %dma_start3A_99 = arith.constant 0 : i32
    %dma_start3A_100 = arith.constant 0 : i32
    %dma_start3A_101 = tpu.memref_slice %arg2[%dma_start3A_99, %dma_start3A_100] : memref<204800x128xf32, #tpu.memory_space<hbm>> -> memref<204800x128xf32, #tpu.memory_space<hbm>>
    tpu.enqueue_indirect_dma source(%dma_start3A_101 : memref<204800x128xf32, #tpu.memory_space<hbm>>) target(%arg7 : memref<128x128xf32, #tpu.memory_space<vmem>>) offsets(%dma_start3A_98 : memref<128xi32, #tpu.memory_space<vmem>>) semaphore(%arg11 : memref<!tpu.dma_semaphore, #tpu.memory_space<semaphore_mem>>)
    %dma_wait3A_102 = tpu.memref_slice %arg6[%add3A_33] : memref<2048xi32, #tpu.memory_space<vmem>> -> memref<128xi32, #tpu.memory_space<vmem>>
    %dma_wait3A_103 = arith.constant 0 : i32
    %dma_wait3A_104 = arith.constant 0 : i32
    %dma_wait3A_105 = tpu.memref_slice %arg2[%dma_wait3A_103, %dma_wait3A_104] : memref<204800x128xf32, #tpu.memory_space<hbm>> -> memref<204800x128xf32, #tpu.memory_space<hbm>>
    tpu.wait_indirect_dma semaphore(%arg12 : memref<!tpu.dma_semaphore, #tpu.memory_space<semaphore_mem>>) src(%dma_wait3A_105 : memref<204800x128xf32, #tpu.memory_space<hbm>>) dst(%arg8 : memref<128x128xf32, #tpu.memory_space<vmem>>)
    %dma_start3A_106 = arith.constant 0 : i32
    %dma_start3A_107 = tpu.memref_reshape %arg8 : memref<128x128xf32, #tpu.memory_space<vmem>> -> memref<128x1x128xf32, #tpu.memory_space<vmem>>
    %dma_start3A_108 = arith.constant 1 : i32
    %dma_start3A_109 = arith.constant 0 : i32
    %dma_start3A_110 = tpu.memref_slice %arg4[%dma_start3A_106, %mul3A_2, %dma_start3A_108, %dma_start3A_109] : memref<3x4096x8x128xf32, #tpu.memory_space<hbm>> -> memref<1x128x1x128xf32, #tpu.memory_space<hbm>>
    %dma_start3A_111 = tpu.memref_squeeze %dma_start3A_110 : memref<1x128x1x128xf32, #tpu.memory_space<hbm>> -> memref<128x1x128xf32, #tpu.memory_space<hbm>>
    %dma_start3A_112 = arith.constant 1 : i32
    %dma_start3A_113 = arith.constant 0 : i32
    %dma_start3A_114 = tpu.memref_slice %arg4[%dma_start3A_106, %mul3A_2, %dma_start3A_112, %dma_start3A_113] : memref<3x4096x8x128xf32, #tpu.memory_space<hbm>> -> memref<1x128x1x128xf32, #tpu.memory_space<hbm>>
    %dma_start3A_115 = tpu.memref_squeeze %dma_start3A_114 : memref<1x128x1x128xf32, #tpu.memory_space<hbm>> -> memref<128x1x128xf32, #tpu.memory_space<hbm>>
    %dma_start3A_116 = tpu.memref_reshape %arg8 : memref<128x128xf32, #tpu.memory_space<vmem>> -> memref<128x1x128xf32, #tpu.memory_space<vmem>>
    tpu.enqueue_dma source(%dma_start3A_116 : memref<128x1x128xf32, #tpu.memory_space<vmem>>) target(%dma_start3A_115 : memref<128x1x128xf32, #tpu.memory_space<hbm>>) target_semaphore(%arg16 : memref<!tpu.dma_semaphore, #tpu.memory_space<semaphore_mem>>)
    %dma_wait3A_117 = arith.constant 0 : i32
    %dma_wait3A_118 = tpu.memref_reshape %arg8 : memref<128x128xf32, #tpu.memory_space<vmem>> -> memref<128x1x128xf32, #tpu.memory_space<vmem>>
    %dma_wait3A_119 = arith.constant 1 : i32
    %dma_wait3A_120 = arith.constant 0 : i32
    %dma_wait3A_121 = tpu.memref_slice %arg4[%dma_wait3A_117, %mul3A_2, %dma_wait3A_119, %dma_wait3A_120] : memref<3x4096x8x128xf32, #tpu.memory_space<hbm>> -> memref<1x128x1x128xf32, #tpu.memory_space<hbm>>
    %dma_wait3A_122 = tpu.memref_squeeze %dma_wait3A_121 : memref<1x128x1x128xf32, #tpu.memory_space<hbm>> -> memref<128x1x128xf32, #tpu.memory_space<hbm>>
    %dma_wait3A_123 = arith.constant 1 : i32
    %dma_wait3A_124 = arith.constant 0 : i32
    %dma_wait3A_125 = tpu.memref_slice %arg4[%dma_wait3A_117, %mul3A_2, %dma_wait3A_123, %dma_wait3A_124] : memref<3x4096x8x128xf32, #tpu.memory_space<hbm>> -> memref<1x128x1x128xf32, #tpu.memory_space<hbm>>
    %dma_wait3A_126 = tpu.memref_squeeze %dma_wait3A_125 : memref<1x128x1x128xf32, #tpu.memory_space<hbm>> -> memref<128x1x128xf32, #tpu.memory_space<hbm>>
    %dma_wait3A_127 = tpu.memref_reshape %arg8 : memref<128x128xf32, #tpu.memory_space<vmem>> -> memref<128x1x128xf32, #tpu.memory_space<vmem>>
    tpu.wait_dma2 semaphore(%arg16 : memref<!tpu.dma_semaphore, #tpu.memory_space<semaphore_mem>>) src(%dma_wait3A_127 : memref<128x1x128xf32, #tpu.memory_space<vmem>>) dst(%dma_wait3A_126 : memref<128x1x128xf32, #tpu.memory_space<hbm>>)
    %dma_start3A_128 = tpu.memref_slice %arg6[%add3A_49] : memref<2048xi32, #tpu.memory_space<vmem>> -> memref<128xi32, #tpu.memory_space<vmem>>
    %dma_start3A_129 = arith.constant 0 : i32
    %dma_start3A_130 = arith.constant 0 : i32
    %dma_start3A_131 = tpu.memref_slice %arg2[%dma_start3A_129, %dma_start3A_130] : memref<204800x128xf32, #tpu.memory_space<hbm>> -> memref<204800x128xf32, #tpu.memory_space<hbm>>
    tpu.enqueue_indirect_dma source(%dma_start3A_131 : memref<204800x128xf32, #tpu.memory_space<hbm>>) target(%arg8 : memref<128x128xf32, #tpu.memory_space<vmem>>) offsets(%dma_start3A_128 : memref<128xi32, #tpu.memory_space<vmem>>) semaphore(%arg12 : memref<!tpu.dma_semaphore, #tpu.memory_space<semaphore_mem>>)
    %dma_wait3A_132 = tpu.memref_slice %arg6[%add3A_37] : memref<2048xi32, #tpu.memory_space<vmem>> -> memref<128xi32, #tpu.memory_space<vmem>>
    %dma_wait3A_133 = arith.constant 0 : i32
    %dma_wait3A_134 = arith.constant 0 : i32
    %dma_wait3A_135 = tpu.memref_slice %arg2[%dma_wait3A_133, %dma_wait3A_134] : memref<204800x128xf32, #tpu.memory_space<hbm>> -> memref<204800x128xf32, #tpu.memory_space<hbm>>
    tpu.wait_indirect_dma semaphore(%arg13 : memref<!tpu.dma_semaphore, #tpu.memory_space<semaphore_mem>>) src(%dma_wait3A_135 : memref<204800x128xf32, #tpu.memory_space<hbm>>) dst(%arg9 : memref<128x128xf32, #tpu.memory_space<vmem>>)
    %dma_start3A_136 = arith.constant 0 : i32
    %dma_start3A_137 = tpu.memref_reshape %arg9 : memref<128x128xf32, #tpu.memory_space<vmem>> -> memref<128x1x128xf32, #tpu.memory_space<vmem>>
    %dma_start3A_138 = arith.constant 2 : i32
    %dma_start3A_139 = arith.constant 0 : i32
    %dma_start3A_140 = tpu.memref_slice %arg4[%dma_start3A_136, %mul3A_2, %dma_start3A_138, %dma_start3A_139] : memref<3x4096x8x128xf32, #tpu.memory_space<hbm>> -> memref<1x128x1x128xf32, #tpu.memory_space<hbm>>
    %dma_start3A_141 = tpu.memref_squeeze %dma_start3A_140 : memref<1x128x1x128xf32, #tpu.memory_space<hbm>> -> memref<128x1x128xf32, #tpu.memory_space<hbm>>
    %dma_start3A_142 = arith.constant 2 : i32
    %dma_start3A_143 = arith.constant 0 : i32
    %dma_start3A_144 = tpu.memref_slice %arg4[%dma_start3A_136, %mul3A_2, %dma_start3A_142, %dma_start3A_143] : memref<3x4096x8x128xf32, #tpu.memory_space<hbm>> -> memref<1x128x1x128xf32, #tpu.memory_space<hbm>>
    %dma_start3A_145 = tpu.memref_squeeze %dma_start3A_144 : memref<1x128x1x128xf32, #tpu.memory_space<hbm>> -> memref<128x1x128xf32, #tpu.memory_space<hbm>>
    %dma_start3A_146 = tpu.memref_reshape %arg9 : memref<128x128xf32, #tpu.memory_space<vmem>> -> memref<128x1x128xf32, #tpu.memory_space<vmem>>
    tpu.enqueue_dma source(%dma_start3A_146 : memref<128x1x128xf32, #tpu.memory_space<vmem>>) target(%dma_start3A_145 : memref<128x1x128xf32, #tpu.memory_space<hbm>>) target_semaphore(%arg17 : memref<!tpu.dma_semaphore, #tpu.memory_space<semaphore_mem>>)
    %dma_wait3A_147 = arith.constant 0 : i32
    %dma_wait3A_148 = tpu.memref_reshape %arg9 : memref<128x128xf32, #tpu.memory_space<vmem>> -> memref<128x1x128xf32, #tpu.memory_space<vmem>>
    %dma_wait3A_149 = arith.constant 2 : i32
    %dma_wait3A_150 = arith.constant 0 : i32
    %dma_wait3A_151 = tpu.memref_slice %arg4[%dma_wait3A_147, %mul3A_2, %dma_wait3A_149, %dma_wait3A_150] : memref<3x4096x8x128xf32, #tpu.memory_space<hbm>> -> memref<1x128x1x128xf32, #tpu.memory_space<hbm>>
    %dma_wait3A_152 = tpu.memref_squeeze %dma_wait3A_151 : memref<1x128x1x128xf32, #tpu.memory_space<hbm>> -> memref<128x1x128xf32, #tpu.memory_space<hbm>>
    %dma_wait3A_153 = arith.constant 2 : i32
    %dma_wait3A_154 = arith.constant 0 : i32
    %dma_wait3A_155 = tpu.memref_slice %arg4[%dma_wait3A_147, %mul3A_2, %dma_wait3A_153, %dma_wait3A_154] : memref<3x4096x8x128xf32, #tpu.memory_space<hbm>> -> memref<1x128x1x128xf32, #tpu.memory_space<hbm>>
    %dma_wait3A_156 = tpu.memref_squeeze %dma_wait3A_155 : memref<1x128x1x128xf32, #tpu.memory_space<hbm>> -> memref<128x1x128xf32, #tpu.memory_space<hbm>>
    %dma_wait3A_157 = tpu.memref_reshape %arg9 : memref<128x128xf32, #tpu.memory_space<vmem>> -> memref<128x1x128xf32, #tpu.memory_space<vmem>>
    tpu.wait_dma2 semaphore(%arg17 : memref<!tpu.dma_semaphore, #tpu.memory_space<semaphore_mem>>) src(%dma_wait3A_157 : memref<128x1x128xf32, #tpu.memory_space<vmem>>) dst(%dma_wait3A_156 : memref<128x1x128xf32, #tpu.memory_space<hbm>>)
    %dma_start3A_158 = tpu.memref_slice %arg6[%add3A_53] : memref<2048xi32, #tpu.memory_space<vmem>> -> memref<128xi32, #tpu.memory_space<vmem>>
    %dma_start3A_159 = arith.constant 0 : i32
    %dma_start3A_160 = arith.constant 0 : i32
    %dma_start3A_161 = tpu.memref_slice %arg2[%dma_start3A_159, %dma_start3A_160] : memref<204800x128xf32, #tpu.memory_space<hbm>> -> memref<204800x128xf32, #tpu.memory_space<hbm>>
    tpu.enqueue_indirect_dma source(%dma_start3A_161 : memref<204800x128xf32, #tpu.memory_space<hbm>>) target(%arg9 : memref<128x128xf32, #tpu.memory_space<vmem>>) offsets(%dma_start3A_158 : memref<128xi32, #tpu.memory_space<vmem>>) semaphore(%arg13 : memref<!tpu.dma_semaphore, #tpu.memory_space<semaphore_mem>>)
    %dma_wait3A_162 = tpu.memref_slice %arg6[%add3A_41] : memref<2048xi32, #tpu.memory_space<vmem>> -> memref<128xi32, #tpu.memory_space<vmem>>
    %dma_wait3A_163 = arith.constant 0 : i32
    %dma_wait3A_164 = arith.constant 0 : i32
    %dma_wait3A_165 = tpu.memref_slice %arg2[%dma_wait3A_163, %dma_wait3A_164] : memref<204800x128xf32, #tpu.memory_space<hbm>> -> memref<204800x128xf32, #tpu.memory_space<hbm>>
    tpu.wait_indirect_dma semaphore(%arg14 : memref<!tpu.dma_semaphore, #tpu.memory_space<semaphore_mem>>) src(%dma_wait3A_165 : memref<204800x128xf32, #tpu.memory_space<hbm>>) dst(%arg10 : memref<128x128xf32, #tpu.memory_space<vmem>>)
    %dma_start3A_166 = arith.constant 0 : i32
    %dma_start3A_167 = tpu.memref_reshape %arg10 : memref<128x128xf32, #tpu.memory_space<vmem>> -> memref<128x1x128xf32, #tpu.memory_space<vmem>>
    %dma_start3A_168 = arith.constant 3 : i32
    %dma_start3A_169 = arith.constant 0 : i32
    %dma_start3A_170 = tpu.memref_slice %arg4[%dma_start3A_166, %mul3A_2, %dma_start3A_168, %dma_start3A_169] : memref<3x4096x8x128xf32, #tpu.memory_space<hbm>> -> memref<1x128x1x128xf32, #tpu.memory_space<hbm>>
    %dma_start3A_171 = tpu.memref_squeeze %dma_start3A_170 : memref<1x128x1x128xf32, #tpu.memory_space<hbm>> -> memref<128x1x128xf32, #tpu.memory_space<hbm>>
    %dma_start3A_172 = arith.constant 3 : i32
    %dma_start3A_173 = arith.constant 0 : i32
    %dma_start3A_174 = tpu.memref_slice %arg4[%dma_start3A_166, %mul3A_2, %dma_start3A_172, %dma_start3A_173] : memref<3x4096x8x128xf32, #tpu.memory_space<hbm>> -> memref<1x128x1x128xf32, #tpu.memory_space<hbm>>
    %dma_start3A_175 = tpu.memref_squeeze %dma_start3A_174 : memref<1x128x1x128xf32, #tpu.memory_space<hbm>> -> memref<128x1x128xf32, #tpu.memory_space<hbm>>
    %dma_start3A_176 = tpu.memref_reshape %arg10 : memref<128x128xf32, #tpu.memory_space<vmem>> -> memref<128x1x128xf32, #tpu.memory_space<vmem>>
    tpu.enqueue_dma source(%dma_start3A_176 : memref<128x1x128xf32, #tpu.memory_space<vmem>>) target(%dma_start3A_175 : memref<128x1x128xf32, #tpu.memory_space<hbm>>) target_semaphore(%arg18 : memref<!tpu.dma_semaphore, #tpu.memory_space<semaphore_mem>>)
    %dma_wait3A_177 = arith.constant 0 : i32
    %dma_wait3A_178 = tpu.memref_reshape %arg10 : memref<128x128xf32, #tpu.memory_space<vmem>> -> memref<128x1x128xf32, #tpu.memory_space<vmem>>
    %dma_wait3A_179 = arith.constant 3 : i32
    %dma_wait3A_180 = arith.constant 0 : i32
    %dma_wait3A_181 = tpu.memref_slice %arg4[%dma_wait3A_177, %mul3A_2, %dma_wait3A_179, %dma_wait3A_180] : memref<3x4096x8x128xf32, #tpu.memory_space<hbm>> -> memref<1x128x1x128xf32, #tpu.memory_space<hbm>>
    %dma_wait3A_182 = tpu.memref_squeeze %dma_wait3A_181 : memref<1x128x1x128xf32, #tpu.memory_space<hbm>> -> memref<128x1x128xf32, #tpu.memory_space<hbm>>
    %dma_wait3A_183 = arith.constant 3 : i32
    %dma_wait3A_184 = arith.constant 0 : i32
    %dma_wait3A_185 = tpu.memref_slice %arg4[%dma_wait3A_177, %mul3A_2, %dma_wait3A_183, %dma_wait3A_184] : memref<3x4096x8x128xf32, #tpu.memory_space<hbm>> -> memref<1x128x1x128xf32, #tpu.memory_space<hbm>>
    %dma_wait3A_186 = tpu.memref_squeeze %dma_wait3A_185 : memref<1x128x1x128xf32, #tpu.memory_space<hbm>> -> memref<128x1x128xf32, #tpu.memory_space<hbm>>
    %dma_wait3A_187 = tpu.memref_reshape %arg10 : memref<128x128xf32, #tpu.memory_space<vmem>> -> memref<128x1x128xf32, #tpu.memory_space<vmem>>
    tpu.wait_dma2 semaphore(%arg18 : memref<!tpu.dma_semaphore, #tpu.memory_space<semaphore_mem>>) src(%dma_wait3A_187 : memref<128x1x128xf32, #tpu.memory_space<vmem>>) dst(%dma_wait3A_186 : memref<128x1x128xf32, #tpu.memory_space<hbm>>)
    %dma_start3A_188 = tpu.memref_slice %arg6[%add3A_57] : memref<2048xi32, #tpu.memory_space<vmem>> -> memref<128xi32, #tpu.memory_space<vmem>>
    %dma_start3A_189 = arith.constant 0 : i32
    %dma_start3A_190 = arith.constant 0 : i32
    %dma_start3A_191 = tpu.memref_slice %arg2[%dma_start3A_189, %dma_start3A_190] : memref<204800x128xf32, #tpu.memory_space<hbm>> -> memref<204800x128xf32, #tpu.memory_space<hbm>>
    tpu.enqueue_indirect_dma source(%dma_start3A_191 : memref<204800x128xf32, #tpu.memory_space<hbm>>) target(%arg10 : memref<128x128xf32, #tpu.memory_space<vmem>>) offsets(%dma_start3A_188 : memref<128xi32, #tpu.memory_space<vmem>>) semaphore(%arg14 : memref<!tpu.dma_semaphore, #tpu.memory_space<semaphore_mem>>)
    %dma_wait3A_192 = tpu.memref_slice %arg6[%add3A_45] : memref<2048xi32, #tpu.memory_space<vmem>> -> memref<128xi32, #tpu.memory_space<vmem>>
    %dma_wait3A_193 = arith.constant 0 : i32
    %dma_wait3A_194 = arith.constant 0 : i32
    %dma_wait3A_195 = tpu.memref_slice %arg2[%dma_wait3A_193, %dma_wait3A_194] : memref<204800x128xf32, #tpu.memory_space<hbm>> -> memref<204800x128xf32, #tpu.memory_space<hbm>>
    tpu.wait_indirect_dma semaphore(%arg11 : memref<!tpu.dma_semaphore, #tpu.memory_space<semaphore_mem>>) src(%dma_wait3A_195 : memref<204800x128xf32, #tpu.memory_space<hbm>>) dst(%arg7 : memref<128x128xf32, #tpu.memory_space<vmem>>)
    %dma_start3A_196 = arith.constant 0 : i32
    %dma_start3A_197 = tpu.memref_reshape %arg7 : memref<128x128xf32, #tpu.memory_space<vmem>> -> memref<128x1x128xf32, #tpu.memory_space<vmem>>
    %dma_start3A_198 = arith.constant 4 : i32
    %dma_start3A_199 = arith.constant 0 : i32
    %dma_start3A_200 = tpu.memref_slice %arg4[%dma_start3A_196, %mul3A_2, %dma_start3A_198, %dma_start3A_199] : memref<3x4096x8x128xf32, #tpu.memory_space<hbm>> -> memref<1x128x1x128xf32, #tpu.memory_space<hbm>>
    %dma_start3A_201 = tpu.memref_squeeze %dma_start3A_200 : memref<1x128x1x128xf32, #tpu.memory_space<hbm>> -> memref<128x1x128xf32, #tpu.memory_space<hbm>>
    %dma_start3A_202 = arith.constant 4 : i32
    %dma_start3A_203 = arith.constant 0 : i32
    %dma_start3A_204 = tpu.memref_slice %arg4[%dma_start3A_196, %mul3A_2, %dma_start3A_202, %dma_start3A_203] : memref<3x4096x8x128xf32, #tpu.memory_space<hbm>> -> memref<1x128x1x128xf32, #tpu.memory_space<hbm>>
    %dma_start3A_205 = tpu.memref_squeeze %dma_start3A_204 : memref<1x128x1x128xf32, #tpu.memory_space<hbm>> -> memref<128x1x128xf32, #tpu.memory_space<hbm>>
    %dma_start3A_206 = tpu.memref_reshape %arg7 : memref<128x128xf32, #tpu.memory_space<vmem>> -> memref<128x1x128xf32, #tpu.memory_space<vmem>>
    tpu.enqueue_dma source(%dma_start3A_206 : memref<128x1x128xf32, #tpu.memory_space<vmem>>) target(%dma_start3A_205 : memref<128x1x128xf32, #tpu.memory_space<hbm>>) target_semaphore(%arg15 : memref<!tpu.dma_semaphore, #tpu.memory_space<semaphore_mem>>)
    %dma_wait3A_207 = arith.constant 0 : i32
    %dma_wait3A_208 = tpu.memref_reshape %arg7 : memref<128x128xf32, #tpu.memory_space<vmem>> -> memref<128x1x128xf32, #tpu.memory_space<vmem>>
    %dma_wait3A_209 = arith.constant 4 : i32
    %dma_wait3A_210 = arith.constant 0 : i32
    %dma_wait3A_211 = tpu.memref_slice %arg4[%dma_wait3A_207, %mul3A_2, %dma_wait3A_209, %dma_wait3A_210] : memref<3x4096x8x128xf32, #tpu.memory_space<hbm>> -> memref<1x128x1x128xf32, #tpu.memory_space<hbm>>
    %dma_wait3A_212 = tpu.memref_squeeze %dma_wait3A_211 : memref<1x128x1x128xf32, #tpu.memory_space<hbm>> -> memref<128x1x128xf32, #tpu.memory_space<hbm>>
    %dma_wait3A_213 = arith.constant 4 : i32
    %dma_wait3A_214 = arith.constant 0 : i32
    %dma_wait3A_215 = tpu.memref_slice %arg4[%dma_wait3A_207, %mul3A_2, %dma_wait3A_213, %dma_wait3A_214] : memref<3x4096x8x128xf32, #tpu.memory_space<hbm>> -> memref<1x128x1x128xf32, #tpu.memory_space<hbm>>
    %dma_wait3A_216 = tpu.memref_squeeze %dma_wait3A_215 : memref<1x128x1x128xf32, #tpu.memory_space<hbm>> -> memref<128x1x128xf32, #tpu.memory_space<hbm>>
    %dma_wait3A_217 = tpu.memref_reshape %arg7 : memref<128x128xf32, #tpu.memory_space<vmem>> -> memref<128x1x128xf32, #tpu.memory_space<vmem>>
    tpu.wait_dma2 semaphore(%arg15 : memref<!tpu.dma_semaphore, #tpu.memory_space<semaphore_mem>>) src(%dma_wait3A_217 : memref<128x1x128xf32, #tpu.memory_space<vmem>>) dst(%dma_wait3A_216 : memref<128x1x128xf32, #tpu.memory_space<hbm>>)
    %dma_wait3A_218 = tpu.memref_slice %arg6[%add3A_49] : memref<2048xi32, #tpu.memory_space<vmem>> -> memref<128xi32, #tpu.memory_space<vmem>>
    %dma_wait3A_219 = arith.constant 0 : i32
    %dma_wait3A_220 = arith.constant 0 : i32
    %dma_wait3A_221 = tpu.memref_slice %arg2[%dma_wait3A_219, %dma_wait3A_220] : memref<204800x128xf32, #tpu.memory_space<hbm>> -> memref<204800x128xf32, #tpu.memory_space<hbm>>
    tpu.wait_indirect_dma semaphore(%arg12 : memref<!tpu.dma_semaphore, #tpu.memory_space<semaphore_mem>>) src(%dma_wait3A_221 : memref<204800x128xf32, #tpu.memory_space<hbm>>) dst(%arg8 : memref<128x128xf32, #tpu.memory_space<vmem>>)
    %dma_start3A_222 = arith.constant 0 : i32
    %dma_start3A_223 = tpu.memref_reshape %arg8 : memref<128x128xf32, #tpu.memory_space<vmem>> -> memref<128x1x128xf32, #tpu.memory_space<vmem>>
    %dma_start3A_224 = arith.constant 5 : i32
    %dma_start3A_225 = arith.constant 0 : i32
    %dma_start3A_226 = tpu.memref_slice %arg4[%dma_start3A_222, %mul3A_2, %dma_start3A_224, %dma_start3A_225] : memref<3x4096x8x128xf32, #tpu.memory_space<hbm>> -> memref<1x128x1x128xf32, #tpu.memory_space<hbm>>
    %dma_start3A_227 = tpu.memref_squeeze %dma_start3A_226 : memref<1x128x1x128xf32, #tpu.memory_space<hbm>> -> memref<128x1x128xf32, #tpu.memory_space<hbm>>
    %dma_start3A_228 = arith.constant 5 : i32
    %dma_start3A_229 = arith.constant 0 : i32
    %dma_start3A_230 = tpu.memref_slice %arg4[%dma_start3A_222, %mul3A_2, %dma_start3A_228, %dma_start3A_229] : memref<3x4096x8x128xf32, #tpu.memory_space<hbm>> -> memref<1x128x1x128xf32, #tpu.memory_space<hbm>>
    %dma_start3A_231 = tpu.memref_squeeze %dma_start3A_230 : memref<1x128x1x128xf32, #tpu.memory_space<hbm>> -> memref<128x1x128xf32, #tpu.memory_space<hbm>>
    %dma_start3A_232 = tpu.memref_reshape %arg8 : memref<128x128xf32, #tpu.memory_space<vmem>> -> memref<128x1x128xf32, #tpu.memory_space<vmem>>
    tpu.enqueue_dma source(%dma_start3A_232 : memref<128x1x128xf32, #tpu.memory_space<vmem>>) target(%dma_start3A_231 : memref<128x1x128xf32, #tpu.memory_space<hbm>>) target_semaphore(%arg16 : memref<!tpu.dma_semaphore, #tpu.memory_space<semaphore_mem>>)
    %dma_wait3A_233 = arith.constant 0 : i32
    %dma_wait3A_234 = tpu.memref_reshape %arg8 : memref<128x128xf32, #tpu.memory_space<vmem>> -> memref<128x1x128xf32, #tpu.memory_space<vmem>>
    %dma_wait3A_235 = arith.constant 5 : i32
    %dma_wait3A_236 = arith.constant 0 : i32
    %dma_wait3A_237 = tpu.memref_slice %arg4[%dma_wait3A_233, %mul3A_2, %dma_wait3A_235, %dma_wait3A_236] : memref<3x4096x8x128xf32, #tpu.memory_space<hbm>> -> memref<1x128x1x128xf32, #tpu.memory_space<hbm>>
    %dma_wait3A_238 = tpu.memref_squeeze %dma_wait3A_237 : memref<1x128x1x128xf32, #tpu.memory_space<hbm>> -> memref<128x1x128xf32, #tpu.memory_space<hbm>>
    %dma_wait3A_239 = arith.constant 5 : i32
    %dma_wait3A_240 = arith.constant 0 : i32
    %dma_wait3A_241 = tpu.memref_slice %arg4[%dma_wait3A_233, %mul3A_2, %dma_wait3A_239, %dma_wait3A_240] : memref<3x4096x8x128xf32, #tpu.memory_space<hbm>> -> memref<1x128x1x128xf32, #tpu.memory_space<hbm>>
    %dma_wait3A_242 = tpu.memref_squeeze %dma_wait3A_241 : memref<1x128x1x128xf32, #tpu.memory_space<hbm>> -> memref<128x1x128xf32, #tpu.memory_space<hbm>>
    %dma_wait3A_243 = tpu.memref_reshape %arg8 : memref<128x128xf32, #tpu.memory_space<vmem>> -> memref<128x1x128xf32, #tpu.memory_space<vmem>>
    tpu.wait_dma2 semaphore(%arg16 : memref<!tpu.dma_semaphore, #tpu.memory_space<semaphore_mem>>) src(%dma_wait3A_243 : memref<128x1x128xf32, #tpu.memory_space<vmem>>) dst(%dma_wait3A_242 : memref<128x1x128xf32, #tpu.memory_space<hbm>>)
    %dma_wait3A_244 = tpu.memref_slice %arg6[%add3A_53] : memref<2048xi32, #tpu.memory_space<vmem>> -> memref<128xi32, #tpu.memory_space<vmem>>
    %dma_wait3A_245 = arith.constant 0 : i32
    %dma_wait3A_246 = arith.constant 0 : i32
    %dma_wait3A_247 = tpu.memref_slice %arg2[%dma_wait3A_245, %dma_wait3A_246] : memref<204800x128xf32, #tpu.memory_space<hbm>> -> memref<204800x128xf32, #tpu.memory_space<hbm>>
    tpu.wait_indirect_dma semaphore(%arg13 : memref<!tpu.dma_semaphore, #tpu.memory_space<semaphore_mem>>) src(%dma_wait3A_247 : memref<204800x128xf32, #tpu.memory_space<hbm>>) dst(%arg9 : memref<128x128xf32, #tpu.memory_space<vmem>>)
    %dma_start3A_248 = arith.constant 0 : i32
    %dma_start3A_249 = tpu.memref_reshape %arg9 : memref<128x128xf32, #tpu.memory_space<vmem>> -> memref<128x1x128xf32, #tpu.memory_space<vmem>>
    %dma_start3A_250 = arith.constant 6 : i32
    %dma_start3A_251 = arith.constant 0 : i32
    %dma_start3A_252 = tpu.memref_slice %arg4[%dma_start3A_248, %mul3A_2, %dma_start3A_250, %dma_start3A_251] : memref<3x4096x8x128xf32, #tpu.memory_space<hbm>> -> memref<1x128x1x128xf32, #tpu.memory_space<hbm>>
    %dma_start3A_253 = tpu.memref_squeeze %dma_start3A_252 : memref<1x128x1x128xf32, #tpu.memory_space<hbm>> -> memref<128x1x128xf32, #tpu.memory_space<hbm>>
    %dma_start3A_254 = arith.constant 6 : i32
    %dma_start3A_255 = arith.constant 0 : i32
    %dma_start3A_256 = tpu.memref_slice %arg4[%dma_start3A_248, %mul3A_2, %dma_start3A_254, %dma_start3A_255] : memref<3x4096x8x128xf32, #tpu.memory_space<hbm>> -> memref<1x128x1x128xf32, #tpu.memory_space<hbm>>
    %dma_start3A_257 = tpu.memref_squeeze %dma_start3A_256 : memref<1x128x1x128xf32, #tpu.memory_space<hbm>> -> memref<128x1x128xf32, #tpu.memory_space<hbm>>
    %dma_start3A_258 = tpu.memref_reshape %arg9 : memref<128x128xf32, #tpu.memory_space<vmem>> -> memref<128x1x128xf32, #tpu.memory_space<vmem>>
    tpu.enqueue_dma source(%dma_start3A_258 : memref<128x1x128xf32, #tpu.memory_space<vmem>>) target(%dma_start3A_257 : memref<128x1x128xf32, #tpu.memory_space<hbm>>) target_semaphore(%arg17 : memref<!tpu.dma_semaphore, #tpu.memory_space<semaphore_mem>>)
    %dma_wait3A_259 = arith.constant 0 : i32
    %dma_wait3A_260 = tpu.memref_reshape %arg9 : memref<128x128xf32, #tpu.memory_space<vmem>> -> memref<128x1x128xf32, #tpu.memory_space<vmem>>
    %dma_wait3A_261 = arith.constant 6 : i32
    %dma_wait3A_262 = arith.constant 0 : i32
    %dma_wait3A_263 = tpu.memref_slice %arg4[%dma_wait3A_259, %mul3A_2, %dma_wait3A_261, %dma_wait3A_262] : memref<3x4096x8x128xf32, #tpu.memory_space<hbm>> -> memref<1x128x1x128xf32, #tpu.memory_space<hbm>>
    %dma_wait3A_264 = tpu.memref_squeeze %dma_wait3A_263 : memref<1x128x1x128xf32, #tpu.memory_space<hbm>> -> memref<128x1x128xf32, #tpu.memory_space<hbm>>
    %dma_wait3A_265 = arith.constant 6 : i32
    %dma_wait3A_266 = arith.constant 0 : i32
    %dma_wait3A_267 = tpu.memref_slice %arg4[%dma_wait3A_259, %mul3A_2, %dma_wait3A_265, %dma_wait3A_266] : memref<3x4096x8x128xf32, #tpu.memory_space<hbm>> -> memref<1x128x1x128xf32, #tpu.memory_space<hbm>>
    %dma_wait3A_268 = tpu.memref_squeeze %dma_wait3A_267 : memref<1x128x1x128xf32, #tpu.memory_space<hbm>> -> memref<128x1x128xf32, #tpu.memory_space<hbm>>
    %dma_wait3A_269 = tpu.memref_reshape %arg9 : memref<128x128xf32, #tpu.memory_space<vmem>> -> memref<128x1x128xf32, #tpu.memory_space<vmem>>
    tpu.wait_dma2 semaphore(%arg17 : memref<!tpu.dma_semaphore, #tpu.memory_space<semaphore_mem>>) src(%dma_wait3A_269 : memref<128x1x128xf32, #tpu.memory_space<vmem>>) dst(%dma_wait3A_268 : memref<128x1x128xf32, #tpu.memory_space<hbm>>)
    %dma_wait3A_270 = tpu.memref_slice %arg6[%add3A_57] : memref<2048xi32, #tpu.memory_space<vmem>> -> memref<128xi32, #tpu.memory_space<vmem>>
    %dma_wait3A_271 = arith.constant 0 : i32
    %dma_wait3A_272 = arith.constant 0 : i32
    %dma_wait3A_273 = tpu.memref_slice %arg2[%dma_wait3A_271, %dma_wait3A_272] : memref<204800x128xf32, #tpu.memory_space<hbm>> -> memref<204800x128xf32, #tpu.memory_space<hbm>>
    tpu.wait_indirect_dma semaphore(%arg14 : memref<!tpu.dma_semaphore, #tpu.memory_space<semaphore_mem>>) src(%dma_wait3A_273 : memref<204800x128xf32, #tpu.memory_space<hbm>>) dst(%arg10 : memref<128x128xf32, #tpu.memory_space<vmem>>)
    %dma_start3A_274 = arith.constant 0 : i32
    %dma_start3A_275 = tpu.memref_reshape %arg10 : memref<128x128xf32, #tpu.memory_space<vmem>> -> memref<128x1x128xf32, #tpu.memory_space<vmem>>
    %dma_start3A_276 = arith.constant 7 : i32
    %dma_start3A_277 = arith.constant 0 : i32
    %dma_start3A_278 = tpu.memref_slice %arg4[%dma_start3A_274, %mul3A_2, %dma_start3A_276, %dma_start3A_277] : memref<3x4096x8x128xf32, #tpu.memory_space<hbm>> -> memref<1x128x1x128xf32, #tpu.memory_space<hbm>>
    %dma_start3A_279 = tpu.memref_squeeze %dma_start3A_278 : memref<1x128x1x128xf32, #tpu.memory_space<hbm>> -> memref<128x1x128xf32, #tpu.memory_space<hbm>>
    %dma_start3A_280 = arith.constant 7 : i32
    %dma_start3A_281 = arith.constant 0 : i32
    %dma_start3A_282 = tpu.memref_slice %arg4[%dma_start3A_274, %mul3A_2, %dma_start3A_280, %dma_start3A_281] : memref<3x4096x8x128xf32, #tpu.memory_space<hbm>> -> memref<1x128x1x128xf32, #tpu.memory_space<hbm>>
    %dma_start3A_283 = tpu.memref_squeeze %dma_start3A_282 : memref<1x128x1x128xf32, #tpu.memory_space<hbm>> -> memref<128x1x128xf32, #tpu.memory_space<hbm>>
    %dma_start3A_284 = tpu.memref_reshape %arg10 : memref<128x128xf32, #tpu.memory_space<vmem>> -> memref<128x1x128xf32, #tpu.memory_space<vmem>>
    tpu.enqueue_dma source(%dma_start3A_284 : memref<128x1x128xf32, #tpu.memory_space<vmem>>) target(%dma_start3A_283 : memref<128x1x128xf32, #tpu.memory_space<hbm>>) target_semaphore(%arg18 : memref<!tpu.dma_semaphore, #tpu.memory_space<semaphore_mem>>)
    %dma_wait3A_285 = arith.constant 0 : i32
    %dma_wait3A_286 = tpu.memref_reshape %arg10 : memref<128x128xf32, #tpu.memory_space<vmem>> -> memref<128x1x128xf32, #tpu.memory_space<vmem>>
    %dma_wait3A_287 = arith.constant 7 : i32
    %dma_wait3A_288 = arith.constant 0 : i32
    %dma_wait3A_289 = tpu.memref_slice %arg4[%dma_wait3A_285, %mul3A_2, %dma_wait3A_287, %dma_wait3A_288] : memref<3x4096x8x128xf32, #tpu.memory_space<hbm>> -> memref<1x128x1x128xf32, #tpu.memory_space<hbm>>
    %dma_wait3A_290 = tpu.memref_squeeze %dma_wait3A_289 : memref<1x128x1x128xf32, #tpu.memory_space<hbm>> -> memref<128x1x128xf32, #tpu.memory_space<hbm>>
    %dma_wait3A_291 = arith.constant 7 : i32
    %dma_wait3A_292 = arith.constant 0 : i32
    %dma_wait3A_293 = tpu.memref_slice %arg4[%dma_wait3A_285, %mul3A_2, %dma_wait3A_291, %dma_wait3A_292] : memref<3x4096x8x128xf32, #tpu.memory_space<hbm>> -> memref<1x128x1x128xf32, #tpu.memory_space<hbm>>
    %dma_wait3A_294 = tpu.memref_squeeze %dma_wait3A_293 : memref<1x128x1x128xf32, #tpu.memory_space<hbm>> -> memref<128x1x128xf32, #tpu.memory_space<hbm>>
    %dma_wait3A_295 = tpu.memref_reshape %arg10 : memref<128x128xf32, #tpu.memory_space<vmem>> -> memref<128x1x128xf32, #tpu.memory_space<vmem>>
    tpu.wait_dma2 semaphore(%arg18 : memref<!tpu.dma_semaphore, #tpu.memory_space<semaphore_mem>>) src(%dma_wait3A_295 : memref<128x1x128xf32, #tpu.memory_space<vmem>>) dst(%dma_wait3A_294 : memref<128x1x128xf32, #tpu.memory_space<hbm>>)
    return
  }
}

#map = affine_map<(d0, d1) -> (0, 0)>
#map1 = affine_map<(d0, d1) -> (0)>
#map2 = affine_map<(d0, d1) -> (0, 0, 0, 0)>
module attributes {stable_mosaic.version = 14 : i64} {
  func.func @k(%arg0: i32, %arg1: i32, %arg2: memref<204800x128xf32, #tpu.memory_space<hbm>>, %arg3: memref<65536xi32, #tpu.memory_space<hbm>>, %arg4: memref<3x4096x8x128xf32, #tpu.memory_space<hbm>>, %arg5: memref<2048xi32, #tpu.memory_space<vmem>>, %arg6: memref<128x128xf32, #tpu.memory_space<vmem>>, %arg7: memref<128x128xf32, #tpu.memory_space<vmem>>, %arg8: memref<128x128xf32, #tpu.memory_space<vmem>>, %arg9: memref<128x128xf32, #tpu.memory_space<vmem>>, %arg10: memref<!tpu.dma_semaphore, #tpu.memory_space<semaphore_mem>>, %arg11: memref<!tpu.dma_semaphore, #tpu.memory_space<semaphore_mem>>, %arg12: memref<!tpu.dma_semaphore, #tpu.memory_space<semaphore_mem>>, %arg13: memref<!tpu.dma_semaphore, #tpu.memory_space<semaphore_mem>>, %arg14: memref<!tpu.dma_semaphore, #tpu.memory_space<semaphore_mem>>, %arg15: memref<!tpu.dma_semaphore, #tpu.memory_space<semaphore_mem>>, %arg16: memref<!tpu.dma_semaphore, #tpu.memory_space<semaphore_mem>>, %arg17: memref<!tpu.dma_semaphore, #tpu.memory_space<semaphore_mem>>) attributes {dimension_semantics = [#tpu.dimension_semantics<core_parallel>, #tpu.dimension_semantics<subcore_parallel>], iteration_bounds = array<i64: 2, 16>, scalar_prefetch = 0 : i64, scratch_operands = 13 : i64, tpu.core_type = #tpu.core_type<sc_vector_subcore>, window_params = [{transform_indices = #map}, {transform_indices = #map1}, {transform_indices = #map2}]} {
    %mul3A = arith.constant 2 : i32
    %mul3A_0 = arith.muli %arg1, %mul3A : i32
    %add3A = arith.addi %mul3A_0, %arg0 : i32
    %mul3A_1 = arith.constant 128 : i32
    %mul3A_2 = arith.muli %add3A, %mul3A_1 : i32
    %mul3A_3 = arith.constant 16 : i32
    %mul3A_4 = arith.muli %add3A, %mul3A_3 : i32
    %mul3A_5 = arith.constant 128 : i32
    %mul3A_6 = arith.muli %mul3A_4, %mul3A_5 : i32
    "tpu.region"() ({
      %run_scoped3A = tpu.sem_alloc : memref<!tpu.dma_semaphore, #tpu.memory_space<semaphore_mem>>
      %dma_start3A_517 = tpu.memref_slice %arg3[%mul3A_6] : memref<65536xi32, #tpu.memory_space<hbm>> -> memref<2048xi32, #tpu.memory_space<hbm>>
      %dma_start3A_518 = tpu.memref_slice %arg3[%mul3A_6] : memref<65536xi32, #tpu.memory_space<hbm>> -> memref<2048xi32, #tpu.memory_space<hbm>>
      tpu.enqueue_dma source(%dma_start3A_518 : memref<2048xi32, #tpu.memory_space<hbm>>) target(%arg5 : memref<2048xi32, #tpu.memory_space<vmem>>) target_semaphore(%run_scoped3A : memref<!tpu.dma_semaphore, #tpu.memory_space<semaphore_mem>>)
      %dma_wait3A_519 = tpu.memref_slice %arg3[%mul3A_6] : memref<65536xi32, #tpu.memory_space<hbm>> -> memref<2048xi32, #tpu.memory_space<hbm>>
      %dma_wait3A_520 = tpu.memref_slice %arg3[%mul3A_6] : memref<65536xi32, #tpu.memory_space<hbm>> -> memref<2048xi32, #tpu.memory_space<hbm>>
      tpu.wait_dma2 semaphore(%run_scoped3A : memref<!tpu.dma_semaphore, #tpu.memory_space<semaphore_mem>>) src(%dma_wait3A_520 : memref<2048xi32, #tpu.memory_space<hbm>>) dst(%arg5 : memref<2048xi32, #tpu.memory_space<vmem>>)
      tpu.yield
    }) : () -> ()
    %dma_start3A = arith.constant 0 : i32
    %dma_start3A_7 = tpu.memref_slice %arg5[%dma_start3A] : memref<2048xi32, #tpu.memory_space<vmem>> -> memref<128xi32, #tpu.memory_space<vmem>>
    %dma_start3A_8 = arith.constant 0 : i32
    %dma_start3A_9 = arith.constant 0 : i32
    %dma_start3A_10 = tpu.memref_slice %arg2[%dma_start3A_8, %dma_start3A_9] : memref<204800x128xf32, #tpu.memory_space<hbm>> -> memref<204800x128xf32, #tpu.memory_space<hbm>>
    tpu.enqueue_indirect_dma source(%dma_start3A_10 : memref<204800x128xf32, #tpu.memory_space<hbm>>) target(%arg6 : memref<128x128xf32, #tpu.memory_space<vmem>>) offsets(%dma_start3A_7 : memref<128xi32, #tpu.memory_space<vmem>>) semaphore(%arg10 : memref<!tpu.dma_semaphore, #tpu.memory_space<semaphore_mem>>)
    %dma_start3A_11 = arith.constant 1024 : i32
    %dma_start3A_12 = tpu.memref_slice %arg5[%dma_start3A_11] : memref<2048xi32, #tpu.memory_space<vmem>> -> memref<128xi32, #tpu.memory_space<vmem>>
    %dma_start3A_13 = arith.constant 0 : i32
    %dma_start3A_14 = arith.constant 0 : i32
    %dma_start3A_15 = tpu.memref_slice %arg2[%dma_start3A_13, %dma_start3A_14] : memref<204800x128xf32, #tpu.memory_space<hbm>> -> memref<204800x128xf32, #tpu.memory_space<hbm>>
    tpu.enqueue_indirect_dma source(%dma_start3A_15 : memref<204800x128xf32, #tpu.memory_space<hbm>>) target(%arg7 : memref<128x128xf32, #tpu.memory_space<vmem>>) offsets(%dma_start3A_12 : memref<128xi32, #tpu.memory_space<vmem>>) semaphore(%arg11 : memref<!tpu.dma_semaphore, #tpu.memory_space<semaphore_mem>>)
    %dma_start3A_16 = arith.constant 128 : i32
    %dma_start3A_17 = tpu.memref_slice %arg5[%dma_start3A_16] : memref<2048xi32, #tpu.memory_space<vmem>> -> memref<128xi32, #tpu.memory_space<vmem>>
    %dma_start3A_18 = arith.constant 0 : i32
    %dma_start3A_19 = arith.constant 0 : i32
    %dma_start3A_20 = tpu.memref_slice %arg2[%dma_start3A_18, %dma_start3A_19] : memref<204800x128xf32, #tpu.memory_space<hbm>> -> memref<204800x128xf32, #tpu.memory_space<hbm>>
    tpu.enqueue_indirect_dma source(%dma_start3A_20 : memref<204800x128xf32, #tpu.memory_space<hbm>>) target(%arg8 : memref<128x128xf32, #tpu.memory_space<vmem>>) offsets(%dma_start3A_17 : memref<128xi32, #tpu.memory_space<vmem>>) semaphore(%arg12 : memref<!tpu.dma_semaphore, #tpu.memory_space<semaphore_mem>>)
    %dma_start3A_21 = arith.constant 1152 : i32
    %dma_start3A_22 = tpu.memref_slice %arg5[%dma_start3A_21] : memref<2048xi32, #tpu.memory_space<vmem>> -> memref<128xi32, #tpu.memory_space<vmem>>
    %dma_start3A_23 = arith.constant 0 : i32
    %dma_start3A_24 = arith.constant 0 : i32
    %dma_start3A_25 = tpu.memref_slice %arg2[%dma_start3A_23, %dma_start3A_24] : memref<204800x128xf32, #tpu.memory_space<hbm>> -> memref<204800x128xf32, #tpu.memory_space<hbm>>
    tpu.enqueue_indirect_dma source(%dma_start3A_25 : memref<204800x128xf32, #tpu.memory_space<hbm>>) target(%arg9 : memref<128x128xf32, #tpu.memory_space<vmem>>) offsets(%dma_start3A_22 : memref<128xi32, #tpu.memory_space<vmem>>) semaphore(%arg13 : memref<!tpu.dma_semaphore, #tpu.memory_space<semaphore_mem>>)
    %dma_wait3A = arith.constant 0 : i32
    %dma_wait3A_26 = tpu.memref_slice %arg5[%dma_wait3A] : memref<2048xi32, #tpu.memory_space<vmem>> -> memref<128xi32, #tpu.memory_space<vmem>>
    %dma_wait3A_27 = arith.constant 0 : i32
    %dma_wait3A_28 = arith.constant 0 : i32
    %dma_wait3A_29 = tpu.memref_slice %arg2[%dma_wait3A_27, %dma_wait3A_28] : memref<204800x128xf32, #tpu.memory_space<hbm>> -> memref<204800x128xf32, #tpu.memory_space<hbm>>
    tpu.wait_indirect_dma semaphore(%arg10 : memref<!tpu.dma_semaphore, #tpu.memory_space<semaphore_mem>>) src(%dma_wait3A_29 : memref<204800x128xf32, #tpu.memory_space<hbm>>) dst(%arg6 : memref<128x128xf32, #tpu.memory_space<vmem>>)
    %dma_start3A_30 = arith.constant 1 : i32
    %dma_start3A_31 = tpu.memref_reshape %arg6 : memref<128x128xf32, #tpu.memory_space<vmem>> -> memref<128x1x128xf32, #tpu.memory_space<vmem>>
    %dma_start3A_32 = arith.constant 0 : i32
    %dma_start3A_33 = arith.constant 0 : i32
    %dma_start3A_34 = tpu.memref_slice %arg4[%dma_start3A_30, %mul3A_2, %dma_start3A_32, %dma_start3A_33] : memref<3x4096x8x128xf32, #tpu.memory_space<hbm>> -> memref<1x128x1x128xf32, #tpu.memory_space<hbm>>
    %dma_start3A_35 = tpu.memref_squeeze %dma_start3A_34 : memref<1x128x1x128xf32, #tpu.memory_space<hbm>> -> memref<128x1x128xf32, #tpu.memory_space<hbm>>
    %dma_start3A_36 = arith.constant 0 : i32
    %dma_start3A_37 = arith.constant 0 : i32
    %dma_start3A_38 = tpu.memref_slice %arg4[%dma_start3A_30, %mul3A_2, %dma_start3A_36, %dma_start3A_37] : memref<3x4096x8x128xf32, #tpu.memory_space<hbm>> -> memref<1x128x1x128xf32, #tpu.memory_space<hbm>>
    %dma_start3A_39 = tpu.memref_squeeze %dma_start3A_38 : memref<1x128x1x128xf32, #tpu.memory_space<hbm>> -> memref<128x1x128xf32, #tpu.memory_space<hbm>>
    %dma_start3A_40 = tpu.memref_reshape %arg6 : memref<128x128xf32, #tpu.memory_space<vmem>> -> memref<128x1x128xf32, #tpu.memory_space<vmem>>
    tpu.enqueue_dma source(%dma_start3A_40 : memref<128x1x128xf32, #tpu.memory_space<vmem>>) target(%dma_start3A_39 : memref<128x1x128xf32, #tpu.memory_space<hbm>>) target_semaphore(%arg14 : memref<!tpu.dma_semaphore, #tpu.memory_space<semaphore_mem>>)
    %dma_wait3A_41 = arith.constant 1 : i32
    %dma_wait3A_42 = tpu.memref_reshape %arg6 : memref<128x128xf32, #tpu.memory_space<vmem>> -> memref<128x1x128xf32, #tpu.memory_space<vmem>>
    %dma_wait3A_43 = arith.constant 0 : i32
    %dma_wait3A_44 = arith.constant 0 : i32
    %dma_wait3A_45 = tpu.memref_slice %arg4[%dma_wait3A_41, %mul3A_2, %dma_wait3A_43, %dma_wait3A_44] : memref<3x4096x8x128xf32, #tpu.memory_space<hbm>> -> memref<1x128x1x128xf32, #tpu.memory_space<hbm>>
    %dma_wait3A_46 = tpu.memref_squeeze %dma_wait3A_45 : memref<1x128x1x128xf32, #tpu.memory_space<hbm>> -> memref<128x1x128xf32, #tpu.memory_space<hbm>>
    %dma_wait3A_47 = arith.constant 0 : i32
    %dma_wait3A_48 = arith.constant 0 : i32
    %dma_wait3A_49 = tpu.memref_slice %arg4[%dma_wait3A_41, %mul3A_2, %dma_wait3A_47, %dma_wait3A_48] : memref<3x4096x8x128xf32, #tpu.memory_space<hbm>> -> memref<1x128x1x128xf32, #tpu.memory_space<hbm>>
    %dma_wait3A_50 = tpu.memref_squeeze %dma_wait3A_49 : memref<1x128x1x128xf32, #tpu.memory_space<hbm>> -> memref<128x1x128xf32, #tpu.memory_space<hbm>>
    %dma_wait3A_51 = tpu.memref_reshape %arg6 : memref<128x128xf32, #tpu.memory_space<vmem>> -> memref<128x1x128xf32, #tpu.memory_space<vmem>>
    tpu.wait_dma2 semaphore(%arg14 : memref<!tpu.dma_semaphore, #tpu.memory_space<semaphore_mem>>) src(%dma_wait3A_51 : memref<128x1x128xf32, #tpu.memory_space<vmem>>) dst(%dma_wait3A_50 : memref<128x1x128xf32, #tpu.memory_space<hbm>>)
    %dma_start3A_52 = arith.constant 256 : i32
    %dma_start3A_53 = tpu.memref_slice %arg5[%dma_start3A_52] : memref<2048xi32, #tpu.memory_space<vmem>> -> memref<128xi32, #tpu.memory_space<vmem>>
    %dma_start3A_54 = arith.constant 0 : i32
    %dma_start3A_55 = arith.constant 0 : i32
    %dma_start3A_56 = tpu.memref_slice %arg2[%dma_start3A_54, %dma_start3A_55] : memref<204800x128xf32, #tpu.memory_space<hbm>> -> memref<204800x128xf32, #tpu.memory_space<hbm>>
    tpu.enqueue_indirect_dma source(%dma_start3A_56 : memref<204800x128xf32, #tpu.memory_space<hbm>>) target(%arg6 : memref<128x128xf32, #tpu.memory_space<vmem>>) offsets(%dma_start3A_53 : memref<128xi32, #tpu.memory_space<vmem>>) semaphore(%arg10 : memref<!tpu.dma_semaphore, #tpu.memory_space<semaphore_mem>>)
    %dma_wait3A_57 = arith.constant 1024 : i32
    %dma_wait3A_58 = tpu.memref_slice %arg5[%dma_wait3A_57] : memref<2048xi32, #tpu.memory_space<vmem>> -> memref<128xi32, #tpu.memory_space<vmem>>
    %dma_wait3A_59 = arith.constant 0 : i32
    %dma_wait3A_60 = arith.constant 0 : i32
    %dma_wait3A_61 = tpu.memref_slice %arg2[%dma_wait3A_59, %dma_wait3A_60] : memref<204800x128xf32, #tpu.memory_space<hbm>> -> memref<204800x128xf32, #tpu.memory_space<hbm>>
    tpu.wait_indirect_dma semaphore(%arg11 : memref<!tpu.dma_semaphore, #tpu.memory_space<semaphore_mem>>) src(%dma_wait3A_61 : memref<204800x128xf32, #tpu.memory_space<hbm>>) dst(%arg7 : memref<128x128xf32, #tpu.memory_space<vmem>>)
    %dma_start3A_62 = arith.constant 2 : i32
    %dma_start3A_63 = tpu.memref_reshape %arg7 : memref<128x128xf32, #tpu.memory_space<vmem>> -> memref<128x1x128xf32, #tpu.memory_space<vmem>>
    %dma_start3A_64 = arith.constant 0 : i32
    %dma_start3A_65 = arith.constant 0 : i32
    %dma_start3A_66 = tpu.memref_slice %arg4[%dma_start3A_62, %mul3A_2, %dma_start3A_64, %dma_start3A_65] : memref<3x4096x8x128xf32, #tpu.memory_space<hbm>> -> memref<1x128x1x128xf32, #tpu.memory_space<hbm>>
    %dma_start3A_67 = tpu.memref_squeeze %dma_start3A_66 : memref<1x128x1x128xf32, #tpu.memory_space<hbm>> -> memref<128x1x128xf32, #tpu.memory_space<hbm>>
    %dma_start3A_68 = arith.constant 0 : i32
    %dma_start3A_69 = arith.constant 0 : i32
    %dma_start3A_70 = tpu.memref_slice %arg4[%dma_start3A_62, %mul3A_2, %dma_start3A_68, %dma_start3A_69] : memref<3x4096x8x128xf32, #tpu.memory_space<hbm>> -> memref<1x128x1x128xf32, #tpu.memory_space<hbm>>
    %dma_start3A_71 = tpu.memref_squeeze %dma_start3A_70 : memref<1x128x1x128xf32, #tpu.memory_space<hbm>> -> memref<128x1x128xf32, #tpu.memory_space<hbm>>
    %dma_start3A_72 = tpu.memref_reshape %arg7 : memref<128x128xf32, #tpu.memory_space<vmem>> -> memref<128x1x128xf32, #tpu.memory_space<vmem>>
    tpu.enqueue_dma source(%dma_start3A_72 : memref<128x1x128xf32, #tpu.memory_space<vmem>>) target(%dma_start3A_71 : memref<128x1x128xf32, #tpu.memory_space<hbm>>) target_semaphore(%arg15 : memref<!tpu.dma_semaphore, #tpu.memory_space<semaphore_mem>>)
    %dma_wait3A_73 = arith.constant 2 : i32
    %dma_wait3A_74 = tpu.memref_reshape %arg7 : memref<128x128xf32, #tpu.memory_space<vmem>> -> memref<128x1x128xf32, #tpu.memory_space<vmem>>
    %dma_wait3A_75 = arith.constant 0 : i32
    %dma_wait3A_76 = arith.constant 0 : i32
    %dma_wait3A_77 = tpu.memref_slice %arg4[%dma_wait3A_73, %mul3A_2, %dma_wait3A_75, %dma_wait3A_76] : memref<3x4096x8x128xf32, #tpu.memory_space<hbm>> -> memref<1x128x1x128xf32, #tpu.memory_space<hbm>>
    %dma_wait3A_78 = tpu.memref_squeeze %dma_wait3A_77 : memref<1x128x1x128xf32, #tpu.memory_space<hbm>> -> memref<128x1x128xf32, #tpu.memory_space<hbm>>
    %dma_wait3A_79 = arith.constant 0 : i32
    %dma_wait3A_80 = arith.constant 0 : i32
    %dma_wait3A_81 = tpu.memref_slice %arg4[%dma_wait3A_73, %mul3A_2, %dma_wait3A_79, %dma_wait3A_80] : memref<3x4096x8x128xf32, #tpu.memory_space<hbm>> -> memref<1x128x1x128xf32, #tpu.memory_space<hbm>>
    %dma_wait3A_82 = tpu.memref_squeeze %dma_wait3A_81 : memref<1x128x1x128xf32, #tpu.memory_space<hbm>> -> memref<128x1x128xf32, #tpu.memory_space<hbm>>
    %dma_wait3A_83 = tpu.memref_reshape %arg7 : memref<128x128xf32, #tpu.memory_space<vmem>> -> memref<128x1x128xf32, #tpu.memory_space<vmem>>
    tpu.wait_dma2 semaphore(%arg15 : memref<!tpu.dma_semaphore, #tpu.memory_space<semaphore_mem>>) src(%dma_wait3A_83 : memref<128x1x128xf32, #tpu.memory_space<vmem>>) dst(%dma_wait3A_82 : memref<128x1x128xf32, #tpu.memory_space<hbm>>)
    %dma_start3A_84 = arith.constant 1280 : i32
    %dma_start3A_85 = tpu.memref_slice %arg5[%dma_start3A_84] : memref<2048xi32, #tpu.memory_space<vmem>> -> memref<128xi32, #tpu.memory_space<vmem>>
    %dma_start3A_86 = arith.constant 0 : i32
    %dma_start3A_87 = arith.constant 0 : i32
    %dma_start3A_88 = tpu.memref_slice %arg2[%dma_start3A_86, %dma_start3A_87] : memref<204800x128xf32, #tpu.memory_space<hbm>> -> memref<204800x128xf32, #tpu.memory_space<hbm>>
    tpu.enqueue_indirect_dma source(%dma_start3A_88 : memref<204800x128xf32, #tpu.memory_space<hbm>>) target(%arg7 : memref<128x128xf32, #tpu.memory_space<vmem>>) offsets(%dma_start3A_85 : memref<128xi32, #tpu.memory_space<vmem>>) semaphore(%arg11 : memref<!tpu.dma_semaphore, #tpu.memory_space<semaphore_mem>>)
    %dma_wait3A_89 = arith.constant 128 : i32
    %dma_wait3A_90 = tpu.memref_slice %arg5[%dma_wait3A_89] : memref<2048xi32, #tpu.memory_space<vmem>> -> memref<128xi32, #tpu.memory_space<vmem>>
    %dma_wait3A_91 = arith.constant 0 : i32
    %dma_wait3A_92 = arith.constant 0 : i32
    %dma_wait3A_93 = tpu.memref_slice %arg2[%dma_wait3A_91, %dma_wait3A_92] : memref<204800x128xf32, #tpu.memory_space<hbm>> -> memref<204800x128xf32, #tpu.memory_space<hbm>>
    tpu.wait_indirect_dma semaphore(%arg12 : memref<!tpu.dma_semaphore, #tpu.memory_space<semaphore_mem>>) src(%dma_wait3A_93 : memref<204800x128xf32, #tpu.memory_space<hbm>>) dst(%arg8 : memref<128x128xf32, #tpu.memory_space<vmem>>)
    %dma_start3A_94 = arith.constant 1 : i32
    %dma_start3A_95 = tpu.memref_reshape %arg8 : memref<128x128xf32, #tpu.memory_space<vmem>> -> memref<128x1x128xf32, #tpu.memory_space<vmem>>
    %dma_start3A_96 = arith.constant 1 : i32
    %dma_start3A_97 = arith.constant 0 : i32
    %dma_start3A_98 = tpu.memref_slice %arg4[%dma_start3A_94, %mul3A_2, %dma_start3A_96, %dma_start3A_97] : memref<3x4096x8x128xf32, #tpu.memory_space<hbm>> -> memref<1x128x1x128xf32, #tpu.memory_space<hbm>>
    %dma_start3A_99 = tpu.memref_squeeze %dma_start3A_98 : memref<1x128x1x128xf32, #tpu.memory_space<hbm>> -> memref<128x1x128xf32, #tpu.memory_space<hbm>>
    %dma_start3A_100 = arith.constant 1 : i32
    %dma_start3A_101 = arith.constant 0 : i32
    %dma_start3A_102 = tpu.memref_slice %arg4[%dma_start3A_94, %mul3A_2, %dma_start3A_100, %dma_start3A_101] : memref<3x4096x8x128xf32, #tpu.memory_space<hbm>> -> memref<1x128x1x128xf32, #tpu.memory_space<hbm>>
    %dma_start3A_103 = tpu.memref_squeeze %dma_start3A_102 : memref<1x128x1x128xf32, #tpu.memory_space<hbm>> -> memref<128x1x128xf32, #tpu.memory_space<hbm>>
    %dma_start3A_104 = tpu.memref_reshape %arg8 : memref<128x128xf32, #tpu.memory_space<vmem>> -> memref<128x1x128xf32, #tpu.memory_space<vmem>>
    tpu.enqueue_dma source(%dma_start3A_104 : memref<128x1x128xf32, #tpu.memory_space<vmem>>) target(%dma_start3A_103 : memref<128x1x128xf32, #tpu.memory_space<hbm>>) target_semaphore(%arg16 : memref<!tpu.dma_semaphore, #tpu.memory_space<semaphore_mem>>)
    %dma_wait3A_105 = arith.constant 1 : i32
    %dma_wait3A_106 = tpu.memref_reshape %arg8 : memref<128x128xf32, #tpu.memory_space<vmem>> -> memref<128x1x128xf32, #tpu.memory_space<vmem>>
    %dma_wait3A_107 = arith.constant 1 : i32
    %dma_wait3A_108 = arith.constant 0 : i32
    %dma_wait3A_109 = tpu.memref_slice %arg4[%dma_wait3A_105, %mul3A_2, %dma_wait3A_107, %dma_wait3A_108] : memref<3x4096x8x128xf32, #tpu.memory_space<hbm>> -> memref<1x128x1x128xf32, #tpu.memory_space<hbm>>
    %dma_wait3A_110 = tpu.memref_squeeze %dma_wait3A_109 : memref<1x128x1x128xf32, #tpu.memory_space<hbm>> -> memref<128x1x128xf32, #tpu.memory_space<hbm>>
    %dma_wait3A_111 = arith.constant 1 : i32
    %dma_wait3A_112 = arith.constant 0 : i32
    %dma_wait3A_113 = tpu.memref_slice %arg4[%dma_wait3A_105, %mul3A_2, %dma_wait3A_111, %dma_wait3A_112] : memref<3x4096x8x128xf32, #tpu.memory_space<hbm>> -> memref<1x128x1x128xf32, #tpu.memory_space<hbm>>
    %dma_wait3A_114 = tpu.memref_squeeze %dma_wait3A_113 : memref<1x128x1x128xf32, #tpu.memory_space<hbm>> -> memref<128x1x128xf32, #tpu.memory_space<hbm>>
    %dma_wait3A_115 = tpu.memref_reshape %arg8 : memref<128x128xf32, #tpu.memory_space<vmem>> -> memref<128x1x128xf32, #tpu.memory_space<vmem>>
    tpu.wait_dma2 semaphore(%arg16 : memref<!tpu.dma_semaphore, #tpu.memory_space<semaphore_mem>>) src(%dma_wait3A_115 : memref<128x1x128xf32, #tpu.memory_space<vmem>>) dst(%dma_wait3A_114 : memref<128x1x128xf32, #tpu.memory_space<hbm>>)
    %dma_start3A_116 = arith.constant 384 : i32
    %dma_start3A_117 = tpu.memref_slice %arg5[%dma_start3A_116] : memref<2048xi32, #tpu.memory_space<vmem>> -> memref<128xi32, #tpu.memory_space<vmem>>
    %dma_start3A_118 = arith.constant 0 : i32
    %dma_start3A_119 = arith.constant 0 : i32
    %dma_start3A_120 = tpu.memref_slice %arg2[%dma_start3A_118, %dma_start3A_119] : memref<204800x128xf32, #tpu.memory_space<hbm>> -> memref<204800x128xf32, #tpu.memory_space<hbm>>
    tpu.enqueue_indirect_dma source(%dma_start3A_120 : memref<204800x128xf32, #tpu.memory_space<hbm>>) target(%arg8 : memref<128x128xf32, #tpu.memory_space<vmem>>) offsets(%dma_start3A_117 : memref<128xi32, #tpu.memory_space<vmem>>) semaphore(%arg12 : memref<!tpu.dma_semaphore, #tpu.memory_space<semaphore_mem>>)
    %dma_wait3A_121 = arith.constant 1152 : i32
    %dma_wait3A_122 = tpu.memref_slice %arg5[%dma_wait3A_121] : memref<2048xi32, #tpu.memory_space<vmem>> -> memref<128xi32, #tpu.memory_space<vmem>>
    %dma_wait3A_123 = arith.constant 0 : i32
    %dma_wait3A_124 = arith.constant 0 : i32
    %dma_wait3A_125 = tpu.memref_slice %arg2[%dma_wait3A_123, %dma_wait3A_124] : memref<204800x128xf32, #tpu.memory_space<hbm>> -> memref<204800x128xf32, #tpu.memory_space<hbm>>
    tpu.wait_indirect_dma semaphore(%arg13 : memref<!tpu.dma_semaphore, #tpu.memory_space<semaphore_mem>>) src(%dma_wait3A_125 : memref<204800x128xf32, #tpu.memory_space<hbm>>) dst(%arg9 : memref<128x128xf32, #tpu.memory_space<vmem>>)
    %dma_start3A_126 = arith.constant 2 : i32
    %dma_start3A_127 = tpu.memref_reshape %arg9 : memref<128x128xf32, #tpu.memory_space<vmem>> -> memref<128x1x128xf32, #tpu.memory_space<vmem>>
    %dma_start3A_128 = arith.constant 1 : i32
    %dma_start3A_129 = arith.constant 0 : i32
    %dma_start3A_130 = tpu.memref_slice %arg4[%dma_start3A_126, %mul3A_2, %dma_start3A_128, %dma_start3A_129] : memref<3x4096x8x128xf32, #tpu.memory_space<hbm>> -> memref<1x128x1x128xf32, #tpu.memory_space<hbm>>
    %dma_start3A_131 = tpu.memref_squeeze %dma_start3A_130 : memref<1x128x1x128xf32, #tpu.memory_space<hbm>> -> memref<128x1x128xf32, #tpu.memory_space<hbm>>
    %dma_start3A_132 = arith.constant 1 : i32
    %dma_start3A_133 = arith.constant 0 : i32
    %dma_start3A_134 = tpu.memref_slice %arg4[%dma_start3A_126, %mul3A_2, %dma_start3A_132, %dma_start3A_133] : memref<3x4096x8x128xf32, #tpu.memory_space<hbm>> -> memref<1x128x1x128xf32, #tpu.memory_space<hbm>>
    %dma_start3A_135 = tpu.memref_squeeze %dma_start3A_134 : memref<1x128x1x128xf32, #tpu.memory_space<hbm>> -> memref<128x1x128xf32, #tpu.memory_space<hbm>>
    %dma_start3A_136 = tpu.memref_reshape %arg9 : memref<128x128xf32, #tpu.memory_space<vmem>> -> memref<128x1x128xf32, #tpu.memory_space<vmem>>
    tpu.enqueue_dma source(%dma_start3A_136 : memref<128x1x128xf32, #tpu.memory_space<vmem>>) target(%dma_start3A_135 : memref<128x1x128xf32, #tpu.memory_space<hbm>>) target_semaphore(%arg17 : memref<!tpu.dma_semaphore, #tpu.memory_space<semaphore_mem>>)
    %dma_wait3A_137 = arith.constant 2 : i32
    %dma_wait3A_138 = tpu.memref_reshape %arg9 : memref<128x128xf32, #tpu.memory_space<vmem>> -> memref<128x1x128xf32, #tpu.memory_space<vmem>>
    %dma_wait3A_139 = arith.constant 1 : i32
    %dma_wait3A_140 = arith.constant 0 : i32
    %dma_wait3A_141 = tpu.memref_slice %arg4[%dma_wait3A_137, %mul3A_2, %dma_wait3A_139, %dma_wait3A_140] : memref<3x4096x8x128xf32, #tpu.memory_space<hbm>> -> memref<1x128x1x128xf32, #tpu.memory_space<hbm>>
    %dma_wait3A_142 = tpu.memref_squeeze %dma_wait3A_141 : memref<1x128x1x128xf32, #tpu.memory_space<hbm>> -> memref<128x1x128xf32, #tpu.memory_space<hbm>>
    %dma_wait3A_143 = arith.constant 1 : i32
    %dma_wait3A_144 = arith.constant 0 : i32
    %dma_wait3A_145 = tpu.memref_slice %arg4[%dma_wait3A_137, %mul3A_2, %dma_wait3A_143, %dma_wait3A_144] : memref<3x4096x8x128xf32, #tpu.memory_space<hbm>> -> memref<1x128x1x128xf32, #tpu.memory_space<hbm>>
    %dma_wait3A_146 = tpu.memref_squeeze %dma_wait3A_145 : memref<1x128x1x128xf32, #tpu.memory_space<hbm>> -> memref<128x1x128xf32, #tpu.memory_space<hbm>>
    %dma_wait3A_147 = tpu.memref_reshape %arg9 : memref<128x128xf32, #tpu.memory_space<vmem>> -> memref<128x1x128xf32, #tpu.memory_space<vmem>>
    tpu.wait_dma2 semaphore(%arg17 : memref<!tpu.dma_semaphore, #tpu.memory_space<semaphore_mem>>) src(%dma_wait3A_147 : memref<128x1x128xf32, #tpu.memory_space<vmem>>) dst(%dma_wait3A_146 : memref<128x1x128xf32, #tpu.memory_space<hbm>>)
    %dma_start3A_148 = arith.constant 1408 : i32
    %dma_start3A_149 = tpu.memref_slice %arg5[%dma_start3A_148] : memref<2048xi32, #tpu.memory_space<vmem>> -> memref<128xi32, #tpu.memory_space<vmem>>
    %dma_start3A_150 = arith.constant 0 : i32
    %dma_start3A_151 = arith.constant 0 : i32
    %dma_start3A_152 = tpu.memref_slice %arg2[%dma_start3A_150, %dma_start3A_151] : memref<204800x128xf32, #tpu.memory_space<hbm>> -> memref<204800x128xf32, #tpu.memory_space<hbm>>
    tpu.enqueue_indirect_dma source(%dma_start3A_152 : memref<204800x128xf32, #tpu.memory_space<hbm>>) target(%arg9 : memref<128x128xf32, #tpu.memory_space<vmem>>) offsets(%dma_start3A_149 : memref<128xi32, #tpu.memory_space<vmem>>) semaphore(%arg13 : memref<!tpu.dma_semaphore, #tpu.memory_space<semaphore_mem>>)
    %dma_wait3A_153 = arith.constant 256 : i32
    %dma_wait3A_154 = tpu.memref_slice %arg5[%dma_wait3A_153] : memref<2048xi32, #tpu.memory_space<vmem>> -> memref<128xi32, #tpu.memory_space<vmem>>
    %dma_wait3A_155 = arith.constant 0 : i32
    %dma_wait3A_156 = arith.constant 0 : i32
    %dma_wait3A_157 = tpu.memref_slice %arg2[%dma_wait3A_155, %dma_wait3A_156] : memref<204800x128xf32, #tpu.memory_space<hbm>> -> memref<204800x128xf32, #tpu.memory_space<hbm>>
    tpu.wait_indirect_dma semaphore(%arg10 : memref<!tpu.dma_semaphore, #tpu.memory_space<semaphore_mem>>) src(%dma_wait3A_157 : memref<204800x128xf32, #tpu.memory_space<hbm>>) dst(%arg6 : memref<128x128xf32, #tpu.memory_space<vmem>>)
    %dma_start3A_158 = arith.constant 1 : i32
    %dma_start3A_159 = tpu.memref_reshape %arg6 : memref<128x128xf32, #tpu.memory_space<vmem>> -> memref<128x1x128xf32, #tpu.memory_space<vmem>>
    %dma_start3A_160 = arith.constant 2 : i32
    %dma_start3A_161 = arith.constant 0 : i32
    %dma_start3A_162 = tpu.memref_slice %arg4[%dma_start3A_158, %mul3A_2, %dma_start3A_160, %dma_start3A_161] : memref<3x4096x8x128xf32, #tpu.memory_space<hbm>> -> memref<1x128x1x128xf32, #tpu.memory_space<hbm>>
    %dma_start3A_163 = tpu.memref_squeeze %dma_start3A_162 : memref<1x128x1x128xf32, #tpu.memory_space<hbm>> -> memref<128x1x128xf32, #tpu.memory_space<hbm>>
    %dma_start3A_164 = arith.constant 2 : i32
    %dma_start3A_165 = arith.constant 0 : i32
    %dma_start3A_166 = tpu.memref_slice %arg4[%dma_start3A_158, %mul3A_2, %dma_start3A_164, %dma_start3A_165] : memref<3x4096x8x128xf32, #tpu.memory_space<hbm>> -> memref<1x128x1x128xf32, #tpu.memory_space<hbm>>
    %dma_start3A_167 = tpu.memref_squeeze %dma_start3A_166 : memref<1x128x1x128xf32, #tpu.memory_space<hbm>> -> memref<128x1x128xf32, #tpu.memory_space<hbm>>
    %dma_start3A_168 = tpu.memref_reshape %arg6 : memref<128x128xf32, #tpu.memory_space<vmem>> -> memref<128x1x128xf32, #tpu.memory_space<vmem>>
    tpu.enqueue_dma source(%dma_start3A_168 : memref<128x1x128xf32, #tpu.memory_space<vmem>>) target(%dma_start3A_167 : memref<128x1x128xf32, #tpu.memory_space<hbm>>) target_semaphore(%arg14 : memref<!tpu.dma_semaphore, #tpu.memory_space<semaphore_mem>>)
    %dma_wait3A_169 = arith.constant 1 : i32
    %dma_wait3A_170 = tpu.memref_reshape %arg6 : memref<128x128xf32, #tpu.memory_space<vmem>> -> memref<128x1x128xf32, #tpu.memory_space<vmem>>
    %dma_wait3A_171 = arith.constant 2 : i32
    %dma_wait3A_172 = arith.constant 0 : i32
    %dma_wait3A_173 = tpu.memref_slice %arg4[%dma_wait3A_169, %mul3A_2, %dma_wait3A_171, %dma_wait3A_172] : memref<3x4096x8x128xf32, #tpu.memory_space<hbm>> -> memref<1x128x1x128xf32, #tpu.memory_space<hbm>>
    %dma_wait3A_174 = tpu.memref_squeeze %dma_wait3A_173 : memref<1x128x1x128xf32, #tpu.memory_space<hbm>> -> memref<128x1x128xf32, #tpu.memory_space<hbm>>
    %dma_wait3A_175 = arith.constant 2 : i32
    %dma_wait3A_176 = arith.constant 0 : i32
    %dma_wait3A_177 = tpu.memref_slice %arg4[%dma_wait3A_169, %mul3A_2, %dma_wait3A_175, %dma_wait3A_176] : memref<3x4096x8x128xf32, #tpu.memory_space<hbm>> -> memref<1x128x1x128xf32, #tpu.memory_space<hbm>>
    %dma_wait3A_178 = tpu.memref_squeeze %dma_wait3A_177 : memref<1x128x1x128xf32, #tpu.memory_space<hbm>> -> memref<128x1x128xf32, #tpu.memory_space<hbm>>
    %dma_wait3A_179 = tpu.memref_reshape %arg6 : memref<128x128xf32, #tpu.memory_space<vmem>> -> memref<128x1x128xf32, #tpu.memory_space<vmem>>
    tpu.wait_dma2 semaphore(%arg14 : memref<!tpu.dma_semaphore, #tpu.memory_space<semaphore_mem>>) src(%dma_wait3A_179 : memref<128x1x128xf32, #tpu.memory_space<vmem>>) dst(%dma_wait3A_178 : memref<128x1x128xf32, #tpu.memory_space<hbm>>)
    %dma_start3A_180 = arith.constant 512 : i32
    %dma_start3A_181 = tpu.memref_slice %arg5[%dma_start3A_180] : memref<2048xi32, #tpu.memory_space<vmem>> -> memref<128xi32, #tpu.memory_space<vmem>>
    %dma_start3A_182 = arith.constant 0 : i32
    %dma_start3A_183 = arith.constant 0 : i32
    %dma_start3A_184 = tpu.memref_slice %arg2[%dma_start3A_182, %dma_start3A_183] : memref<204800x128xf32, #tpu.memory_space<hbm>> -> memref<204800x128xf32, #tpu.memory_space<hbm>>
    tpu.enqueue_indirect_dma source(%dma_start3A_184 : memref<204800x128xf32, #tpu.memory_space<hbm>>) target(%arg6 : memref<128x128xf32, #tpu.memory_space<vmem>>) offsets(%dma_start3A_181 : memref<128xi32, #tpu.memory_space<vmem>>) semaphore(%arg10 : memref<!tpu.dma_semaphore, #tpu.memory_space<semaphore_mem>>)
    %dma_wait3A_185 = arith.constant 1280 : i32
    %dma_wait3A_186 = tpu.memref_slice %arg5[%dma_wait3A_185] : memref<2048xi32, #tpu.memory_space<vmem>> -> memref<128xi32, #tpu.memory_space<vmem>>
    %dma_wait3A_187 = arith.constant 0 : i32
    %dma_wait3A_188 = arith.constant 0 : i32
    %dma_wait3A_189 = tpu.memref_slice %arg2[%dma_wait3A_187, %dma_wait3A_188] : memref<204800x128xf32, #tpu.memory_space<hbm>> -> memref<204800x128xf32, #tpu.memory_space<hbm>>
    tpu.wait_indirect_dma semaphore(%arg11 : memref<!tpu.dma_semaphore, #tpu.memory_space<semaphore_mem>>) src(%dma_wait3A_189 : memref<204800x128xf32, #tpu.memory_space<hbm>>) dst(%arg7 : memref<128x128xf32, #tpu.memory_space<vmem>>)
    %dma_start3A_190 = arith.constant 2 : i32
    %dma_start3A_191 = tpu.memref_reshape %arg7 : memref<128x128xf32, #tpu.memory_space<vmem>> -> memref<128x1x128xf32, #tpu.memory_space<vmem>>
    %dma_start3A_192 = arith.constant 2 : i32
    %dma_start3A_193 = arith.constant 0 : i32
    %dma_start3A_194 = tpu.memref_slice %arg4[%dma_start3A_190, %mul3A_2, %dma_start3A_192, %dma_start3A_193] : memref<3x4096x8x128xf32, #tpu.memory_space<hbm>> -> memref<1x128x1x128xf32, #tpu.memory_space<hbm>>
    %dma_start3A_195 = tpu.memref_squeeze %dma_start3A_194 : memref<1x128x1x128xf32, #tpu.memory_space<hbm>> -> memref<128x1x128xf32, #tpu.memory_space<hbm>>
    %dma_start3A_196 = arith.constant 2 : i32
    %dma_start3A_197 = arith.constant 0 : i32
    %dma_start3A_198 = tpu.memref_slice %arg4[%dma_start3A_190, %mul3A_2, %dma_start3A_196, %dma_start3A_197] : memref<3x4096x8x128xf32, #tpu.memory_space<hbm>> -> memref<1x128x1x128xf32, #tpu.memory_space<hbm>>
    %dma_start3A_199 = tpu.memref_squeeze %dma_start3A_198 : memref<1x128x1x128xf32, #tpu.memory_space<hbm>> -> memref<128x1x128xf32, #tpu.memory_space<hbm>>
    %dma_start3A_200 = tpu.memref_reshape %arg7 : memref<128x128xf32, #tpu.memory_space<vmem>> -> memref<128x1x128xf32, #tpu.memory_space<vmem>>
    tpu.enqueue_dma source(%dma_start3A_200 : memref<128x1x128xf32, #tpu.memory_space<vmem>>) target(%dma_start3A_199 : memref<128x1x128xf32, #tpu.memory_space<hbm>>) target_semaphore(%arg15 : memref<!tpu.dma_semaphore, #tpu.memory_space<semaphore_mem>>)
    %dma_wait3A_201 = arith.constant 2 : i32
    %dma_wait3A_202 = tpu.memref_reshape %arg7 : memref<128x128xf32, #tpu.memory_space<vmem>> -> memref<128x1x128xf32, #tpu.memory_space<vmem>>
    %dma_wait3A_203 = arith.constant 2 : i32
    %dma_wait3A_204 = arith.constant 0 : i32
    %dma_wait3A_205 = tpu.memref_slice %arg4[%dma_wait3A_201, %mul3A_2, %dma_wait3A_203, %dma_wait3A_204] : memref<3x4096x8x128xf32, #tpu.memory_space<hbm>> -> memref<1x128x1x128xf32, #tpu.memory_space<hbm>>
    %dma_wait3A_206 = tpu.memref_squeeze %dma_wait3A_205 : memref<1x128x1x128xf32, #tpu.memory_space<hbm>> -> memref<128x1x128xf32, #tpu.memory_space<hbm>>
    %dma_wait3A_207 = arith.constant 2 : i32
    %dma_wait3A_208 = arith.constant 0 : i32
    %dma_wait3A_209 = tpu.memref_slice %arg4[%dma_wait3A_201, %mul3A_2, %dma_wait3A_207, %dma_wait3A_208] : memref<3x4096x8x128xf32, #tpu.memory_space<hbm>> -> memref<1x128x1x128xf32, #tpu.memory_space<hbm>>
    %dma_wait3A_210 = tpu.memref_squeeze %dma_wait3A_209 : memref<1x128x1x128xf32, #tpu.memory_space<hbm>> -> memref<128x1x128xf32, #tpu.memory_space<hbm>>
    %dma_wait3A_211 = tpu.memref_reshape %arg7 : memref<128x128xf32, #tpu.memory_space<vmem>> -> memref<128x1x128xf32, #tpu.memory_space<vmem>>
    tpu.wait_dma2 semaphore(%arg15 : memref<!tpu.dma_semaphore, #tpu.memory_space<semaphore_mem>>) src(%dma_wait3A_211 : memref<128x1x128xf32, #tpu.memory_space<vmem>>) dst(%dma_wait3A_210 : memref<128x1x128xf32, #tpu.memory_space<hbm>>)
    %dma_start3A_212 = arith.constant 1536 : i32
    %dma_start3A_213 = tpu.memref_slice %arg5[%dma_start3A_212] : memref<2048xi32, #tpu.memory_space<vmem>> -> memref<128xi32, #tpu.memory_space<vmem>>
    %dma_start3A_214 = arith.constant 0 : i32
    %dma_start3A_215 = arith.constant 0 : i32
    %dma_start3A_216 = tpu.memref_slice %arg2[%dma_start3A_214, %dma_start3A_215] : memref<204800x128xf32, #tpu.memory_space<hbm>> -> memref<204800x128xf32, #tpu.memory_space<hbm>>
    tpu.enqueue_indirect_dma source(%dma_start3A_216 : memref<204800x128xf32, #tpu.memory_space<hbm>>) target(%arg7 : memref<128x128xf32, #tpu.memory_space<vmem>>) offsets(%dma_start3A_213 : memref<128xi32, #tpu.memory_space<vmem>>) semaphore(%arg11 : memref<!tpu.dma_semaphore, #tpu.memory_space<semaphore_mem>>)
    %dma_wait3A_217 = arith.constant 384 : i32
    %dma_wait3A_218 = tpu.memref_slice %arg5[%dma_wait3A_217] : memref<2048xi32, #tpu.memory_space<vmem>> -> memref<128xi32, #tpu.memory_space<vmem>>
    %dma_wait3A_219 = arith.constant 0 : i32
    %dma_wait3A_220 = arith.constant 0 : i32
    %dma_wait3A_221 = tpu.memref_slice %arg2[%dma_wait3A_219, %dma_wait3A_220] : memref<204800x128xf32, #tpu.memory_space<hbm>> -> memref<204800x128xf32, #tpu.memory_space<hbm>>
    tpu.wait_indirect_dma semaphore(%arg12 : memref<!tpu.dma_semaphore, #tpu.memory_space<semaphore_mem>>) src(%dma_wait3A_221 : memref<204800x128xf32, #tpu.memory_space<hbm>>) dst(%arg8 : memref<128x128xf32, #tpu.memory_space<vmem>>)
    %dma_start3A_222 = arith.constant 1 : i32
    %dma_start3A_223 = tpu.memref_reshape %arg8 : memref<128x128xf32, #tpu.memory_space<vmem>> -> memref<128x1x128xf32, #tpu.memory_space<vmem>>
    %dma_start3A_224 = arith.constant 3 : i32
    %dma_start3A_225 = arith.constant 0 : i32
    %dma_start3A_226 = tpu.memref_slice %arg4[%dma_start3A_222, %mul3A_2, %dma_start3A_224, %dma_start3A_225] : memref<3x4096x8x128xf32, #tpu.memory_space<hbm>> -> memref<1x128x1x128xf32, #tpu.memory_space<hbm>>
    %dma_start3A_227 = tpu.memref_squeeze %dma_start3A_226 : memref<1x128x1x128xf32, #tpu.memory_space<hbm>> -> memref<128x1x128xf32, #tpu.memory_space<hbm>>
    %dma_start3A_228 = arith.constant 3 : i32
    %dma_start3A_229 = arith.constant 0 : i32
    %dma_start3A_230 = tpu.memref_slice %arg4[%dma_start3A_222, %mul3A_2, %dma_start3A_228, %dma_start3A_229] : memref<3x4096x8x128xf32, #tpu.memory_space<hbm>> -> memref<1x128x1x128xf32, #tpu.memory_space<hbm>>
    %dma_start3A_231 = tpu.memref_squeeze %dma_start3A_230 : memref<1x128x1x128xf32, #tpu.memory_space<hbm>> -> memref<128x1x128xf32, #tpu.memory_space<hbm>>
    %dma_start3A_232 = tpu.memref_reshape %arg8 : memref<128x128xf32, #tpu.memory_space<vmem>> -> memref<128x1x128xf32, #tpu.memory_space<vmem>>
    tpu.enqueue_dma source(%dma_start3A_232 : memref<128x1x128xf32, #tpu.memory_space<vmem>>) target(%dma_start3A_231 : memref<128x1x128xf32, #tpu.memory_space<hbm>>) target_semaphore(%arg16 : memref<!tpu.dma_semaphore, #tpu.memory_space<semaphore_mem>>)
    %dma_wait3A_233 = arith.constant 1 : i32
    %dma_wait3A_234 = tpu.memref_reshape %arg8 : memref<128x128xf32, #tpu.memory_space<vmem>> -> memref<128x1x128xf32, #tpu.memory_space<vmem>>
    %dma_wait3A_235 = arith.constant 3 : i32
    %dma_wait3A_236 = arith.constant 0 : i32
    %dma_wait3A_237 = tpu.memref_slice %arg4[%dma_wait3A_233, %mul3A_2, %dma_wait3A_235, %dma_wait3A_236] : memref<3x4096x8x128xf32, #tpu.memory_space<hbm>> -> memref<1x128x1x128xf32, #tpu.memory_space<hbm>>
    %dma_wait3A_238 = tpu.memref_squeeze %dma_wait3A_237 : memref<1x128x1x128xf32, #tpu.memory_space<hbm>> -> memref<128x1x128xf32, #tpu.memory_space<hbm>>
    %dma_wait3A_239 = arith.constant 3 : i32
    %dma_wait3A_240 = arith.constant 0 : i32
    %dma_wait3A_241 = tpu.memref_slice %arg4[%dma_wait3A_233, %mul3A_2, %dma_wait3A_239, %dma_wait3A_240] : memref<3x4096x8x128xf32, #tpu.memory_space<hbm>> -> memref<1x128x1x128xf32, #tpu.memory_space<hbm>>
    %dma_wait3A_242 = tpu.memref_squeeze %dma_wait3A_241 : memref<1x128x1x128xf32, #tpu.memory_space<hbm>> -> memref<128x1x128xf32, #tpu.memory_space<hbm>>
    %dma_wait3A_243 = tpu.memref_reshape %arg8 : memref<128x128xf32, #tpu.memory_space<vmem>> -> memref<128x1x128xf32, #tpu.memory_space<vmem>>
    tpu.wait_dma2 semaphore(%arg16 : memref<!tpu.dma_semaphore, #tpu.memory_space<semaphore_mem>>) src(%dma_wait3A_243 : memref<128x1x128xf32, #tpu.memory_space<vmem>>) dst(%dma_wait3A_242 : memref<128x1x128xf32, #tpu.memory_space<hbm>>)
    %dma_start3A_244 = arith.constant 640 : i32
    %dma_start3A_245 = tpu.memref_slice %arg5[%dma_start3A_244] : memref<2048xi32, #tpu.memory_space<vmem>> -> memref<128xi32, #tpu.memory_space<vmem>>
    %dma_start3A_246 = arith.constant 0 : i32
    %dma_start3A_247 = arith.constant 0 : i32
    %dma_start3A_248 = tpu.memref_slice %arg2[%dma_start3A_246, %dma_start3A_247] : memref<204800x128xf32, #tpu.memory_space<hbm>> -> memref<204800x128xf32, #tpu.memory_space<hbm>>
    tpu.enqueue_indirect_dma source(%dma_start3A_248 : memref<204800x128xf32, #tpu.memory_space<hbm>>) target(%arg8 : memref<128x128xf32, #tpu.memory_space<vmem>>) offsets(%dma_start3A_245 : memref<128xi32, #tpu.memory_space<vmem>>) semaphore(%arg12 : memref<!tpu.dma_semaphore, #tpu.memory_space<semaphore_mem>>)
    %dma_wait3A_249 = arith.constant 1408 : i32
    %dma_wait3A_250 = tpu.memref_slice %arg5[%dma_wait3A_249] : memref<2048xi32, #tpu.memory_space<vmem>> -> memref<128xi32, #tpu.memory_space<vmem>>
    %dma_wait3A_251 = arith.constant 0 : i32
    %dma_wait3A_252 = arith.constant 0 : i32
    %dma_wait3A_253 = tpu.memref_slice %arg2[%dma_wait3A_251, %dma_wait3A_252] : memref<204800x128xf32, #tpu.memory_space<hbm>> -> memref<204800x128xf32, #tpu.memory_space<hbm>>
    tpu.wait_indirect_dma semaphore(%arg13 : memref<!tpu.dma_semaphore, #tpu.memory_space<semaphore_mem>>) src(%dma_wait3A_253 : memref<204800x128xf32, #tpu.memory_space<hbm>>) dst(%arg9 : memref<128x128xf32, #tpu.memory_space<vmem>>)
    %dma_start3A_254 = arith.constant 2 : i32
    %dma_start3A_255 = tpu.memref_reshape %arg9 : memref<128x128xf32, #tpu.memory_space<vmem>> -> memref<128x1x128xf32, #tpu.memory_space<vmem>>
    %dma_start3A_256 = arith.constant 3 : i32
    %dma_start3A_257 = arith.constant 0 : i32
    %dma_start3A_258 = tpu.memref_slice %arg4[%dma_start3A_254, %mul3A_2, %dma_start3A_256, %dma_start3A_257] : memref<3x4096x8x128xf32, #tpu.memory_space<hbm>> -> memref<1x128x1x128xf32, #tpu.memory_space<hbm>>
    %dma_start3A_259 = tpu.memref_squeeze %dma_start3A_258 : memref<1x128x1x128xf32, #tpu.memory_space<hbm>> -> memref<128x1x128xf32, #tpu.memory_space<hbm>>
    %dma_start3A_260 = arith.constant 3 : i32
    %dma_start3A_261 = arith.constant 0 : i32
    %dma_start3A_262 = tpu.memref_slice %arg4[%dma_start3A_254, %mul3A_2, %dma_start3A_260, %dma_start3A_261] : memref<3x4096x8x128xf32, #tpu.memory_space<hbm>> -> memref<1x128x1x128xf32, #tpu.memory_space<hbm>>
    %dma_start3A_263 = tpu.memref_squeeze %dma_start3A_262 : memref<1x128x1x128xf32, #tpu.memory_space<hbm>> -> memref<128x1x128xf32, #tpu.memory_space<hbm>>
    %dma_start3A_264 = tpu.memref_reshape %arg9 : memref<128x128xf32, #tpu.memory_space<vmem>> -> memref<128x1x128xf32, #tpu.memory_space<vmem>>
    tpu.enqueue_dma source(%dma_start3A_264 : memref<128x1x128xf32, #tpu.memory_space<vmem>>) target(%dma_start3A_263 : memref<128x1x128xf32, #tpu.memory_space<hbm>>) target_semaphore(%arg17 : memref<!tpu.dma_semaphore, #tpu.memory_space<semaphore_mem>>)
    %dma_wait3A_265 = arith.constant 2 : i32
    %dma_wait3A_266 = tpu.memref_reshape %arg9 : memref<128x128xf32, #tpu.memory_space<vmem>> -> memref<128x1x128xf32, #tpu.memory_space<vmem>>
    %dma_wait3A_267 = arith.constant 3 : i32
    %dma_wait3A_268 = arith.constant 0 : i32
    %dma_wait3A_269 = tpu.memref_slice %arg4[%dma_wait3A_265, %mul3A_2, %dma_wait3A_267, %dma_wait3A_268] : memref<3x4096x8x128xf32, #tpu.memory_space<hbm>> -> memref<1x128x1x128xf32, #tpu.memory_space<hbm>>
    %dma_wait3A_270 = tpu.memref_squeeze %dma_wait3A_269 : memref<1x128x1x128xf32, #tpu.memory_space<hbm>> -> memref<128x1x128xf32, #tpu.memory_space<hbm>>
    %dma_wait3A_271 = arith.constant 3 : i32
    %dma_wait3A_272 = arith.constant 0 : i32
    %dma_wait3A_273 = tpu.memref_slice %arg4[%dma_wait3A_265, %mul3A_2, %dma_wait3A_271, %dma_wait3A_272] : memref<3x4096x8x128xf32, #tpu.memory_space<hbm>> -> memref<1x128x1x128xf32, #tpu.memory_space<hbm>>
    %dma_wait3A_274 = tpu.memref_squeeze %dma_wait3A_273 : memref<1x128x1x128xf32, #tpu.memory_space<hbm>> -> memref<128x1x128xf32, #tpu.memory_space<hbm>>
    %dma_wait3A_275 = tpu.memref_reshape %arg9 : memref<128x128xf32, #tpu.memory_space<vmem>> -> memref<128x1x128xf32, #tpu.memory_space<vmem>>
    tpu.wait_dma2 semaphore(%arg17 : memref<!tpu.dma_semaphore, #tpu.memory_space<semaphore_mem>>) src(%dma_wait3A_275 : memref<128x1x128xf32, #tpu.memory_space<vmem>>) dst(%dma_wait3A_274 : memref<128x1x128xf32, #tpu.memory_space<hbm>>)
    %dma_start3A_276 = arith.constant 1664 : i32
    %dma_start3A_277 = tpu.memref_slice %arg5[%dma_start3A_276] : memref<2048xi32, #tpu.memory_space<vmem>> -> memref<128xi32, #tpu.memory_space<vmem>>
    %dma_start3A_278 = arith.constant 0 : i32
    %dma_start3A_279 = arith.constant 0 : i32
    %dma_start3A_280 = tpu.memref_slice %arg2[%dma_start3A_278, %dma_start3A_279] : memref<204800x128xf32, #tpu.memory_space<hbm>> -> memref<204800x128xf32, #tpu.memory_space<hbm>>
    tpu.enqueue_indirect_dma source(%dma_start3A_280 : memref<204800x128xf32, #tpu.memory_space<hbm>>) target(%arg9 : memref<128x128xf32, #tpu.memory_space<vmem>>) offsets(%dma_start3A_277 : memref<128xi32, #tpu.memory_space<vmem>>) semaphore(%arg13 : memref<!tpu.dma_semaphore, #tpu.memory_space<semaphore_mem>>)
    %dma_wait3A_281 = arith.constant 512 : i32
    %dma_wait3A_282 = tpu.memref_slice %arg5[%dma_wait3A_281] : memref<2048xi32, #tpu.memory_space<vmem>> -> memref<128xi32, #tpu.memory_space<vmem>>
    %dma_wait3A_283 = arith.constant 0 : i32
    %dma_wait3A_284 = arith.constant 0 : i32
    %dma_wait3A_285 = tpu.memref_slice %arg2[%dma_wait3A_283, %dma_wait3A_284] : memref<204800x128xf32, #tpu.memory_space<hbm>> -> memref<204800x128xf32, #tpu.memory_space<hbm>>
    tpu.wait_indirect_dma semaphore(%arg10 : memref<!tpu.dma_semaphore, #tpu.memory_space<semaphore_mem>>) src(%dma_wait3A_285 : memref<204800x128xf32, #tpu.memory_space<hbm>>) dst(%arg6 : memref<128x128xf32, #tpu.memory_space<vmem>>)
    %dma_start3A_286 = arith.constant 1 : i32
    %dma_start3A_287 = tpu.memref_reshape %arg6 : memref<128x128xf32, #tpu.memory_space<vmem>> -> memref<128x1x128xf32, #tpu.memory_space<vmem>>
    %dma_start3A_288 = arith.constant 4 : i32
    %dma_start3A_289 = arith.constant 0 : i32
    %dma_start3A_290 = tpu.memref_slice %arg4[%dma_start3A_286, %mul3A_2, %dma_start3A_288, %dma_start3A_289] : memref<3x4096x8x128xf32, #tpu.memory_space<hbm>> -> memref<1x128x1x128xf32, #tpu.memory_space<hbm>>
    %dma_start3A_291 = tpu.memref_squeeze %dma_start3A_290 : memref<1x128x1x128xf32, #tpu.memory_space<hbm>> -> memref<128x1x128xf32, #tpu.memory_space<hbm>>
    %dma_start3A_292 = arith.constant 4 : i32
    %dma_start3A_293 = arith.constant 0 : i32
    %dma_start3A_294 = tpu.memref_slice %arg4[%dma_start3A_286, %mul3A_2, %dma_start3A_292, %dma_start3A_293] : memref<3x4096x8x128xf32, #tpu.memory_space<hbm>> -> memref<1x128x1x128xf32, #tpu.memory_space<hbm>>
    %dma_start3A_295 = tpu.memref_squeeze %dma_start3A_294 : memref<1x128x1x128xf32, #tpu.memory_space<hbm>> -> memref<128x1x128xf32, #tpu.memory_space<hbm>>
    %dma_start3A_296 = tpu.memref_reshape %arg6 : memref<128x128xf32, #tpu.memory_space<vmem>> -> memref<128x1x128xf32, #tpu.memory_space<vmem>>
    tpu.enqueue_dma source(%dma_start3A_296 : memref<128x1x128xf32, #tpu.memory_space<vmem>>) target(%dma_start3A_295 : memref<128x1x128xf32, #tpu.memory_space<hbm>>) target_semaphore(%arg14 : memref<!tpu.dma_semaphore, #tpu.memory_space<semaphore_mem>>)
    %dma_wait3A_297 = arith.constant 1 : i32
    %dma_wait3A_298 = tpu.memref_reshape %arg6 : memref<128x128xf32, #tpu.memory_space<vmem>> -> memref<128x1x128xf32, #tpu.memory_space<vmem>>
    %dma_wait3A_299 = arith.constant 4 : i32
    %dma_wait3A_300 = arith.constant 0 : i32
    %dma_wait3A_301 = tpu.memref_slice %arg4[%dma_wait3A_297, %mul3A_2, %dma_wait3A_299, %dma_wait3A_300] : memref<3x4096x8x128xf32, #tpu.memory_space<hbm>> -> memref<1x128x1x128xf32, #tpu.memory_space<hbm>>
    %dma_wait3A_302 = tpu.memref_squeeze %dma_wait3A_301 : memref<1x128x1x128xf32, #tpu.memory_space<hbm>> -> memref<128x1x128xf32, #tpu.memory_space<hbm>>
    %dma_wait3A_303 = arith.constant 4 : i32
    %dma_wait3A_304 = arith.constant 0 : i32
    %dma_wait3A_305 = tpu.memref_slice %arg4[%dma_wait3A_297, %mul3A_2, %dma_wait3A_303, %dma_wait3A_304] : memref<3x4096x8x128xf32, #tpu.memory_space<hbm>> -> memref<1x128x1x128xf32, #tpu.memory_space<hbm>>
    %dma_wait3A_306 = tpu.memref_squeeze %dma_wait3A_305 : memref<1x128x1x128xf32, #tpu.memory_space<hbm>> -> memref<128x1x128xf32, #tpu.memory_space<hbm>>
    %dma_wait3A_307 = tpu.memref_reshape %arg6 : memref<128x128xf32, #tpu.memory_space<vmem>> -> memref<128x1x128xf32, #tpu.memory_space<vmem>>
    tpu.wait_dma2 semaphore(%arg14 : memref<!tpu.dma_semaphore, #tpu.memory_space<semaphore_mem>>) src(%dma_wait3A_307 : memref<128x1x128xf32, #tpu.memory_space<vmem>>) dst(%dma_wait3A_306 : memref<128x1x128xf32, #tpu.memory_space<hbm>>)
    %dma_start3A_308 = arith.constant 768 : i32
    %dma_start3A_309 = tpu.memref_slice %arg5[%dma_start3A_308] : memref<2048xi32, #tpu.memory_space<vmem>> -> memref<128xi32, #tpu.memory_space<vmem>>
    %dma_start3A_310 = arith.constant 0 : i32
    %dma_start3A_311 = arith.constant 0 : i32
    %dma_start3A_312 = tpu.memref_slice %arg2[%dma_start3A_310, %dma_start3A_311] : memref<204800x128xf32, #tpu.memory_space<hbm>> -> memref<204800x128xf32, #tpu.memory_space<hbm>>
    tpu.enqueue_indirect_dma source(%dma_start3A_312 : memref<204800x128xf32, #tpu.memory_space<hbm>>) target(%arg6 : memref<128x128xf32, #tpu.memory_space<vmem>>) offsets(%dma_start3A_309 : memref<128xi32, #tpu.memory_space<vmem>>) semaphore(%arg10 : memref<!tpu.dma_semaphore, #tpu.memory_space<semaphore_mem>>)
    %dma_wait3A_313 = arith.constant 1536 : i32
    %dma_wait3A_314 = tpu.memref_slice %arg5[%dma_wait3A_313] : memref<2048xi32, #tpu.memory_space<vmem>> -> memref<128xi32, #tpu.memory_space<vmem>>
    %dma_wait3A_315 = arith.constant 0 : i32
    %dma_wait3A_316 = arith.constant 0 : i32
    %dma_wait3A_317 = tpu.memref_slice %arg2[%dma_wait3A_315, %dma_wait3A_316] : memref<204800x128xf32, #tpu.memory_space<hbm>> -> memref<204800x128xf32, #tpu.memory_space<hbm>>
    tpu.wait_indirect_dma semaphore(%arg11 : memref<!tpu.dma_semaphore, #tpu.memory_space<semaphore_mem>>) src(%dma_wait3A_317 : memref<204800x128xf32, #tpu.memory_space<hbm>>) dst(%arg7 : memref<128x128xf32, #tpu.memory_space<vmem>>)
    %dma_start3A_318 = arith.constant 2 : i32
    %dma_start3A_319 = tpu.memref_reshape %arg7 : memref<128x128xf32, #tpu.memory_space<vmem>> -> memref<128x1x128xf32, #tpu.memory_space<vmem>>
    %dma_start3A_320 = arith.constant 4 : i32
    %dma_start3A_321 = arith.constant 0 : i32
    %dma_start3A_322 = tpu.memref_slice %arg4[%dma_start3A_318, %mul3A_2, %dma_start3A_320, %dma_start3A_321] : memref<3x4096x8x128xf32, #tpu.memory_space<hbm>> -> memref<1x128x1x128xf32, #tpu.memory_space<hbm>>
    %dma_start3A_323 = tpu.memref_squeeze %dma_start3A_322 : memref<1x128x1x128xf32, #tpu.memory_space<hbm>> -> memref<128x1x128xf32, #tpu.memory_space<hbm>>
    %dma_start3A_324 = arith.constant 4 : i32
    %dma_start3A_325 = arith.constant 0 : i32
    %dma_start3A_326 = tpu.memref_slice %arg4[%dma_start3A_318, %mul3A_2, %dma_start3A_324, %dma_start3A_325] : memref<3x4096x8x128xf32, #tpu.memory_space<hbm>> -> memref<1x128x1x128xf32, #tpu.memory_space<hbm>>
    %dma_start3A_327 = tpu.memref_squeeze %dma_start3A_326 : memref<1x128x1x128xf32, #tpu.memory_space<hbm>> -> memref<128x1x128xf32, #tpu.memory_space<hbm>>
    %dma_start3A_328 = tpu.memref_reshape %arg7 : memref<128x128xf32, #tpu.memory_space<vmem>> -> memref<128x1x128xf32, #tpu.memory_space<vmem>>
    tpu.enqueue_dma source(%dma_start3A_328 : memref<128x1x128xf32, #tpu.memory_space<vmem>>) target(%dma_start3A_327 : memref<128x1x128xf32, #tpu.memory_space<hbm>>) target_semaphore(%arg15 : memref<!tpu.dma_semaphore, #tpu.memory_space<semaphore_mem>>)
    %dma_wait3A_329 = arith.constant 2 : i32
    %dma_wait3A_330 = tpu.memref_reshape %arg7 : memref<128x128xf32, #tpu.memory_space<vmem>> -> memref<128x1x128xf32, #tpu.memory_space<vmem>>
    %dma_wait3A_331 = arith.constant 4 : i32
    %dma_wait3A_332 = arith.constant 0 : i32
    %dma_wait3A_333 = tpu.memref_slice %arg4[%dma_wait3A_329, %mul3A_2, %dma_wait3A_331, %dma_wait3A_332] : memref<3x4096x8x128xf32, #tpu.memory_space<hbm>> -> memref<1x128x1x128xf32, #tpu.memory_space<hbm>>
    %dma_wait3A_334 = tpu.memref_squeeze %dma_wait3A_333 : memref<1x128x1x128xf32, #tpu.memory_space<hbm>> -> memref<128x1x128xf32, #tpu.memory_space<hbm>>
    %dma_wait3A_335 = arith.constant 4 : i32
    %dma_wait3A_336 = arith.constant 0 : i32
    %dma_wait3A_337 = tpu.memref_slice %arg4[%dma_wait3A_329, %mul3A_2, %dma_wait3A_335, %dma_wait3A_336] : memref<3x4096x8x128xf32, #tpu.memory_space<hbm>> -> memref<1x128x1x128xf32, #tpu.memory_space<hbm>>
    %dma_wait3A_338 = tpu.memref_squeeze %dma_wait3A_337 : memref<1x128x1x128xf32, #tpu.memory_space<hbm>> -> memref<128x1x128xf32, #tpu.memory_space<hbm>>
    %dma_wait3A_339 = tpu.memref_reshape %arg7 : memref<128x128xf32, #tpu.memory_space<vmem>> -> memref<128x1x128xf32, #tpu.memory_space<vmem>>
    tpu.wait_dma2 semaphore(%arg15 : memref<!tpu.dma_semaphore, #tpu.memory_space<semaphore_mem>>) src(%dma_wait3A_339 : memref<128x1x128xf32, #tpu.memory_space<vmem>>) dst(%dma_wait3A_338 : memref<128x1x128xf32, #tpu.memory_space<hbm>>)
    %dma_start3A_340 = arith.constant 1792 : i32
    %dma_start3A_341 = tpu.memref_slice %arg5[%dma_start3A_340] : memref<2048xi32, #tpu.memory_space<vmem>> -> memref<128xi32, #tpu.memory_space<vmem>>
    %dma_start3A_342 = arith.constant 0 : i32
    %dma_start3A_343 = arith.constant 0 : i32
    %dma_start3A_344 = tpu.memref_slice %arg2[%dma_start3A_342, %dma_start3A_343] : memref<204800x128xf32, #tpu.memory_space<hbm>> -> memref<204800x128xf32, #tpu.memory_space<hbm>>
    tpu.enqueue_indirect_dma source(%dma_start3A_344 : memref<204800x128xf32, #tpu.memory_space<hbm>>) target(%arg7 : memref<128x128xf32, #tpu.memory_space<vmem>>) offsets(%dma_start3A_341 : memref<128xi32, #tpu.memory_space<vmem>>) semaphore(%arg11 : memref<!tpu.dma_semaphore, #tpu.memory_space<semaphore_mem>>)
    %dma_wait3A_345 = arith.constant 640 : i32
    %dma_wait3A_346 = tpu.memref_slice %arg5[%dma_wait3A_345] : memref<2048xi32, #tpu.memory_space<vmem>> -> memref<128xi32, #tpu.memory_space<vmem>>
    %dma_wait3A_347 = arith.constant 0 : i32
    %dma_wait3A_348 = arith.constant 0 : i32
    %dma_wait3A_349 = tpu.memref_slice %arg2[%dma_wait3A_347, %dma_wait3A_348] : memref<204800x128xf32, #tpu.memory_space<hbm>> -> memref<204800x128xf32, #tpu.memory_space<hbm>>
    tpu.wait_indirect_dma semaphore(%arg12 : memref<!tpu.dma_semaphore, #tpu.memory_space<semaphore_mem>>) src(%dma_wait3A_349 : memref<204800x128xf32, #tpu.memory_space<hbm>>) dst(%arg8 : memref<128x128xf32, #tpu.memory_space<vmem>>)
    %dma_start3A_350 = arith.constant 1 : i32
    %dma_start3A_351 = tpu.memref_reshape %arg8 : memref<128x128xf32, #tpu.memory_space<vmem>> -> memref<128x1x128xf32, #tpu.memory_space<vmem>>
    %dma_start3A_352 = arith.constant 5 : i32
    %dma_start3A_353 = arith.constant 0 : i32
    %dma_start3A_354 = tpu.memref_slice %arg4[%dma_start3A_350, %mul3A_2, %dma_start3A_352, %dma_start3A_353] : memref<3x4096x8x128xf32, #tpu.memory_space<hbm>> -> memref<1x128x1x128xf32, #tpu.memory_space<hbm>>
    %dma_start3A_355 = tpu.memref_squeeze %dma_start3A_354 : memref<1x128x1x128xf32, #tpu.memory_space<hbm>> -> memref<128x1x128xf32, #tpu.memory_space<hbm>>
    %dma_start3A_356 = arith.constant 5 : i32
    %dma_start3A_357 = arith.constant 0 : i32
    %dma_start3A_358 = tpu.memref_slice %arg4[%dma_start3A_350, %mul3A_2, %dma_start3A_356, %dma_start3A_357] : memref<3x4096x8x128xf32, #tpu.memory_space<hbm>> -> memref<1x128x1x128xf32, #tpu.memory_space<hbm>>
    %dma_start3A_359 = tpu.memref_squeeze %dma_start3A_358 : memref<1x128x1x128xf32, #tpu.memory_space<hbm>> -> memref<128x1x128xf32, #tpu.memory_space<hbm>>
    %dma_start3A_360 = tpu.memref_reshape %arg8 : memref<128x128xf32, #tpu.memory_space<vmem>> -> memref<128x1x128xf32, #tpu.memory_space<vmem>>
    tpu.enqueue_dma source(%dma_start3A_360 : memref<128x1x128xf32, #tpu.memory_space<vmem>>) target(%dma_start3A_359 : memref<128x1x128xf32, #tpu.memory_space<hbm>>) target_semaphore(%arg16 : memref<!tpu.dma_semaphore, #tpu.memory_space<semaphore_mem>>)
    %dma_wait3A_361 = arith.constant 1 : i32
    %dma_wait3A_362 = tpu.memref_reshape %arg8 : memref<128x128xf32, #tpu.memory_space<vmem>> -> memref<128x1x128xf32, #tpu.memory_space<vmem>>
    %dma_wait3A_363 = arith.constant 5 : i32
    %dma_wait3A_364 = arith.constant 0 : i32
    %dma_wait3A_365 = tpu.memref_slice %arg4[%dma_wait3A_361, %mul3A_2, %dma_wait3A_363, %dma_wait3A_364] : memref<3x4096x8x128xf32, #tpu.memory_space<hbm>> -> memref<1x128x1x128xf32, #tpu.memory_space<hbm>>
    %dma_wait3A_366 = tpu.memref_squeeze %dma_wait3A_365 : memref<1x128x1x128xf32, #tpu.memory_space<hbm>> -> memref<128x1x128xf32, #tpu.memory_space<hbm>>
    %dma_wait3A_367 = arith.constant 5 : i32
    %dma_wait3A_368 = arith.constant 0 : i32
    %dma_wait3A_369 = tpu.memref_slice %arg4[%dma_wait3A_361, %mul3A_2, %dma_wait3A_367, %dma_wait3A_368] : memref<3x4096x8x128xf32, #tpu.memory_space<hbm>> -> memref<1x128x1x128xf32, #tpu.memory_space<hbm>>
    %dma_wait3A_370 = tpu.memref_squeeze %dma_wait3A_369 : memref<1x128x1x128xf32, #tpu.memory_space<hbm>> -> memref<128x1x128xf32, #tpu.memory_space<hbm>>
    %dma_wait3A_371 = tpu.memref_reshape %arg8 : memref<128x128xf32, #tpu.memory_space<vmem>> -> memref<128x1x128xf32, #tpu.memory_space<vmem>>
    tpu.wait_dma2 semaphore(%arg16 : memref<!tpu.dma_semaphore, #tpu.memory_space<semaphore_mem>>) src(%dma_wait3A_371 : memref<128x1x128xf32, #tpu.memory_space<vmem>>) dst(%dma_wait3A_370 : memref<128x1x128xf32, #tpu.memory_space<hbm>>)
    %dma_start3A_372 = arith.constant 896 : i32
    %dma_start3A_373 = tpu.memref_slice %arg5[%dma_start3A_372] : memref<2048xi32, #tpu.memory_space<vmem>> -> memref<128xi32, #tpu.memory_space<vmem>>
    %dma_start3A_374 = arith.constant 0 : i32
    %dma_start3A_375 = arith.constant 0 : i32
    %dma_start3A_376 = tpu.memref_slice %arg2[%dma_start3A_374, %dma_start3A_375] : memref<204800x128xf32, #tpu.memory_space<hbm>> -> memref<204800x128xf32, #tpu.memory_space<hbm>>
    tpu.enqueue_indirect_dma source(%dma_start3A_376 : memref<204800x128xf32, #tpu.memory_space<hbm>>) target(%arg8 : memref<128x128xf32, #tpu.memory_space<vmem>>) offsets(%dma_start3A_373 : memref<128xi32, #tpu.memory_space<vmem>>) semaphore(%arg12 : memref<!tpu.dma_semaphore, #tpu.memory_space<semaphore_mem>>)
    %dma_wait3A_377 = arith.constant 1664 : i32
    %dma_wait3A_378 = tpu.memref_slice %arg5[%dma_wait3A_377] : memref<2048xi32, #tpu.memory_space<vmem>> -> memref<128xi32, #tpu.memory_space<vmem>>
    %dma_wait3A_379 = arith.constant 0 : i32
    %dma_wait3A_380 = arith.constant 0 : i32
    %dma_wait3A_381 = tpu.memref_slice %arg2[%dma_wait3A_379, %dma_wait3A_380] : memref<204800x128xf32, #tpu.memory_space<hbm>> -> memref<204800x128xf32, #tpu.memory_space<hbm>>
    tpu.wait_indirect_dma semaphore(%arg13 : memref<!tpu.dma_semaphore, #tpu.memory_space<semaphore_mem>>) src(%dma_wait3A_381 : memref<204800x128xf32, #tpu.memory_space<hbm>>) dst(%arg9 : memref<128x128xf32, #tpu.memory_space<vmem>>)
    %dma_start3A_382 = arith.constant 2 : i32
    %dma_start3A_383 = tpu.memref_reshape %arg9 : memref<128x128xf32, #tpu.memory_space<vmem>> -> memref<128x1x128xf32, #tpu.memory_space<vmem>>
    %dma_start3A_384 = arith.constant 5 : i32
    %dma_start3A_385 = arith.constant 0 : i32
    %dma_start3A_386 = tpu.memref_slice %arg4[%dma_start3A_382, %mul3A_2, %dma_start3A_384, %dma_start3A_385] : memref<3x4096x8x128xf32, #tpu.memory_space<hbm>> -> memref<1x128x1x128xf32, #tpu.memory_space<hbm>>
    %dma_start3A_387 = tpu.memref_squeeze %dma_start3A_386 : memref<1x128x1x128xf32, #tpu.memory_space<hbm>> -> memref<128x1x128xf32, #tpu.memory_space<hbm>>
    %dma_start3A_388 = arith.constant 5 : i32
    %dma_start3A_389 = arith.constant 0 : i32
    %dma_start3A_390 = tpu.memref_slice %arg4[%dma_start3A_382, %mul3A_2, %dma_start3A_388, %dma_start3A_389] : memref<3x4096x8x128xf32, #tpu.memory_space<hbm>> -> memref<1x128x1x128xf32, #tpu.memory_space<hbm>>
    %dma_start3A_391 = tpu.memref_squeeze %dma_start3A_390 : memref<1x128x1x128xf32, #tpu.memory_space<hbm>> -> memref<128x1x128xf32, #tpu.memory_space<hbm>>
    %dma_start3A_392 = tpu.memref_reshape %arg9 : memref<128x128xf32, #tpu.memory_space<vmem>> -> memref<128x1x128xf32, #tpu.memory_space<vmem>>
    tpu.enqueue_dma source(%dma_start3A_392 : memref<128x1x128xf32, #tpu.memory_space<vmem>>) target(%dma_start3A_391 : memref<128x1x128xf32, #tpu.memory_space<hbm>>) target_semaphore(%arg17 : memref<!tpu.dma_semaphore, #tpu.memory_space<semaphore_mem>>)
    %dma_wait3A_393 = arith.constant 2 : i32
    %dma_wait3A_394 = tpu.memref_reshape %arg9 : memref<128x128xf32, #tpu.memory_space<vmem>> -> memref<128x1x128xf32, #tpu.memory_space<vmem>>
    %dma_wait3A_395 = arith.constant 5 : i32
    %dma_wait3A_396 = arith.constant 0 : i32
    %dma_wait3A_397 = tpu.memref_slice %arg4[%dma_wait3A_393, %mul3A_2, %dma_wait3A_395, %dma_wait3A_396] : memref<3x4096x8x128xf32, #tpu.memory_space<hbm>> -> memref<1x128x1x128xf32, #tpu.memory_space<hbm>>
    %dma_wait3A_398 = tpu.memref_squeeze %dma_wait3A_397 : memref<1x128x1x128xf32, #tpu.memory_space<hbm>> -> memref<128x1x128xf32, #tpu.memory_space<hbm>>
    %dma_wait3A_399 = arith.constant 5 : i32
    %dma_wait3A_400 = arith.constant 0 : i32
    %dma_wait3A_401 = tpu.memref_slice %arg4[%dma_wait3A_393, %mul3A_2, %dma_wait3A_399, %dma_wait3A_400] : memref<3x4096x8x128xf32, #tpu.memory_space<hbm>> -> memref<1x128x1x128xf32, #tpu.memory_space<hbm>>
    %dma_wait3A_402 = tpu.memref_squeeze %dma_wait3A_401 : memref<1x128x1x128xf32, #tpu.memory_space<hbm>> -> memref<128x1x128xf32, #tpu.memory_space<hbm>>
    %dma_wait3A_403 = tpu.memref_reshape %arg9 : memref<128x128xf32, #tpu.memory_space<vmem>> -> memref<128x1x128xf32, #tpu.memory_space<vmem>>
    tpu.wait_dma2 semaphore(%arg17 : memref<!tpu.dma_semaphore, #tpu.memory_space<semaphore_mem>>) src(%dma_wait3A_403 : memref<128x1x128xf32, #tpu.memory_space<vmem>>) dst(%dma_wait3A_402 : memref<128x1x128xf32, #tpu.memory_space<hbm>>)
    %dma_start3A_404 = arith.constant 1920 : i32
    %dma_start3A_405 = tpu.memref_slice %arg5[%dma_start3A_404] : memref<2048xi32, #tpu.memory_space<vmem>> -> memref<128xi32, #tpu.memory_space<vmem>>
    %dma_start3A_406 = arith.constant 0 : i32
    %dma_start3A_407 = arith.constant 0 : i32
    %dma_start3A_408 = tpu.memref_slice %arg2[%dma_start3A_406, %dma_start3A_407] : memref<204800x128xf32, #tpu.memory_space<hbm>> -> memref<204800x128xf32, #tpu.memory_space<hbm>>
    tpu.enqueue_indirect_dma source(%dma_start3A_408 : memref<204800x128xf32, #tpu.memory_space<hbm>>) target(%arg9 : memref<128x128xf32, #tpu.memory_space<vmem>>) offsets(%dma_start3A_405 : memref<128xi32, #tpu.memory_space<vmem>>) semaphore(%arg13 : memref<!tpu.dma_semaphore, #tpu.memory_space<semaphore_mem>>)
    %dma_wait3A_409 = arith.constant 768 : i32
    %dma_wait3A_410 = tpu.memref_slice %arg5[%dma_wait3A_409] : memref<2048xi32, #tpu.memory_space<vmem>> -> memref<128xi32, #tpu.memory_space<vmem>>
    %dma_wait3A_411 = arith.constant 0 : i32
    %dma_wait3A_412 = arith.constant 0 : i32
    %dma_wait3A_413 = tpu.memref_slice %arg2[%dma_wait3A_411, %dma_wait3A_412] : memref<204800x128xf32, #tpu.memory_space<hbm>> -> memref<204800x128xf32, #tpu.memory_space<hbm>>
    tpu.wait_indirect_dma semaphore(%arg10 : memref<!tpu.dma_semaphore, #tpu.memory_space<semaphore_mem>>) src(%dma_wait3A_413 : memref<204800x128xf32, #tpu.memory_space<hbm>>) dst(%arg6 : memref<128x128xf32, #tpu.memory_space<vmem>>)
    %dma_start3A_414 = arith.constant 1 : i32
    %dma_start3A_415 = tpu.memref_reshape %arg6 : memref<128x128xf32, #tpu.memory_space<vmem>> -> memref<128x1x128xf32, #tpu.memory_space<vmem>>
    %dma_start3A_416 = arith.constant 6 : i32
    %dma_start3A_417 = arith.constant 0 : i32
    %dma_start3A_418 = tpu.memref_slice %arg4[%dma_start3A_414, %mul3A_2, %dma_start3A_416, %dma_start3A_417] : memref<3x4096x8x128xf32, #tpu.memory_space<hbm>> -> memref<1x128x1x128xf32, #tpu.memory_space<hbm>>
    %dma_start3A_419 = tpu.memref_squeeze %dma_start3A_418 : memref<1x128x1x128xf32, #tpu.memory_space<hbm>> -> memref<128x1x128xf32, #tpu.memory_space<hbm>>
    %dma_start3A_420 = arith.constant 6 : i32
    %dma_start3A_421 = arith.constant 0 : i32
    %dma_start3A_422 = tpu.memref_slice %arg4[%dma_start3A_414, %mul3A_2, %dma_start3A_420, %dma_start3A_421] : memref<3x4096x8x128xf32, #tpu.memory_space<hbm>> -> memref<1x128x1x128xf32, #tpu.memory_space<hbm>>
    %dma_start3A_423 = tpu.memref_squeeze %dma_start3A_422 : memref<1x128x1x128xf32, #tpu.memory_space<hbm>> -> memref<128x1x128xf32, #tpu.memory_space<hbm>>
    %dma_start3A_424 = tpu.memref_reshape %arg6 : memref<128x128xf32, #tpu.memory_space<vmem>> -> memref<128x1x128xf32, #tpu.memory_space<vmem>>
    tpu.enqueue_dma source(%dma_start3A_424 : memref<128x1x128xf32, #tpu.memory_space<vmem>>) target(%dma_start3A_423 : memref<128x1x128xf32, #tpu.memory_space<hbm>>) target_semaphore(%arg14 : memref<!tpu.dma_semaphore, #tpu.memory_space<semaphore_mem>>)
    %dma_wait3A_425 = arith.constant 1 : i32
    %dma_wait3A_426 = tpu.memref_reshape %arg6 : memref<128x128xf32, #tpu.memory_space<vmem>> -> memref<128x1x128xf32, #tpu.memory_space<vmem>>
    %dma_wait3A_427 = arith.constant 6 : i32
    %dma_wait3A_428 = arith.constant 0 : i32
    %dma_wait3A_429 = tpu.memref_slice %arg4[%dma_wait3A_425, %mul3A_2, %dma_wait3A_427, %dma_wait3A_428] : memref<3x4096x8x128xf32, #tpu.memory_space<hbm>> -> memref<1x128x1x128xf32, #tpu.memory_space<hbm>>
    %dma_wait3A_430 = tpu.memref_squeeze %dma_wait3A_429 : memref<1x128x1x128xf32, #tpu.memory_space<hbm>> -> memref<128x1x128xf32, #tpu.memory_space<hbm>>
    %dma_wait3A_431 = arith.constant 6 : i32
    %dma_wait3A_432 = arith.constant 0 : i32
    %dma_wait3A_433 = tpu.memref_slice %arg4[%dma_wait3A_425, %mul3A_2, %dma_wait3A_431, %dma_wait3A_432] : memref<3x4096x8x128xf32, #tpu.memory_space<hbm>> -> memref<1x128x1x128xf32, #tpu.memory_space<hbm>>
    %dma_wait3A_434 = tpu.memref_squeeze %dma_wait3A_433 : memref<1x128x1x128xf32, #tpu.memory_space<hbm>> -> memref<128x1x128xf32, #tpu.memory_space<hbm>>
    %dma_wait3A_435 = tpu.memref_reshape %arg6 : memref<128x128xf32, #tpu.memory_space<vmem>> -> memref<128x1x128xf32, #tpu.memory_space<vmem>>
    tpu.wait_dma2 semaphore(%arg14 : memref<!tpu.dma_semaphore, #tpu.memory_space<semaphore_mem>>) src(%dma_wait3A_435 : memref<128x1x128xf32, #tpu.memory_space<vmem>>) dst(%dma_wait3A_434 : memref<128x1x128xf32, #tpu.memory_space<hbm>>)
    %dma_wait3A_436 = arith.constant 1792 : i32
    %dma_wait3A_437 = tpu.memref_slice %arg5[%dma_wait3A_436] : memref<2048xi32, #tpu.memory_space<vmem>> -> memref<128xi32, #tpu.memory_space<vmem>>
    %dma_wait3A_438 = arith.constant 0 : i32
    %dma_wait3A_439 = arith.constant 0 : i32
    %dma_wait3A_440 = tpu.memref_slice %arg2[%dma_wait3A_438, %dma_wait3A_439] : memref<204800x128xf32, #tpu.memory_space<hbm>> -> memref<204800x128xf32, #tpu.memory_space<hbm>>
    tpu.wait_indirect_dma semaphore(%arg11 : memref<!tpu.dma_semaphore, #tpu.memory_space<semaphore_mem>>) src(%dma_wait3A_440 : memref<204800x128xf32, #tpu.memory_space<hbm>>) dst(%arg7 : memref<128x128xf32, #tpu.memory_space<vmem>>)
    %dma_start3A_441 = arith.constant 2 : i32
    %dma_start3A_442 = tpu.memref_reshape %arg7 : memref<128x128xf32, #tpu.memory_space<vmem>> -> memref<128x1x128xf32, #tpu.memory_space<vmem>>
    %dma_start3A_443 = arith.constant 6 : i32
    %dma_start3A_444 = arith.constant 0 : i32
    %dma_start3A_445 = tpu.memref_slice %arg4[%dma_start3A_441, %mul3A_2, %dma_start3A_443, %dma_start3A_444] : memref<3x4096x8x128xf32, #tpu.memory_space<hbm>> -> memref<1x128x1x128xf32, #tpu.memory_space<hbm>>
    %dma_start3A_446 = tpu.memref_squeeze %dma_start3A_445 : memref<1x128x1x128xf32, #tpu.memory_space<hbm>> -> memref<128x1x128xf32, #tpu.memory_space<hbm>>
    %dma_start3A_447 = arith.constant 6 : i32
    %dma_start3A_448 = arith.constant 0 : i32
    %dma_start3A_449 = tpu.memref_slice %arg4[%dma_start3A_441, %mul3A_2, %dma_start3A_447, %dma_start3A_448] : memref<3x4096x8x128xf32, #tpu.memory_space<hbm>> -> memref<1x128x1x128xf32, #tpu.memory_space<hbm>>
    %dma_start3A_450 = tpu.memref_squeeze %dma_start3A_449 : memref<1x128x1x128xf32, #tpu.memory_space<hbm>> -> memref<128x1x128xf32, #tpu.memory_space<hbm>>
    %dma_start3A_451 = tpu.memref_reshape %arg7 : memref<128x128xf32, #tpu.memory_space<vmem>> -> memref<128x1x128xf32, #tpu.memory_space<vmem>>
    tpu.enqueue_dma source(%dma_start3A_451 : memref<128x1x128xf32, #tpu.memory_space<vmem>>) target(%dma_start3A_450 : memref<128x1x128xf32, #tpu.memory_space<hbm>>) target_semaphore(%arg15 : memref<!tpu.dma_semaphore, #tpu.memory_space<semaphore_mem>>)
    %dma_wait3A_452 = arith.constant 2 : i32
    %dma_wait3A_453 = tpu.memref_reshape %arg7 : memref<128x128xf32, #tpu.memory_space<vmem>> -> memref<128x1x128xf32, #tpu.memory_space<vmem>>
    %dma_wait3A_454 = arith.constant 6 : i32
    %dma_wait3A_455 = arith.constant 0 : i32
    %dma_wait3A_456 = tpu.memref_slice %arg4[%dma_wait3A_452, %mul3A_2, %dma_wait3A_454, %dma_wait3A_455] : memref<3x4096x8x128xf32, #tpu.memory_space<hbm>> -> memref<1x128x1x128xf32, #tpu.memory_space<hbm>>
    %dma_wait3A_457 = tpu.memref_squeeze %dma_wait3A_456 : memref<1x128x1x128xf32, #tpu.memory_space<hbm>> -> memref<128x1x128xf32, #tpu.memory_space<hbm>>
    %dma_wait3A_458 = arith.constant 6 : i32
    %dma_wait3A_459 = arith.constant 0 : i32
    %dma_wait3A_460 = tpu.memref_slice %arg4[%dma_wait3A_452, %mul3A_2, %dma_wait3A_458, %dma_wait3A_459] : memref<3x4096x8x128xf32, #tpu.memory_space<hbm>> -> memref<1x128x1x128xf32, #tpu.memory_space<hbm>>
    %dma_wait3A_461 = tpu.memref_squeeze %dma_wait3A_460 : memref<1x128x1x128xf32, #tpu.memory_space<hbm>> -> memref<128x1x128xf32, #tpu.memory_space<hbm>>
    %dma_wait3A_462 = tpu.memref_reshape %arg7 : memref<128x128xf32, #tpu.memory_space<vmem>> -> memref<128x1x128xf32, #tpu.memory_space<vmem>>
    tpu.wait_dma2 semaphore(%arg15 : memref<!tpu.dma_semaphore, #tpu.memory_space<semaphore_mem>>) src(%dma_wait3A_462 : memref<128x1x128xf32, #tpu.memory_space<vmem>>) dst(%dma_wait3A_461 : memref<128x1x128xf32, #tpu.memory_space<hbm>>)
    %dma_wait3A_463 = arith.constant 896 : i32
    %dma_wait3A_464 = tpu.memref_slice %arg5[%dma_wait3A_463] : memref<2048xi32, #tpu.memory_space<vmem>> -> memref<128xi32, #tpu.memory_space<vmem>>
    %dma_wait3A_465 = arith.constant 0 : i32
    %dma_wait3A_466 = arith.constant 0 : i32
    %dma_wait3A_467 = tpu.memref_slice %arg2[%dma_wait3A_465, %dma_wait3A_466] : memref<204800x128xf32, #tpu.memory_space<hbm>> -> memref<204800x128xf32, #tpu.memory_space<hbm>>
    tpu.wait_indirect_dma semaphore(%arg12 : memref<!tpu.dma_semaphore, #tpu.memory_space<semaphore_mem>>) src(%dma_wait3A_467 : memref<204800x128xf32, #tpu.memory_space<hbm>>) dst(%arg8 : memref<128x128xf32, #tpu.memory_space<vmem>>)
    %dma_start3A_468 = arith.constant 1 : i32
    %dma_start3A_469 = tpu.memref_reshape %arg8 : memref<128x128xf32, #tpu.memory_space<vmem>> -> memref<128x1x128xf32, #tpu.memory_space<vmem>>
    %dma_start3A_470 = arith.constant 7 : i32
    %dma_start3A_471 = arith.constant 0 : i32
    %dma_start3A_472 = tpu.memref_slice %arg4[%dma_start3A_468, %mul3A_2, %dma_start3A_470, %dma_start3A_471] : memref<3x4096x8x128xf32, #tpu.memory_space<hbm>> -> memref<1x128x1x128xf32, #tpu.memory_space<hbm>>
    %dma_start3A_473 = tpu.memref_squeeze %dma_start3A_472 : memref<1x128x1x128xf32, #tpu.memory_space<hbm>> -> memref<128x1x128xf32, #tpu.memory_space<hbm>>
    %dma_start3A_474 = arith.constant 7 : i32
    %dma_start3A_475 = arith.constant 0 : i32
    %dma_start3A_476 = tpu.memref_slice %arg4[%dma_start3A_468, %mul3A_2, %dma_start3A_474, %dma_start3A_475] : memref<3x4096x8x128xf32, #tpu.memory_space<hbm>> -> memref<1x128x1x128xf32, #tpu.memory_space<hbm>>
    %dma_start3A_477 = tpu.memref_squeeze %dma_start3A_476 : memref<1x128x1x128xf32, #tpu.memory_space<hbm>> -> memref<128x1x128xf32, #tpu.memory_space<hbm>>
    %dma_start3A_478 = tpu.memref_reshape %arg8 : memref<128x128xf32, #tpu.memory_space<vmem>> -> memref<128x1x128xf32, #tpu.memory_space<vmem>>
    tpu.enqueue_dma source(%dma_start3A_478 : memref<128x1x128xf32, #tpu.memory_space<vmem>>) target(%dma_start3A_477 : memref<128x1x128xf32, #tpu.memory_space<hbm>>) target_semaphore(%arg16 : memref<!tpu.dma_semaphore, #tpu.memory_space<semaphore_mem>>)
    %dma_wait3A_479 = arith.constant 1 : i32
    %dma_wait3A_480 = tpu.memref_reshape %arg8 : memref<128x128xf32, #tpu.memory_space<vmem>> -> memref<128x1x128xf32, #tpu.memory_space<vmem>>
    %dma_wait3A_481 = arith.constant 7 : i32
    %dma_wait3A_482 = arith.constant 0 : i32
    %dma_wait3A_483 = tpu.memref_slice %arg4[%dma_wait3A_479, %mul3A_2, %dma_wait3A_481, %dma_wait3A_482] : memref<3x4096x8x128xf32, #tpu.memory_space<hbm>> -> memref<1x128x1x128xf32, #tpu.memory_space<hbm>>
    %dma_wait3A_484 = tpu.memref_squeeze %dma_wait3A_483 : memref<1x128x1x128xf32, #tpu.memory_space<hbm>> -> memref<128x1x128xf32, #tpu.memory_space<hbm>>
    %dma_wait3A_485 = arith.constant 7 : i32
    %dma_wait3A_486 = arith.constant 0 : i32
    %dma_wait3A_487 = tpu.memref_slice %arg4[%dma_wait3A_479, %mul3A_2, %dma_wait3A_485, %dma_wait3A_486] : memref<3x4096x8x128xf32, #tpu.memory_space<hbm>> -> memref<1x128x1x128xf32, #tpu.memory_space<hbm>>
    %dma_wait3A_488 = tpu.memref_squeeze %dma_wait3A_487 : memref<1x128x1x128xf32, #tpu.memory_space<hbm>> -> memref<128x1x128xf32, #tpu.memory_space<hbm>>
    %dma_wait3A_489 = tpu.memref_reshape %arg8 : memref<128x128xf32, #tpu.memory_space<vmem>> -> memref<128x1x128xf32, #tpu.memory_space<vmem>>
    tpu.wait_dma2 semaphore(%arg16 : memref<!tpu.dma_semaphore, #tpu.memory_space<semaphore_mem>>) src(%dma_wait3A_489 : memref<128x1x128xf32, #tpu.memory_space<vmem>>) dst(%dma_wait3A_488 : memref<128x1x128xf32, #tpu.memory_space<hbm>>)
    %dma_wait3A_490 = arith.constant 1920 : i32
    %dma_wait3A_491 = tpu.memref_slice %arg5[%dma_wait3A_490] : memref<2048xi32, #tpu.memory_space<vmem>> -> memref<128xi32, #tpu.memory_space<vmem>>
    %dma_wait3A_492 = arith.constant 0 : i32
    %dma_wait3A_493 = arith.constant 0 : i32
    %dma_wait3A_494 = tpu.memref_slice %arg2[%dma_wait3A_492, %dma_wait3A_493] : memref<204800x128xf32, #tpu.memory_space<hbm>> -> memref<204800x128xf32, #tpu.memory_space<hbm>>
    tpu.wait_indirect_dma semaphore(%arg13 : memref<!tpu.dma_semaphore, #tpu.memory_space<semaphore_mem>>) src(%dma_wait3A_494 : memref<204800x128xf32, #tpu.memory_space<hbm>>) dst(%arg9 : memref<128x128xf32, #tpu.memory_space<vmem>>)
    %dma_start3A_495 = arith.constant 2 : i32
    %dma_start3A_496 = tpu.memref_reshape %arg9 : memref<128x128xf32, #tpu.memory_space<vmem>> -> memref<128x1x128xf32, #tpu.memory_space<vmem>>
    %dma_start3A_497 = arith.constant 7 : i32
    %dma_start3A_498 = arith.constant 0 : i32
    %dma_start3A_499 = tpu.memref_slice %arg4[%dma_start3A_495, %mul3A_2, %dma_start3A_497, %dma_start3A_498] : memref<3x4096x8x128xf32, #tpu.memory_space<hbm>> -> memref<1x128x1x128xf32, #tpu.memory_space<hbm>>
    %dma_start3A_500 = tpu.memref_squeeze %dma_start3A_499 : memref<1x128x1x128xf32, #tpu.memory_space<hbm>> -> memref<128x1x128xf32, #tpu.memory_space<hbm>>
    %dma_start3A_501 = arith.constant 7 : i32
    %dma_start3A_502 = arith.constant 0 : i32
    %dma_start3A_503 = tpu.memref_slice %arg4[%dma_start3A_495, %mul3A_2, %dma_start3A_501, %dma_start3A_502] : memref<3x4096x8x128xf32, #tpu.memory_space<hbm>> -> memref<1x128x1x128xf32, #tpu.memory_space<hbm>>
    %dma_start3A_504 = tpu.memref_squeeze %dma_start3A_503 : memref<1x128x1x128xf32, #tpu.memory_space<hbm>> -> memref<128x1x128xf32, #tpu.memory_space<hbm>>
    %dma_start3A_505 = tpu.memref_reshape %arg9 : memref<128x128xf32, #tpu.memory_space<vmem>> -> memref<128x1x128xf32, #tpu.memory_space<vmem>>
    tpu.enqueue_dma source(%dma_start3A_505 : memref<128x1x128xf32, #tpu.memory_space<vmem>>) target(%dma_start3A_504 : memref<128x1x128xf32, #tpu.memory_space<hbm>>) target_semaphore(%arg17 : memref<!tpu.dma_semaphore, #tpu.memory_space<semaphore_mem>>)
    %dma_wait3A_506 = arith.constant 2 : i32
    %dma_wait3A_507 = tpu.memref_reshape %arg9 : memref<128x128xf32, #tpu.memory_space<vmem>> -> memref<128x1x128xf32, #tpu.memory_space<vmem>>
    %dma_wait3A_508 = arith.constant 7 : i32
    %dma_wait3A_509 = arith.constant 0 : i32
    %dma_wait3A_510 = tpu.memref_slice %arg4[%dma_wait3A_506, %mul3A_2, %dma_wait3A_508, %dma_wait3A_509] : memref<3x4096x8x128xf32, #tpu.memory_space<hbm>> -> memref<1x128x1x128xf32, #tpu.memory_space<hbm>>
    %dma_wait3A_511 = tpu.memref_squeeze %dma_wait3A_510 : memref<1x128x1x128xf32, #tpu.memory_space<hbm>> -> memref<128x1x128xf32, #tpu.memory_space<hbm>>
    %dma_wait3A_512 = arith.constant 7 : i32
    %dma_wait3A_513 = arith.constant 0 : i32
    %dma_wait3A_514 = tpu.memref_slice %arg4[%dma_wait3A_506, %mul3A_2, %dma_wait3A_512, %dma_wait3A_513] : memref<3x4096x8x128xf32, #tpu.memory_space<hbm>> -> memref<1x128x1x128xf32, #tpu.memory_space<hbm>>
    %dma_wait3A_515 = tpu.memref_squeeze %dma_wait3A_514 : memref<1x128x1x128xf32, #tpu.memory_space<hbm>> -> memref<128x1x128xf32, #tpu.memory_space<hbm>>
    %dma_wait3A_516 = tpu.memref_reshape %arg9 : memref<128x128xf32, #tpu.memory_space<vmem>> -> memref<128x1x128xf32, #tpu.memory_space<vmem>>
    tpu.wait_dma2 semaphore(%arg17 : memref<!tpu.dma_semaphore, #tpu.memory_space<semaphore_mem>>) src(%dma_wait3A_516 : memref<128x1x128xf32, #tpu.memory_space<vmem>>) dst(%dma_wait3A_515 : memref<128x1x128xf32, #tpu.memory_space<hbm>>)
    return
  }
}

module attributes {stable_mosaic.version = 14 : i64} {
  func.func @_target_body(%arg0: i32, %arg1: memref<4xi32, #tpu.memory_space<smem>>, %arg2: memref<1xi32, #tpu.memory_space<smem>>, %arg3: memref<50x256xf32, #tpu.memory_space<vmem>>, %arg4: memref<1x8x256xi32, #tpu.memory_space<vmem>>) attributes {dimension_semantics = [#tpu.dimension_semantics<arbitrary>], iteration_bounds = array<i64: 16>, scalar_prefetch = 0 : i64, scratch_operands = 0 : i64, tpu.core_type = #tpu.core_type<tc>, window_params = [{transform_indices = @transform_0, window_bounds = array<i64: 4>}, {transform_indices = @transform_1, window_bounds = array<i64: 1>}, {transform_indices = @transform_2, window_bounds = array<i64: 50, 256>}, {transform_indices = @transform_3, window_bounds = array<i64: 1, 8, 256>}]} {
    %get3A = arith.constant 0 : index
    %get3A_0 = memref.load %arg1[%get3A] : memref<4xi32, #tpu.memory_space<smem>>
    %get3A_1 = arith.constant 1 : index
    %get3A_2 = memref.load %arg1[%get3A_1] : memref<4xi32, #tpu.memory_space<smem>>
    %xor3A = arith.xori %get3A_0, %get3A_2 : i32
    %xor3A_3 = arith.constant 466688986 : i32
    %xor3A_4 = arith.xori %xor3A, %xor3A_3 : i32
    %iota3A = tpu.iota {dimensions = array<i32: 0>} : vector<100x256xi32>
    %iota3A_5 = tpu.iota {dimensions = array<i32: 1>} : vector<100x256xi32>
    %ge3A = arith.constant 50 : i32
    %ge3A_6 = vector.broadcast %ge3A : i32 to vector<100x256xi32>
    %ge3A_7 = arith.cmpi uge, %iota3A, %ge3A_6 : vector<100x256xi32>
    %convert_element_type3A = arith.extui %ge3A_7 : vector<100x256xi1> to vector<100x256xi32>
    %mul3A = arith.constant 50 : i32
    %mul3A_8 = vector.broadcast %mul3A : i32 to vector<100x256xi32>
    %mul3A_9 = arith.muli %convert_element_type3A, %mul3A_8 : vector<100x256xi32>
    %sub3A = arith.subi %iota3A, %mul3A_9 : vector<100x256xi32>
    %mul3A_10 = arith.constant 256 : i32
    %mul3A_11 = arith.muli %arg0, %mul3A_10 : i32
    %add3A = vector.broadcast %mul3A_11 : i32 to vector<100x256xi32>
    %add3A_12 = arith.addi %add3A, %iota3A_5 : vector<100x256xi32>
    %get3A_13 = arith.constant 0 : index
    %get3A_14 = arith.constant 0 : index
    %get3A_15 = vector.load %arg3[%get3A_13, %get3A_14] : memref<50x256xf32, #tpu.memory_space<vmem>>, vector<50x256xf32>
    %add3A_16 = arith.constant 9.99999971E-10 : f32
    %add3A_17 = vector.broadcast %add3A_16 : f32 to vector<50x256xf32>
    %add3A_18 = arith.addf %get3A_15, %add3A_17 : vector<50x256xf32>
    %log3A = math.log %add3A_18 : vector<50x256xf32>
    %concatenate3A = tpu.concatenate %log3A, %log3A in 0 : vector<50x256xf32>, vector<50x256xf32> -> vector<100x256xf32>
    %iota3A_19 = tpu.iota {dimensions = array<i32: 1>} : vector<1x256xi32>
    %iota3A_20 = vector.shape_cast %iota3A_19 : vector<1x256xi32> to vector<256xi32>
    %mul3A_21 = arith.constant 256 : i32
    %mul3A_22 = arith.muli %arg0, %mul3A_21 : i32
    %add3A_23 = vector.broadcast %mul3A_22 : i32 to vector<256xi32>
    %add3A_24 = arith.addi %iota3A_20, %add3A_23 : vector<256xi32>
    %iota3A_25 = tpu.iota {dimensions = array<i32: 0>} : vector<50x256xi32>
    %add3A_26 = arith.constant 0 : i32
    %add3A_27 = vector.broadcast %add3A_26 : i32 to vector<100x256xi32>
    %add3A_28 = arith.addi %add3A_27, %convert_element_type3A : vector<100x256xi32>
    %mul3A_29 = arith.constant 8 : i32
    %mul3A_30 = vector.broadcast %mul3A_29 : i32 to vector<100x256xi32>
    %mul3A_31 = arith.muli %add3A_12, %mul3A_30 : vector<100x256xi32>
    %add3A_32 = arith.addi %mul3A_31, %add3A_28 : vector<100x256xi32>
    %mul3A_33 = arith.constant 50 : i32
    %mul3A_34 = vector.broadcast %mul3A_33 : i32 to vector<100x256xi32>
    %mul3A_35 = arith.muli %add3A_32, %mul3A_34 : vector<100x256xi32>
    %add3A_36 = arith.addi %mul3A_35, %sub3A : vector<100x256xi32>
    %broadcast_in_dim3A = arith.constant 0 : i32
    %broadcast_in_dim3A_37 = vector.broadcast %broadcast_in_dim3A : i32 to vector<100x256xi32>
    %add3A_38 = vector.broadcast %get3A_0 : i32 to vector<100x256xi32>
    %add3A_39 = arith.addi %broadcast_in_dim3A_37, %add3A_38 : vector<100x256xi32>
    %add3A_40 = vector.broadcast %get3A_2 : i32 to vector<100x256xi32>
    %add3A_41 = arith.addi %add3A_36, %add3A_40 : vector<100x256xi32>
    %add3A_42 = arith.addi %add3A_39, %add3A_41 : vector<100x256xi32>
    %shift_left3A = arith.constant 13 : i32
    %shift_left3A_43 = vector.broadcast %shift_left3A : i32 to vector<100x256xi32>
    %shift_left3A_44 = arith.shli %add3A_41, %shift_left3A_43 : vector<100x256xi32>
    %shift_right_logical3A = arith.constant 19 : i32
    %shift_right_logical3A_45 = vector.broadcast %shift_right_logical3A : i32 to vector<100x256xi32>
    %shift_right_logical3A_46 = arith.shrui %add3A_41, %shift_right_logical3A_45 : vector<100x256xi32>
    %or3A = arith.ori %shift_left3A_44, %shift_right_logical3A_46 : vector<100x256xi32>
    %xor3A_47 = arith.xori %or3A, %add3A_42 : vector<100x256xi32>
    %add3A_48 = arith.addi %add3A_42, %xor3A_47 : vector<100x256xi32>
    %shift_left3A_49 = arith.constant 15 : i32
    %shift_left3A_50 = vector.broadcast %shift_left3A_49 : i32 to vector<100x256xi32>
    %shift_left3A_51 = arith.shli %xor3A_47, %shift_left3A_50 : vector<100x256xi32>
    %shift_right_logical3A_52 = arith.constant 17 : i32
    %shift_right_logical3A_53 = vector.broadcast %shift_right_logical3A_52 : i32 to vector<100x256xi32>
    %shift_right_logical3A_54 = arith.shrui %xor3A_47, %shift_right_logical3A_53 : vector<100x256xi32>
    %or3A_55 = arith.ori %shift_left3A_51, %shift_right_logical3A_54 : vector<100x256xi32>
    %xor3A_56 = arith.xori %or3A_55, %add3A_48 : vector<100x256xi32>
    %add3A_57 = arith.addi %add3A_48, %xor3A_56 : vector<100x256xi32>
    %shift_left3A_58 = arith.constant 26 : i32
    %shift_left3A_59 = vector.broadcast %shift_left3A_58 : i32 to vector<100x256xi32>
    %shift_left3A_60 = arith.shli %xor3A_56, %shift_left3A_59 : vector<100x256xi32>
    %shift_right_logical3A_61 = arith.constant 6 : i32
    %shift_right_logical3A_62 = vector.broadcast %shift_right_logical3A_61 : i32 to vector<100x256xi32>
    %shift_right_logical3A_63 = arith.shrui %xor3A_56, %shift_right_logical3A_62 : vector<100x256xi32>
    %or3A_64 = arith.ori %shift_left3A_60, %shift_right_logical3A_63 : vector<100x256xi32>
    %xor3A_65 = arith.xori %or3A_64, %add3A_57 : vector<100x256xi32>
    %add3A_66 = arith.addi %add3A_57, %xor3A_65 : vector<100x256xi32>
    %shift_left3A_67 = arith.constant 6 : i32
    %shift_left3A_68 = vector.broadcast %shift_left3A_67 : i32 to vector<100x256xi32>
    %shift_left3A_69 = arith.shli %xor3A_65, %shift_left3A_68 : vector<100x256xi32>
    %shift_right_logical3A_70 = arith.constant 26 : i32
    %shift_right_logical3A_71 = vector.broadcast %shift_right_logical3A_70 : i32 to vector<100x256xi32>
    %shift_right_logical3A_72 = arith.shrui %xor3A_65, %shift_right_logical3A_71 : vector<100x256xi32>
    %or3A_73 = arith.ori %shift_left3A_69, %shift_right_logical3A_72 : vector<100x256xi32>
    %xor3A_74 = arith.xori %or3A_73, %add3A_66 : vector<100x256xi32>
    %add3A_75 = vector.broadcast %get3A_2 : i32 to vector<100x256xi32>
    %add3A_76 = arith.addi %add3A_66, %add3A_75 : vector<100x256xi32>
    %add3A_77 = vector.broadcast %xor3A_4 : i32 to vector<100x256xi32>
    %add3A_78 = arith.addi %xor3A_74, %add3A_77 : vector<100x256xi32>
    %add3A_79 = arith.constant 1 : i32
    %add3A_80 = vector.broadcast %add3A_79 : i32 to vector<100x256xi32>
    %add3A_81 = arith.addi %add3A_78, %add3A_80 : vector<100x256xi32>
    %add3A_82 = arith.addi %add3A_76, %add3A_81 : vector<100x256xi32>
    %shift_left3A_83 = arith.constant 17 : i32
    %shift_left3A_84 = vector.broadcast %shift_left3A_83 : i32 to vector<100x256xi32>
    %shift_left3A_85 = arith.shli %add3A_81, %shift_left3A_84 : vector<100x256xi32>
    %shift_right_logical3A_86 = arith.constant 15 : i32
    %shift_right_logical3A_87 = vector.broadcast %shift_right_logical3A_86 : i32 to vector<100x256xi32>
    %shift_right_logical3A_88 = arith.shrui %add3A_81, %shift_right_logical3A_87 : vector<100x256xi32>
    %or3A_89 = arith.ori %shift_left3A_85, %shift_right_logical3A_88 : vector<100x256xi32>
    %xor3A_90 = arith.xori %or3A_89, %add3A_82 : vector<100x256xi32>
    %add3A_91 = arith.addi %add3A_82, %xor3A_90 : vector<100x256xi32>
    %shift_left3A_92 = arith.constant 29 : i32
    %shift_left3A_93 = vector.broadcast %shift_left3A_92 : i32 to vector<100x256xi32>
    %shift_left3A_94 = arith.shli %xor3A_90, %shift_left3A_93 : vector<100x256xi32>
    %shift_right_logical3A_95 = arith.constant 3 : i32
    %shift_right_logical3A_96 = vector.broadcast %shift_right_logical3A_95 : i32 to vector<100x256xi32>
    %shift_right_logical3A_97 = arith.shrui %xor3A_90, %shift_right_logical3A_96 : vector<100x256xi32>
    %or3A_98 = arith.ori %shift_left3A_94, %shift_right_logical3A_97 : vector<100x256xi32>
    %xor3A_99 = arith.xori %or3A_98, %add3A_91 : vector<100x256xi32>
    %add3A_100 = arith.addi %add3A_91, %xor3A_99 : vector<100x256xi32>
    %shift_left3A_101 = arith.constant 16 : i32
    %shift_left3A_102 = vector.broadcast %shift_left3A_101 : i32 to vector<100x256xi32>
    %shift_left3A_103 = arith.shli %xor3A_99, %shift_left3A_102 : vector<100x256xi32>
    %shift_right_logical3A_104 = arith.constant 16 : i32
    %shift_right_logical3A_105 = vector.broadcast %shift_right_logical3A_104 : i32 to vector<100x256xi32>
    %shift_right_logical3A_106 = arith.shrui %xor3A_99, %shift_right_logical3A_105 : vector<100x256xi32>
    %or3A_107 = arith.ori %shift_left3A_103, %shift_right_logical3A_106 : vector<100x256xi32>
    %xor3A_108 = arith.xori %or3A_107, %add3A_100 : vector<100x256xi32>
    %add3A_109 = arith.addi %add3A_100, %xor3A_108 : vector<100x256xi32>
    %shift_left3A_110 = arith.constant 24 : i32
    %shift_left3A_111 = vector.broadcast %shift_left3A_110 : i32 to vector<100x256xi32>
    %shift_left3A_112 = arith.shli %xor3A_108, %shift_left3A_111 : vector<100x256xi32>
    %shift_right_logical3A_113 = arith.constant 8 : i32
    %shift_right_logical3A_114 = vector.broadcast %shift_right_logical3A_113 : i32 to vector<100x256xi32>
    %shift_right_logical3A_115 = arith.shrui %xor3A_108, %shift_right_logical3A_114 : vector<100x256xi32>
    %or3A_116 = arith.ori %shift_left3A_112, %shift_right_logical3A_115 : vector<100x256xi32>
    %xor3A_117 = arith.xori %or3A_116, %add3A_109 : vector<100x256xi32>
    %add3A_118 = vector.broadcast %xor3A_4 : i32 to vector<100x256xi32>
    %add3A_119 = arith.addi %add3A_109, %add3A_118 : vector<100x256xi32>
    %add3A_120 = vector.broadcast %get3A_0 : i32 to vector<100x256xi32>
    %add3A_121 = arith.addi %xor3A_117, %add3A_120 : vector<100x256xi32>
    %add3A_122 = arith.constant 2 : i32
    %add3A_123 = vector.broadcast %add3A_122 : i32 to vector<100x256xi32>
    %add3A_124 = arith.addi %add3A_121, %add3A_123 : vector<100x256xi32>
    %add3A_125 = arith.addi %add3A_119, %add3A_124 : vector<100x256xi32>
    %shift_left3A_126 = arith.constant 13 : i32
    %shift_left3A_127 = vector.broadcast %shift_left3A_126 : i32 to vector<100x256xi32>
    %shift_left3A_128 = arith.shli %add3A_124, %shift_left3A_127 : vector<100x256xi32>
    %shift_right_logical3A_129 = arith.constant 19 : i32
    %shift_right_logical3A_130 = vector.broadcast %shift_right_logical3A_129 : i32 to vector<100x256xi32>
    %shift_right_logical3A_131 = arith.shrui %add3A_124, %shift_right_logical3A_130 : vector<100x256xi32>
    %or3A_132 = arith.ori %shift_left3A_128, %shift_right_logical3A_131 : vector<100x256xi32>
    %xor3A_133 = arith.xori %or3A_132, %add3A_125 : vector<100x256xi32>
    %add3A_134 = arith.addi %add3A_125, %xor3A_133 : vector<100x256xi32>
    %shift_left3A_135 = arith.constant 15 : i32
    %shift_left3A_136 = vector.broadcast %shift_left3A_135 : i32 to vector<100x256xi32>
    %shift_left3A_137 = arith.shli %xor3A_133, %shift_left3A_136 : vector<100x256xi32>
    %shift_right_logical3A_138 = arith.constant 17 : i32
    %shift_right_logical3A_139 = vector.broadcast %shift_right_logical3A_138 : i32 to vector<100x256xi32>
    %shift_right_logical3A_140 = arith.shrui %xor3A_133, %shift_right_logical3A_139 : vector<100x256xi32>
    %or3A_141 = arith.ori %shift_left3A_137, %shift_right_logical3A_140 : vector<100x256xi32>
    %xor3A_142 = arith.xori %or3A_141, %add3A_134 : vector<100x256xi32>
    %add3A_143 = arith.addi %add3A_134, %xor3A_142 : vector<100x256xi32>
    %shift_left3A_144 = arith.constant 26 : i32
    %shift_left3A_145 = vector.broadcast %shift_left3A_144 : i32 to vector<100x256xi32>
    %shift_left3A_146 = arith.shli %xor3A_142, %shift_left3A_145 : vector<100x256xi32>
    %shift_right_logical3A_147 = arith.constant 6 : i32
    %shift_right_logical3A_148 = vector.broadcast %shift_right_logical3A_147 : i32 to vector<100x256xi32>
    %shift_right_logical3A_149 = arith.shrui %xor3A_142, %shift_right_logical3A_148 : vector<100x256xi32>
    %or3A_150 = arith.ori %shift_left3A_146, %shift_right_logical3A_149 : vector<100x256xi32>
    %xor3A_151 = arith.xori %or3A_150, %add3A_143 : vector<100x256xi32>
    %add3A_152 = arith.addi %add3A_143, %xor3A_151 : vector<100x256xi32>
    %shift_left3A_153 = arith.constant 6 : i32
    %shift_left3A_154 = vector.broadcast %shift_left3A_153 : i32 to vector<100x256xi32>
    %shift_left3A_155 = arith.shli %xor3A_151, %shift_left3A_154 : vector<100x256xi32>
    %shift_right_logical3A_156 = arith.constant 26 : i32
    %shift_right_logical3A_157 = vector.broadcast %shift_right_logical3A_156 : i32 to vector<100x256xi32>
    %shift_right_logical3A_158 = arith.shrui %xor3A_151, %shift_right_logical3A_157 : vector<100x256xi32>
    %or3A_159 = arith.ori %shift_left3A_155, %shift_right_logical3A_158 : vector<100x256xi32>
    %xor3A_160 = arith.xori %or3A_159, %add3A_152 : vector<100x256xi32>
    %add3A_161 = vector.broadcast %get3A_0 : i32 to vector<100x256xi32>
    %add3A_162 = arith.addi %add3A_152, %add3A_161 : vector<100x256xi32>
    %add3A_163 = vector.broadcast %get3A_2 : i32 to vector<100x256xi32>
    %add3A_164 = arith.addi %xor3A_160, %add3A_163 : vector<100x256xi32>
    %add3A_165 = arith.constant 3 : i32
    %add3A_166 = vector.broadcast %add3A_165 : i32 to vector<100x256xi32>
    %add3A_167 = arith.addi %add3A_164, %add3A_166 : vector<100x256xi32>
    %add3A_168 = arith.addi %add3A_162, %add3A_167 : vector<100x256xi32>
    %shift_left3A_169 = arith.constant 17 : i32
    %shift_left3A_170 = vector.broadcast %shift_left3A_169 : i32 to vector<100x256xi32>
    %shift_left3A_171 = arith.shli %add3A_167, %shift_left3A_170 : vector<100x256xi32>
    %shift_right_logical3A_172 = arith.constant 15 : i32
    %shift_right_logical3A_173 = vector.broadcast %shift_right_logical3A_172 : i32 to vector<100x256xi32>
    %shift_right_logical3A_174 = arith.shrui %add3A_167, %shift_right_logical3A_173 : vector<100x256xi32>
    %or3A_175 = arith.ori %shift_left3A_171, %shift_right_logical3A_174 : vector<100x256xi32>
    %xor3A_176 = arith.xori %or3A_175, %add3A_168 : vector<100x256xi32>
    %add3A_177 = arith.addi %add3A_168, %xor3A_176 : vector<100x256xi32>
    %shift_left3A_178 = arith.constant 29 : i32
    %shift_left3A_179 = vector.broadcast %shift_left3A_178 : i32 to vector<100x256xi32>
    %shift_left3A_180 = arith.shli %xor3A_176, %shift_left3A_179 : vector<100x256xi32>
    %shift_right_logical3A_181 = arith.constant 3 : i32
    %shift_right_logical3A_182 = vector.broadcast %shift_right_logical3A_181 : i32 to vector<100x256xi32>
    %shift_right_logical3A_183 = arith.shrui %xor3A_176, %shift_right_logical3A_182 : vector<100x256xi32>
    %or3A_184 = arith.ori %shift_left3A_180, %shift_right_logical3A_183 : vector<100x256xi32>
    %xor3A_185 = arith.xori %or3A_184, %add3A_177 : vector<100x256xi32>
    %add3A_186 = arith.addi %add3A_177, %xor3A_185 : vector<100x256xi32>
    %shift_left3A_187 = arith.constant 16 : i32
    %shift_left3A_188 = vector.broadcast %shift_left3A_187 : i32 to vector<100x256xi32>
    %shift_left3A_189 = arith.shli %xor3A_185, %shift_left3A_188 : vector<100x256xi32>
    %shift_right_logical3A_190 = arith.constant 16 : i32
    %shift_right_logical3A_191 = vector.broadcast %shift_right_logical3A_190 : i32 to vector<100x256xi32>
    %shift_right_logical3A_192 = arith.shrui %xor3A_185, %shift_right_logical3A_191 : vector<100x256xi32>
    %or3A_193 = arith.ori %shift_left3A_189, %shift_right_logical3A_192 : vector<100x256xi32>
    %xor3A_194 = arith.xori %or3A_193, %add3A_186 : vector<100x256xi32>
    %add3A_195 = arith.addi %add3A_186, %xor3A_194 : vector<100x256xi32>
    %shift_left3A_196 = arith.constant 24 : i32
    %shift_left3A_197 = vector.broadcast %shift_left3A_196 : i32 to vector<100x256xi32>
    %shift_left3A_198 = arith.shli %xor3A_194, %shift_left3A_197 : vector<100x256xi32>
    %shift_right_logical3A_199 = arith.constant 8 : i32
    %shift_right_logical3A_200 = vector.broadcast %shift_right_logical3A_199 : i32 to vector<100x256xi32>
    %shift_right_logical3A_201 = arith.shrui %xor3A_194, %shift_right_logical3A_200 : vector<100x256xi32>
    %or3A_202 = arith.ori %shift_left3A_198, %shift_right_logical3A_201 : vector<100x256xi32>
    %xor3A_203 = arith.xori %or3A_202, %add3A_195 : vector<100x256xi32>
    %add3A_204 = vector.broadcast %get3A_2 : i32 to vector<100x256xi32>
    %add3A_205 = arith.addi %add3A_195, %add3A_204 : vector<100x256xi32>
    %add3A_206 = vector.broadcast %xor3A_4 : i32 to vector<100x256xi32>
    %add3A_207 = arith.addi %xor3A_203, %add3A_206 : vector<100x256xi32>
    %add3A_208 = arith.constant 4 : i32
    %add3A_209 = vector.broadcast %add3A_208 : i32 to vector<100x256xi32>
    %add3A_210 = arith.addi %add3A_207, %add3A_209 : vector<100x256xi32>
    %add3A_211 = arith.addi %add3A_205, %add3A_210 : vector<100x256xi32>
    %shift_left3A_212 = arith.constant 13 : i32
    %shift_left3A_213 = vector.broadcast %shift_left3A_212 : i32 to vector<100x256xi32>
    %shift_left3A_214 = arith.shli %add3A_210, %shift_left3A_213 : vector<100x256xi32>
    %shift_right_logical3A_215 = arith.constant 19 : i32
    %shift_right_logical3A_216 = vector.broadcast %shift_right_logical3A_215 : i32 to vector<100x256xi32>
    %shift_right_logical3A_217 = arith.shrui %add3A_210, %shift_right_logical3A_216 : vector<100x256xi32>
    %or3A_218 = arith.ori %shift_left3A_214, %shift_right_logical3A_217 : vector<100x256xi32>
    %xor3A_219 = arith.xori %or3A_218, %add3A_211 : vector<100x256xi32>
    %add3A_220 = arith.addi %add3A_211, %xor3A_219 : vector<100x256xi32>
    %shift_left3A_221 = arith.constant 15 : i32
    %shift_left3A_222 = vector.broadcast %shift_left3A_221 : i32 to vector<100x256xi32>
    %shift_left3A_223 = arith.shli %xor3A_219, %shift_left3A_222 : vector<100x256xi32>
    %shift_right_logical3A_224 = arith.constant 17 : i32
    %shift_right_logical3A_225 = vector.broadcast %shift_right_logical3A_224 : i32 to vector<100x256xi32>
    %shift_right_logical3A_226 = arith.shrui %xor3A_219, %shift_right_logical3A_225 : vector<100x256xi32>
    %or3A_227 = arith.ori %shift_left3A_223, %shift_right_logical3A_226 : vector<100x256xi32>
    %xor3A_228 = arith.xori %or3A_227, %add3A_220 : vector<100x256xi32>
    %add3A_229 = arith.addi %add3A_220, %xor3A_228 : vector<100x256xi32>
    %shift_left3A_230 = arith.constant 26 : i32
    %shift_left3A_231 = vector.broadcast %shift_left3A_230 : i32 to vector<100x256xi32>
    %shift_left3A_232 = arith.shli %xor3A_228, %shift_left3A_231 : vector<100x256xi32>
    %shift_right_logical3A_233 = arith.constant 6 : i32
    %shift_right_logical3A_234 = vector.broadcast %shift_right_logical3A_233 : i32 to vector<100x256xi32>
    %shift_right_logical3A_235 = arith.shrui %xor3A_228, %shift_right_logical3A_234 : vector<100x256xi32>
    %or3A_236 = arith.ori %shift_left3A_232, %shift_right_logical3A_235 : vector<100x256xi32>
    %xor3A_237 = arith.xori %or3A_236, %add3A_229 : vector<100x256xi32>
    %add3A_238 = arith.addi %add3A_229, %xor3A_237 : vector<100x256xi32>
    %shift_left3A_239 = arith.constant 6 : i32
    %shift_left3A_240 = vector.broadcast %shift_left3A_239 : i32 to vector<100x256xi32>
    %shift_left3A_241 = arith.shli %xor3A_237, %shift_left3A_240 : vector<100x256xi32>
    %shift_right_logical3A_242 = arith.constant 26 : i32
    %shift_right_logical3A_243 = vector.broadcast %shift_right_logical3A_242 : i32 to vector<100x256xi32>
    %shift_right_logical3A_244 = arith.shrui %xor3A_237, %shift_right_logical3A_243 : vector<100x256xi32>
    %or3A_245 = arith.ori %shift_left3A_241, %shift_right_logical3A_244 : vector<100x256xi32>
    %xor3A_246 = arith.xori %or3A_245, %add3A_238 : vector<100x256xi32>
    %add3A_247 = vector.broadcast %xor3A_4 : i32 to vector<100x256xi32>
    %add3A_248 = arith.addi %add3A_238, %add3A_247 : vector<100x256xi32>
    %add3A_249 = vector.broadcast %get3A_0 : i32 to vector<100x256xi32>
    %add3A_250 = arith.addi %xor3A_246, %add3A_249 : vector<100x256xi32>
    %add3A_251 = arith.constant 5 : i32
    %add3A_252 = vector.broadcast %add3A_251 : i32 to vector<100x256xi32>
    %add3A_253 = arith.addi %add3A_250, %add3A_252 : vector<100x256xi32>
    %xor3A_254 = arith.xori %add3A_248, %add3A_253 : vector<100x256xi32>
    %shift_right_logical3A_255 = arith.constant 9 : i32
    %shift_right_logical3A_256 = vector.broadcast %shift_right_logical3A_255 : i32 to vector<100x256xi32>
    %shift_right_logical3A_257 = arith.shrui %xor3A_254, %shift_right_logical3A_256 : vector<100x256xi32>
    %or3A_258 = arith.constant 1065353216 : i32
    %or3A_259 = vector.broadcast %or3A_258 : i32 to vector<100x256xi32>
    %or3A_260 = arith.ori %shift_right_logical3A_257, %or3A_259 : vector<100x256xi32>
    %bitcast_convert_type3A = tpu.bitcast %or3A_260 : vector<100x256xi32> -> vector<100x256xf32>
    %sub3A_261 = arith.constant 1.000000e+00 : f32
    %sub3A_262 = vector.broadcast %sub3A_261 : f32 to vector<100x256xf32>
    %sub3A_263 = arith.subf %bitcast_convert_type3A, %sub3A_262 : vector<100x256xf32>
    %sub3A_264 = arith.constant 1.000000e+00 : f32
    %sub3A_265 = arith.constant 1.17549435E-38 : f32
    %sub3A_266 = arith.subf %sub3A_264, %sub3A_265 : f32
    %mul3A_267 = vector.broadcast %sub3A_266 : f32 to vector<100x256xf32>
    %mul3A_268 = arith.mulf %sub3A_263, %mul3A_267 : vector<100x256xf32>
    %add3A_269 = arith.constant 1.17549435E-38 : f32
    %add3A_270 = vector.broadcast %add3A_269 : f32 to vector<100x256xf32>
    %add3A_271 = arith.addf %mul3A_268, %add3A_270 : vector<100x256xf32>
    %max3A = arith.constant 1.17549435E-38 : f32
    %max3A_272 = vector.broadcast %max3A : f32 to vector<100x256xf32>
    %max3A_273 = arith.maximumf %max3A_272, %add3A_271 : vector<100x256xf32>
    %log3A_274 = math.log %max3A_273 : vector<100x256xf32>
    %neg3A = arith.constant 0.000000e+00 : f32
    %neg3A_275 = vector.broadcast %neg3A : f32 to vector<100x256xf32>
    %neg3A_276 = arith.subf %neg3A_275, %log3A_274 : vector<100x256xf32>
    %log3A_277 = math.log %neg3A_276 : vector<100x256xf32>
    %neg3A_278 = arith.constant 0.000000e+00 : f32
    %neg3A_279 = vector.broadcast %neg3A_278 : f32 to vector<100x256xf32>
    %neg3A_280 = arith.subf %neg3A_279, %log3A_277 : vector<100x256xf32>
    %add3A_281 = arith.addf %neg3A_280, %concatenate3A : vector<100x256xf32>
    %slice3A = vector.extract_strided_slice %add3A_281 {offsets = [0, 0], sizes = [50, 256], strides = [1, 1]} : vector<100x256xf32> to vector<50x256xf32>
    %slice3A_282 = vector.extract_strided_slice %add3A_281 {offsets = [50, 0], sizes = [50, 256], strides = [1, 1]} : vector<100x256xf32> to vector<50x256xf32>
    %reduce_max3A = arith.constant dense<0xFF800000> : vector<256xf32>
    %reduce_max3A_283 = vector.multi_reduction <maximumf>, %slice3A, %reduce_max3A [0] : vector<50x256xf32> to vector<256xf32>
    %broadcast_in_dim3A_284 = vector.shape_cast %reduce_max3A_283 : vector<256xf32> to vector<1x256xf32>
    %eq3A = vector.broadcast %broadcast_in_dim3A_284 : vector<1x256xf32> to vector<50x256xf32>
    %eq3A_285 = arith.cmpf oeq, %slice3A, %eq3A : vector<50x256xf32>
    %jit3A = arith.constant 50 : i32
    %broadcast_in_dim3A_286 = vector.broadcast %jit3A : i32 to vector<50x256xi32>
    %select_n3A = arith.select %eq3A_285, %iota3A_25, %broadcast_in_dim3A_286 : vector<50x256xi1>, vector<50x256xi32>
    %reduce_min3A = arith.constant dense<2147483647> : vector<256xi32>
    %reduce_min3A_287 = vector.multi_reduction <minsi>, %select_n3A, %reduce_min3A [0] : vector<50x256xi32> to vector<256xi32>
    %get3A_288 = arith.constant 0 : index
    %get3A_289 = memref.load %arg2[%get3A_288] : memref<1xi32, #tpu.memory_space<smem>>
    %add3A_290 = vector.broadcast %get3A_289 : i32 to vector<256xi32>
    %add3A_291 = arith.addi %reduce_min3A_287, %add3A_290 : vector<256xi32>
    %mul3A_292 = arith.constant 4096 : i32
    %mul3A_293 = vector.broadcast %mul3A_292 : i32 to vector<256xi32>
    %mul3A_294 = arith.muli %add3A_291, %mul3A_293 : vector<256xi32>
    %add3A_295 = arith.addi %mul3A_294, %add3A_24 : vector<256xi32>
    %swap3A = arith.constant 0 : index
    %swap3A_296 = arith.constant 0 : index
    %swap3A_297 = arith.constant 0 : index
    %swap3A_298 = vector.load %arg4[%swap3A, %swap3A_296, %swap3A_297] : memref<1x8x256xi32, #tpu.memory_space<vmem>>, vector<1x1x256xi32>
    %swap3A_299 = vector.shape_cast %swap3A_298 : vector<1x1x256xi32> to vector<256xi32>
    %swap3A_300 = vector.shape_cast %add3A_295 : vector<256xi32> to vector<1x1x256xi32>
    tpu.vector_store %arg4[%swap3A, %swap3A_296, %swap3A_297], %swap3A_300 {strides = array<i32>} : memref<1x8x256xi32, #tpu.memory_space<vmem>>, vector<1x1x256xi32>,
    %reduce_max3A_301 = arith.constant dense<0xFF800000> : vector<256xf32>
    %reduce_max3A_302 = vector.multi_reduction <maximumf>, %slice3A_282, %reduce_max3A_301 [0] : vector<50x256xf32> to vector<256xf32>
    %broadcast_in_dim3A_303 = vector.shape_cast %reduce_max3A_302 : vector<256xf32> to vector<1x256xf32>
    %eq3A_304 = vector.broadcast %broadcast_in_dim3A_303 : vector<1x256xf32> to vector<50x256xf32>
    %eq3A_305 = arith.cmpf oeq, %slice3A_282, %eq3A_304 : vector<50x256xf32>
    %jit3A_306 = arith.constant 50 : i32
    %broadcast_in_dim3A_307 = vector.broadcast %jit3A_306 : i32 to vector<50x256xi32>
    %select_n3A_308 = arith.select %eq3A_305, %iota3A_25, %broadcast_in_dim3A_307 : vector<50x256xi1>, vector<50x256xi32>
    %reduce_min3A_309 = arith.constant dense<2147483647> : vector<256xi32>
    %reduce_min3A_310 = vector.multi_reduction <minsi>, %select_n3A_308, %reduce_min3A_309 [0] : vector<50x256xi32> to vector<256xi32>
    %get3A_311 = arith.constant 0 : index
    %get3A_312 = memref.load %arg2[%get3A_311] : memref<1xi32, #tpu.memory_space<smem>>
    %add3A_313 = vector.broadcast %get3A_312 : i32 to vector<256xi32>
    %add3A_314 = arith.addi %reduce_min3A_310, %add3A_313 : vector<256xi32>
    %mul3A_315 = arith.constant 4096 : i32
    %mul3A_316 = vector.broadcast %mul3A_315 : i32 to vector<256xi32>
    %mul3A_317 = arith.muli %add3A_314, %mul3A_316 : vector<256xi32>
    %add3A_318 = arith.addi %mul3A_317, %add3A_24 : vector<256xi32>
    %swap3A_319 = arith.constant 0 : index
    %swap3A_320 = arith.constant 1 : index
    %swap3A_321 = arith.constant 0 : index
    %swap3A_322 = vector.load %arg4[%swap3A_319, %swap3A_320, %swap3A_321] : memref<1x8x256xi32, #tpu.memory_space<vmem>>, vector<1x1x256xi32>
    %swap3A_323 = vector.shape_cast %swap3A_322 : vector<1x1x256xi32> to vector<256xi32>
    %swap3A_324 = vector.shape_cast %add3A_318 : vector<256xi32> to vector<1x1x256xi32>
    tpu.vector_store %arg4[%swap3A_319, %swap3A_320, %swap3A_321], %swap3A_324 {strides = array<i32>} : memref<1x8x256xi32, #tpu.memory_space<vmem>>, vector<1x1x256xi32>,
    %add3A_325 = arith.constant 2 : i32
    %add3A_326 = vector.broadcast %add3A_325 : i32 to vector<100x256xi32>
    %add3A_327 = arith.addi %add3A_326, %convert_element_type3A : vector<100x256xi32>
    %mul3A_328 = arith.constant 8 : i32
    %mul3A_329 = vector.broadcast %mul3A_328 : i32 to vector<100x256xi32>
    %mul3A_330 = arith.muli %add3A_12, %mul3A_329 : vector<100x256xi32>
    %add3A_331 = arith.addi %mul3A_330, %add3A_327 : vector<100x256xi32>
    %mul3A_332 = arith.constant 50 : i32
    %mul3A_333 = vector.broadcast %mul3A_332 : i32 to vector<100x256xi32>
    %mul3A_334 = arith.muli %add3A_331, %mul3A_333 : vector<100x256xi32>
    %add3A_335 = arith.addi %mul3A_334, %sub3A : vector<100x256xi32>
    %broadcast_in_dim3A_336 = arith.constant 0 : i32
    %broadcast_in_dim3A_337 = vector.broadcast %broadcast_in_dim3A_336 : i32 to vector<100x256xi32>
    %add3A_338 = vector.broadcast %get3A_0 : i32 to vector<100x256xi32>
    %add3A_339 = arith.addi %broadcast_in_dim3A_337, %add3A_338 : vector<100x256xi32>
    %add3A_340 = vector.broadcast %get3A_2 : i32 to vector<100x256xi32>
    %add3A_341 = arith.addi %add3A_335, %add3A_340 : vector<100x256xi32>
    %add3A_342 = arith.addi %add3A_339, %add3A_341 : vector<100x256xi32>
    %shift_left3A_343 = arith.constant 13 : i32
    %shift_left3A_344 = vector.broadcast %shift_left3A_343 : i32 to vector<100x256xi32>
    %shift_left3A_345 = arith.shli %add3A_341, %shift_left3A_344 : vector<100x256xi32>
    %shift_right_logical3A_346 = arith.constant 19 : i32
    %shift_right_logical3A_347 = vector.broadcast %shift_right_logical3A_346 : i32 to vector<100x256xi32>
    %shift_right_logical3A_348 = arith.shrui %add3A_341, %shift_right_logical3A_347 : vector<100x256xi32>
    %or3A_349 = arith.ori %shift_left3A_345, %shift_right_logical3A_348 : vector<100x256xi32>
    %xor3A_350 = arith.xori %or3A_349, %add3A_342 : vector<100x256xi32>
    %add3A_351 = arith.addi %add3A_342, %xor3A_350 : vector<100x256xi32>
    %shift_left3A_352 = arith.constant 15 : i32
    %shift_left3A_353 = vector.broadcast %shift_left3A_352 : i32 to vector<100x256xi32>
    %shift_left3A_354 = arith.shli %xor3A_350, %shift_left3A_353 : vector<100x256xi32>
    %shift_right_logical3A_355 = arith.constant 17 : i32
    %shift_right_logical3A_356 = vector.broadcast %shift_right_logical3A_355 : i32 to vector<100x256xi32>
    %shift_right_logical3A_357 = arith.shrui %xor3A_350, %shift_right_logical3A_356 : vector<100x256xi32>
    %or3A_358 = arith.ori %shift_left3A_354, %shift_right_logical3A_357 : vector<100x256xi32>
    %xor3A_359 = arith.xori %or3A_358, %add3A_351 : vector<100x256xi32>
    %add3A_360 = arith.addi %add3A_351, %xor3A_359 : vector<100x256xi32>
    %shift_left3A_361 = arith.constant 26 : i32
    %shift_left3A_362 = vector.broadcast %shift_left3A_361 : i32 to vector<100x256xi32>
    %shift_left3A_363 = arith.shli %xor3A_359, %shift_left3A_362 : vector<100x256xi32>
    %shift_right_logical3A_364 = arith.constant 6 : i32
    %shift_right_logical3A_365 = vector.broadcast %shift_right_logical3A_364 : i32 to vector<100x256xi32>
    %shift_right_logical3A_366 = arith.shrui %xor3A_359, %shift_right_logical3A_365 : vector<100x256xi32>
    %or3A_367 = arith.ori %shift_left3A_363, %shift_right_logical3A_366 : vector<100x256xi32>
    %xor3A_368 = arith.xori %or3A_367, %add3A_360 : vector<100x256xi32>
    %add3A_369 = arith.addi %add3A_360, %xor3A_368 : vector<100x256xi32>
    %shift_left3A_370 = arith.constant 6 : i32
    %shift_left3A_371 = vector.broadcast %shift_left3A_370 : i32 to vector<100x256xi32>
    %shift_left3A_372 = arith.shli %xor3A_368, %shift_left3A_371 : vector<100x256xi32>
    %shift_right_logical3A_373 = arith.constant 26 : i32
    %shift_right_logical3A_374 = vector.broadcast %shift_right_logical3A_373 : i32 to vector<100x256xi32>
    %shift_right_logical3A_375 = arith.shrui %xor3A_368, %shift_right_logical3A_374 : vector<100x256xi32>
    %or3A_376 = arith.ori %shift_left3A_372, %shift_right_logical3A_375 : vector<100x256xi32>
    %xor3A_377 = arith.xori %or3A_376, %add3A_369 : vector<100x256xi32>
    %add3A_378 = vector.broadcast %get3A_2 : i32 to vector<100x256xi32>
    %add3A_379 = arith.addi %add3A_369, %add3A_378 : vector<100x256xi32>
    %add3A_380 = vector.broadcast %xor3A_4 : i32 to vector<100x256xi32>
    %add3A_381 = arith.addi %xor3A_377, %add3A_380 : vector<100x256xi32>
    %add3A_382 = arith.constant 1 : i32
    %add3A_383 = vector.broadcast %add3A_382 : i32 to vector<100x256xi32>
    %add3A_384 = arith.addi %add3A_381, %add3A_383 : vector<100x256xi32>
    %add3A_385 = arith.addi %add3A_379, %add3A_384 : vector<100x256xi32>
    %shift_left3A_386 = arith.constant 17 : i32
    %shift_left3A_387 = vector.broadcast %shift_left3A_386 : i32 to vector<100x256xi32>
    %shift_left3A_388 = arith.shli %add3A_384, %shift_left3A_387 : vector<100x256xi32>
    %shift_right_logical3A_389 = arith.constant 15 : i32
    %shift_right_logical3A_390 = vector.broadcast %shift_right_logical3A_389 : i32 to vector<100x256xi32>
    %shift_right_logical3A_391 = arith.shrui %add3A_384, %shift_right_logical3A_390 : vector<100x256xi32>
    %or3A_392 = arith.ori %shift_left3A_388, %shift_right_logical3A_391 : vector<100x256xi32>
    %xor3A_393 = arith.xori %or3A_392, %add3A_385 : vector<100x256xi32>
    %add3A_394 = arith.addi %add3A_385, %xor3A_393 : vector<100x256xi32>
    %shift_left3A_395 = arith.constant 29 : i32
    %shift_left3A_396 = vector.broadcast %shift_left3A_395 : i32 to vector<100x256xi32>
    %shift_left3A_397 = arith.shli %xor3A_393, %shift_left3A_396 : vector<100x256xi32>
    %shift_right_logical3A_398 = arith.constant 3 : i32
    %shift_right_logical3A_399 = vector.broadcast %shift_right_logical3A_398 : i32 to vector<100x256xi32>
    %shift_right_logical3A_400 = arith.shrui %xor3A_393, %shift_right_logical3A_399 : vector<100x256xi32>
    %or3A_401 = arith.ori %shift_left3A_397, %shift_right_logical3A_400 : vector<100x256xi32>
    %xor3A_402 = arith.xori %or3A_401, %add3A_394 : vector<100x256xi32>
    %add3A_403 = arith.addi %add3A_394, %xor3A_402 : vector<100x256xi32>
    %shift_left3A_404 = arith.constant 16 : i32
    %shift_left3A_405 = vector.broadcast %shift_left3A_404 : i32 to vector<100x256xi32>
    %shift_left3A_406 = arith.shli %xor3A_402, %shift_left3A_405 : vector<100x256xi32>
    %shift_right_logical3A_407 = arith.constant 16 : i32
    %shift_right_logical3A_408 = vector.broadcast %shift_right_logical3A_407 : i32 to vector<100x256xi32>
    %shift_right_logical3A_409 = arith.shrui %xor3A_402, %shift_right_logical3A_408 : vector<100x256xi32>
    %or3A_410 = arith.ori %shift_left3A_406, %shift_right_logical3A_409 : vector<100x256xi32>
    %xor3A_411 = arith.xori %or3A_410, %add3A_403 : vector<100x256xi32>
    %add3A_412 = arith.addi %add3A_403, %xor3A_411 : vector<100x256xi32>
    %shift_left3A_413 = arith.constant 24 : i32
    %shift_left3A_414 = vector.broadcast %shift_left3A_413 : i32 to vector<100x256xi32>
    %shift_left3A_415 = arith.shli %xor3A_411, %shift_left3A_414 : vector<100x256xi32>
    %shift_right_logical3A_416 = arith.constant 8 : i32
    %shift_right_logical3A_417 = vector.broadcast %shift_right_logical3A_416 : i32 to vector<100x256xi32>
    %shift_right_logical3A_418 = arith.shrui %xor3A_411, %shift_right_logical3A_417 : vector<100x256xi32>
    %or3A_419 = arith.ori %shift_left3A_415, %shift_right_logical3A_418 : vector<100x256xi32>
    %xor3A_420 = arith.xori %or3A_419, %add3A_412 : vector<100x256xi32>
    %add3A_421 = vector.broadcast %xor3A_4 : i32 to vector<100x256xi32>
    %add3A_422 = arith.addi %add3A_412, %add3A_421 : vector<100x256xi32>
    %add3A_423 = vector.broadcast %get3A_0 : i32 to vector<100x256xi32>
    %add3A_424 = arith.addi %xor3A_420, %add3A_423 : vector<100x256xi32>
    %add3A_425 = arith.constant 2 : i32
    %add3A_426 = vector.broadcast %add3A_425 : i32 to vector<100x256xi32>
    %add3A_427 = arith.addi %add3A_424, %add3A_426 : vector<100x256xi32>
    %add3A_428 = arith.addi %add3A_422, %add3A_427 : vector<100x256xi32>
    %shift_left3A_429 = arith.constant 13 : i32
    %shift_left3A_430 = vector.broadcast %shift_left3A_429 : i32 to vector<100x256xi32>
    %shift_left3A_431 = arith.shli %add3A_427, %shift_left3A_430 : vector<100x256xi32>
    %shift_right_logical3A_432 = arith.constant 19 : i32
    %shift_right_logical3A_433 = vector.broadcast %shift_right_logical3A_432 : i32 to vector<100x256xi32>
    %shift_right_logical3A_434 = arith.shrui %add3A_427, %shift_right_logical3A_433 : vector<100x256xi32>
    %or3A_435 = arith.ori %shift_left3A_431, %shift_right_logical3A_434 : vector<100x256xi32>
    %xor3A_436 = arith.xori %or3A_435, %add3A_428 : vector<100x256xi32>
    %add3A_437 = arith.addi %add3A_428, %xor3A_436 : vector<100x256xi32>
    %shift_left3A_438 = arith.constant 15 : i32
    %shift_left3A_439 = vector.broadcast %shift_left3A_438 : i32 to vector<100x256xi32>
    %shift_left3A_440 = arith.shli %xor3A_436, %shift_left3A_439 : vector<100x256xi32>
    %shift_right_logical3A_441 = arith.constant 17 : i32
    %shift_right_logical3A_442 = vector.broadcast %shift_right_logical3A_441 : i32 to vector<100x256xi32>
    %shift_right_logical3A_443 = arith.shrui %xor3A_436, %shift_right_logical3A_442 : vector<100x256xi32>
    %or3A_444 = arith.ori %shift_left3A_440, %shift_right_logical3A_443 : vector<100x256xi32>
    %xor3A_445 = arith.xori %or3A_444, %add3A_437 : vector<100x256xi32>
    %add3A_446 = arith.addi %add3A_437, %xor3A_445 : vector<100x256xi32>
    %shift_left3A_447 = arith.constant 26 : i32
    %shift_left3A_448 = vector.broadcast %shift_left3A_447 : i32 to vector<100x256xi32>
    %shift_left3A_449 = arith.shli %xor3A_445, %shift_left3A_448 : vector<100x256xi32>
    %shift_right_logical3A_450 = arith.constant 6 : i32
    %shift_right_logical3A_451 = vector.broadcast %shift_right_logical3A_450 : i32 to vector<100x256xi32>
    %shift_right_logical3A_452 = arith.shrui %xor3A_445, %shift_right_logical3A_451 : vector<100x256xi32>
    %or3A_453 = arith.ori %shift_left3A_449, %shift_right_logical3A_452 : vector<100x256xi32>
    %xor3A_454 = arith.xori %or3A_453, %add3A_446 : vector<100x256xi32>
    %add3A_455 = arith.addi %add3A_446, %xor3A_454 : vector<100x256xi32>
    %shift_left3A_456 = arith.constant 6 : i32
    %shift_left3A_457 = vector.broadcast %shift_left3A_456 : i32 to vector<100x256xi32>
    %shift_left3A_458 = arith.shli %xor3A_454, %shift_left3A_457 : vector<100x256xi32>
    %shift_right_logical3A_459 = arith.constant 26 : i32
    %shift_right_logical3A_460 = vector.broadcast %shift_right_logical3A_459 : i32 to vector<100x256xi32>
    %shift_right_logical3A_461 = arith.shrui %xor3A_454, %shift_right_logical3A_460 : vector<100x256xi32>
    %or3A_462 = arith.ori %shift_left3A_458, %shift_right_logical3A_461 : vector<100x256xi32>
    %xor3A_463 = arith.xori %or3A_462, %add3A_455 : vector<100x256xi32>
    %add3A_464 = vector.broadcast %get3A_0 : i32 to vector<100x256xi32>
    %add3A_465 = arith.addi %add3A_455, %add3A_464 : vector<100x256xi32>
    %add3A_466 = vector.broadcast %get3A_2 : i32 to vector<100x256xi32>
    %add3A_467 = arith.addi %xor3A_463, %add3A_466 : vector<100x256xi32>
    %add3A_468 = arith.constant 3 : i32
    %add3A_469 = vector.broadcast %add3A_468 : i32 to vector<100x256xi32>
    %add3A_470 = arith.addi %add3A_467, %add3A_469 : vector<100x256xi32>
    %add3A_471 = arith.addi %add3A_465, %add3A_470 : vector<100x256xi32>
    %shift_left3A_472 = arith.constant 17 : i32
    %shift_left3A_473 = vector.broadcast %shift_left3A_472 : i32 to vector<100x256xi32>
    %shift_left3A_474 = arith.shli %add3A_470, %shift_left3A_473 : vector<100x256xi32>
    %shift_right_logical3A_475 = arith.constant 15 : i32
    %shift_right_logical3A_476 = vector.broadcast %shift_right_logical3A_475 : i32 to vector<100x256xi32>
    %shift_right_logical3A_477 = arith.shrui %add3A_470, %shift_right_logical3A_476 : vector<100x256xi32>
    %or3A_478 = arith.ori %shift_left3A_474, %shift_right_logical3A_477 : vector<100x256xi32>
    %xor3A_479 = arith.xori %or3A_478, %add3A_471 : vector<100x256xi32>
    %add3A_480 = arith.addi %add3A_471, %xor3A_479 : vector<100x256xi32>
    %shift_left3A_481 = arith.constant 29 : i32
    %shift_left3A_482 = vector.broadcast %shift_left3A_481 : i32 to vector<100x256xi32>
    %shift_left3A_483 = arith.shli %xor3A_479, %shift_left3A_482 : vector<100x256xi32>
    %shift_right_logical3A_484 = arith.constant 3 : i32
    %shift_right_logical3A_485 = vector.broadcast %shift_right_logical3A_484 : i32 to vector<100x256xi32>
    %shift_right_logical3A_486 = arith.shrui %xor3A_479, %shift_right_logical3A_485 : vector<100x256xi32>
    %or3A_487 = arith.ori %shift_left3A_483, %shift_right_logical3A_486 : vector<100x256xi32>
    %xor3A_488 = arith.xori %or3A_487, %add3A_480 : vector<100x256xi32>
    %add3A_489 = arith.addi %add3A_480, %xor3A_488 : vector<100x256xi32>
    %shift_left3A_490 = arith.constant 16 : i32
    %shift_left3A_491 = vector.broadcast %shift_left3A_490 : i32 to vector<100x256xi32>
    %shift_left3A_492 = arith.shli %xor3A_488, %shift_left3A_491 : vector<100x256xi32>
    %shift_right_logical3A_493 = arith.constant 16 : i32
    %shift_right_logical3A_494 = vector.broadcast %shift_right_logical3A_493 : i32 to vector<100x256xi32>
    %shift_right_logical3A_495 = arith.shrui %xor3A_488, %shift_right_logical3A_494 : vector<100x256xi32>
    %or3A_496 = arith.ori %shift_left3A_492, %shift_right_logical3A_495 : vector<100x256xi32>
    %xor3A_497 = arith.xori %or3A_496, %add3A_489 : vector<100x256xi32>
    %add3A_498 = arith.addi %add3A_489, %xor3A_497 : vector<100x256xi32>
    %shift_left3A_499 = arith.constant 24 : i32
    %shift_left3A_500 = vector.broadcast %shift_left3A_499 : i32 to vector<100x256xi32>
    %shift_left3A_501 = arith.shli %xor3A_497, %shift_left3A_500 : vector<100x256xi32>
    %shift_right_logical3A_502 = arith.constant 8 : i32
    %shift_right_logical3A_503 = vector.broadcast %shift_right_logical3A_502 : i32 to vector<100x256xi32>
    %shift_right_logical3A_504 = arith.shrui %xor3A_497, %shift_right_logical3A_503 : vector<100x256xi32>
    %or3A_505 = arith.ori %shift_left3A_501, %shift_right_logical3A_504 : vector<100x256xi32>
    %xor3A_506 = arith.xori %or3A_505, %add3A_498 : vector<100x256xi32>
    %add3A_507 = vector.broadcast %get3A_2 : i32 to vector<100x256xi32>
    %add3A_508 = arith.addi %add3A_498, %add3A_507 : vector<100x256xi32>
    %add3A_509 = vector.broadcast %xor3A_4 : i32 to vector<100x256xi32>
    %add3A_510 = arith.addi %xor3A_506, %add3A_509 : vector<100x256xi32>
    %add3A_511 = arith.constant 4 : i32
    %add3A_512 = vector.broadcast %add3A_511 : i32 to vector<100x256xi32>
    %add3A_513 = arith.addi %add3A_510, %add3A_512 : vector<100x256xi32>
    %add3A_514 = arith.addi %add3A_508, %add3A_513 : vector<100x256xi32>
    %shift_left3A_515 = arith.constant 13 : i32
    %shift_left3A_516 = vector.broadcast %shift_left3A_515 : i32 to vector<100x256xi32>
    %shift_left3A_517 = arith.shli %add3A_513, %shift_left3A_516 : vector<100x256xi32>
    %shift_right_logical3A_518 = arith.constant 19 : i32
    %shift_right_logical3A_519 = vector.broadcast %shift_right_logical3A_518 : i32 to vector<100x256xi32>
    %shift_right_logical3A_520 = arith.shrui %add3A_513, %shift_right_logical3A_519 : vector<100x256xi32>
    %or3A_521 = arith.ori %shift_left3A_517, %shift_right_logical3A_520 : vector<100x256xi32>
    %xor3A_522 = arith.xori %or3A_521, %add3A_514 : vector<100x256xi32>
    %add3A_523 = arith.addi %add3A_514, %xor3A_522 : vector<100x256xi32>
    %shift_left3A_524 = arith.constant 15 : i32
    %shift_left3A_525 = vector.broadcast %shift_left3A_524 : i32 to vector<100x256xi32>
    %shift_left3A_526 = arith.shli %xor3A_522, %shift_left3A_525 : vector<100x256xi32>
    %shift_right_logical3A_527 = arith.constant 17 : i32
    %shift_right_logical3A_528 = vector.broadcast %shift_right_logical3A_527 : i32 to vector<100x256xi32>
    %shift_right_logical3A_529 = arith.shrui %xor3A_522, %shift_right_logical3A_528 : vector<100x256xi32>
    %or3A_530 = arith.ori %shift_left3A_526, %shift_right_logical3A_529 : vector<100x256xi32>
    %xor3A_531 = arith.xori %or3A_530, %add3A_523 : vector<100x256xi32>
    %add3A_532 = arith.addi %add3A_523, %xor3A_531 : vector<100x256xi32>
    %shift_left3A_533 = arith.constant 26 : i32
    %shift_left3A_534 = vector.broadcast %shift_left3A_533 : i32 to vector<100x256xi32>
    %shift_left3A_535 = arith.shli %xor3A_531, %shift_left3A_534 : vector<100x256xi32>
    %shift_right_logical3A_536 = arith.constant 6 : i32
    %shift_right_logical3A_537 = vector.broadcast %shift_right_logical3A_536 : i32 to vector<100x256xi32>
    %shift_right_logical3A_538 = arith.shrui %xor3A_531, %shift_right_logical3A_537 : vector<100x256xi32>
    %or3A_539 = arith.ori %shift_left3A_535, %shift_right_logical3A_538 : vector<100x256xi32>
    %xor3A_540 = arith.xori %or3A_539, %add3A_532 : vector<100x256xi32>
    %add3A_541 = arith.addi %add3A_532, %xor3A_540 : vector<100x256xi32>
    %shift_left3A_542 = arith.constant 6 : i32
    %shift_left3A_543 = vector.broadcast %shift_left3A_542 : i32 to vector<100x256xi32>
    %shift_left3A_544 = arith.shli %xor3A_540, %shift_left3A_543 : vector<100x256xi32>
    %shift_right_logical3A_545 = arith.constant 26 : i32
    %shift_right_logical3A_546 = vector.broadcast %shift_right_logical3A_545 : i32 to vector<100x256xi32>
    %shift_right_logical3A_547 = arith.shrui %xor3A_540, %shift_right_logical3A_546 : vector<100x256xi32>
    %or3A_548 = arith.ori %shift_left3A_544, %shift_right_logical3A_547 : vector<100x256xi32>
    %xor3A_549 = arith.xori %or3A_548, %add3A_541 : vector<100x256xi32>
    %add3A_550 = vector.broadcast %xor3A_4 : i32 to vector<100x256xi32>
    %add3A_551 = arith.addi %add3A_541, %add3A_550 : vector<100x256xi32>
    %add3A_552 = vector.broadcast %get3A_0 : i32 to vector<100x256xi32>
    %add3A_553 = arith.addi %xor3A_549, %add3A_552 : vector<100x256xi32>
    %add3A_554 = arith.constant 5 : i32
    %add3A_555 = vector.broadcast %add3A_554 : i32 to vector<100x256xi32>
    %add3A_556 = arith.addi %add3A_553, %add3A_555 : vector<100x256xi32>
    %xor3A_557 = arith.xori %add3A_551, %add3A_556 : vector<100x256xi32>
    %shift_right_logical3A_558 = arith.constant 9 : i32
    %shift_right_logical3A_559 = vector.broadcast %shift_right_logical3A_558 : i32 to vector<100x256xi32>
    %shift_right_logical3A_560 = arith.shrui %xor3A_557, %shift_right_logical3A_559 : vector<100x256xi32>
    %or3A_561 = arith.constant 1065353216 : i32
    %or3A_562 = vector.broadcast %or3A_561 : i32 to vector<100x256xi32>
    %or3A_563 = arith.ori %shift_right_logical3A_560, %or3A_562 : vector<100x256xi32>
    %bitcast_convert_type3A_564 = tpu.bitcast %or3A_563 : vector<100x256xi32> -> vector<100x256xf32>
    %sub3A_565 = arith.constant 1.000000e+00 : f32
    %sub3A_566 = vector.broadcast %sub3A_565 : f32 to vector<100x256xf32>
    %sub3A_567 = arith.subf %bitcast_convert_type3A_564, %sub3A_566 : vector<100x256xf32>
    %sub3A_568 = arith.constant 1.000000e+00 : f32
    %sub3A_569 = arith.constant 1.17549435E-38 : f32
    %sub3A_570 = arith.subf %sub3A_568, %sub3A_569 : f32
    %mul3A_571 = vector.broadcast %sub3A_570 : f32 to vector<100x256xf32>
    %mul3A_572 = arith.mulf %sub3A_567, %mul3A_571 : vector<100x256xf32>
    %add3A_573 = arith.constant 1.17549435E-38 : f32
    %add3A_574 = vector.broadcast %add3A_573 : f32 to vector<100x256xf32>
    %add3A_575 = arith.addf %mul3A_572, %add3A_574 : vector<100x256xf32>
    %max3A_576 = arith.constant 1.17549435E-38 : f32
    %max3A_577 = vector.broadcast %max3A_576 : f32 to vector<100x256xf32>
    %max3A_578 = arith.maximumf %max3A_577, %add3A_575 : vector<100x256xf32>
    %log3A_579 = math.log %max3A_578 : vector<100x256xf32>
    %neg3A_580 = arith.constant 0.000000e+00 : f32
    %neg3A_581 = vector.broadcast %neg3A_580 : f32 to vector<100x256xf32>
    %neg3A_582 = arith.subf %neg3A_581, %log3A_579 : vector<100x256xf32>
    %log3A_583 = math.log %neg3A_582 : vector<100x256xf32>
    %neg3A_584 = arith.constant 0.000000e+00 : f32
    %neg3A_585 = vector.broadcast %neg3A_584 : f32 to vector<100x256xf32>
    %neg3A_586 = arith.subf %neg3A_585, %log3A_583 : vector<100x256xf32>
    %add3A_587 = arith.addf %neg3A_586, %concatenate3A : vector<100x256xf32>
    %slice3A_588 = vector.extract_strided_slice %add3A_587 {offsets = [0, 0], sizes = [50, 256], strides = [1, 1]} : vector<100x256xf32> to vector<50x256xf32>
    %slice3A_589 = vector.extract_strided_slice %add3A_587 {offsets = [50, 0], sizes = [50, 256], strides = [1, 1]} : vector<100x256xf32> to vector<50x256xf32>
    %reduce_max3A_590 = arith.constant dense<0xFF800000> : vector<256xf32>
    %reduce_max3A_591 = vector.multi_reduction <maximumf>, %slice3A_588, %reduce_max3A_590 [0] : vector<50x256xf32> to vector<256xf32>
    %broadcast_in_dim3A_592 = vector.shape_cast %reduce_max3A_591 : vector<256xf32> to vector<1x256xf32>
    %eq3A_593 = vector.broadcast %broadcast_in_dim3A_592 : vector<1x256xf32> to vector<50x256xf32>
    %eq3A_594 = arith.cmpf oeq, %slice3A_588, %eq3A_593 : vector<50x256xf32>
    %jit3A_595 = arith.constant 50 : i32
    %broadcast_in_dim3A_596 = vector.broadcast %jit3A_595 : i32 to vector<50x256xi32>
    %select_n3A_597 = arith.select %eq3A_594, %iota3A_25, %broadcast_in_dim3A_596 : vector<50x256xi1>, vector<50x256xi32>
    %reduce_min3A_598 = arith.constant dense<2147483647> : vector<256xi32>
    %reduce_min3A_599 = vector.multi_reduction <minsi>, %select_n3A_597, %reduce_min3A_598 [0] : vector<50x256xi32> to vector<256xi32>
    %get3A_600 = arith.constant 0 : index
    %get3A_601 = memref.load %arg2[%get3A_600] : memref<1xi32, #tpu.memory_space<smem>>
    %add3A_602 = vector.broadcast %get3A_601 : i32 to vector<256xi32>
    %add3A_603 = arith.addi %reduce_min3A_599, %add3A_602 : vector<256xi32>
    %mul3A_604 = arith.constant 4096 : i32
    %mul3A_605 = vector.broadcast %mul3A_604 : i32 to vector<256xi32>
    %mul3A_606 = arith.muli %add3A_603, %mul3A_605 : vector<256xi32>
    %add3A_607 = arith.addi %mul3A_606, %add3A_24 : vector<256xi32>
    %swap3A_608 = arith.constant 0 : index
    %swap3A_609 = arith.constant 2 : index
    %swap3A_610 = arith.constant 0 : index
    %swap3A_611 = vector.load %arg4[%swap3A_608, %swap3A_609, %swap3A_610] : memref<1x8x256xi32, #tpu.memory_space<vmem>>, vector<1x1x256xi32>
    %swap3A_612 = vector.shape_cast %swap3A_611 : vector<1x1x256xi32> to vector<256xi32>
    %swap3A_613 = vector.shape_cast %add3A_607 : vector<256xi32> to vector<1x1x256xi32>
    tpu.vector_store %arg4[%swap3A_608, %swap3A_609, %swap3A_610], %swap3A_613 {strides = array<i32>} : memref<1x8x256xi32, #tpu.memory_space<vmem>>, vector<1x1x256xi32>,
    %reduce_max3A_614 = arith.constant dense<0xFF800000> : vector<256xf32>
    %reduce_max3A_615 = vector.multi_reduction <maximumf>, %slice3A_589, %reduce_max3A_614 [0] : vector<50x256xf32> to vector<256xf32>
    %broadcast_in_dim3A_616 = vector.shape_cast %reduce_max3A_615 : vector<256xf32> to vector<1x256xf32>
    %eq3A_617 = vector.broadcast %broadcast_in_dim3A_616 : vector<1x256xf32> to vector<50x256xf32>
    %eq3A_618 = arith.cmpf oeq, %slice3A_589, %eq3A_617 : vector<50x256xf32>
    %jit3A_619 = arith.constant 50 : i32
    %broadcast_in_dim3A_620 = vector.broadcast %jit3A_619 : i32 to vector<50x256xi32>
    %select_n3A_621 = arith.select %eq3A_618, %iota3A_25, %broadcast_in_dim3A_620 : vector<50x256xi1>, vector<50x256xi32>
    %reduce_min3A_622 = arith.constant dense<2147483647> : vector<256xi32>
    %reduce_min3A_623 = vector.multi_reduction <minsi>, %select_n3A_621, %reduce_min3A_622 [0] : vector<50x256xi32> to vector<256xi32>
    %get3A_624 = arith.constant 0 : index
    %get3A_625 = memref.load %arg2[%get3A_624] : memref<1xi32, #tpu.memory_space<smem>>
    %add3A_626 = vector.broadcast %get3A_625 : i32 to vector<256xi32>
    %add3A_627 = arith.addi %reduce_min3A_623, %add3A_626 : vector<256xi32>
    %mul3A_628 = arith.constant 4096 : i32
    %mul3A_629 = vector.broadcast %mul3A_628 : i32 to vector<256xi32>
    %mul3A_630 = arith.muli %add3A_627, %mul3A_629 : vector<256xi32>
    %add3A_631 = arith.addi %mul3A_630, %add3A_24 : vector<256xi32>
    %swap3A_632 = arith.constant 0 : index
    %swap3A_633 = arith.constant 3 : index
    %swap3A_634 = arith.constant 0 : index
    %swap3A_635 = vector.load %arg4[%swap3A_632, %swap3A_633, %swap3A_634] : memref<1x8x256xi32, #tpu.memory_space<vmem>>, vector<1x1x256xi32>
    %swap3A_636 = vector.shape_cast %swap3A_635 : vector<1x1x256xi32> to vector<256xi32>
    %swap3A_637 = vector.shape_cast %add3A_631 : vector<256xi32> to vector<1x1x256xi32>
    tpu.vector_store %arg4[%swap3A_632, %swap3A_633, %swap3A_634], %swap3A_637 {strides = array<i32>} : memref<1x8x256xi32, #tpu.memory_space<vmem>>, vector<1x1x256xi32>,
    %add3A_638 = arith.constant 4 : i32
    %add3A_639 = vector.broadcast %add3A_638 : i32 to vector<100x256xi32>
    %add3A_640 = arith.addi %add3A_639, %convert_element_type3A : vector<100x256xi32>
    %mul3A_641 = arith.constant 8 : i32
    %mul3A_642 = vector.broadcast %mul3A_641 : i32 to vector<100x256xi32>
    %mul3A_643 = arith.muli %add3A_12, %mul3A_642 : vector<100x256xi32>
    %add3A_644 = arith.addi %mul3A_643, %add3A_640 : vector<100x256xi32>
    %mul3A_645 = arith.constant 50 : i32
    %mul3A_646 = vector.broadcast %mul3A_645 : i32 to vector<100x256xi32>
    %mul3A_647 = arith.muli %add3A_644, %mul3A_646 : vector<100x256xi32>
    %add3A_648 = arith.addi %mul3A_647, %sub3A : vector<100x256xi32>
    %broadcast_in_dim3A_649 = arith.constant 0 : i32
    %broadcast_in_dim3A_650 = vector.broadcast %broadcast_in_dim3A_649 : i32 to vector<100x256xi32>
    %add3A_651 = vector.broadcast %get3A_0 : i32 to vector<100x256xi32>
    %add3A_652 = arith.addi %broadcast_in_dim3A_650, %add3A_651 : vector<100x256xi32>
    %add3A_653 = vector.broadcast %get3A_2 : i32 to vector<100x256xi32>
    %add3A_654 = arith.addi %add3A_648, %add3A_653 : vector<100x256xi32>
    %add3A_655 = arith.addi %add3A_652, %add3A_654 : vector<100x256xi32>
    %shift_left3A_656 = arith.constant 13 : i32
    %shift_left3A_657 = vector.broadcast %shift_left3A_656 : i32 to vector<100x256xi32>
    %shift_left3A_658 = arith.shli %add3A_654, %shift_left3A_657 : vector<100x256xi32>
    %shift_right_logical3A_659 = arith.constant 19 : i32
    %shift_right_logical3A_660 = vector.broadcast %shift_right_logical3A_659 : i32 to vector<100x256xi32>
    %shift_right_logical3A_661 = arith.shrui %add3A_654, %shift_right_logical3A_660 : vector<100x256xi32>
    %or3A_662 = arith.ori %shift_left3A_658, %shift_right_logical3A_661 : vector<100x256xi32>
    %xor3A_663 = arith.xori %or3A_662, %add3A_655 : vector<100x256xi32>
    %add3A_664 = arith.addi %add3A_655, %xor3A_663 : vector<100x256xi32>
    %shift_left3A_665 = arith.constant 15 : i32
    %shift_left3A_666 = vector.broadcast %shift_left3A_665 : i32 to vector<100x256xi32>
    %shift_left3A_667 = arith.shli %xor3A_663, %shift_left3A_666 : vector<100x256xi32>
    %shift_right_logical3A_668 = arith.constant 17 : i32
    %shift_right_logical3A_669 = vector.broadcast %shift_right_logical3A_668 : i32 to vector<100x256xi32>
    %shift_right_logical3A_670 = arith.shrui %xor3A_663, %shift_right_logical3A_669 : vector<100x256xi32>
    %or3A_671 = arith.ori %shift_left3A_667, %shift_right_logical3A_670 : vector<100x256xi32>
    %xor3A_672 = arith.xori %or3A_671, %add3A_664 : vector<100x256xi32>
    %add3A_673 = arith.addi %add3A_664, %xor3A_672 : vector<100x256xi32>
    %shift_left3A_674 = arith.constant 26 : i32
    %shift_left3A_675 = vector.broadcast %shift_left3A_674 : i32 to vector<100x256xi32>
    %shift_left3A_676 = arith.shli %xor3A_672, %shift_left3A_675 : vector<100x256xi32>
    %shift_right_logical3A_677 = arith.constant 6 : i32
    %shift_right_logical3A_678 = vector.broadcast %shift_right_logical3A_677 : i32 to vector<100x256xi32>
    %shift_right_logical3A_679 = arith.shrui %xor3A_672, %shift_right_logical3A_678 : vector<100x256xi32>
    %or3A_680 = arith.ori %shift_left3A_676, %shift_right_logical3A_679 : vector<100x256xi32>
    %xor3A_681 = arith.xori %or3A_680, %add3A_673 : vector<100x256xi32>
    %add3A_682 = arith.addi %add3A_673, %xor3A_681 : vector<100x256xi32>
    %shift_left3A_683 = arith.constant 6 : i32
    %shift_left3A_684 = vector.broadcast %shift_left3A_683 : i32 to vector<100x256xi32>
    %shift_left3A_685 = arith.shli %xor3A_681, %shift_left3A_684 : vector<100x256xi32>
    %shift_right_logical3A_686 = arith.constant 26 : i32
    %shift_right_logical3A_687 = vector.broadcast %shift_right_logical3A_686 : i32 to vector<100x256xi32>
    %shift_right_logical3A_688 = arith.shrui %xor3A_681, %shift_right_logical3A_687 : vector<100x256xi32>
    %or3A_689 = arith.ori %shift_left3A_685, %shift_right_logical3A_688 : vector<100x256xi32>
    %xor3A_690 = arith.xori %or3A_689, %add3A_682 : vector<100x256xi32>
    %add3A_691 = vector.broadcast %get3A_2 : i32 to vector<100x256xi32>
    %add3A_692 = arith.addi %add3A_682, %add3A_691 : vector<100x256xi32>
    %add3A_693 = vector.broadcast %xor3A_4 : i32 to vector<100x256xi32>
    %add3A_694 = arith.addi %xor3A_690, %add3A_693 : vector<100x256xi32>
    %add3A_695 = arith.constant 1 : i32
    %add3A_696 = vector.broadcast %add3A_695 : i32 to vector<100x256xi32>
    %add3A_697 = arith.addi %add3A_694, %add3A_696 : vector<100x256xi32>
    %add3A_698 = arith.addi %add3A_692, %add3A_697 : vector<100x256xi32>
    %shift_left3A_699 = arith.constant 17 : i32
    %shift_left3A_700 = vector.broadcast %shift_left3A_699 : i32 to vector<100x256xi32>
    %shift_left3A_701 = arith.shli %add3A_697, %shift_left3A_700 : vector<100x256xi32>
    %shift_right_logical3A_702 = arith.constant 15 : i32
    %shift_right_logical3A_703 = vector.broadcast %shift_right_logical3A_702 : i32 to vector<100x256xi32>
    %shift_right_logical3A_704 = arith.shrui %add3A_697, %shift_right_logical3A_703 : vector<100x256xi32>
    %or3A_705 = arith.ori %shift_left3A_701, %shift_right_logical3A_704 : vector<100x256xi32>
    %xor3A_706 = arith.xori %or3A_705, %add3A_698 : vector<100x256xi32>
    %add3A_707 = arith.addi %add3A_698, %xor3A_706 : vector<100x256xi32>
    %shift_left3A_708 = arith.constant 29 : i32
    %shift_left3A_709 = vector.broadcast %shift_left3A_708 : i32 to vector<100x256xi32>
    %shift_left3A_710 = arith.shli %xor3A_706, %shift_left3A_709 : vector<100x256xi32>
    %shift_right_logical3A_711 = arith.constant 3 : i32
    %shift_right_logical3A_712 = vector.broadcast %shift_right_logical3A_711 : i32 to vector<100x256xi32>
    %shift_right_logical3A_713 = arith.shrui %xor3A_706, %shift_right_logical3A_712 : vector<100x256xi32>
    %or3A_714 = arith.ori %shift_left3A_710, %shift_right_logical3A_713 : vector<100x256xi32>
    %xor3A_715 = arith.xori %or3A_714, %add3A_707 : vector<100x256xi32>
    %add3A_716 = arith.addi %add3A_707, %xor3A_715 : vector<100x256xi32>
    %shift_left3A_717 = arith.constant 16 : i32
    %shift_left3A_718 = vector.broadcast %shift_left3A_717 : i32 to vector<100x256xi32>
    %shift_left3A_719 = arith.shli %xor3A_715, %shift_left3A_718 : vector<100x256xi32>
    %shift_right_logical3A_720 = arith.constant 16 : i32
    %shift_right_logical3A_721 = vector.broadcast %shift_right_logical3A_720 : i32 to vector<100x256xi32>
    %shift_right_logical3A_722 = arith.shrui %xor3A_715, %shift_right_logical3A_721 : vector<100x256xi32>
    %or3A_723 = arith.ori %shift_left3A_719, %shift_right_logical3A_722 : vector<100x256xi32>
    %xor3A_724 = arith.xori %or3A_723, %add3A_716 : vector<100x256xi32>
    %add3A_725 = arith.addi %add3A_716, %xor3A_724 : vector<100x256xi32>
    %shift_left3A_726 = arith.constant 24 : i32
    %shift_left3A_727 = vector.broadcast %shift_left3A_726 : i32 to vector<100x256xi32>
    %shift_left3A_728 = arith.shli %xor3A_724, %shift_left3A_727 : vector<100x256xi32>
    %shift_right_logical3A_729 = arith.constant 8 : i32
    %shift_right_logical3A_730 = vector.broadcast %shift_right_logical3A_729 : i32 to vector<100x256xi32>
    %shift_right_logical3A_731 = arith.shrui %xor3A_724, %shift_right_logical3A_730 : vector<100x256xi32>
    %or3A_732 = arith.ori %shift_left3A_728, %shift_right_logical3A_731 : vector<100x256xi32>
    %xor3A_733 = arith.xori %or3A_732, %add3A_725 : vector<100x256xi32>
    %add3A_734 = vector.broadcast %xor3A_4 : i32 to vector<100x256xi32>
    %add3A_735 = arith.addi %add3A_725, %add3A_734 : vector<100x256xi32>
    %add3A_736 = vector.broadcast %get3A_0 : i32 to vector<100x256xi32>
    %add3A_737 = arith.addi %xor3A_733, %add3A_736 : vector<100x256xi32>
    %add3A_738 = arith.constant 2 : i32
    %add3A_739 = vector.broadcast %add3A_738 : i32 to vector<100x256xi32>
    %add3A_740 = arith.addi %add3A_737, %add3A_739 : vector<100x256xi32>
    %add3A_741 = arith.addi %add3A_735, %add3A_740 : vector<100x256xi32>
    %shift_left3A_742 = arith.constant 13 : i32
    %shift_left3A_743 = vector.broadcast %shift_left3A_742 : i32 to vector<100x256xi32>
    %shift_left3A_744 = arith.shli %add3A_740, %shift_left3A_743 : vector<100x256xi32>
    %shift_right_logical3A_745 = arith.constant 19 : i32
    %shift_right_logical3A_746 = vector.broadcast %shift_right_logical3A_745 : i32 to vector<100x256xi32>
    %shift_right_logical3A_747 = arith.shrui %add3A_740, %shift_right_logical3A_746 : vector<100x256xi32>
    %or3A_748 = arith.ori %shift_left3A_744, %shift_right_logical3A_747 : vector<100x256xi32>
    %xor3A_749 = arith.xori %or3A_748, %add3A_741 : vector<100x256xi32>
    %add3A_750 = arith.addi %add3A_741, %xor3A_749 : vector<100x256xi32>
    %shift_left3A_751 = arith.constant 15 : i32
    %shift_left3A_752 = vector.broadcast %shift_left3A_751 : i32 to vector<100x256xi32>
    %shift_left3A_753 = arith.shli %xor3A_749, %shift_left3A_752 : vector<100x256xi32>
    %shift_right_logical3A_754 = arith.constant 17 : i32
    %shift_right_logical3A_755 = vector.broadcast %shift_right_logical3A_754 : i32 to vector<100x256xi32>
    %shift_right_logical3A_756 = arith.shrui %xor3A_749, %shift_right_logical3A_755 : vector<100x256xi32>
    %or3A_757 = arith.ori %shift_left3A_753, %shift_right_logical3A_756 : vector<100x256xi32>
    %xor3A_758 = arith.xori %or3A_757, %add3A_750 : vector<100x256xi32>
    %add3A_759 = arith.addi %add3A_750, %xor3A_758 : vector<100x256xi32>
    %shift_left3A_760 = arith.constant 26 : i32
    %shift_left3A_761 = vector.broadcast %shift_left3A_760 : i32 to vector<100x256xi32>
    %shift_left3A_762 = arith.shli %xor3A_758, %shift_left3A_761 : vector<100x256xi32>
    %shift_right_logical3A_763 = arith.constant 6 : i32
    %shift_right_logical3A_764 = vector.broadcast %shift_right_logical3A_763 : i32 to vector<100x256xi32>
    %shift_right_logical3A_765 = arith.shrui %xor3A_758, %shift_right_logical3A_764 : vector<100x256xi32>
    %or3A_766 = arith.ori %shift_left3A_762, %shift_right_logical3A_765 : vector<100x256xi32>
    %xor3A_767 = arith.xori %or3A_766, %add3A_759 : vector<100x256xi32>
    %add3A_768 = arith.addi %add3A_759, %xor3A_767 : vector<100x256xi32>
    %shift_left3A_769 = arith.constant 6 : i32
    %shift_left3A_770 = vector.broadcast %shift_left3A_769 : i32 to vector<100x256xi32>
    %shift_left3A_771 = arith.shli %xor3A_767, %shift_left3A_770 : vector<100x256xi32>
    %shift_right_logical3A_772 = arith.constant 26 : i32
    %shift_right_logical3A_773 = vector.broadcast %shift_right_logical3A_772 : i32 to vector<100x256xi32>
    %shift_right_logical3A_774 = arith.shrui %xor3A_767, %shift_right_logical3A_773 : vector<100x256xi32>
    %or3A_775 = arith.ori %shift_left3A_771, %shift_right_logical3A_774 : vector<100x256xi32>
    %xor3A_776 = arith.xori %or3A_775, %add3A_768 : vector<100x256xi32>
    %add3A_777 = vector.broadcast %get3A_0 : i32 to vector<100x256xi32>
    %add3A_778 = arith.addi %add3A_768, %add3A_777 : vector<100x256xi32>
    %add3A_779 = vector.broadcast %get3A_2 : i32 to vector<100x256xi32>
    %add3A_780 = arith.addi %xor3A_776, %add3A_779 : vector<100x256xi32>
    %add3A_781 = arith.constant 3 : i32
    %add3A_782 = vector.broadcast %add3A_781 : i32 to vector<100x256xi32>
    %add3A_783 = arith.addi %add3A_780, %add3A_782 : vector<100x256xi32>
    %add3A_784 = arith.addi %add3A_778, %add3A_783 : vector<100x256xi32>
    %shift_left3A_785 = arith.constant 17 : i32
    %shift_left3A_786 = vector.broadcast %shift_left3A_785 : i32 to vector<100x256xi32>
    %shift_left3A_787 = arith.shli %add3A_783, %shift_left3A_786 : vector<100x256xi32>
    %shift_right_logical3A_788 = arith.constant 15 : i32
    %shift_right_logical3A_789 = vector.broadcast %shift_right_logical3A_788 : i32 to vector<100x256xi32>
    %shift_right_logical3A_790 = arith.shrui %add3A_783, %shift_right_logical3A_789 : vector<100x256xi32>
    %or3A_791 = arith.ori %shift_left3A_787, %shift_right_logical3A_790 : vector<100x256xi32>
    %xor3A_792 = arith.xori %or3A_791, %add3A_784 : vector<100x256xi32>
    %add3A_793 = arith.addi %add3A_784, %xor3A_792 : vector<100x256xi32>
    %shift_left3A_794 = arith.constant 29 : i32
    %shift_left3A_795 = vector.broadcast %shift_left3A_794 : i32 to vector<100x256xi32>
    %shift_left3A_796 = arith.shli %xor3A_792, %shift_left3A_795 : vector<100x256xi32>
    %shift_right_logical3A_797 = arith.constant 3 : i32
    %shift_right_logical3A_798 = vector.broadcast %shift_right_logical3A_797 : i32 to vector<100x256xi32>
    %shift_right_logical3A_799 = arith.shrui %xor3A_792, %shift_right_logical3A_798 : vector<100x256xi32>
    %or3A_800 = arith.ori %shift_left3A_796, %shift_right_logical3A_799 : vector<100x256xi32>
    %xor3A_801 = arith.xori %or3A_800, %add3A_793 : vector<100x256xi32>
    %add3A_802 = arith.addi %add3A_793, %xor3A_801 : vector<100x256xi32>
    %shift_left3A_803 = arith.constant 16 : i32
    %shift_left3A_804 = vector.broadcast %shift_left3A_803 : i32 to vector<100x256xi32>
    %shift_left3A_805 = arith.shli %xor3A_801, %shift_left3A_804 : vector<100x256xi32>
    %shift_right_logical3A_806 = arith.constant 16 : i32
    %shift_right_logical3A_807 = vector.broadcast %shift_right_logical3A_806 : i32 to vector<100x256xi32>
    %shift_right_logical3A_808 = arith.shrui %xor3A_801, %shift_right_logical3A_807 : vector<100x256xi32>
    %or3A_809 = arith.ori %shift_left3A_805, %shift_right_logical3A_808 : vector<100x256xi32>
    %xor3A_810 = arith.xori %or3A_809, %add3A_802 : vector<100x256xi32>
    %add3A_811 = arith.addi %add3A_802, %xor3A_810 : vector<100x256xi32>
    %shift_left3A_812 = arith.constant 24 : i32
    %shift_left3A_813 = vector.broadcast %shift_left3A_812 : i32 to vector<100x256xi32>
    %shift_left3A_814 = arith.shli %xor3A_810, %shift_left3A_813 : vector<100x256xi32>
    %shift_right_logical3A_815 = arith.constant 8 : i32
    %shift_right_logical3A_816 = vector.broadcast %shift_right_logical3A_815 : i32 to vector<100x256xi32>
    %shift_right_logical3A_817 = arith.shrui %xor3A_810, %shift_right_logical3A_816 : vector<100x256xi32>
    %or3A_818 = arith.ori %shift_left3A_814, %shift_right_logical3A_817 : vector<100x256xi32>
    %xor3A_819 = arith.xori %or3A_818, %add3A_811 : vector<100x256xi32>
    %add3A_820 = vector.broadcast %get3A_2 : i32 to vector<100x256xi32>
    %add3A_821 = arith.addi %add3A_811, %add3A_820 : vector<100x256xi32>
    %add3A_822 = vector.broadcast %xor3A_4 : i32 to vector<100x256xi32>
    %add3A_823 = arith.addi %xor3A_819, %add3A_822 : vector<100x256xi32>
    %add3A_824 = arith.constant 4 : i32
    %add3A_825 = vector.broadcast %add3A_824 : i32 to vector<100x256xi32>
    %add3A_826 = arith.addi %add3A_823, %add3A_825 : vector<100x256xi32>
    %add3A_827 = arith.addi %add3A_821, %add3A_826 : vector<100x256xi32>
    %shift_left3A_828 = arith.constant 13 : i32
    %shift_left3A_829 = vector.broadcast %shift_left3A_828 : i32 to vector<100x256xi32>
    %shift_left3A_830 = arith.shli %add3A_826, %shift_left3A_829 : vector<100x256xi32>
    %shift_right_logical3A_831 = arith.constant 19 : i32
    %shift_right_logical3A_832 = vector.broadcast %shift_right_logical3A_831 : i32 to vector<100x256xi32>
    %shift_right_logical3A_833 = arith.shrui %add3A_826, %shift_right_logical3A_832 : vector<100x256xi32>
    %or3A_834 = arith.ori %shift_left3A_830, %shift_right_logical3A_833 : vector<100x256xi32>
    %xor3A_835 = arith.xori %or3A_834, %add3A_827 : vector<100x256xi32>
    %add3A_836 = arith.addi %add3A_827, %xor3A_835 : vector<100x256xi32>
    %shift_left3A_837 = arith.constant 15 : i32
    %shift_left3A_838 = vector.broadcast %shift_left3A_837 : i32 to vector<100x256xi32>
    %shift_left3A_839 = arith.shli %xor3A_835, %shift_left3A_838 : vector<100x256xi32>
    %shift_right_logical3A_840 = arith.constant 17 : i32
    %shift_right_logical3A_841 = vector.broadcast %shift_right_logical3A_840 : i32 to vector<100x256xi32>
    %shift_right_logical3A_842 = arith.shrui %xor3A_835, %shift_right_logical3A_841 : vector<100x256xi32>
    %or3A_843 = arith.ori %shift_left3A_839, %shift_right_logical3A_842 : vector<100x256xi32>
    %xor3A_844 = arith.xori %or3A_843, %add3A_836 : vector<100x256xi32>
    %add3A_845 = arith.addi %add3A_836, %xor3A_844 : vector<100x256xi32>
    %shift_left3A_846 = arith.constant 26 : i32
    %shift_left3A_847 = vector.broadcast %shift_left3A_846 : i32 to vector<100x256xi32>
    %shift_left3A_848 = arith.shli %xor3A_844, %shift_left3A_847 : vector<100x256xi32>
    %shift_right_logical3A_849 = arith.constant 6 : i32
    %shift_right_logical3A_850 = vector.broadcast %shift_right_logical3A_849 : i32 to vector<100x256xi32>
    %shift_right_logical3A_851 = arith.shrui %xor3A_844, %shift_right_logical3A_850 : vector<100x256xi32>
    %or3A_852 = arith.ori %shift_left3A_848, %shift_right_logical3A_851 : vector<100x256xi32>
    %xor3A_853 = arith.xori %or3A_852, %add3A_845 : vector<100x256xi32>
    %add3A_854 = arith.addi %add3A_845, %xor3A_853 : vector<100x256xi32>
    %shift_left3A_855 = arith.constant 6 : i32
    %shift_left3A_856 = vector.broadcast %shift_left3A_855 : i32 to vector<100x256xi32>
    %shift_left3A_857 = arith.shli %xor3A_853, %shift_left3A_856 : vector<100x256xi32>
    %shift_right_logical3A_858 = arith.constant 26 : i32
    %shift_right_logical3A_859 = vector.broadcast %shift_right_logical3A_858 : i32 to vector<100x256xi32>
    %shift_right_logical3A_860 = arith.shrui %xor3A_853, %shift_right_logical3A_859 : vector<100x256xi32>
    %or3A_861 = arith.ori %shift_left3A_857, %shift_right_logical3A_860 : vector<100x256xi32>
    %xor3A_862 = arith.xori %or3A_861, %add3A_854 : vector<100x256xi32>
    %add3A_863 = vector.broadcast %xor3A_4 : i32 to vector<100x256xi32>
    %add3A_864 = arith.addi %add3A_854, %add3A_863 : vector<100x256xi32>
    %add3A_865 = vector.broadcast %get3A_0 : i32 to vector<100x256xi32>
    %add3A_866 = arith.addi %xor3A_862, %add3A_865 : vector<100x256xi32>
    %add3A_867 = arith.constant 5 : i32
    %add3A_868 = vector.broadcast %add3A_867 : i32 to vector<100x256xi32>
    %add3A_869 = arith.addi %add3A_866, %add3A_868 : vector<100x256xi32>
    %xor3A_870 = arith.xori %add3A_864, %add3A_869 : vector<100x256xi32>
    %shift_right_logical3A_871 = arith.constant 9 : i32
    %shift_right_logical3A_872 = vector.broadcast %shift_right_logical3A_871 : i32 to vector<100x256xi32>
    %shift_right_logical3A_873 = arith.shrui %xor3A_870, %shift_right_logical3A_872 : vector<100x256xi32>
    %or3A_874 = arith.constant 1065353216 : i32
    %or3A_875 = vector.broadcast %or3A_874 : i32 to vector<100x256xi32>
    %or3A_876 = arith.ori %shift_right_logical3A_873, %or3A_875 : vector<100x256xi32>
    %bitcast_convert_type3A_877 = tpu.bitcast %or3A_876 : vector<100x256xi32> -> vector<100x256xf32>
    %sub3A_878 = arith.constant 1.000000e+00 : f32
    %sub3A_879 = vector.broadcast %sub3A_878 : f32 to vector<100x256xf32>
    %sub3A_880 = arith.subf %bitcast_convert_type3A_877, %sub3A_879 : vector<100x256xf32>
    %sub3A_881 = arith.constant 1.000000e+00 : f32
    %sub3A_882 = arith.constant 1.17549435E-38 : f32
    %sub3A_883 = arith.subf %sub3A_881, %sub3A_882 : f32
    %mul3A_884 = vector.broadcast %sub3A_883 : f32 to vector<100x256xf32>
    %mul3A_885 = arith.mulf %sub3A_880, %mul3A_884 : vector<100x256xf32>
    %add3A_886 = arith.constant 1.17549435E-38 : f32
    %add3A_887 = vector.broadcast %add3A_886 : f32 to vector<100x256xf32>
    %add3A_888 = arith.addf %mul3A_885, %add3A_887 : vector<100x256xf32>
    %max3A_889 = arith.constant 1.17549435E-38 : f32
    %max3A_890 = vector.broadcast %max3A_889 : f32 to vector<100x256xf32>
    %max3A_891 = arith.maximumf %max3A_890, %add3A_888 : vector<100x256xf32>
    %log3A_892 = math.log %max3A_891 : vector<100x256xf32>
    %neg3A_893 = arith.constant 0.000000e+00 : f32
    %neg3A_894 = vector.broadcast %neg3A_893 : f32 to vector<100x256xf32>
    %neg3A_895 = arith.subf %neg3A_894, %log3A_892 : vector<100x256xf32>
    %log3A_896 = math.log %neg3A_895 : vector<100x256xf32>
    %neg3A_897 = arith.constant 0.000000e+00 : f32
    %neg3A_898 = vector.broadcast %neg3A_897 : f32 to vector<100x256xf32>
    %neg3A_899 = arith.subf %neg3A_898, %log3A_896 : vector<100x256xf32>
    %add3A_900 = arith.addf %neg3A_899, %concatenate3A : vector<100x256xf32>
    %slice3A_901 = vector.extract_strided_slice %add3A_900 {offsets = [0, 0], sizes = [50, 256], strides = [1, 1]} : vector<100x256xf32> to vector<50x256xf32>
    %slice3A_902 = vector.extract_strided_slice %add3A_900 {offsets = [50, 0], sizes = [50, 256], strides = [1, 1]} : vector<100x256xf32> to vector<50x256xf32>
    %reduce_max3A_903 = arith.constant dense<0xFF800000> : vector<256xf32>
    %reduce_max3A_904 = vector.multi_reduction <maximumf>, %slice3A_901, %reduce_max3A_903 [0] : vector<50x256xf32> to vector<256xf32>
    %broadcast_in_dim3A_905 = vector.shape_cast %reduce_max3A_904 : vector<256xf32> to vector<1x256xf32>
    %eq3A_906 = vector.broadcast %broadcast_in_dim3A_905 : vector<1x256xf32> to vector<50x256xf32>
    %eq3A_907 = arith.cmpf oeq, %slice3A_901, %eq3A_906 : vector<50x256xf32>
    %jit3A_908 = arith.constant 50 : i32
    %broadcast_in_dim3A_909 = vector.broadcast %jit3A_908 : i32 to vector<50x256xi32>
    %select_n3A_910 = arith.select %eq3A_907, %iota3A_25, %broadcast_in_dim3A_909 : vector<50x256xi1>, vector<50x256xi32>
    %reduce_min3A_911 = arith.constant dense<2147483647> : vector<256xi32>
    %reduce_min3A_912 = vector.multi_reduction <minsi>, %select_n3A_910, %reduce_min3A_911 [0] : vector<50x256xi32> to vector<256xi32>
    %get3A_913 = arith.constant 0 : index
    %get3A_914 = memref.load %arg2[%get3A_913] : memref<1xi32, #tpu.memory_space<smem>>
    %add3A_915 = vector.broadcast %get3A_914 : i32 to vector<256xi32>
    %add3A_916 = arith.addi %reduce_min3A_912, %add3A_915 : vector<256xi32>
    %mul3A_917 = arith.constant 4096 : i32
    %mul3A_918 = vector.broadcast %mul3A_917 : i32 to vector<256xi32>
    %mul3A_919 = arith.muli %add3A_916, %mul3A_918 : vector<256xi32>
    %add3A_920 = arith.addi %mul3A_919, %add3A_24 : vector<256xi32>
    %swap3A_921 = arith.constant 0 : index
    %swap3A_922 = arith.constant 4 : index
    %swap3A_923 = arith.constant 0 : index
    %swap3A_924 = vector.load %arg4[%swap3A_921, %swap3A_922, %swap3A_923] : memref<1x8x256xi32, #tpu.memory_space<vmem>>, vector<1x1x256xi32>
    %swap3A_925 = vector.shape_cast %swap3A_924 : vector<1x1x256xi32> to vector<256xi32>
    %swap3A_926 = vector.shape_cast %add3A_920 : vector<256xi32> to vector<1x1x256xi32>
    tpu.vector_store %arg4[%swap3A_921, %swap3A_922, %swap3A_923], %swap3A_926 {strides = array<i32>} : memref<1x8x256xi32, #tpu.memory_space<vmem>>, vector<1x1x256xi32>,
    %reduce_max3A_927 = arith.constant dense<0xFF800000> : vector<256xf32>
    %reduce_max3A_928 = vector.multi_reduction <maximumf>, %slice3A_902, %reduce_max3A_927 [0] : vector<50x256xf32> to vector<256xf32>
    %broadcast_in_dim3A_929 = vector.shape_cast %reduce_max3A_928 : vector<256xf32> to vector<1x256xf32>
    %eq3A_930 = vector.broadcast %broadcast_in_dim3A_929 : vector<1x256xf32> to vector<50x256xf32>
    %eq3A_931 = arith.cmpf oeq, %slice3A_902, %eq3A_930 : vector<50x256xf32>
    %jit3A_932 = arith.constant 50 : i32
    %broadcast_in_dim3A_933 = vector.broadcast %jit3A_932 : i32 to vector<50x256xi32>
    %select_n3A_934 = arith.select %eq3A_931, %iota3A_25, %broadcast_in_dim3A_933 : vector<50x256xi1>, vector<50x256xi32>
    %reduce_min3A_935 = arith.constant dense<2147483647> : vector<256xi32>
    %reduce_min3A_936 = vector.multi_reduction <minsi>, %select_n3A_934, %reduce_min3A_935 [0] : vector<50x256xi32> to vector<256xi32>
    %get3A_937 = arith.constant 0 : index
    %get3A_938 = memref.load %arg2[%get3A_937] : memref<1xi32, #tpu.memory_space<smem>>
    %add3A_939 = vector.broadcast %get3A_938 : i32 to vector<256xi32>
    %add3A_940 = arith.addi %reduce_min3A_936, %add3A_939 : vector<256xi32>
    %mul3A_941 = arith.constant 4096 : i32
    %mul3A_942 = vector.broadcast %mul3A_941 : i32 to vector<256xi32>
    %mul3A_943 = arith.muli %add3A_940, %mul3A_942 : vector<256xi32>
    %add3A_944 = arith.addi %mul3A_943, %add3A_24 : vector<256xi32>
    %swap3A_945 = arith.constant 0 : index
    %swap3A_946 = arith.constant 5 : index
    %swap3A_947 = arith.constant 0 : index
    %swap3A_948 = vector.load %arg4[%swap3A_945, %swap3A_946, %swap3A_947] : memref<1x8x256xi32, #tpu.memory_space<vmem>>, vector<1x1x256xi32>
    %swap3A_949 = vector.shape_cast %swap3A_948 : vector<1x1x256xi32> to vector<256xi32>
    %swap3A_950 = vector.shape_cast %add3A_944 : vector<256xi32> to vector<1x1x256xi32>
    tpu.vector_store %arg4[%swap3A_945, %swap3A_946, %swap3A_947], %swap3A_950 {strides = array<i32>} : memref<1x8x256xi32, #tpu.memory_space<vmem>>, vector<1x1x256xi32>,
    %add3A_951 = arith.constant 6 : i32
    %add3A_952 = vector.broadcast %add3A_951 : i32 to vector<100x256xi32>
    %add3A_953 = arith.addi %add3A_952, %convert_element_type3A : vector<100x256xi32>
    %mul3A_954 = arith.constant 8 : i32
    %mul3A_955 = vector.broadcast %mul3A_954 : i32 to vector<100x256xi32>
    %mul3A_956 = arith.muli %add3A_12, %mul3A_955 : vector<100x256xi32>
    %add3A_957 = arith.addi %mul3A_956, %add3A_953 : vector<100x256xi32>
    %mul3A_958 = arith.constant 50 : i32
    %mul3A_959 = vector.broadcast %mul3A_958 : i32 to vector<100x256xi32>
    %mul3A_960 = arith.muli %add3A_957, %mul3A_959 : vector<100x256xi32>
    %add3A_961 = arith.addi %mul3A_960, %sub3A : vector<100x256xi32>
    %broadcast_in_dim3A_962 = arith.constant 0 : i32
    %broadcast_in_dim3A_963 = vector.broadcast %broadcast_in_dim3A_962 : i32 to vector<100x256xi32>
    %add3A_964 = vector.broadcast %get3A_0 : i32 to vector<100x256xi32>
    %add3A_965 = arith.addi %broadcast_in_dim3A_963, %add3A_964 : vector<100x256xi32>
    %add3A_966 = vector.broadcast %get3A_2 : i32 to vector<100x256xi32>
    %add3A_967 = arith.addi %add3A_961, %add3A_966 : vector<100x256xi32>
    %add3A_968 = arith.addi %add3A_965, %add3A_967 : vector<100x256xi32>
    %shift_left3A_969 = arith.constant 13 : i32
    %shift_left3A_970 = vector.broadcast %shift_left3A_969 : i32 to vector<100x256xi32>
    %shift_left3A_971 = arith.shli %add3A_967, %shift_left3A_970 : vector<100x256xi32>
    %shift_right_logical3A_972 = arith.constant 19 : i32
    %shift_right_logical3A_973 = vector.broadcast %shift_right_logical3A_972 : i32 to vector<100x256xi32>
    %shift_right_logical3A_974 = arith.shrui %add3A_967, %shift_right_logical3A_973 : vector<100x256xi32>
    %or3A_975 = arith.ori %shift_left3A_971, %shift_right_logical3A_974 : vector<100x256xi32>
    %xor3A_976 = arith.xori %or3A_975, %add3A_968 : vector<100x256xi32>
    %add3A_977 = arith.addi %add3A_968, %xor3A_976 : vector<100x256xi32>
    %shift_left3A_978 = arith.constant 15 : i32
    %shift_left3A_979 = vector.broadcast %shift_left3A_978 : i32 to vector<100x256xi32>
    %shift_left3A_980 = arith.shli %xor3A_976, %shift_left3A_979 : vector<100x256xi32>
    %shift_right_logical3A_981 = arith.constant 17 : i32
    %shift_right_logical3A_982 = vector.broadcast %shift_right_logical3A_981 : i32 to vector<100x256xi32>
    %shift_right_logical3A_983 = arith.shrui %xor3A_976, %shift_right_logical3A_982 : vector<100x256xi32>
    %or3A_984 = arith.ori %shift_left3A_980, %shift_right_logical3A_983 : vector<100x256xi32>
    %xor3A_985 = arith.xori %or3A_984, %add3A_977 : vector<100x256xi32>
    %add3A_986 = arith.addi %add3A_977, %xor3A_985 : vector<100x256xi32>
    %shift_left3A_987 = arith.constant 26 : i32
    %shift_left3A_988 = vector.broadcast %shift_left3A_987 : i32 to vector<100x256xi32>
    %shift_left3A_989 = arith.shli %xor3A_985, %shift_left3A_988 : vector<100x256xi32>
    %shift_right_logical3A_990 = arith.constant 6 : i32
    %shift_right_logical3A_991 = vector.broadcast %shift_right_logical3A_990 : i32 to vector<100x256xi32>
    %shift_right_logical3A_992 = arith.shrui %xor3A_985, %shift_right_logical3A_991 : vector<100x256xi32>
    %or3A_993 = arith.ori %shift_left3A_989, %shift_right_logical3A_992 : vector<100x256xi32>
    %xor3A_994 = arith.xori %or3A_993, %add3A_986 : vector<100x256xi32>
    %add3A_995 = arith.addi %add3A_986, %xor3A_994 : vector<100x256xi32>
    %shift_left3A_996 = arith.constant 6 : i32
    %shift_left3A_997 = vector.broadcast %shift_left3A_996 : i32 to vector<100x256xi32>
    %shift_left3A_998 = arith.shli %xor3A_994, %shift_left3A_997 : vector<100x256xi32>
    %shift_right_logical3A_999 = arith.constant 26 : i32
    %shift_right_logical3A_1000 = vector.broadcast %shift_right_logical3A_999 : i32 to vector<100x256xi32>
    %shift_right_logical3A_1001 = arith.shrui %xor3A_994, %shift_right_logical3A_1000 : vector<100x256xi32>
    %or3A_1002 = arith.ori %shift_left3A_998, %shift_right_logical3A_1001 : vector<100x256xi32>
    %xor3A_1003 = arith.xori %or3A_1002, %add3A_995 : vector<100x256xi32>
    %add3A_1004 = vector.broadcast %get3A_2 : i32 to vector<100x256xi32>
    %add3A_1005 = arith.addi %add3A_995, %add3A_1004 : vector<100x256xi32>
    %add3A_1006 = vector.broadcast %xor3A_4 : i32 to vector<100x256xi32>
    %add3A_1007 = arith.addi %xor3A_1003, %add3A_1006 : vector<100x256xi32>
    %add3A_1008 = arith.constant 1 : i32
    %add3A_1009 = vector.broadcast %add3A_1008 : i32 to vector<100x256xi32>
    %add3A_1010 = arith.addi %add3A_1007, %add3A_1009 : vector<100x256xi32>
    %add3A_1011 = arith.addi %add3A_1005, %add3A_1010 : vector<100x256xi32>
    %shift_left3A_1012 = arith.constant 17 : i32
    %shift_left3A_1013 = vector.broadcast %shift_left3A_1012 : i32 to vector<100x256xi32>
    %shift_left3A_1014 = arith.shli %add3A_1010, %shift_left3A_1013 : vector<100x256xi32>
    %shift_right_logical3A_1015 = arith.constant 15 : i32
    %shift_right_logical3A_1016 = vector.broadcast %shift_right_logical3A_1015 : i32 to vector<100x256xi32>
    %shift_right_logical3A_1017 = arith.shrui %add3A_1010, %shift_right_logical3A_1016 : vector<100x256xi32>
    %or3A_1018 = arith.ori %shift_left3A_1014, %shift_right_logical3A_1017 : vector<100x256xi32>
    %xor3A_1019 = arith.xori %or3A_1018, %add3A_1011 : vector<100x256xi32>
    %add3A_1020 = arith.addi %add3A_1011, %xor3A_1019 : vector<100x256xi32>
    %shift_left3A_1021 = arith.constant 29 : i32
    %shift_left3A_1022 = vector.broadcast %shift_left3A_1021 : i32 to vector<100x256xi32>
    %shift_left3A_1023 = arith.shli %xor3A_1019, %shift_left3A_1022 : vector<100x256xi32>
    %shift_right_logical3A_1024 = arith.constant 3 : i32
    %shift_right_logical3A_1025 = vector.broadcast %shift_right_logical3A_1024 : i32 to vector<100x256xi32>
    %shift_right_logical3A_1026 = arith.shrui %xor3A_1019, %shift_right_logical3A_1025 : vector<100x256xi32>
    %or3A_1027 = arith.ori %shift_left3A_1023, %shift_right_logical3A_1026 : vector<100x256xi32>
    %xor3A_1028 = arith.xori %or3A_1027, %add3A_1020 : vector<100x256xi32>
    %add3A_1029 = arith.addi %add3A_1020, %xor3A_1028 : vector<100x256xi32>
    %shift_left3A_1030 = arith.constant 16 : i32
    %shift_left3A_1031 = vector.broadcast %shift_left3A_1030 : i32 to vector<100x256xi32>
    %shift_left3A_1032 = arith.shli %xor3A_1028, %shift_left3A_1031 : vector<100x256xi32>
    %shift_right_logical3A_1033 = arith.constant 16 : i32
    %shift_right_logical3A_1034 = vector.broadcast %shift_right_logical3A_1033 : i32 to vector<100x256xi32>
    %shift_right_logical3A_1035 = arith.shrui %xor3A_1028, %shift_right_logical3A_1034 : vector<100x256xi32>
    %or3A_1036 = arith.ori %shift_left3A_1032, %shift_right_logical3A_1035 : vector<100x256xi32>
    %xor3A_1037 = arith.xori %or3A_1036, %add3A_1029 : vector<100x256xi32>
    %add3A_1038 = arith.addi %add3A_1029, %xor3A_1037 : vector<100x256xi32>
    %shift_left3A_1039 = arith.constant 24 : i32
    %shift_left3A_1040 = vector.broadcast %shift_left3A_1039 : i32 to vector<100x256xi32>
    %shift_left3A_1041 = arith.shli %xor3A_1037, %shift_left3A_1040 : vector<100x256xi32>
    %shift_right_logical3A_1042 = arith.constant 8 : i32
    %shift_right_logical3A_1043 = vector.broadcast %shift_right_logical3A_1042 : i32 to vector<100x256xi32>
    %shift_right_logical3A_1044 = arith.shrui %xor3A_1037, %shift_right_logical3A_1043 : vector<100x256xi32>
    %or3A_1045 = arith.ori %shift_left3A_1041, %shift_right_logical3A_1044 : vector<100x256xi32>
    %xor3A_1046 = arith.xori %or3A_1045, %add3A_1038 : vector<100x256xi32>
    %add3A_1047 = vector.broadcast %xor3A_4 : i32 to vector<100x256xi32>
    %add3A_1048 = arith.addi %add3A_1038, %add3A_1047 : vector<100x256xi32>
    %add3A_1049 = vector.broadcast %get3A_0 : i32 to vector<100x256xi32>
    %add3A_1050 = arith.addi %xor3A_1046, %add3A_1049 : vector<100x256xi32>
    %add3A_1051 = arith.constant 2 : i32
    %add3A_1052 = vector.broadcast %add3A_1051 : i32 to vector<100x256xi32>
    %add3A_1053 = arith.addi %add3A_1050, %add3A_1052 : vector<100x256xi32>
    %add3A_1054 = arith.addi %add3A_1048, %add3A_1053 : vector<100x256xi32>
    %shift_left3A_1055 = arith.constant 13 : i32
    %shift_left3A_1056 = vector.broadcast %shift_left3A_1055 : i32 to vector<100x256xi32>
    %shift_left3A_1057 = arith.shli %add3A_1053, %shift_left3A_1056 : vector<100x256xi32>
    %shift_right_logical3A_1058 = arith.constant 19 : i32
    %shift_right_logical3A_1059 = vector.broadcast %shift_right_logical3A_1058 : i32 to vector<100x256xi32>
    %shift_right_logical3A_1060 = arith.shrui %add3A_1053, %shift_right_logical3A_1059 : vector<100x256xi32>
    %or3A_1061 = arith.ori %shift_left3A_1057, %shift_right_logical3A_1060 : vector<100x256xi32>
    %xor3A_1062 = arith.xori %or3A_1061, %add3A_1054 : vector<100x256xi32>
    %add3A_1063 = arith.addi %add3A_1054, %xor3A_1062 : vector<100x256xi32>
    %shift_left3A_1064 = arith.constant 15 : i32
    %shift_left3A_1065 = vector.broadcast %shift_left3A_1064 : i32 to vector<100x256xi32>
    %shift_left3A_1066 = arith.shli %xor3A_1062, %shift_left3A_1065 : vector<100x256xi32>
    %shift_right_logical3A_1067 = arith.constant 17 : i32
    %shift_right_logical3A_1068 = vector.broadcast %shift_right_logical3A_1067 : i32 to vector<100x256xi32>
    %shift_right_logical3A_1069 = arith.shrui %xor3A_1062, %shift_right_logical3A_1068 : vector<100x256xi32>
    %or3A_1070 = arith.ori %shift_left3A_1066, %shift_right_logical3A_1069 : vector<100x256xi32>
    %xor3A_1071 = arith.xori %or3A_1070, %add3A_1063 : vector<100x256xi32>
    %add3A_1072 = arith.addi %add3A_1063, %xor3A_1071 : vector<100x256xi32>
    %shift_left3A_1073 = arith.constant 26 : i32
    %shift_left3A_1074 = vector.broadcast %shift_left3A_1073 : i32 to vector<100x256xi32>
    %shift_left3A_1075 = arith.shli %xor3A_1071, %shift_left3A_1074 : vector<100x256xi32>
    %shift_right_logical3A_1076 = arith.constant 6 : i32
    %shift_right_logical3A_1077 = vector.broadcast %shift_right_logical3A_1076 : i32 to vector<100x256xi32>
    %shift_right_logical3A_1078 = arith.shrui %xor3A_1071, %shift_right_logical3A_1077 : vector<100x256xi32>
    %or3A_1079 = arith.ori %shift_left3A_1075, %shift_right_logical3A_1078 : vector<100x256xi32>
    %xor3A_1080 = arith.xori %or3A_1079, %add3A_1072 : vector<100x256xi32>
    %add3A_1081 = arith.addi %add3A_1072, %xor3A_1080 : vector<100x256xi32>
    %shift_left3A_1082 = arith.constant 6 : i32
    %shift_left3A_1083 = vector.broadcast %shift_left3A_1082 : i32 to vector<100x256xi32>
    %shift_left3A_1084 = arith.shli %xor3A_1080, %shift_left3A_1083 : vector<100x256xi32>
    %shift_right_logical3A_1085 = arith.constant 26 : i32
    %shift_right_logical3A_1086 = vector.broadcast %shift_right_logical3A_1085 : i32 to vector<100x256xi32>
    %shift_right_logical3A_1087 = arith.shrui %xor3A_1080, %shift_right_logical3A_1086 : vector<100x256xi32>
    %or3A_1088 = arith.ori %shift_left3A_1084, %shift_right_logical3A_1087 : vector<100x256xi32>
    %xor3A_1089 = arith.xori %or3A_1088, %add3A_1081 : vector<100x256xi32>
    %add3A_1090 = vector.broadcast %get3A_0 : i32 to vector<100x256xi32>
    %add3A_1091 = arith.addi %add3A_1081, %add3A_1090 : vector<100x256xi32>
    %add3A_1092 = vector.broadcast %get3A_2 : i32 to vector<100x256xi32>
    %add3A_1093 = arith.addi %xor3A_1089, %add3A_1092 : vector<100x256xi32>
    %add3A_1094 = arith.constant 3 : i32
    %add3A_1095 = vector.broadcast %add3A_1094 : i32 to vector<100x256xi32>
    %add3A_1096 = arith.addi %add3A_1093, %add3A_1095 : vector<100x256xi32>
    %add3A_1097 = arith.addi %add3A_1091, %add3A_1096 : vector<100x256xi32>
    %shift_left3A_1098 = arith.constant 17 : i32
    %shift_left3A_1099 = vector.broadcast %shift_left3A_1098 : i32 to vector<100x256xi32>
    %shift_left3A_1100 = arith.shli %add3A_1096, %shift_left3A_1099 : vector<100x256xi32>
    %shift_right_logical3A_1101 = arith.constant 15 : i32
    %shift_right_logical3A_1102 = vector.broadcast %shift_right_logical3A_1101 : i32 to vector<100x256xi32>
    %shift_right_logical3A_1103 = arith.shrui %add3A_1096, %shift_right_logical3A_1102 : vector<100x256xi32>
    %or3A_1104 = arith.ori %shift_left3A_1100, %shift_right_logical3A_1103 : vector<100x256xi32>
    %xor3A_1105 = arith.xori %or3A_1104, %add3A_1097 : vector<100x256xi32>
    %add3A_1106 = arith.addi %add3A_1097, %xor3A_1105 : vector<100x256xi32>
    %shift_left3A_1107 = arith.constant 29 : i32
    %shift_left3A_1108 = vector.broadcast %shift_left3A_1107 : i32 to vector<100x256xi32>
    %shift_left3A_1109 = arith.shli %xor3A_1105, %shift_left3A_1108 : vector<100x256xi32>
    %shift_right_logical3A_1110 = arith.constant 3 : i32
    %shift_right_logical3A_1111 = vector.broadcast %shift_right_logical3A_1110 : i32 to vector<100x256xi32>
    %shift_right_logical3A_1112 = arith.shrui %xor3A_1105, %shift_right_logical3A_1111 : vector<100x256xi32>
    %or3A_1113 = arith.ori %shift_left3A_1109, %shift_right_logical3A_1112 : vector<100x256xi32>
    %xor3A_1114 = arith.xori %or3A_1113, %add3A_1106 : vector<100x256xi32>
    %add3A_1115 = arith.addi %add3A_1106, %xor3A_1114 : vector<100x256xi32>
    %shift_left3A_1116 = arith.constant 16 : i32
    %shift_left3A_1117 = vector.broadcast %shift_left3A_1116 : i32 to vector<100x256xi32>
    %shift_left3A_1118 = arith.shli %xor3A_1114, %shift_left3A_1117 : vector<100x256xi32>
    %shift_right_logical3A_1119 = arith.constant 16 : i32
    %shift_right_logical3A_1120 = vector.broadcast %shift_right_logical3A_1119 : i32 to vector<100x256xi32>
    %shift_right_logical3A_1121 = arith.shrui %xor3A_1114, %shift_right_logical3A_1120 : vector<100x256xi32>
    %or3A_1122 = arith.ori %shift_left3A_1118, %shift_right_logical3A_1121 : vector<100x256xi32>
    %xor3A_1123 = arith.xori %or3A_1122, %add3A_1115 : vector<100x256xi32>
    %add3A_1124 = arith.addi %add3A_1115, %xor3A_1123 : vector<100x256xi32>
    %shift_left3A_1125 = arith.constant 24 : i32
    %shift_left3A_1126 = vector.broadcast %shift_left3A_1125 : i32 to vector<100x256xi32>
    %shift_left3A_1127 = arith.shli %xor3A_1123, %shift_left3A_1126 : vector<100x256xi32>
    %shift_right_logical3A_1128 = arith.constant 8 : i32
    %shift_right_logical3A_1129 = vector.broadcast %shift_right_logical3A_1128 : i32 to vector<100x256xi32>
    %shift_right_logical3A_1130 = arith.shrui %xor3A_1123, %shift_right_logical3A_1129 : vector<100x256xi32>
    %or3A_1131 = arith.ori %shift_left3A_1127, %shift_right_logical3A_1130 : vector<100x256xi32>
    %xor3A_1132 = arith.xori %or3A_1131, %add3A_1124 : vector<100x256xi32>
    %add3A_1133 = vector.broadcast %get3A_2 : i32 to vector<100x256xi32>
    %add3A_1134 = arith.addi %add3A_1124, %add3A_1133 : vector<100x256xi32>
    %add3A_1135 = vector.broadcast %xor3A_4 : i32 to vector<100x256xi32>
    %add3A_1136 = arith.addi %xor3A_1132, %add3A_1135 : vector<100x256xi32>
    %add3A_1137 = arith.constant 4 : i32
    %add3A_1138 = vector.broadcast %add3A_1137 : i32 to vector<100x256xi32>
    %add3A_1139 = arith.addi %add3A_1136, %add3A_1138 : vector<100x256xi32>
    %add3A_1140 = arith.addi %add3A_1134, %add3A_1139 : vector<100x256xi32>
    %shift_left3A_1141 = arith.constant 13 : i32
    %shift_left3A_1142 = vector.broadcast %shift_left3A_1141 : i32 to vector<100x256xi32>
    %shift_left3A_1143 = arith.shli %add3A_1139, %shift_left3A_1142 : vector<100x256xi32>
    %shift_right_logical3A_1144 = arith.constant 19 : i32
    %shift_right_logical3A_1145 = vector.broadcast %shift_right_logical3A_1144 : i32 to vector<100x256xi32>
    %shift_right_logical3A_1146 = arith.shrui %add3A_1139, %shift_right_logical3A_1145 : vector<100x256xi32>
    %or3A_1147 = arith.ori %shift_left3A_1143, %shift_right_logical3A_1146 : vector<100x256xi32>
    %xor3A_1148 = arith.xori %or3A_1147, %add3A_1140 : vector<100x256xi32>
    %add3A_1149 = arith.addi %add3A_1140, %xor3A_1148 : vector<100x256xi32>
    %shift_left3A_1150 = arith.constant 15 : i32
    %shift_left3A_1151 = vector.broadcast %shift_left3A_1150 : i32 to vector<100x256xi32>
    %shift_left3A_1152 = arith.shli %xor3A_1148, %shift_left3A_1151 : vector<100x256xi32>
    %shift_right_logical3A_1153 = arith.constant 17 : i32
    %shift_right_logical3A_1154 = vector.broadcast %shift_right_logical3A_1153 : i32 to vector<100x256xi32>
    %shift_right_logical3A_1155 = arith.shrui %xor3A_1148, %shift_right_logical3A_1154 : vector<100x256xi32>
    %or3A_1156 = arith.ori %shift_left3A_1152, %shift_right_logical3A_1155 : vector<100x256xi32>
    %xor3A_1157 = arith.xori %or3A_1156, %add3A_1149 : vector<100x256xi32>
    %add3A_1158 = arith.addi %add3A_1149, %xor3A_1157 : vector<100x256xi32>
    %shift_left3A_1159 = arith.constant 26 : i32
    %shift_left3A_1160 = vector.broadcast %shift_left3A_1159 : i32 to vector<100x256xi32>
    %shift_left3A_1161 = arith.shli %xor3A_1157, %shift_left3A_1160 : vector<100x256xi32>
    %shift_right_logical3A_1162 = arith.constant 6 : i32
    %shift_right_logical3A_1163 = vector.broadcast %shift_right_logical3A_1162 : i32 to vector<100x256xi32>
    %shift_right_logical3A_1164 = arith.shrui %xor3A_1157, %shift_right_logical3A_1163 : vector<100x256xi32>
    %or3A_1165 = arith.ori %shift_left3A_1161, %shift_right_logical3A_1164 : vector<100x256xi32>
    %xor3A_1166 = arith.xori %or3A_1165, %add3A_1158 : vector<100x256xi32>
    %add3A_1167 = arith.addi %add3A_1158, %xor3A_1166 : vector<100x256xi32>
    %shift_left3A_1168 = arith.constant 6 : i32
    %shift_left3A_1169 = vector.broadcast %shift_left3A_1168 : i32 to vector<100x256xi32>
    %shift_left3A_1170 = arith.shli %xor3A_1166, %shift_left3A_1169 : vector<100x256xi32>
    %shift_right_logical3A_1171 = arith.constant 26 : i32
    %shift_right_logical3A_1172 = vector.broadcast %shift_right_logical3A_1171 : i32 to vector<100x256xi32>
    %shift_right_logical3A_1173 = arith.shrui %xor3A_1166, %shift_right_logical3A_1172 : vector<100x256xi32>
    %or3A_1174 = arith.ori %shift_left3A_1170, %shift_right_logical3A_1173 : vector<100x256xi32>
    %xor3A_1175 = arith.xori %or3A_1174, %add3A_1167 : vector<100x256xi32>
    %add3A_1176 = vector.broadcast %xor3A_4 : i32 to vector<100x256xi32>
    %add3A_1177 = arith.addi %add3A_1167, %add3A_1176 : vector<100x256xi32>
    %add3A_1178 = vector.broadcast %get3A_0 : i32 to vector<100x256xi32>
    %add3A_1179 = arith.addi %xor3A_1175, %add3A_1178 : vector<100x256xi32>
    %add3A_1180 = arith.constant 5 : i32
    %add3A_1181 = vector.broadcast %add3A_1180 : i32 to vector<100x256xi32>
    %add3A_1182 = arith.addi %add3A_1179, %add3A_1181 : vector<100x256xi32>
    %xor3A_1183 = arith.xori %add3A_1177, %add3A_1182 : vector<100x256xi32>
    %shift_right_logical3A_1184 = arith.constant 9 : i32
    %shift_right_logical3A_1185 = vector.broadcast %shift_right_logical3A_1184 : i32 to vector<100x256xi32>
    %shift_right_logical3A_1186 = arith.shrui %xor3A_1183, %shift_right_logical3A_1185 : vector<100x256xi32>
    %or3A_1187 = arith.constant 1065353216 : i32
    %or3A_1188 = vector.broadcast %or3A_1187 : i32 to vector<100x256xi32>
    %or3A_1189 = arith.ori %shift_right_logical3A_1186, %or3A_1188 : vector<100x256xi32>
    %bitcast_convert_type3A_1190 = tpu.bitcast %or3A_1189 : vector<100x256xi32> -> vector<100x256xf32>
    %sub3A_1191 = arith.constant 1.000000e+00 : f32
    %sub3A_1192 = vector.broadcast %sub3A_1191 : f32 to vector<100x256xf32>
    %sub3A_1193 = arith.subf %bitcast_convert_type3A_1190, %sub3A_1192 : vector<100x256xf32>
    %sub3A_1194 = arith.constant 1.000000e+00 : f32
    %sub3A_1195 = arith.constant 1.17549435E-38 : f32
    %sub3A_1196 = arith.subf %sub3A_1194, %sub3A_1195 : f32
    %mul3A_1197 = vector.broadcast %sub3A_1196 : f32 to vector<100x256xf32>
    %mul3A_1198 = arith.mulf %sub3A_1193, %mul3A_1197 : vector<100x256xf32>
    %add3A_1199 = arith.constant 1.17549435E-38 : f32
    %add3A_1200 = vector.broadcast %add3A_1199 : f32 to vector<100x256xf32>
    %add3A_1201 = arith.addf %mul3A_1198, %add3A_1200 : vector<100x256xf32>
    %max3A_1202 = arith.constant 1.17549435E-38 : f32
    %max3A_1203 = vector.broadcast %max3A_1202 : f32 to vector<100x256xf32>
    %max3A_1204 = arith.maximumf %max3A_1203, %add3A_1201 : vector<100x256xf32>
    %log3A_1205 = math.log %max3A_1204 : vector<100x256xf32>
    %neg3A_1206 = arith.constant 0.000000e+00 : f32
    %neg3A_1207 = vector.broadcast %neg3A_1206 : f32 to vector<100x256xf32>
    %neg3A_1208 = arith.subf %neg3A_1207, %log3A_1205 : vector<100x256xf32>
    %log3A_1209 = math.log %neg3A_1208 : vector<100x256xf32>
    %neg3A_1210 = arith.constant 0.000000e+00 : f32
    %neg3A_1211 = vector.broadcast %neg3A_1210 : f32 to vector<100x256xf32>
    %neg3A_1212 = arith.subf %neg3A_1211, %log3A_1209 : vector<100x256xf32>
    %add3A_1213 = arith.addf %neg3A_1212, %concatenate3A : vector<100x256xf32>
    %slice3A_1214 = vector.extract_strided_slice %add3A_1213 {offsets = [0, 0], sizes = [50, 256], strides = [1, 1]} : vector<100x256xf32> to vector<50x256xf32>
    %slice3A_1215 = vector.extract_strided_slice %add3A_1213 {offsets = [50, 0], sizes = [50, 256], strides = [1, 1]} : vector<100x256xf32> to vector<50x256xf32>
    %reduce_max3A_1216 = arith.constant dense<0xFF800000> : vector<256xf32>
    %reduce_max3A_1217 = vector.multi_reduction <maximumf>, %slice3A_1214, %reduce_max3A_1216 [0] : vector<50x256xf32> to vector<256xf32>
    %broadcast_in_dim3A_1218 = vector.shape_cast %reduce_max3A_1217 : vector<256xf32> to vector<1x256xf32>
    %eq3A_1219 = vector.broadcast %broadcast_in_dim3A_1218 : vector<1x256xf32> to vector<50x256xf32>
    %eq3A_1220 = arith.cmpf oeq, %slice3A_1214, %eq3A_1219 : vector<50x256xf32>
    %jit3A_1221 = arith.constant 50 : i32
    %broadcast_in_dim3A_1222 = vector.broadcast %jit3A_1221 : i32 to vector<50x256xi32>
    %select_n3A_1223 = arith.select %eq3A_1220, %iota3A_25, %broadcast_in_dim3A_1222 : vector<50x256xi1>, vector<50x256xi32>
    %reduce_min3A_1224 = arith.constant dense<2147483647> : vector<256xi32>
    %reduce_min3A_1225 = vector.multi_reduction <minsi>, %select_n3A_1223, %reduce_min3A_1224 [0] : vector<50x256xi32> to vector<256xi32>
    %get3A_1226 = arith.constant 0 : index
    %get3A_1227 = memref.load %arg2[%get3A_1226] : memref<1xi32, #tpu.memory_space<smem>>
    %add3A_1228 = vector.broadcast %get3A_1227 : i32 to vector<256xi32>
    %add3A_1229 = arith.addi %reduce_min3A_1225, %add3A_1228 : vector<256xi32>
    %mul3A_1230 = arith.constant 4096 : i32
    %mul3A_1231 = vector.broadcast %mul3A_1230 : i32 to vector<256xi32>
    %mul3A_1232 = arith.muli %add3A_1229, %mul3A_1231 : vector<256xi32>
    %add3A_1233 = arith.addi %mul3A_1232, %add3A_24 : vector<256xi32>
    %swap3A_1234 = arith.constant 0 : index
    %swap3A_1235 = arith.constant 6 : index
    %swap3A_1236 = arith.constant 0 : index
    %swap3A_1237 = vector.load %arg4[%swap3A_1234, %swap3A_1235, %swap3A_1236] : memref<1x8x256xi32, #tpu.memory_space<vmem>>, vector<1x1x256xi32>
    %swap3A_1238 = vector.shape_cast %swap3A_1237 : vector<1x1x256xi32> to vector<256xi32>
    %swap3A_1239 = vector.shape_cast %add3A_1233 : vector<256xi32> to vector<1x1x256xi32>
    tpu.vector_store %arg4[%swap3A_1234, %swap3A_1235, %swap3A_1236], %swap3A_1239 {strides = array<i32>} : memref<1x8x256xi32, #tpu.memory_space<vmem>>, vector<1x1x256xi32>,
    %reduce_max3A_1240 = arith.constant dense<0xFF800000> : vector<256xf32>
    %reduce_max3A_1241 = vector.multi_reduction <maximumf>, %slice3A_1215, %reduce_max3A_1240 [0] : vector<50x256xf32> to vector<256xf32>
    %broadcast_in_dim3A_1242 = vector.shape_cast %reduce_max3A_1241 : vector<256xf32> to vector<1x256xf32>
    %eq3A_1243 = vector.broadcast %broadcast_in_dim3A_1242 : vector<1x256xf32> to vector<50x256xf32>
    %eq3A_1244 = arith.cmpf oeq, %slice3A_1215, %eq3A_1243 : vector<50x256xf32>
    %jit3A_1245 = arith.constant 50 : i32
    %broadcast_in_dim3A_1246 = vector.broadcast %jit3A_1245 : i32 to vector<50x256xi32>
    %select_n3A_1247 = arith.select %eq3A_1244, %iota3A_25, %broadcast_in_dim3A_1246 : vector<50x256xi1>, vector<50x256xi32>
    %reduce_min3A_1248 = arith.constant dense<2147483647> : vector<256xi32>
    %reduce_min3A_1249 = vector.multi_reduction <minsi>, %select_n3A_1247, %reduce_min3A_1248 [0] : vector<50x256xi32> to vector<256xi32>
    %get3A_1250 = arith.constant 0 : index
    %get3A_1251 = memref.load %arg2[%get3A_1250] : memref<1xi32, #tpu.memory_space<smem>>
    %add3A_1252 = vector.broadcast %get3A_1251 : i32 to vector<256xi32>
    %add3A_1253 = arith.addi %reduce_min3A_1249, %add3A_1252 : vector<256xi32>
    %mul3A_1254 = arith.constant 4096 : i32
    %mul3A_1255 = vector.broadcast %mul3A_1254 : i32 to vector<256xi32>
    %mul3A_1256 = arith.muli %add3A_1253, %mul3A_1255 : vector<256xi32>
    %add3A_1257 = arith.addi %mul3A_1256, %add3A_24 : vector<256xi32>
    %swap3A_1258 = arith.constant 0 : index
    %swap3A_1259 = arith.constant 7 : index
    %swap3A_1260 = arith.constant 0 : index
    %swap3A_1261 = vector.load %arg4[%swap3A_1258, %swap3A_1259, %swap3A_1260] : memref<1x8x256xi32, #tpu.memory_space<vmem>>, vector<1x1x256xi32>
    %swap3A_1262 = vector.shape_cast %swap3A_1261 : vector<1x1x256xi32> to vector<256xi32>
    %swap3A_1263 = vector.shape_cast %add3A_1257 : vector<256xi32> to vector<1x1x256xi32>
    tpu.vector_store %arg4[%swap3A_1258, %swap3A_1259, %swap3A_1260], %swap3A_1263 {strides = array<i32>} : memref<1x8x256xi32, #tpu.memory_space<vmem>>, vector<1x1x256xi32>,
    return
  }
  func.func @transform_0(%arg0: i32) -> i32 {
    %c0_i32 = arith.constant 0 : i32
    %c0_i32_0 = arith.constant 0 : i32
    return %c0_i32 : i32
  }
  func.func @transform_1(%arg0: i32) -> i32 {
    %c0_i32 = arith.constant 0 : i32
    %c0_i32_0 = arith.constant 0 : i32
    return %c0_i32 : i32
  }
  func.func @transform_2(%arg0: i32) -> (i32, i32) {
    %c0_i32 = arith.constant 0 : i32
    %c0_i32_0 = arith.constant 0 : i32
    return %c0_i32, %arg0 : i32, i32
  }
  func.func @transform_3(%arg0: i32) -> (i32, i32, i32) {
    %c0_i32 = arith.constant 0 : i32
    %c0_i32_0 = arith.constant 0 : i32
    %c0_i32_1 = arith.constant 0 : i32
    return %arg0, %c0_i32, %c0_i32_0 : i32, i32, i32
  }
}

module attributes {stable_mosaic.version = 14 : i64} {
  func.func @_distr_body(%arg0: i32, %arg1: memref<4xi32, #tpu.memory_space<smem>>, %arg2: memref<50x128xf32, #tpu.memory_space<vmem>>, %arg3: memref<1x16x128xi32, #tpu.memory_space<vmem>>) attributes {dimension_semantics = [#tpu.dimension_semantics<arbitrary>], iteration_bounds = array<i64: 32>, scalar_prefetch = 0 : i64, scratch_operands = 0 : i64, tpu.core_type = #tpu.core_type<tc>, window_params = [{transform_indices = @transform_0, window_bounds = array<i64: 4>}, {transform_indices = @transform_1, window_bounds = array<i64: 50, 128>}, {transform_indices = @transform_2, window_bounds = array<i64: 1, 16, 128>}]} {
    %get3A = arith.constant 2 : index
    %get3A_0 = memref.load %arg1[%get3A] : memref<4xi32, #tpu.memory_space<smem>>
    %get3A_1 = arith.constant 3 : index
    %get3A_2 = memref.load %arg1[%get3A_1] : memref<4xi32, #tpu.memory_space<smem>>
    %xor3A = arith.xori %get3A_0, %get3A_2 : i32
    %xor3A_3 = arith.constant 466688986 : i32
    %xor3A_4 = arith.xori %xor3A, %xor3A_3 : i32
    %iota3A = tpu.iota {dimensions = array<i32: 0>} : vector<100x128xi32>
    %iota3A_5 = tpu.iota {dimensions = array<i32: 1>} : vector<100x128xi32>
    %ge3A = arith.constant 50 : i32
    %ge3A_6 = vector.broadcast %ge3A : i32 to vector<100x128xi32>
    %ge3A_7 = arith.cmpi uge, %iota3A, %ge3A_6 : vector<100x128xi32>
    %convert_element_type3A = arith.extui %ge3A_7 : vector<100x128xi1> to vector<100x128xi32>
    %mul3A = arith.constant 50 : i32
    %mul3A_8 = vector.broadcast %mul3A : i32 to vector<100x128xi32>
    %mul3A_9 = arith.muli %convert_element_type3A, %mul3A_8 : vector<100x128xi32>
    %sub3A = arith.subi %iota3A, %mul3A_9 : vector<100x128xi32>
    %mul3A_10 = arith.constant 128 : i32
    %mul3A_11 = arith.muli %arg0, %mul3A_10 : i32
    %add3A = vector.broadcast %mul3A_11 : i32 to vector<100x128xi32>
    %add3A_12 = arith.addi %add3A, %iota3A_5 : vector<100x128xi32>
    %get3A_13 = arith.constant 0 : index
    %get3A_14 = arith.constant 0 : index
    %get3A_15 = vector.load %arg2[%get3A_13, %get3A_14] : memref<50x128xf32, #tpu.memory_space<vmem>>, vector<50x128xf32>
    %sub3A_16 = arith.constant 1.000000e+00 : f32
    %sub3A_17 = vector.broadcast %sub3A_16 : f32 to vector<50x128xf32>
    %sub3A_18 = arith.subf %sub3A_17, %get3A_15 : vector<50x128xf32>
    %add3A_19 = arith.constant 9.99999971E-10 : f32
    %add3A_20 = vector.broadcast %add3A_19 : f32 to vector<50x128xf32>
    %add3A_21 = arith.addf %sub3A_18, %add3A_20 : vector<50x128xf32>
    %log3A = math.log %add3A_21 : vector<50x128xf32>
    %concatenate3A = tpu.concatenate %log3A, %log3A in 0 : vector<50x128xf32>, vector<50x128xf32> -> vector<100x128xf32>
    %iota3A_22 = tpu.iota {dimensions = array<i32: 1>} : vector<1x128xi32>
    %iota3A_23 = vector.shape_cast %iota3A_22 : vector<1x128xi32> to vector<128xi32>
    %mul3A_24 = arith.constant 128 : i32
    %mul3A_25 = arith.muli %arg0, %mul3A_24 : i32
    %add3A_26 = vector.broadcast %mul3A_25 : i32 to vector<128xi32>
    %add3A_27 = arith.addi %iota3A_23, %add3A_26 : vector<128xi32>
    %iota3A_28 = tpu.iota {dimensions = array<i32: 0>} : vector<50x128xi32>
    %add3A_29 = arith.constant 0 : i32
    %add3A_30 = vector.broadcast %add3A_29 : i32 to vector<100x128xi32>
    %add3A_31 = arith.addi %add3A_30, %convert_element_type3A : vector<100x128xi32>
    %mul3A_32 = arith.constant 16 : i32
    %mul3A_33 = vector.broadcast %mul3A_32 : i32 to vector<100x128xi32>
    %mul3A_34 = arith.muli %add3A_12, %mul3A_33 : vector<100x128xi32>
    %add3A_35 = arith.addi %mul3A_34, %add3A_31 : vector<100x128xi32>
    %mul3A_36 = arith.constant 50 : i32
    %mul3A_37 = vector.broadcast %mul3A_36 : i32 to vector<100x128xi32>
    %mul3A_38 = arith.muli %add3A_35, %mul3A_37 : vector<100x128xi32>
    %add3A_39 = arith.addi %mul3A_38, %sub3A : vector<100x128xi32>
    %broadcast_in_dim3A = arith.constant 0 : i32
    %broadcast_in_dim3A_40 = vector.broadcast %broadcast_in_dim3A : i32 to vector<100x128xi32>
    %add3A_41 = vector.broadcast %get3A_0 : i32 to vector<100x128xi32>
    %add3A_42 = arith.addi %broadcast_in_dim3A_40, %add3A_41 : vector<100x128xi32>
    %add3A_43 = vector.broadcast %get3A_2 : i32 to vector<100x128xi32>
    %add3A_44 = arith.addi %add3A_39, %add3A_43 : vector<100x128xi32>
    %add3A_45 = arith.addi %add3A_42, %add3A_44 : vector<100x128xi32>
    %shift_left3A = arith.constant 13 : i32
    %shift_left3A_46 = vector.broadcast %shift_left3A : i32 to vector<100x128xi32>
    %shift_left3A_47 = arith.shli %add3A_44, %shift_left3A_46 : vector<100x128xi32>
    %shift_right_logical3A = arith.constant 19 : i32
    %shift_right_logical3A_48 = vector.broadcast %shift_right_logical3A : i32 to vector<100x128xi32>
    %shift_right_logical3A_49 = arith.shrui %add3A_44, %shift_right_logical3A_48 : vector<100x128xi32>
    %or3A = arith.ori %shift_left3A_47, %shift_right_logical3A_49 : vector<100x128xi32>
    %xor3A_50 = arith.xori %or3A, %add3A_45 : vector<100x128xi32>
    %add3A_51 = arith.addi %add3A_45, %xor3A_50 : vector<100x128xi32>
    %shift_left3A_52 = arith.constant 15 : i32
    %shift_left3A_53 = vector.broadcast %shift_left3A_52 : i32 to vector<100x128xi32>
    %shift_left3A_54 = arith.shli %xor3A_50, %shift_left3A_53 : vector<100x128xi32>
    %shift_right_logical3A_55 = arith.constant 17 : i32
    %shift_right_logical3A_56 = vector.broadcast %shift_right_logical3A_55 : i32 to vector<100x128xi32>
    %shift_right_logical3A_57 = arith.shrui %xor3A_50, %shift_right_logical3A_56 : vector<100x128xi32>
    %or3A_58 = arith.ori %shift_left3A_54, %shift_right_logical3A_57 : vector<100x128xi32>
    %xor3A_59 = arith.xori %or3A_58, %add3A_51 : vector<100x128xi32>
    %add3A_60 = arith.addi %add3A_51, %xor3A_59 : vector<100x128xi32>
    %shift_left3A_61 = arith.constant 26 : i32
    %shift_left3A_62 = vector.broadcast %shift_left3A_61 : i32 to vector<100x128xi32>
    %shift_left3A_63 = arith.shli %xor3A_59, %shift_left3A_62 : vector<100x128xi32>
    %shift_right_logical3A_64 = arith.constant 6 : i32
    %shift_right_logical3A_65 = vector.broadcast %shift_right_logical3A_64 : i32 to vector<100x128xi32>
    %shift_right_logical3A_66 = arith.shrui %xor3A_59, %shift_right_logical3A_65 : vector<100x128xi32>
    %or3A_67 = arith.ori %shift_left3A_63, %shift_right_logical3A_66 : vector<100x128xi32>
    %xor3A_68 = arith.xori %or3A_67, %add3A_60 : vector<100x128xi32>
    %add3A_69 = arith.addi %add3A_60, %xor3A_68 : vector<100x128xi32>
    %shift_left3A_70 = arith.constant 6 : i32
    %shift_left3A_71 = vector.broadcast %shift_left3A_70 : i32 to vector<100x128xi32>
    %shift_left3A_72 = arith.shli %xor3A_68, %shift_left3A_71 : vector<100x128xi32>
    %shift_right_logical3A_73 = arith.constant 26 : i32
    %shift_right_logical3A_74 = vector.broadcast %shift_right_logical3A_73 : i32 to vector<100x128xi32>
    %shift_right_logical3A_75 = arith.shrui %xor3A_68, %shift_right_logical3A_74 : vector<100x128xi32>
    %or3A_76 = arith.ori %shift_left3A_72, %shift_right_logical3A_75 : vector<100x128xi32>
    %xor3A_77 = arith.xori %or3A_76, %add3A_69 : vector<100x128xi32>
    %add3A_78 = vector.broadcast %get3A_2 : i32 to vector<100x128xi32>
    %add3A_79 = arith.addi %add3A_69, %add3A_78 : vector<100x128xi32>
    %add3A_80 = vector.broadcast %xor3A_4 : i32 to vector<100x128xi32>
    %add3A_81 = arith.addi %xor3A_77, %add3A_80 : vector<100x128xi32>
    %add3A_82 = arith.constant 1 : i32
    %add3A_83 = vector.broadcast %add3A_82 : i32 to vector<100x128xi32>
    %add3A_84 = arith.addi %add3A_81, %add3A_83 : vector<100x128xi32>
    %add3A_85 = arith.addi %add3A_79, %add3A_84 : vector<100x128xi32>
    %shift_left3A_86 = arith.constant 17 : i32
    %shift_left3A_87 = vector.broadcast %shift_left3A_86 : i32 to vector<100x128xi32>
    %shift_left3A_88 = arith.shli %add3A_84, %shift_left3A_87 : vector<100x128xi32>
    %shift_right_logical3A_89 = arith.constant 15 : i32
    %shift_right_logical3A_90 = vector.broadcast %shift_right_logical3A_89 : i32 to vector<100x128xi32>
    %shift_right_logical3A_91 = arith.shrui %add3A_84, %shift_right_logical3A_90 : vector<100x128xi32>
    %or3A_92 = arith.ori %shift_left3A_88, %shift_right_logical3A_91 : vector<100x128xi32>
    %xor3A_93 = arith.xori %or3A_92, %add3A_85 : vector<100x128xi32>
    %add3A_94 = arith.addi %add3A_85, %xor3A_93 : vector<100x128xi32>
    %shift_left3A_95 = arith.constant 29 : i32
    %shift_left3A_96 = vector.broadcast %shift_left3A_95 : i32 to vector<100x128xi32>
    %shift_left3A_97 = arith.shli %xor3A_93, %shift_left3A_96 : vector<100x128xi32>
    %shift_right_logical3A_98 = arith.constant 3 : i32
    %shift_right_logical3A_99 = vector.broadcast %shift_right_logical3A_98 : i32 to vector<100x128xi32>
    %shift_right_logical3A_100 = arith.shrui %xor3A_93, %shift_right_logical3A_99 : vector<100x128xi32>
    %or3A_101 = arith.ori %shift_left3A_97, %shift_right_logical3A_100 : vector<100x128xi32>
    %xor3A_102 = arith.xori %or3A_101, %add3A_94 : vector<100x128xi32>
    %add3A_103 = arith.addi %add3A_94, %xor3A_102 : vector<100x128xi32>
    %shift_left3A_104 = arith.constant 16 : i32
    %shift_left3A_105 = vector.broadcast %shift_left3A_104 : i32 to vector<100x128xi32>
    %shift_left3A_106 = arith.shli %xor3A_102, %shift_left3A_105 : vector<100x128xi32>
    %shift_right_logical3A_107 = arith.constant 16 : i32
    %shift_right_logical3A_108 = vector.broadcast %shift_right_logical3A_107 : i32 to vector<100x128xi32>
    %shift_right_logical3A_109 = arith.shrui %xor3A_102, %shift_right_logical3A_108 : vector<100x128xi32>
    %or3A_110 = arith.ori %shift_left3A_106, %shift_right_logical3A_109 : vector<100x128xi32>
    %xor3A_111 = arith.xori %or3A_110, %add3A_103 : vector<100x128xi32>
    %add3A_112 = arith.addi %add3A_103, %xor3A_111 : vector<100x128xi32>
    %shift_left3A_113 = arith.constant 24 : i32
    %shift_left3A_114 = vector.broadcast %shift_left3A_113 : i32 to vector<100x128xi32>
    %shift_left3A_115 = arith.shli %xor3A_111, %shift_left3A_114 : vector<100x128xi32>
    %shift_right_logical3A_116 = arith.constant 8 : i32
    %shift_right_logical3A_117 = vector.broadcast %shift_right_logical3A_116 : i32 to vector<100x128xi32>
    %shift_right_logical3A_118 = arith.shrui %xor3A_111, %shift_right_logical3A_117 : vector<100x128xi32>
    %or3A_119 = arith.ori %shift_left3A_115, %shift_right_logical3A_118 : vector<100x128xi32>
    %xor3A_120 = arith.xori %or3A_119, %add3A_112 : vector<100x128xi32>
    %add3A_121 = vector.broadcast %xor3A_4 : i32 to vector<100x128xi32>
    %add3A_122 = arith.addi %add3A_112, %add3A_121 : vector<100x128xi32>
    %add3A_123 = vector.broadcast %get3A_0 : i32 to vector<100x128xi32>
    %add3A_124 = arith.addi %xor3A_120, %add3A_123 : vector<100x128xi32>
    %add3A_125 = arith.constant 2 : i32
    %add3A_126 = vector.broadcast %add3A_125 : i32 to vector<100x128xi32>
    %add3A_127 = arith.addi %add3A_124, %add3A_126 : vector<100x128xi32>
    %add3A_128 = arith.addi %add3A_122, %add3A_127 : vector<100x128xi32>
    %shift_left3A_129 = arith.constant 13 : i32
    %shift_left3A_130 = vector.broadcast %shift_left3A_129 : i32 to vector<100x128xi32>
    %shift_left3A_131 = arith.shli %add3A_127, %shift_left3A_130 : vector<100x128xi32>
    %shift_right_logical3A_132 = arith.constant 19 : i32
    %shift_right_logical3A_133 = vector.broadcast %shift_right_logical3A_132 : i32 to vector<100x128xi32>
    %shift_right_logical3A_134 = arith.shrui %add3A_127, %shift_right_logical3A_133 : vector<100x128xi32>
    %or3A_135 = arith.ori %shift_left3A_131, %shift_right_logical3A_134 : vector<100x128xi32>
    %xor3A_136 = arith.xori %or3A_135, %add3A_128 : vector<100x128xi32>
    %add3A_137 = arith.addi %add3A_128, %xor3A_136 : vector<100x128xi32>
    %shift_left3A_138 = arith.constant 15 : i32
    %shift_left3A_139 = vector.broadcast %shift_left3A_138 : i32 to vector<100x128xi32>
    %shift_left3A_140 = arith.shli %xor3A_136, %shift_left3A_139 : vector<100x128xi32>
    %shift_right_logical3A_141 = arith.constant 17 : i32
    %shift_right_logical3A_142 = vector.broadcast %shift_right_logical3A_141 : i32 to vector<100x128xi32>
    %shift_right_logical3A_143 = arith.shrui %xor3A_136, %shift_right_logical3A_142 : vector<100x128xi32>
    %or3A_144 = arith.ori %shift_left3A_140, %shift_right_logical3A_143 : vector<100x128xi32>
    %xor3A_145 = arith.xori %or3A_144, %add3A_137 : vector<100x128xi32>
    %add3A_146 = arith.addi %add3A_137, %xor3A_145 : vector<100x128xi32>
    %shift_left3A_147 = arith.constant 26 : i32
    %shift_left3A_148 = vector.broadcast %shift_left3A_147 : i32 to vector<100x128xi32>
    %shift_left3A_149 = arith.shli %xor3A_145, %shift_left3A_148 : vector<100x128xi32>
    %shift_right_logical3A_150 = arith.constant 6 : i32
    %shift_right_logical3A_151 = vector.broadcast %shift_right_logical3A_150 : i32 to vector<100x128xi32>
    %shift_right_logical3A_152 = arith.shrui %xor3A_145, %shift_right_logical3A_151 : vector<100x128xi32>
    %or3A_153 = arith.ori %shift_left3A_149, %shift_right_logical3A_152 : vector<100x128xi32>
    %xor3A_154 = arith.xori %or3A_153, %add3A_146 : vector<100x128xi32>
    %add3A_155 = arith.addi %add3A_146, %xor3A_154 : vector<100x128xi32>
    %shift_left3A_156 = arith.constant 6 : i32
    %shift_left3A_157 = vector.broadcast %shift_left3A_156 : i32 to vector<100x128xi32>
    %shift_left3A_158 = arith.shli %xor3A_154, %shift_left3A_157 : vector<100x128xi32>
    %shift_right_logical3A_159 = arith.constant 26 : i32
    %shift_right_logical3A_160 = vector.broadcast %shift_right_logical3A_159 : i32 to vector<100x128xi32>
    %shift_right_logical3A_161 = arith.shrui %xor3A_154, %shift_right_logical3A_160 : vector<100x128xi32>
    %or3A_162 = arith.ori %shift_left3A_158, %shift_right_logical3A_161 : vector<100x128xi32>
    %xor3A_163 = arith.xori %or3A_162, %add3A_155 : vector<100x128xi32>
    %add3A_164 = vector.broadcast %get3A_0 : i32 to vector<100x128xi32>
    %add3A_165 = arith.addi %add3A_155, %add3A_164 : vector<100x128xi32>
    %add3A_166 = vector.broadcast %get3A_2 : i32 to vector<100x128xi32>
    %add3A_167 = arith.addi %xor3A_163, %add3A_166 : vector<100x128xi32>
    %add3A_168 = arith.constant 3 : i32
    %add3A_169 = vector.broadcast %add3A_168 : i32 to vector<100x128xi32>
    %add3A_170 = arith.addi %add3A_167, %add3A_169 : vector<100x128xi32>
    %add3A_171 = arith.addi %add3A_165, %add3A_170 : vector<100x128xi32>
    %shift_left3A_172 = arith.constant 17 : i32
    %shift_left3A_173 = vector.broadcast %shift_left3A_172 : i32 to vector<100x128xi32>
    %shift_left3A_174 = arith.shli %add3A_170, %shift_left3A_173 : vector<100x128xi32>
    %shift_right_logical3A_175 = arith.constant 15 : i32
    %shift_right_logical3A_176 = vector.broadcast %shift_right_logical3A_175 : i32 to vector<100x128xi32>
    %shift_right_logical3A_177 = arith.shrui %add3A_170, %shift_right_logical3A_176 : vector<100x128xi32>
    %or3A_178 = arith.ori %shift_left3A_174, %shift_right_logical3A_177 : vector<100x128xi32>
    %xor3A_179 = arith.xori %or3A_178, %add3A_171 : vector<100x128xi32>
    %add3A_180 = arith.addi %add3A_171, %xor3A_179 : vector<100x128xi32>
    %shift_left3A_181 = arith.constant 29 : i32
    %shift_left3A_182 = vector.broadcast %shift_left3A_181 : i32 to vector<100x128xi32>
    %shift_left3A_183 = arith.shli %xor3A_179, %shift_left3A_182 : vector<100x128xi32>
    %shift_right_logical3A_184 = arith.constant 3 : i32
    %shift_right_logical3A_185 = vector.broadcast %shift_right_logical3A_184 : i32 to vector<100x128xi32>
    %shift_right_logical3A_186 = arith.shrui %xor3A_179, %shift_right_logical3A_185 : vector<100x128xi32>
    %or3A_187 = arith.ori %shift_left3A_183, %shift_right_logical3A_186 : vector<100x128xi32>
    %xor3A_188 = arith.xori %or3A_187, %add3A_180 : vector<100x128xi32>
    %add3A_189 = arith.addi %add3A_180, %xor3A_188 : vector<100x128xi32>
    %shift_left3A_190 = arith.constant 16 : i32
    %shift_left3A_191 = vector.broadcast %shift_left3A_190 : i32 to vector<100x128xi32>
    %shift_left3A_192 = arith.shli %xor3A_188, %shift_left3A_191 : vector<100x128xi32>
    %shift_right_logical3A_193 = arith.constant 16 : i32
    %shift_right_logical3A_194 = vector.broadcast %shift_right_logical3A_193 : i32 to vector<100x128xi32>
    %shift_right_logical3A_195 = arith.shrui %xor3A_188, %shift_right_logical3A_194 : vector<100x128xi32>
    %or3A_196 = arith.ori %shift_left3A_192, %shift_right_logical3A_195 : vector<100x128xi32>
    %xor3A_197 = arith.xori %or3A_196, %add3A_189 : vector<100x128xi32>
    %add3A_198 = arith.addi %add3A_189, %xor3A_197 : vector<100x128xi32>
    %shift_left3A_199 = arith.constant 24 : i32
    %shift_left3A_200 = vector.broadcast %shift_left3A_199 : i32 to vector<100x128xi32>
    %shift_left3A_201 = arith.shli %xor3A_197, %shift_left3A_200 : vector<100x128xi32>
    %shift_right_logical3A_202 = arith.constant 8 : i32
    %shift_right_logical3A_203 = vector.broadcast %shift_right_logical3A_202 : i32 to vector<100x128xi32>
    %shift_right_logical3A_204 = arith.shrui %xor3A_197, %shift_right_logical3A_203 : vector<100x128xi32>
    %or3A_205 = arith.ori %shift_left3A_201, %shift_right_logical3A_204 : vector<100x128xi32>
    %xor3A_206 = arith.xori %or3A_205, %add3A_198 : vector<100x128xi32>
    %add3A_207 = vector.broadcast %get3A_2 : i32 to vector<100x128xi32>
    %add3A_208 = arith.addi %add3A_198, %add3A_207 : vector<100x128xi32>
    %add3A_209 = vector.broadcast %xor3A_4 : i32 to vector<100x128xi32>
    %add3A_210 = arith.addi %xor3A_206, %add3A_209 : vector<100x128xi32>
    %add3A_211 = arith.constant 4 : i32
    %add3A_212 = vector.broadcast %add3A_211 : i32 to vector<100x128xi32>
    %add3A_213 = arith.addi %add3A_210, %add3A_212 : vector<100x128xi32>
    %add3A_214 = arith.addi %add3A_208, %add3A_213 : vector<100x128xi32>
    %shift_left3A_215 = arith.constant 13 : i32
    %shift_left3A_216 = vector.broadcast %shift_left3A_215 : i32 to vector<100x128xi32>
    %shift_left3A_217 = arith.shli %add3A_213, %shift_left3A_216 : vector<100x128xi32>
    %shift_right_logical3A_218 = arith.constant 19 : i32
    %shift_right_logical3A_219 = vector.broadcast %shift_right_logical3A_218 : i32 to vector<100x128xi32>
    %shift_right_logical3A_220 = arith.shrui %add3A_213, %shift_right_logical3A_219 : vector<100x128xi32>
    %or3A_221 = arith.ori %shift_left3A_217, %shift_right_logical3A_220 : vector<100x128xi32>
    %xor3A_222 = arith.xori %or3A_221, %add3A_214 : vector<100x128xi32>
    %add3A_223 = arith.addi %add3A_214, %xor3A_222 : vector<100x128xi32>
    %shift_left3A_224 = arith.constant 15 : i32
    %shift_left3A_225 = vector.broadcast %shift_left3A_224 : i32 to vector<100x128xi32>
    %shift_left3A_226 = arith.shli %xor3A_222, %shift_left3A_225 : vector<100x128xi32>
    %shift_right_logical3A_227 = arith.constant 17 : i32
    %shift_right_logical3A_228 = vector.broadcast %shift_right_logical3A_227 : i32 to vector<100x128xi32>
    %shift_right_logical3A_229 = arith.shrui %xor3A_222, %shift_right_logical3A_228 : vector<100x128xi32>
    %or3A_230 = arith.ori %shift_left3A_226, %shift_right_logical3A_229 : vector<100x128xi32>
    %xor3A_231 = arith.xori %or3A_230, %add3A_223 : vector<100x128xi32>
    %add3A_232 = arith.addi %add3A_223, %xor3A_231 : vector<100x128xi32>
    %shift_left3A_233 = arith.constant 26 : i32
    %shift_left3A_234 = vector.broadcast %shift_left3A_233 : i32 to vector<100x128xi32>
    %shift_left3A_235 = arith.shli %xor3A_231, %shift_left3A_234 : vector<100x128xi32>
    %shift_right_logical3A_236 = arith.constant 6 : i32
    %shift_right_logical3A_237 = vector.broadcast %shift_right_logical3A_236 : i32 to vector<100x128xi32>
    %shift_right_logical3A_238 = arith.shrui %xor3A_231, %shift_right_logical3A_237 : vector<100x128xi32>
    %or3A_239 = arith.ori %shift_left3A_235, %shift_right_logical3A_238 : vector<100x128xi32>
    %xor3A_240 = arith.xori %or3A_239, %add3A_232 : vector<100x128xi32>
    %add3A_241 = arith.addi %add3A_232, %xor3A_240 : vector<100x128xi32>
    %shift_left3A_242 = arith.constant 6 : i32
    %shift_left3A_243 = vector.broadcast %shift_left3A_242 : i32 to vector<100x128xi32>
    %shift_left3A_244 = arith.shli %xor3A_240, %shift_left3A_243 : vector<100x128xi32>
    %shift_right_logical3A_245 = arith.constant 26 : i32
    %shift_right_logical3A_246 = vector.broadcast %shift_right_logical3A_245 : i32 to vector<100x128xi32>
    %shift_right_logical3A_247 = arith.shrui %xor3A_240, %shift_right_logical3A_246 : vector<100x128xi32>
    %or3A_248 = arith.ori %shift_left3A_244, %shift_right_logical3A_247 : vector<100x128xi32>
    %xor3A_249 = arith.xori %or3A_248, %add3A_241 : vector<100x128xi32>
    %add3A_250 = vector.broadcast %xor3A_4 : i32 to vector<100x128xi32>
    %add3A_251 = arith.addi %add3A_241, %add3A_250 : vector<100x128xi32>
    %add3A_252 = vector.broadcast %get3A_0 : i32 to vector<100x128xi32>
    %add3A_253 = arith.addi %xor3A_249, %add3A_252 : vector<100x128xi32>
    %add3A_254 = arith.constant 5 : i32
    %add3A_255 = vector.broadcast %add3A_254 : i32 to vector<100x128xi32>
    %add3A_256 = arith.addi %add3A_253, %add3A_255 : vector<100x128xi32>
    %xor3A_257 = arith.xori %add3A_251, %add3A_256 : vector<100x128xi32>
    %shift_right_logical3A_258 = arith.constant 9 : i32
    %shift_right_logical3A_259 = vector.broadcast %shift_right_logical3A_258 : i32 to vector<100x128xi32>
    %shift_right_logical3A_260 = arith.shrui %xor3A_257, %shift_right_logical3A_259 : vector<100x128xi32>
    %or3A_261 = arith.constant 1065353216 : i32
    %or3A_262 = vector.broadcast %or3A_261 : i32 to vector<100x128xi32>
    %or3A_263 = arith.ori %shift_right_logical3A_260, %or3A_262 : vector<100x128xi32>
    %bitcast_convert_type3A = tpu.bitcast %or3A_263 : vector<100x128xi32> -> vector<100x128xf32>
    %sub3A_264 = arith.constant 1.000000e+00 : f32
    %sub3A_265 = vector.broadcast %sub3A_264 : f32 to vector<100x128xf32>
    %sub3A_266 = arith.subf %bitcast_convert_type3A, %sub3A_265 : vector<100x128xf32>
    %sub3A_267 = arith.constant 1.000000e+00 : f32
    %sub3A_268 = arith.constant 1.17549435E-38 : f32
    %sub3A_269 = arith.subf %sub3A_267, %sub3A_268 : f32
    %mul3A_270 = vector.broadcast %sub3A_269 : f32 to vector<100x128xf32>
    %mul3A_271 = arith.mulf %sub3A_266, %mul3A_270 : vector<100x128xf32>
    %add3A_272 = arith.constant 1.17549435E-38 : f32
    %add3A_273 = vector.broadcast %add3A_272 : f32 to vector<100x128xf32>
    %add3A_274 = arith.addf %mul3A_271, %add3A_273 : vector<100x128xf32>
    %max3A = arith.constant 1.17549435E-38 : f32
    %max3A_275 = vector.broadcast %max3A : f32 to vector<100x128xf32>
    %max3A_276 = arith.maximumf %max3A_275, %add3A_274 : vector<100x128xf32>
    %log3A_277 = math.log %max3A_276 : vector<100x128xf32>
    %neg3A = arith.constant 0.000000e+00 : f32
    %neg3A_278 = vector.broadcast %neg3A : f32 to vector<100x128xf32>
    %neg3A_279 = arith.subf %neg3A_278, %log3A_277 : vector<100x128xf32>
    %log3A_280 = math.log %neg3A_279 : vector<100x128xf32>
    %neg3A_281 = arith.constant 0.000000e+00 : f32
    %neg3A_282 = vector.broadcast %neg3A_281 : f32 to vector<100x128xf32>
    %neg3A_283 = arith.subf %neg3A_282, %log3A_280 : vector<100x128xf32>
    %add3A_284 = arith.addf %neg3A_283, %concatenate3A : vector<100x128xf32>
    %slice3A = vector.extract_strided_slice %add3A_284 {offsets = [0, 0], sizes = [50, 128], strides = [1, 1]} : vector<100x128xf32> to vector<50x128xf32>
    %slice3A_285 = vector.extract_strided_slice %add3A_284 {offsets = [50, 0], sizes = [50, 128], strides = [1, 1]} : vector<100x128xf32> to vector<50x128xf32>
    %reduce_max3A = arith.constant dense<0xFF800000> : vector<128xf32>
    %reduce_max3A_286 = vector.multi_reduction <maximumf>, %slice3A, %reduce_max3A [0] : vector<50x128xf32> to vector<128xf32>
    %broadcast_in_dim3A_287 = vector.shape_cast %reduce_max3A_286 : vector<128xf32> to vector<1x128xf32>
    %eq3A = vector.broadcast %broadcast_in_dim3A_287 : vector<1x128xf32> to vector<50x128xf32>
    %eq3A_288 = arith.cmpf oeq, %slice3A, %eq3A : vector<50x128xf32>
    %jit3A = arith.constant 50 : i32
    %broadcast_in_dim3A_289 = vector.broadcast %jit3A : i32 to vector<50x128xi32>
    %select_n3A = arith.select %eq3A_288, %iota3A_28, %broadcast_in_dim3A_289 : vector<50x128xi1>, vector<50x128xi32>
    %reduce_min3A = arith.constant dense<2147483647> : vector<128xi32>
    %reduce_min3A_290 = vector.multi_reduction <minsi>, %select_n3A, %reduce_min3A [0] : vector<50x128xi32> to vector<128xi32>
    %mul3A_291 = arith.constant 4096 : i32
    %mul3A_292 = vector.broadcast %mul3A_291 : i32 to vector<128xi32>
    %mul3A_293 = arith.muli %reduce_min3A_290, %mul3A_292 : vector<128xi32>
    %add3A_294 = arith.addi %mul3A_293, %add3A_27 : vector<128xi32>
    %swap3A = arith.constant 0 : index
    %swap3A_295 = arith.constant 0 : index
    %swap3A_296 = arith.constant 0 : index
    %swap3A_297 = vector.load %arg3[%swap3A, %swap3A_295, %swap3A_296] : memref<1x16x128xi32, #tpu.memory_space<vmem>>, vector<1x1x128xi32>
    %swap3A_298 = vector.shape_cast %swap3A_297 : vector<1x1x128xi32> to vector<128xi32>
    %swap3A_299 = vector.shape_cast %add3A_294 : vector<128xi32> to vector<1x1x128xi32>
    tpu.vector_store %arg3[%swap3A, %swap3A_295, %swap3A_296], %swap3A_299 {strides = array<i32>} : memref<1x16x128xi32, #tpu.memory_space<vmem>>, vector<1x1x128xi32>,
    %reduce_max3A_300 = arith.constant dense<0xFF800000> : vector<128xf32>
    %reduce_max3A_301 = vector.multi_reduction <maximumf>, %slice3A_285, %reduce_max3A_300 [0] : vector<50x128xf32> to vector<128xf32>
    %broadcast_in_dim3A_302 = vector.shape_cast %reduce_max3A_301 : vector<128xf32> to vector<1x128xf32>
    %eq3A_303 = vector.broadcast %broadcast_in_dim3A_302 : vector<1x128xf32> to vector<50x128xf32>
    %eq3A_304 = arith.cmpf oeq, %slice3A_285, %eq3A_303 : vector<50x128xf32>
    %jit3A_305 = arith.constant 50 : i32
    %broadcast_in_dim3A_306 = vector.broadcast %jit3A_305 : i32 to vector<50x128xi32>
    %select_n3A_307 = arith.select %eq3A_304, %iota3A_28, %broadcast_in_dim3A_306 : vector<50x128xi1>, vector<50x128xi32>
    %reduce_min3A_308 = arith.constant dense<2147483647> : vector<128xi32>
    %reduce_min3A_309 = vector.multi_reduction <minsi>, %select_n3A_307, %reduce_min3A_308 [0] : vector<50x128xi32> to vector<128xi32>
    %mul3A_310 = arith.constant 4096 : i32
    %mul3A_311 = vector.broadcast %mul3A_310 : i32 to vector<128xi32>
    %mul3A_312 = arith.muli %reduce_min3A_309, %mul3A_311 : vector<128xi32>
    %add3A_313 = arith.addi %mul3A_312, %add3A_27 : vector<128xi32>
    %swap3A_314 = arith.constant 0 : index
    %swap3A_315 = arith.constant 8 : index
    %swap3A_316 = arith.constant 0 : index
    %swap3A_317 = vector.load %arg3[%swap3A_314, %swap3A_315, %swap3A_316] : memref<1x16x128xi32, #tpu.memory_space<vmem>>, vector<1x1x128xi32>
    %swap3A_318 = vector.shape_cast %swap3A_317 : vector<1x1x128xi32> to vector<128xi32>
    %swap3A_319 = vector.shape_cast %add3A_313 : vector<128xi32> to vector<1x1x128xi32>
    tpu.vector_store %arg3[%swap3A_314, %swap3A_315, %swap3A_316], %swap3A_319 {strides = array<i32>} : memref<1x16x128xi32, #tpu.memory_space<vmem>>, vector<1x1x128xi32>,
    %add3A_320 = arith.constant 2 : i32
    %add3A_321 = vector.broadcast %add3A_320 : i32 to vector<100x128xi32>
    %add3A_322 = arith.addi %add3A_321, %convert_element_type3A : vector<100x128xi32>
    %mul3A_323 = arith.constant 16 : i32
    %mul3A_324 = vector.broadcast %mul3A_323 : i32 to vector<100x128xi32>
    %mul3A_325 = arith.muli %add3A_12, %mul3A_324 : vector<100x128xi32>
    %add3A_326 = arith.addi %mul3A_325, %add3A_322 : vector<100x128xi32>
    %mul3A_327 = arith.constant 50 : i32
    %mul3A_328 = vector.broadcast %mul3A_327 : i32 to vector<100x128xi32>
    %mul3A_329 = arith.muli %add3A_326, %mul3A_328 : vector<100x128xi32>
    %add3A_330 = arith.addi %mul3A_329, %sub3A : vector<100x128xi32>
    %broadcast_in_dim3A_331 = arith.constant 0 : i32
    %broadcast_in_dim3A_332 = vector.broadcast %broadcast_in_dim3A_331 : i32 to vector<100x128xi32>
    %add3A_333 = vector.broadcast %get3A_0 : i32 to vector<100x128xi32>
    %add3A_334 = arith.addi %broadcast_in_dim3A_332, %add3A_333 : vector<100x128xi32>
    %add3A_335 = vector.broadcast %get3A_2 : i32 to vector<100x128xi32>
    %add3A_336 = arith.addi %add3A_330, %add3A_335 : vector<100x128xi32>
    %add3A_337 = arith.addi %add3A_334, %add3A_336 : vector<100x128xi32>
    %shift_left3A_338 = arith.constant 13 : i32
    %shift_left3A_339 = vector.broadcast %shift_left3A_338 : i32 to vector<100x128xi32>
    %shift_left3A_340 = arith.shli %add3A_336, %shift_left3A_339 : vector<100x128xi32>
    %shift_right_logical3A_341 = arith.constant 19 : i32
    %shift_right_logical3A_342 = vector.broadcast %shift_right_logical3A_341 : i32 to vector<100x128xi32>
    %shift_right_logical3A_343 = arith.shrui %add3A_336, %shift_right_logical3A_342 : vector<100x128xi32>
    %or3A_344 = arith.ori %shift_left3A_340, %shift_right_logical3A_343 : vector<100x128xi32>
    %xor3A_345 = arith.xori %or3A_344, %add3A_337 : vector<100x128xi32>
    %add3A_346 = arith.addi %add3A_337, %xor3A_345 : vector<100x128xi32>
    %shift_left3A_347 = arith.constant 15 : i32
    %shift_left3A_348 = vector.broadcast %shift_left3A_347 : i32 to vector<100x128xi32>
    %shift_left3A_349 = arith.shli %xor3A_345, %shift_left3A_348 : vector<100x128xi32>
    %shift_right_logical3A_350 = arith.constant 17 : i32
    %shift_right_logical3A_351 = vector.broadcast %shift_right_logical3A_350 : i32 to vector<100x128xi32>
    %shift_right_logical3A_352 = arith.shrui %xor3A_345, %shift_right_logical3A_351 : vector<100x128xi32>
    %or3A_353 = arith.ori %shift_left3A_349, %shift_right_logical3A_352 : vector<100x128xi32>
    %xor3A_354 = arith.xori %or3A_353, %add3A_346 : vector<100x128xi32>
    %add3A_355 = arith.addi %add3A_346, %xor3A_354 : vector<100x128xi32>
    %shift_left3A_356 = arith.constant 26 : i32
    %shift_left3A_357 = vector.broadcast %shift_left3A_356 : i32 to vector<100x128xi32>
    %shift_left3A_358 = arith.shli %xor3A_354, %shift_left3A_357 : vector<100x128xi32>
    %shift_right_logical3A_359 = arith.constant 6 : i32
    %shift_right_logical3A_360 = vector.broadcast %shift_right_logical3A_359 : i32 to vector<100x128xi32>
    %shift_right_logical3A_361 = arith.shrui %xor3A_354, %shift_right_logical3A_360 : vector<100x128xi32>
    %or3A_362 = arith.ori %shift_left3A_358, %shift_right_logical3A_361 : vector<100x128xi32>
    %xor3A_363 = arith.xori %or3A_362, %add3A_355 : vector<100x128xi32>
    %add3A_364 = arith.addi %add3A_355, %xor3A_363 : vector<100x128xi32>
    %shift_left3A_365 = arith.constant 6 : i32
    %shift_left3A_366 = vector.broadcast %shift_left3A_365 : i32 to vector<100x128xi32>
    %shift_left3A_367 = arith.shli %xor3A_363, %shift_left3A_366 : vector<100x128xi32>
    %shift_right_logical3A_368 = arith.constant 26 : i32
    %shift_right_logical3A_369 = vector.broadcast %shift_right_logical3A_368 : i32 to vector<100x128xi32>
    %shift_right_logical3A_370 = arith.shrui %xor3A_363, %shift_right_logical3A_369 : vector<100x128xi32>
    %or3A_371 = arith.ori %shift_left3A_367, %shift_right_logical3A_370 : vector<100x128xi32>
    %xor3A_372 = arith.xori %or3A_371, %add3A_364 : vector<100x128xi32>
    %add3A_373 = vector.broadcast %get3A_2 : i32 to vector<100x128xi32>
    %add3A_374 = arith.addi %add3A_364, %add3A_373 : vector<100x128xi32>
    %add3A_375 = vector.broadcast %xor3A_4 : i32 to vector<100x128xi32>
    %add3A_376 = arith.addi %xor3A_372, %add3A_375 : vector<100x128xi32>
    %add3A_377 = arith.constant 1 : i32
    %add3A_378 = vector.broadcast %add3A_377 : i32 to vector<100x128xi32>
    %add3A_379 = arith.addi %add3A_376, %add3A_378 : vector<100x128xi32>
    %add3A_380 = arith.addi %add3A_374, %add3A_379 : vector<100x128xi32>
    %shift_left3A_381 = arith.constant 17 : i32
    %shift_left3A_382 = vector.broadcast %shift_left3A_381 : i32 to vector<100x128xi32>
    %shift_left3A_383 = arith.shli %add3A_379, %shift_left3A_382 : vector<100x128xi32>
    %shift_right_logical3A_384 = arith.constant 15 : i32
    %shift_right_logical3A_385 = vector.broadcast %shift_right_logical3A_384 : i32 to vector<100x128xi32>
    %shift_right_logical3A_386 = arith.shrui %add3A_379, %shift_right_logical3A_385 : vector<100x128xi32>
    %or3A_387 = arith.ori %shift_left3A_383, %shift_right_logical3A_386 : vector<100x128xi32>
    %xor3A_388 = arith.xori %or3A_387, %add3A_380 : vector<100x128xi32>
    %add3A_389 = arith.addi %add3A_380, %xor3A_388 : vector<100x128xi32>
    %shift_left3A_390 = arith.constant 29 : i32
    %shift_left3A_391 = vector.broadcast %shift_left3A_390 : i32 to vector<100x128xi32>
    %shift_left3A_392 = arith.shli %xor3A_388, %shift_left3A_391 : vector<100x128xi32>
    %shift_right_logical3A_393 = arith.constant 3 : i32
    %shift_right_logical3A_394 = vector.broadcast %shift_right_logical3A_393 : i32 to vector<100x128xi32>
    %shift_right_logical3A_395 = arith.shrui %xor3A_388, %shift_right_logical3A_394 : vector<100x128xi32>
    %or3A_396 = arith.ori %shift_left3A_392, %shift_right_logical3A_395 : vector<100x128xi32>
    %xor3A_397 = arith.xori %or3A_396, %add3A_389 : vector<100x128xi32>
    %add3A_398 = arith.addi %add3A_389, %xor3A_397 : vector<100x128xi32>
    %shift_left3A_399 = arith.constant 16 : i32
    %shift_left3A_400 = vector.broadcast %shift_left3A_399 : i32 to vector<100x128xi32>
    %shift_left3A_401 = arith.shli %xor3A_397, %shift_left3A_400 : vector<100x128xi32>
    %shift_right_logical3A_402 = arith.constant 16 : i32
    %shift_right_logical3A_403 = vector.broadcast %shift_right_logical3A_402 : i32 to vector<100x128xi32>
    %shift_right_logical3A_404 = arith.shrui %xor3A_397, %shift_right_logical3A_403 : vector<100x128xi32>
    %or3A_405 = arith.ori %shift_left3A_401, %shift_right_logical3A_404 : vector<100x128xi32>
    %xor3A_406 = arith.xori %or3A_405, %add3A_398 : vector<100x128xi32>
    %add3A_407 = arith.addi %add3A_398, %xor3A_406 : vector<100x128xi32>
    %shift_left3A_408 = arith.constant 24 : i32
    %shift_left3A_409 = vector.broadcast %shift_left3A_408 : i32 to vector<100x128xi32>
    %shift_left3A_410 = arith.shli %xor3A_406, %shift_left3A_409 : vector<100x128xi32>
    %shift_right_logical3A_411 = arith.constant 8 : i32
    %shift_right_logical3A_412 = vector.broadcast %shift_right_logical3A_411 : i32 to vector<100x128xi32>
    %shift_right_logical3A_413 = arith.shrui %xor3A_406, %shift_right_logical3A_412 : vector<100x128xi32>
    %or3A_414 = arith.ori %shift_left3A_410, %shift_right_logical3A_413 : vector<100x128xi32>
    %xor3A_415 = arith.xori %or3A_414, %add3A_407 : vector<100x128xi32>
    %add3A_416 = vector.broadcast %xor3A_4 : i32 to vector<100x128xi32>
    %add3A_417 = arith.addi %add3A_407, %add3A_416 : vector<100x128xi32>
    %add3A_418 = vector.broadcast %get3A_0 : i32 to vector<100x128xi32>
    %add3A_419 = arith.addi %xor3A_415, %add3A_418 : vector<100x128xi32>
    %add3A_420 = arith.constant 2 : i32
    %add3A_421 = vector.broadcast %add3A_420 : i32 to vector<100x128xi32>
    %add3A_422 = arith.addi %add3A_419, %add3A_421 : vector<100x128xi32>
    %add3A_423 = arith.addi %add3A_417, %add3A_422 : vector<100x128xi32>
    %shift_left3A_424 = arith.constant 13 : i32
    %shift_left3A_425 = vector.broadcast %shift_left3A_424 : i32 to vector<100x128xi32>
    %shift_left3A_426 = arith.shli %add3A_422, %shift_left3A_425 : vector<100x128xi32>
    %shift_right_logical3A_427 = arith.constant 19 : i32
    %shift_right_logical3A_428 = vector.broadcast %shift_right_logical3A_427 : i32 to vector<100x128xi32>
    %shift_right_logical3A_429 = arith.shrui %add3A_422, %shift_right_logical3A_428 : vector<100x128xi32>
    %or3A_430 = arith.ori %shift_left3A_426, %shift_right_logical3A_429 : vector<100x128xi32>
    %xor3A_431 = arith.xori %or3A_430, %add3A_423 : vector<100x128xi32>
    %add3A_432 = arith.addi %add3A_423, %xor3A_431 : vector<100x128xi32>
    %shift_left3A_433 = arith.constant 15 : i32
    %shift_left3A_434 = vector.broadcast %shift_left3A_433 : i32 to vector<100x128xi32>
    %shift_left3A_435 = arith.shli %xor3A_431, %shift_left3A_434 : vector<100x128xi32>
    %shift_right_logical3A_436 = arith.constant 17 : i32
    %shift_right_logical3A_437 = vector.broadcast %shift_right_logical3A_436 : i32 to vector<100x128xi32>
    %shift_right_logical3A_438 = arith.shrui %xor3A_431, %shift_right_logical3A_437 : vector<100x128xi32>
    %or3A_439 = arith.ori %shift_left3A_435, %shift_right_logical3A_438 : vector<100x128xi32>
    %xor3A_440 = arith.xori %or3A_439, %add3A_432 : vector<100x128xi32>
    %add3A_441 = arith.addi %add3A_432, %xor3A_440 : vector<100x128xi32>
    %shift_left3A_442 = arith.constant 26 : i32
    %shift_left3A_443 = vector.broadcast %shift_left3A_442 : i32 to vector<100x128xi32>
    %shift_left3A_444 = arith.shli %xor3A_440, %shift_left3A_443 : vector<100x128xi32>
    %shift_right_logical3A_445 = arith.constant 6 : i32
    %shift_right_logical3A_446 = vector.broadcast %shift_right_logical3A_445 : i32 to vector<100x128xi32>
    %shift_right_logical3A_447 = arith.shrui %xor3A_440, %shift_right_logical3A_446 : vector<100x128xi32>
    %or3A_448 = arith.ori %shift_left3A_444, %shift_right_logical3A_447 : vector<100x128xi32>
    %xor3A_449 = arith.xori %or3A_448, %add3A_441 : vector<100x128xi32>
    %add3A_450 = arith.addi %add3A_441, %xor3A_449 : vector<100x128xi32>
    %shift_left3A_451 = arith.constant 6 : i32
    %shift_left3A_452 = vector.broadcast %shift_left3A_451 : i32 to vector<100x128xi32>
    %shift_left3A_453 = arith.shli %xor3A_449, %shift_left3A_452 : vector<100x128xi32>
    %shift_right_logical3A_454 = arith.constant 26 : i32
    %shift_right_logical3A_455 = vector.broadcast %shift_right_logical3A_454 : i32 to vector<100x128xi32>
    %shift_right_logical3A_456 = arith.shrui %xor3A_449, %shift_right_logical3A_455 : vector<100x128xi32>
    %or3A_457 = arith.ori %shift_left3A_453, %shift_right_logical3A_456 : vector<100x128xi32>
    %xor3A_458 = arith.xori %or3A_457, %add3A_450 : vector<100x128xi32>
    %add3A_459 = vector.broadcast %get3A_0 : i32 to vector<100x128xi32>
    %add3A_460 = arith.addi %add3A_450, %add3A_459 : vector<100x128xi32>
    %add3A_461 = vector.broadcast %get3A_2 : i32 to vector<100x128xi32>
    %add3A_462 = arith.addi %xor3A_458, %add3A_461 : vector<100x128xi32>
    %add3A_463 = arith.constant 3 : i32
    %add3A_464 = vector.broadcast %add3A_463 : i32 to vector<100x128xi32>
    %add3A_465 = arith.addi %add3A_462, %add3A_464 : vector<100x128xi32>
    %add3A_466 = arith.addi %add3A_460, %add3A_465 : vector<100x128xi32>
    %shift_left3A_467 = arith.constant 17 : i32
    %shift_left3A_468 = vector.broadcast %shift_left3A_467 : i32 to vector<100x128xi32>
    %shift_left3A_469 = arith.shli %add3A_465, %shift_left3A_468 : vector<100x128xi32>
    %shift_right_logical3A_470 = arith.constant 15 : i32
    %shift_right_logical3A_471 = vector.broadcast %shift_right_logical3A_470 : i32 to vector<100x128xi32>
    %shift_right_logical3A_472 = arith.shrui %add3A_465, %shift_right_logical3A_471 : vector<100x128xi32>
    %or3A_473 = arith.ori %shift_left3A_469, %shift_right_logical3A_472 : vector<100x128xi32>
    %xor3A_474 = arith.xori %or3A_473, %add3A_466 : vector<100x128xi32>
    %add3A_475 = arith.addi %add3A_466, %xor3A_474 : vector<100x128xi32>
    %shift_left3A_476 = arith.constant 29 : i32
    %shift_left3A_477 = vector.broadcast %shift_left3A_476 : i32 to vector<100x128xi32>
    %shift_left3A_478 = arith.shli %xor3A_474, %shift_left3A_477 : vector<100x128xi32>
    %shift_right_logical3A_479 = arith.constant 3 : i32
    %shift_right_logical3A_480 = vector.broadcast %shift_right_logical3A_479 : i32 to vector<100x128xi32>
    %shift_right_logical3A_481 = arith.shrui %xor3A_474, %shift_right_logical3A_480 : vector<100x128xi32>
    %or3A_482 = arith.ori %shift_left3A_478, %shift_right_logical3A_481 : vector<100x128xi32>
    %xor3A_483 = arith.xori %or3A_482, %add3A_475 : vector<100x128xi32>
    %add3A_484 = arith.addi %add3A_475, %xor3A_483 : vector<100x128xi32>
    %shift_left3A_485 = arith.constant 16 : i32
    %shift_left3A_486 = vector.broadcast %shift_left3A_485 : i32 to vector<100x128xi32>
    %shift_left3A_487 = arith.shli %xor3A_483, %shift_left3A_486 : vector<100x128xi32>
    %shift_right_logical3A_488 = arith.constant 16 : i32
    %shift_right_logical3A_489 = vector.broadcast %shift_right_logical3A_488 : i32 to vector<100x128xi32>
    %shift_right_logical3A_490 = arith.shrui %xor3A_483, %shift_right_logical3A_489 : vector<100x128xi32>
    %or3A_491 = arith.ori %shift_left3A_487, %shift_right_logical3A_490 : vector<100x128xi32>
    %xor3A_492 = arith.xori %or3A_491, %add3A_484 : vector<100x128xi32>
    %add3A_493 = arith.addi %add3A_484, %xor3A_492 : vector<100x128xi32>
    %shift_left3A_494 = arith.constant 24 : i32
    %shift_left3A_495 = vector.broadcast %shift_left3A_494 : i32 to vector<100x128xi32>
    %shift_left3A_496 = arith.shli %xor3A_492, %shift_left3A_495 : vector<100x128xi32>
    %shift_right_logical3A_497 = arith.constant 8 : i32
    %shift_right_logical3A_498 = vector.broadcast %shift_right_logical3A_497 : i32 to vector<100x128xi32>
    %shift_right_logical3A_499 = arith.shrui %xor3A_492, %shift_right_logical3A_498 : vector<100x128xi32>
    %or3A_500 = arith.ori %shift_left3A_496, %shift_right_logical3A_499 : vector<100x128xi32>
    %xor3A_501 = arith.xori %or3A_500, %add3A_493 : vector<100x128xi32>
    %add3A_502 = vector.broadcast %get3A_2 : i32 to vector<100x128xi32>
    %add3A_503 = arith.addi %add3A_493, %add3A_502 : vector<100x128xi32>
    %add3A_504 = vector.broadcast %xor3A_4 : i32 to vector<100x128xi32>
    %add3A_505 = arith.addi %xor3A_501, %add3A_504 : vector<100x128xi32>
    %add3A_506 = arith.constant 4 : i32
    %add3A_507 = vector.broadcast %add3A_506 : i32 to vector<100x128xi32>
    %add3A_508 = arith.addi %add3A_505, %add3A_507 : vector<100x128xi32>
    %add3A_509 = arith.addi %add3A_503, %add3A_508 : vector<100x128xi32>
    %shift_left3A_510 = arith.constant 13 : i32
    %shift_left3A_511 = vector.broadcast %shift_left3A_510 : i32 to vector<100x128xi32>
    %shift_left3A_512 = arith.shli %add3A_508, %shift_left3A_511 : vector<100x128xi32>
    %shift_right_logical3A_513 = arith.constant 19 : i32
    %shift_right_logical3A_514 = vector.broadcast %shift_right_logical3A_513 : i32 to vector<100x128xi32>
    %shift_right_logical3A_515 = arith.shrui %add3A_508, %shift_right_logical3A_514 : vector<100x128xi32>
    %or3A_516 = arith.ori %shift_left3A_512, %shift_right_logical3A_515 : vector<100x128xi32>
    %xor3A_517 = arith.xori %or3A_516, %add3A_509 : vector<100x128xi32>
    %add3A_518 = arith.addi %add3A_509, %xor3A_517 : vector<100x128xi32>
    %shift_left3A_519 = arith.constant 15 : i32
    %shift_left3A_520 = vector.broadcast %shift_left3A_519 : i32 to vector<100x128xi32>
    %shift_left3A_521 = arith.shli %xor3A_517, %shift_left3A_520 : vector<100x128xi32>
    %shift_right_logical3A_522 = arith.constant 17 : i32
    %shift_right_logical3A_523 = vector.broadcast %shift_right_logical3A_522 : i32 to vector<100x128xi32>
    %shift_right_logical3A_524 = arith.shrui %xor3A_517, %shift_right_logical3A_523 : vector<100x128xi32>
    %or3A_525 = arith.ori %shift_left3A_521, %shift_right_logical3A_524 : vector<100x128xi32>
    %xor3A_526 = arith.xori %or3A_525, %add3A_518 : vector<100x128xi32>
    %add3A_527 = arith.addi %add3A_518, %xor3A_526 : vector<100x128xi32>
    %shift_left3A_528 = arith.constant 26 : i32
    %shift_left3A_529 = vector.broadcast %shift_left3A_528 : i32 to vector<100x128xi32>
    %shift_left3A_530 = arith.shli %xor3A_526, %shift_left3A_529 : vector<100x128xi32>
    %shift_right_logical3A_531 = arith.constant 6 : i32
    %shift_right_logical3A_532 = vector.broadcast %shift_right_logical3A_531 : i32 to vector<100x128xi32>
    %shift_right_logical3A_533 = arith.shrui %xor3A_526, %shift_right_logical3A_532 : vector<100x128xi32>
    %or3A_534 = arith.ori %shift_left3A_530, %shift_right_logical3A_533 : vector<100x128xi32>
    %xor3A_535 = arith.xori %or3A_534, %add3A_527 : vector<100x128xi32>
    %add3A_536 = arith.addi %add3A_527, %xor3A_535 : vector<100x128xi32>
    %shift_left3A_537 = arith.constant 6 : i32
    %shift_left3A_538 = vector.broadcast %shift_left3A_537 : i32 to vector<100x128xi32>
    %shift_left3A_539 = arith.shli %xor3A_535, %shift_left3A_538 : vector<100x128xi32>
    %shift_right_logical3A_540 = arith.constant 26 : i32
    %shift_right_logical3A_541 = vector.broadcast %shift_right_logical3A_540 : i32 to vector<100x128xi32>
    %shift_right_logical3A_542 = arith.shrui %xor3A_535, %shift_right_logical3A_541 : vector<100x128xi32>
    %or3A_543 = arith.ori %shift_left3A_539, %shift_right_logical3A_542 : vector<100x128xi32>
    %xor3A_544 = arith.xori %or3A_543, %add3A_536 : vector<100x128xi32>
    %add3A_545 = vector.broadcast %xor3A_4 : i32 to vector<100x128xi32>
    %add3A_546 = arith.addi %add3A_536, %add3A_545 : vector<100x128xi32>
    %add3A_547 = vector.broadcast %get3A_0 : i32 to vector<100x128xi32>
    %add3A_548 = arith.addi %xor3A_544, %add3A_547 : vector<100x128xi32>
    %add3A_549 = arith.constant 5 : i32
    %add3A_550 = vector.broadcast %add3A_549 : i32 to vector<100x128xi32>
    %add3A_551 = arith.addi %add3A_548, %add3A_550 : vector<100x128xi32>
    %xor3A_552 = arith.xori %add3A_546, %add3A_551 : vector<100x128xi32>
    %shift_right_logical3A_553 = arith.constant 9 : i32
    %shift_right_logical3A_554 = vector.broadcast %shift_right_logical3A_553 : i32 to vector<100x128xi32>
    %shift_right_logical3A_555 = arith.shrui %xor3A_552, %shift_right_logical3A_554 : vector<100x128xi32>
    %or3A_556 = arith.constant 1065353216 : i32
    %or3A_557 = vector.broadcast %or3A_556 : i32 to vector<100x128xi32>
    %or3A_558 = arith.ori %shift_right_logical3A_555, %or3A_557 : vector<100x128xi32>
    %bitcast_convert_type3A_559 = tpu.bitcast %or3A_558 : vector<100x128xi32> -> vector<100x128xf32>
    %sub3A_560 = arith.constant 1.000000e+00 : f32
    %sub3A_561 = vector.broadcast %sub3A_560 : f32 to vector<100x128xf32>
    %sub3A_562 = arith.subf %bitcast_convert_type3A_559, %sub3A_561 : vector<100x128xf32>
    %sub3A_563 = arith.constant 1.000000e+00 : f32
    %sub3A_564 = arith.constant 1.17549435E-38 : f32
    %sub3A_565 = arith.subf %sub3A_563, %sub3A_564 : f32
    %mul3A_566 = vector.broadcast %sub3A_565 : f32 to vector<100x128xf32>
    %mul3A_567 = arith.mulf %sub3A_562, %mul3A_566 : vector<100x128xf32>
    %add3A_568 = arith.constant 1.17549435E-38 : f32
    %add3A_569 = vector.broadcast %add3A_568 : f32 to vector<100x128xf32>
    %add3A_570 = arith.addf %mul3A_567, %add3A_569 : vector<100x128xf32>
    %max3A_571 = arith.constant 1.17549435E-38 : f32
    %max3A_572 = vector.broadcast %max3A_571 : f32 to vector<100x128xf32>
    %max3A_573 = arith.maximumf %max3A_572, %add3A_570 : vector<100x128xf32>
    %log3A_574 = math.log %max3A_573 : vector<100x128xf32>
    %neg3A_575 = arith.constant 0.000000e+00 : f32
    %neg3A_576 = vector.broadcast %neg3A_575 : f32 to vector<100x128xf32>
    %neg3A_577 = arith.subf %neg3A_576, %log3A_574 : vector<100x128xf32>
    %log3A_578 = math.log %neg3A_577 : vector<100x128xf32>
    %neg3A_579 = arith.constant 0.000000e+00 : f32
    %neg3A_580 = vector.broadcast %neg3A_579 : f32 to vector<100x128xf32>
    %neg3A_581 = arith.subf %neg3A_580, %log3A_578 : vector<100x128xf32>
    %add3A_582 = arith.addf %neg3A_581, %concatenate3A : vector<100x128xf32>
    %slice3A_583 = vector.extract_strided_slice %add3A_582 {offsets = [0, 0], sizes = [50, 128], strides = [1, 1]} : vector<100x128xf32> to vector<50x128xf32>
    %slice3A_584 = vector.extract_strided_slice %add3A_582 {offsets = [50, 0], sizes = [50, 128], strides = [1, 1]} : vector<100x128xf32> to vector<50x128xf32>
    %reduce_max3A_585 = arith.constant dense<0xFF800000> : vector<128xf32>
    %reduce_max3A_586 = vector.multi_reduction <maximumf>, %slice3A_583, %reduce_max3A_585 [0] : vector<50x128xf32> to vector<128xf32>
    %broadcast_in_dim3A_587 = vector.shape_cast %reduce_max3A_586 : vector<128xf32> to vector<1x128xf32>
    %eq3A_588 = vector.broadcast %broadcast_in_dim3A_587 : vector<1x128xf32> to vector<50x128xf32>
    %eq3A_589 = arith.cmpf oeq, %slice3A_583, %eq3A_588 : vector<50x128xf32>
    %jit3A_590 = arith.constant 50 : i32
    %broadcast_in_dim3A_591 = vector.broadcast %jit3A_590 : i32 to vector<50x128xi32>
    %select_n3A_592 = arith.select %eq3A_589, %iota3A_28, %broadcast_in_dim3A_591 : vector<50x128xi1>, vector<50x128xi32>
    %reduce_min3A_593 = arith.constant dense<2147483647> : vector<128xi32>
    %reduce_min3A_594 = vector.multi_reduction <minsi>, %select_n3A_592, %reduce_min3A_593 [0] : vector<50x128xi32> to vector<128xi32>
    %mul3A_595 = arith.constant 4096 : i32
    %mul3A_596 = vector.broadcast %mul3A_595 : i32 to vector<128xi32>
    %mul3A_597 = arith.muli %reduce_min3A_594, %mul3A_596 : vector<128xi32>
    %add3A_598 = arith.addi %mul3A_597, %add3A_27 : vector<128xi32>
    %swap3A_599 = arith.constant 0 : index
    %swap3A_600 = arith.constant 1 : index
    %swap3A_601 = arith.constant 0 : index
    %swap3A_602 = vector.load %arg3[%swap3A_599, %swap3A_600, %swap3A_601] : memref<1x16x128xi32, #tpu.memory_space<vmem>>, vector<1x1x128xi32>
    %swap3A_603 = vector.shape_cast %swap3A_602 : vector<1x1x128xi32> to vector<128xi32>
    %swap3A_604 = vector.shape_cast %add3A_598 : vector<128xi32> to vector<1x1x128xi32>
    tpu.vector_store %arg3[%swap3A_599, %swap3A_600, %swap3A_601], %swap3A_604 {strides = array<i32>} : memref<1x16x128xi32, #tpu.memory_space<vmem>>, vector<1x1x128xi32>,
    %reduce_max3A_605 = arith.constant dense<0xFF800000> : vector<128xf32>
    %reduce_max3A_606 = vector.multi_reduction <maximumf>, %slice3A_584, %reduce_max3A_605 [0] : vector<50x128xf32> to vector<128xf32>
    %broadcast_in_dim3A_607 = vector.shape_cast %reduce_max3A_606 : vector<128xf32> to vector<1x128xf32>
    %eq3A_608 = vector.broadcast %broadcast_in_dim3A_607 : vector<1x128xf32> to vector<50x128xf32>
    %eq3A_609 = arith.cmpf oeq, %slice3A_584, %eq3A_608 : vector<50x128xf32>
    %jit3A_610 = arith.constant 50 : i32
    %broadcast_in_dim3A_611 = vector.broadcast %jit3A_610 : i32 to vector<50x128xi32>
    %select_n3A_612 = arith.select %eq3A_609, %iota3A_28, %broadcast_in_dim3A_611 : vector<50x128xi1>, vector<50x128xi32>
    %reduce_min3A_613 = arith.constant dense<2147483647> : vector<128xi32>
    %reduce_min3A_614 = vector.multi_reduction <minsi>, %select_n3A_612, %reduce_min3A_613 [0] : vector<50x128xi32> to vector<128xi32>
    %mul3A_615 = arith.constant 4096 : i32
    %mul3A_616 = vector.broadcast %mul3A_615 : i32 to vector<128xi32>
    %mul3A_617 = arith.muli %reduce_min3A_614, %mul3A_616 : vector<128xi32>
    %add3A_618 = arith.addi %mul3A_617, %add3A_27 : vector<128xi32>
    %swap3A_619 = arith.constant 0 : index
    %swap3A_620 = arith.constant 9 : index
    %swap3A_621 = arith.constant 0 : index
    %swap3A_622 = vector.load %arg3[%swap3A_619, %swap3A_620, %swap3A_621] : memref<1x16x128xi32, #tpu.memory_space<vmem>>, vector<1x1x128xi32>
    %swap3A_623 = vector.shape_cast %swap3A_622 : vector<1x1x128xi32> to vector<128xi32>
    %swap3A_624 = vector.shape_cast %add3A_618 : vector<128xi32> to vector<1x1x128xi32>
    tpu.vector_store %arg3[%swap3A_619, %swap3A_620, %swap3A_621], %swap3A_624 {strides = array<i32>} : memref<1x16x128xi32, #tpu.memory_space<vmem>>, vector<1x1x128xi32>,
    %add3A_625 = arith.constant 4 : i32
    %add3A_626 = vector.broadcast %add3A_625 : i32 to vector<100x128xi32>
    %add3A_627 = arith.addi %add3A_626, %convert_element_type3A : vector<100x128xi32>
    %mul3A_628 = arith.constant 16 : i32
    %mul3A_629 = vector.broadcast %mul3A_628 : i32 to vector<100x128xi32>
    %mul3A_630 = arith.muli %add3A_12, %mul3A_629 : vector<100x128xi32>
    %add3A_631 = arith.addi %mul3A_630, %add3A_627 : vector<100x128xi32>
    %mul3A_632 = arith.constant 50 : i32
    %mul3A_633 = vector.broadcast %mul3A_632 : i32 to vector<100x128xi32>
    %mul3A_634 = arith.muli %add3A_631, %mul3A_633 : vector<100x128xi32>
    %add3A_635 = arith.addi %mul3A_634, %sub3A : vector<100x128xi32>
    %broadcast_in_dim3A_636 = arith.constant 0 : i32
    %broadcast_in_dim3A_637 = vector.broadcast %broadcast_in_dim3A_636 : i32 to vector<100x128xi32>
    %add3A_638 = vector.broadcast %get3A_0 : i32 to vector<100x128xi32>
    %add3A_639 = arith.addi %broadcast_in_dim3A_637, %add3A_638 : vector<100x128xi32>
    %add3A_640 = vector.broadcast %get3A_2 : i32 to vector<100x128xi32>
    %add3A_641 = arith.addi %add3A_635, %add3A_640 : vector<100x128xi32>
    %add3A_642 = arith.addi %add3A_639, %add3A_641 : vector<100x128xi32>
    %shift_left3A_643 = arith.constant 13 : i32
    %shift_left3A_644 = vector.broadcast %shift_left3A_643 : i32 to vector<100x128xi32>
    %shift_left3A_645 = arith.shli %add3A_641, %shift_left3A_644 : vector<100x128xi32>
    %shift_right_logical3A_646 = arith.constant 19 : i32
    %shift_right_logical3A_647 = vector.broadcast %shift_right_logical3A_646 : i32 to vector<100x128xi32>
    %shift_right_logical3A_648 = arith.shrui %add3A_641, %shift_right_logical3A_647 : vector<100x128xi32>
    %or3A_649 = arith.ori %shift_left3A_645, %shift_right_logical3A_648 : vector<100x128xi32>
    %xor3A_650 = arith.xori %or3A_649, %add3A_642 : vector<100x128xi32>
    %add3A_651 = arith.addi %add3A_642, %xor3A_650 : vector<100x128xi32>
    %shift_left3A_652 = arith.constant 15 : i32
    %shift_left3A_653 = vector.broadcast %shift_left3A_652 : i32 to vector<100x128xi32>
    %shift_left3A_654 = arith.shli %xor3A_650, %shift_left3A_653 : vector<100x128xi32>
    %shift_right_logical3A_655 = arith.constant 17 : i32
    %shift_right_logical3A_656 = vector.broadcast %shift_right_logical3A_655 : i32 to vector<100x128xi32>
    %shift_right_logical3A_657 = arith.shrui %xor3A_650, %shift_right_logical3A_656 : vector<100x128xi32>
    %or3A_658 = arith.ori %shift_left3A_654, %shift_right_logical3A_657 : vector<100x128xi32>
    %xor3A_659 = arith.xori %or3A_658, %add3A_651 : vector<100x128xi32>
    %add3A_660 = arith.addi %add3A_651, %xor3A_659 : vector<100x128xi32>
    %shift_left3A_661 = arith.constant 26 : i32
    %shift_left3A_662 = vector.broadcast %shift_left3A_661 : i32 to vector<100x128xi32>
    %shift_left3A_663 = arith.shli %xor3A_659, %shift_left3A_662 : vector<100x128xi32>
    %shift_right_logical3A_664 = arith.constant 6 : i32
    %shift_right_logical3A_665 = vector.broadcast %shift_right_logical3A_664 : i32 to vector<100x128xi32>
    %shift_right_logical3A_666 = arith.shrui %xor3A_659, %shift_right_logical3A_665 : vector<100x128xi32>
    %or3A_667 = arith.ori %shift_left3A_663, %shift_right_logical3A_666 : vector<100x128xi32>
    %xor3A_668 = arith.xori %or3A_667, %add3A_660 : vector<100x128xi32>
    %add3A_669 = arith.addi %add3A_660, %xor3A_668 : vector<100x128xi32>
    %shift_left3A_670 = arith.constant 6 : i32
    %shift_left3A_671 = vector.broadcast %shift_left3A_670 : i32 to vector<100x128xi32>
    %shift_left3A_672 = arith.shli %xor3A_668, %shift_left3A_671 : vector<100x128xi32>
    %shift_right_logical3A_673 = arith.constant 26 : i32
    %shift_right_logical3A_674 = vector.broadcast %shift_right_logical3A_673 : i32 to vector<100x128xi32>
    %shift_right_logical3A_675 = arith.shrui %xor3A_668, %shift_right_logical3A_674 : vector<100x128xi32>
    %or3A_676 = arith.ori %shift_left3A_672, %shift_right_logical3A_675 : vector<100x128xi32>
    %xor3A_677 = arith.xori %or3A_676, %add3A_669 : vector<100x128xi32>
    %add3A_678 = vector.broadcast %get3A_2 : i32 to vector<100x128xi32>
    %add3A_679 = arith.addi %add3A_669, %add3A_678 : vector<100x128xi32>
    %add3A_680 = vector.broadcast %xor3A_4 : i32 to vector<100x128xi32>
    %add3A_681 = arith.addi %xor3A_677, %add3A_680 : vector<100x128xi32>
    %add3A_682 = arith.constant 1 : i32
    %add3A_683 = vector.broadcast %add3A_682 : i32 to vector<100x128xi32>
    %add3A_684 = arith.addi %add3A_681, %add3A_683 : vector<100x128xi32>
    %add3A_685 = arith.addi %add3A_679, %add3A_684 : vector<100x128xi32>
    %shift_left3A_686 = arith.constant 17 : i32
    %shift_left3A_687 = vector.broadcast %shift_left3A_686 : i32 to vector<100x128xi32>
    %shift_left3A_688 = arith.shli %add3A_684, %shift_left3A_687 : vector<100x128xi32>
    %shift_right_logical3A_689 = arith.constant 15 : i32
    %shift_right_logical3A_690 = vector.broadcast %shift_right_logical3A_689 : i32 to vector<100x128xi32>
    %shift_right_logical3A_691 = arith.shrui %add3A_684, %shift_right_logical3A_690 : vector<100x128xi32>
    %or3A_692 = arith.ori %shift_left3A_688, %shift_right_logical3A_691 : vector<100x128xi32>
    %xor3A_693 = arith.xori %or3A_692, %add3A_685 : vector<100x128xi32>
    %add3A_694 = arith.addi %add3A_685, %xor3A_693 : vector<100x128xi32>
    %shift_left3A_695 = arith.constant 29 : i32
    %shift_left3A_696 = vector.broadcast %shift_left3A_695 : i32 to vector<100x128xi32>
    %shift_left3A_697 = arith.shli %xor3A_693, %shift_left3A_696 : vector<100x128xi32>
    %shift_right_logical3A_698 = arith.constant 3 : i32
    %shift_right_logical3A_699 = vector.broadcast %shift_right_logical3A_698 : i32 to vector<100x128xi32>
    %shift_right_logical3A_700 = arith.shrui %xor3A_693, %shift_right_logical3A_699 : vector<100x128xi32>
    %or3A_701 = arith.ori %shift_left3A_697, %shift_right_logical3A_700 : vector<100x128xi32>
    %xor3A_702 = arith.xori %or3A_701, %add3A_694 : vector<100x128xi32>
    %add3A_703 = arith.addi %add3A_694, %xor3A_702 : vector<100x128xi32>
    %shift_left3A_704 = arith.constant 16 : i32
    %shift_left3A_705 = vector.broadcast %shift_left3A_704 : i32 to vector<100x128xi32>
    %shift_left3A_706 = arith.shli %xor3A_702, %shift_left3A_705 : vector<100x128xi32>
    %shift_right_logical3A_707 = arith.constant 16 : i32
    %shift_right_logical3A_708 = vector.broadcast %shift_right_logical3A_707 : i32 to vector<100x128xi32>
    %shift_right_logical3A_709 = arith.shrui %xor3A_702, %shift_right_logical3A_708 : vector<100x128xi32>
    %or3A_710 = arith.ori %shift_left3A_706, %shift_right_logical3A_709 : vector<100x128xi32>
    %xor3A_711 = arith.xori %or3A_710, %add3A_703 : vector<100x128xi32>
    %add3A_712 = arith.addi %add3A_703, %xor3A_711 : vector<100x128xi32>
    %shift_left3A_713 = arith.constant 24 : i32
    %shift_left3A_714 = vector.broadcast %shift_left3A_713 : i32 to vector<100x128xi32>
    %shift_left3A_715 = arith.shli %xor3A_711, %shift_left3A_714 : vector<100x128xi32>
    %shift_right_logical3A_716 = arith.constant 8 : i32
    %shift_right_logical3A_717 = vector.broadcast %shift_right_logical3A_716 : i32 to vector<100x128xi32>
    %shift_right_logical3A_718 = arith.shrui %xor3A_711, %shift_right_logical3A_717 : vector<100x128xi32>
    %or3A_719 = arith.ori %shift_left3A_715, %shift_right_logical3A_718 : vector<100x128xi32>
    %xor3A_720 = arith.xori %or3A_719, %add3A_712 : vector<100x128xi32>
    %add3A_721 = vector.broadcast %xor3A_4 : i32 to vector<100x128xi32>
    %add3A_722 = arith.addi %add3A_712, %add3A_721 : vector<100x128xi32>
    %add3A_723 = vector.broadcast %get3A_0 : i32 to vector<100x128xi32>
    %add3A_724 = arith.addi %xor3A_720, %add3A_723 : vector<100x128xi32>
    %add3A_725 = arith.constant 2 : i32
    %add3A_726 = vector.broadcast %add3A_725 : i32 to vector<100x128xi32>
    %add3A_727 = arith.addi %add3A_724, %add3A_726 : vector<100x128xi32>
    %add3A_728 = arith.addi %add3A_722, %add3A_727 : vector<100x128xi32>
    %shift_left3A_729 = arith.constant 13 : i32
    %shift_left3A_730 = vector.broadcast %shift_left3A_729 : i32 to vector<100x128xi32>
    %shift_left3A_731 = arith.shli %add3A_727, %shift_left3A_730 : vector<100x128xi32>
    %shift_right_logical3A_732 = arith.constant 19 : i32
    %shift_right_logical3A_733 = vector.broadcast %shift_right_logical3A_732 : i32 to vector<100x128xi32>
    %shift_right_logical3A_734 = arith.shrui %add3A_727, %shift_right_logical3A_733 : vector<100x128xi32>
    %or3A_735 = arith.ori %shift_left3A_731, %shift_right_logical3A_734 : vector<100x128xi32>
    %xor3A_736 = arith.xori %or3A_735, %add3A_728 : vector<100x128xi32>
    %add3A_737 = arith.addi %add3A_728, %xor3A_736 : vector<100x128xi32>
    %shift_left3A_738 = arith.constant 15 : i32
    %shift_left3A_739 = vector.broadcast %shift_left3A_738 : i32 to vector<100x128xi32>
    %shift_left3A_740 = arith.shli %xor3A_736, %shift_left3A_739 : vector<100x128xi32>
    %shift_right_logical3A_741 = arith.constant 17 : i32
    %shift_right_logical3A_742 = vector.broadcast %shift_right_logical3A_741 : i32 to vector<100x128xi32>
    %shift_right_logical3A_743 = arith.shrui %xor3A_736, %shift_right_logical3A_742 : vector<100x128xi32>
    %or3A_744 = arith.ori %shift_left3A_740, %shift_right_logical3A_743 : vector<100x128xi32>
    %xor3A_745 = arith.xori %or3A_744, %add3A_737 : vector<100x128xi32>
    %add3A_746 = arith.addi %add3A_737, %xor3A_745 : vector<100x128xi32>
    %shift_left3A_747 = arith.constant 26 : i32
    %shift_left3A_748 = vector.broadcast %shift_left3A_747 : i32 to vector<100x128xi32>
    %shift_left3A_749 = arith.shli %xor3A_745, %shift_left3A_748 : vector<100x128xi32>
    %shift_right_logical3A_750 = arith.constant 6 : i32
    %shift_right_logical3A_751 = vector.broadcast %shift_right_logical3A_750 : i32 to vector<100x128xi32>
    %shift_right_logical3A_752 = arith.shrui %xor3A_745, %shift_right_logical3A_751 : vector<100x128xi32>
    %or3A_753 = arith.ori %shift_left3A_749, %shift_right_logical3A_752 : vector<100x128xi32>
    %xor3A_754 = arith.xori %or3A_753, %add3A_746 : vector<100x128xi32>
    %add3A_755 = arith.addi %add3A_746, %xor3A_754 : vector<100x128xi32>
    %shift_left3A_756 = arith.constant 6 : i32
    %shift_left3A_757 = vector.broadcast %shift_left3A_756 : i32 to vector<100x128xi32>
    %shift_left3A_758 = arith.shli %xor3A_754, %shift_left3A_757 : vector<100x128xi32>
    %shift_right_logical3A_759 = arith.constant 26 : i32
    %shift_right_logical3A_760 = vector.broadcast %shift_right_logical3A_759 : i32 to vector<100x128xi32>
    %shift_right_logical3A_761 = arith.shrui %xor3A_754, %shift_right_logical3A_760 : vector<100x128xi32>
    %or3A_762 = arith.ori %shift_left3A_758, %shift_right_logical3A_761 : vector<100x128xi32>
    %xor3A_763 = arith.xori %or3A_762, %add3A_755 : vector<100x128xi32>
    %add3A_764 = vector.broadcast %get3A_0 : i32 to vector<100x128xi32>
    %add3A_765 = arith.addi %add3A_755, %add3A_764 : vector<100x128xi32>
    %add3A_766 = vector.broadcast %get3A_2 : i32 to vector<100x128xi32>
    %add3A_767 = arith.addi %xor3A_763, %add3A_766 : vector<100x128xi32>
    %add3A_768 = arith.constant 3 : i32
    %add3A_769 = vector.broadcast %add3A_768 : i32 to vector<100x128xi32>
    %add3A_770 = arith.addi %add3A_767, %add3A_769 : vector<100x128xi32>
    %add3A_771 = arith.addi %add3A_765, %add3A_770 : vector<100x128xi32>
    %shift_left3A_772 = arith.constant 17 : i32
    %shift_left3A_773 = vector.broadcast %shift_left3A_772 : i32 to vector<100x128xi32>
    %shift_left3A_774 = arith.shli %add3A_770, %shift_left3A_773 : vector<100x128xi32>
    %shift_right_logical3A_775 = arith.constant 15 : i32
    %shift_right_logical3A_776 = vector.broadcast %shift_right_logical3A_775 : i32 to vector<100x128xi32>
    %shift_right_logical3A_777 = arith.shrui %add3A_770, %shift_right_logical3A_776 : vector<100x128xi32>
    %or3A_778 = arith.ori %shift_left3A_774, %shift_right_logical3A_777 : vector<100x128xi32>
    %xor3A_779 = arith.xori %or3A_778, %add3A_771 : vector<100x128xi32>
    %add3A_780 = arith.addi %add3A_771, %xor3A_779 : vector<100x128xi32>
    %shift_left3A_781 = arith.constant 29 : i32
    %shift_left3A_782 = vector.broadcast %shift_left3A_781 : i32 to vector<100x128xi32>
    %shift_left3A_783 = arith.shli %xor3A_779, %shift_left3A_782 : vector<100x128xi32>
    %shift_right_logical3A_784 = arith.constant 3 : i32
    %shift_right_logical3A_785 = vector.broadcast %shift_right_logical3A_784 : i32 to vector<100x128xi32>
    %shift_right_logical3A_786 = arith.shrui %xor3A_779, %shift_right_logical3A_785 : vector<100x128xi32>
    %or3A_787 = arith.ori %shift_left3A_783, %shift_right_logical3A_786 : vector<100x128xi32>
    %xor3A_788 = arith.xori %or3A_787, %add3A_780 : vector<100x128xi32>
    %add3A_789 = arith.addi %add3A_780, %xor3A_788 : vector<100x128xi32>
    %shift_left3A_790 = arith.constant 16 : i32
    %shift_left3A_791 = vector.broadcast %shift_left3A_790 : i32 to vector<100x128xi32>
    %shift_left3A_792 = arith.shli %xor3A_788, %shift_left3A_791 : vector<100x128xi32>
    %shift_right_logical3A_793 = arith.constant 16 : i32
    %shift_right_logical3A_794 = vector.broadcast %shift_right_logical3A_793 : i32 to vector<100x128xi32>
    %shift_right_logical3A_795 = arith.shrui %xor3A_788, %shift_right_logical3A_794 : vector<100x128xi32>
    %or3A_796 = arith.ori %shift_left3A_792, %shift_right_logical3A_795 : vector<100x128xi32>
    %xor3A_797 = arith.xori %or3A_796, %add3A_789 : vector<100x128xi32>
    %add3A_798 = arith.addi %add3A_789, %xor3A_797 : vector<100x128xi32>
    %shift_left3A_799 = arith.constant 24 : i32
    %shift_left3A_800 = vector.broadcast %shift_left3A_799 : i32 to vector<100x128xi32>
    %shift_left3A_801 = arith.shli %xor3A_797, %shift_left3A_800 : vector<100x128xi32>
    %shift_right_logical3A_802 = arith.constant 8 : i32
    %shift_right_logical3A_803 = vector.broadcast %shift_right_logical3A_802 : i32 to vector<100x128xi32>
    %shift_right_logical3A_804 = arith.shrui %xor3A_797, %shift_right_logical3A_803 : vector<100x128xi32>
    %or3A_805 = arith.ori %shift_left3A_801, %shift_right_logical3A_804 : vector<100x128xi32>
    %xor3A_806 = arith.xori %or3A_805, %add3A_798 : vector<100x128xi32>
    %add3A_807 = vector.broadcast %get3A_2 : i32 to vector<100x128xi32>
    %add3A_808 = arith.addi %add3A_798, %add3A_807 : vector<100x128xi32>
    %add3A_809 = vector.broadcast %xor3A_4 : i32 to vector<100x128xi32>
    %add3A_810 = arith.addi %xor3A_806, %add3A_809 : vector<100x128xi32>
    %add3A_811 = arith.constant 4 : i32
    %add3A_812 = vector.broadcast %add3A_811 : i32 to vector<100x128xi32>
    %add3A_813 = arith.addi %add3A_810, %add3A_812 : vector<100x128xi32>
    %add3A_814 = arith.addi %add3A_808, %add3A_813 : vector<100x128xi32>
    %shift_left3A_815 = arith.constant 13 : i32
    %shift_left3A_816 = vector.broadcast %shift_left3A_815 : i32 to vector<100x128xi32>
    %shift_left3A_817 = arith.shli %add3A_813, %shift_left3A_816 : vector<100x128xi32>
    %shift_right_logical3A_818 = arith.constant 19 : i32
    %shift_right_logical3A_819 = vector.broadcast %shift_right_logical3A_818 : i32 to vector<100x128xi32>
    %shift_right_logical3A_820 = arith.shrui %add3A_813, %shift_right_logical3A_819 : vector<100x128xi32>
    %or3A_821 = arith.ori %shift_left3A_817, %shift_right_logical3A_820 : vector<100x128xi32>
    %xor3A_822 = arith.xori %or3A_821, %add3A_814 : vector<100x128xi32>
    %add3A_823 = arith.addi %add3A_814, %xor3A_822 : vector<100x128xi32>
    %shift_left3A_824 = arith.constant 15 : i32
    %shift_left3A_825 = vector.broadcast %shift_left3A_824 : i32 to vector<100x128xi32>
    %shift_left3A_826 = arith.shli %xor3A_822, %shift_left3A_825 : vector<100x128xi32>
    %shift_right_logical3A_827 = arith.constant 17 : i32
    %shift_right_logical3A_828 = vector.broadcast %shift_right_logical3A_827 : i32 to vector<100x128xi32>
    %shift_right_logical3A_829 = arith.shrui %xor3A_822, %shift_right_logical3A_828 : vector<100x128xi32>
    %or3A_830 = arith.ori %shift_left3A_826, %shift_right_logical3A_829 : vector<100x128xi32>
    %xor3A_831 = arith.xori %or3A_830, %add3A_823 : vector<100x128xi32>
    %add3A_832 = arith.addi %add3A_823, %xor3A_831 : vector<100x128xi32>
    %shift_left3A_833 = arith.constant 26 : i32
    %shift_left3A_834 = vector.broadcast %shift_left3A_833 : i32 to vector<100x128xi32>
    %shift_left3A_835 = arith.shli %xor3A_831, %shift_left3A_834 : vector<100x128xi32>
    %shift_right_logical3A_836 = arith.constant 6 : i32
    %shift_right_logical3A_837 = vector.broadcast %shift_right_logical3A_836 : i32 to vector<100x128xi32>
    %shift_right_logical3A_838 = arith.shrui %xor3A_831, %shift_right_logical3A_837 : vector<100x128xi32>
    %or3A_839 = arith.ori %shift_left3A_835, %shift_right_logical3A_838 : vector<100x128xi32>
    %xor3A_840 = arith.xori %or3A_839, %add3A_832 : vector<100x128xi32>
    %add3A_841 = arith.addi %add3A_832, %xor3A_840 : vector<100x128xi32>
    %shift_left3A_842 = arith.constant 6 : i32
    %shift_left3A_843 = vector.broadcast %shift_left3A_842 : i32 to vector<100x128xi32>
    %shift_left3A_844 = arith.shli %xor3A_840, %shift_left3A_843 : vector<100x128xi32>
    %shift_right_logical3A_845 = arith.constant 26 : i32
    %shift_right_logical3A_846 = vector.broadcast %shift_right_logical3A_845 : i32 to vector<100x128xi32>
    %shift_right_logical3A_847 = arith.shrui %xor3A_840, %shift_right_logical3A_846 : vector<100x128xi32>
    %or3A_848 = arith.ori %shift_left3A_844, %shift_right_logical3A_847 : vector<100x128xi32>
    %xor3A_849 = arith.xori %or3A_848, %add3A_841 : vector<100x128xi32>
    %add3A_850 = vector.broadcast %xor3A_4 : i32 to vector<100x128xi32>
    %add3A_851 = arith.addi %add3A_841, %add3A_850 : vector<100x128xi32>
    %add3A_852 = vector.broadcast %get3A_0 : i32 to vector<100x128xi32>
    %add3A_853 = arith.addi %xor3A_849, %add3A_852 : vector<100x128xi32>
    %add3A_854 = arith.constant 5 : i32
    %add3A_855 = vector.broadcast %add3A_854 : i32 to vector<100x128xi32>
    %add3A_856 = arith.addi %add3A_853, %add3A_855 : vector<100x128xi32>
    %xor3A_857 = arith.xori %add3A_851, %add3A_856 : vector<100x128xi32>
    %shift_right_logical3A_858 = arith.constant 9 : i32
    %shift_right_logical3A_859 = vector.broadcast %shift_right_logical3A_858 : i32 to vector<100x128xi32>
    %shift_right_logical3A_860 = arith.shrui %xor3A_857, %shift_right_logical3A_859 : vector<100x128xi32>
    %or3A_861 = arith.constant 1065353216 : i32
    %or3A_862 = vector.broadcast %or3A_861 : i32 to vector<100x128xi32>
    %or3A_863 = arith.ori %shift_right_logical3A_860, %or3A_862 : vector<100x128xi32>
    %bitcast_convert_type3A_864 = tpu.bitcast %or3A_863 : vector<100x128xi32> -> vector<100x128xf32>
    %sub3A_865 = arith.constant 1.000000e+00 : f32
    %sub3A_866 = vector.broadcast %sub3A_865 : f32 to vector<100x128xf32>
    %sub3A_867 = arith.subf %bitcast_convert_type3A_864, %sub3A_866 : vector<100x128xf32>
    %sub3A_868 = arith.constant 1.000000e+00 : f32
    %sub3A_869 = arith.constant 1.17549435E-38 : f32
    %sub3A_870 = arith.subf %sub3A_868, %sub3A_869 : f32
    %mul3A_871 = vector.broadcast %sub3A_870 : f32 to vector<100x128xf32>
    %mul3A_872 = arith.mulf %sub3A_867, %mul3A_871 : vector<100x128xf32>
    %add3A_873 = arith.constant 1.17549435E-38 : f32
    %add3A_874 = vector.broadcast %add3A_873 : f32 to vector<100x128xf32>
    %add3A_875 = arith.addf %mul3A_872, %add3A_874 : vector<100x128xf32>
    %max3A_876 = arith.constant 1.17549435E-38 : f32
    %max3A_877 = vector.broadcast %max3A_876 : f32 to vector<100x128xf32>
    %max3A_878 = arith.maximumf %max3A_877, %add3A_875 : vector<100x128xf32>
    %log3A_879 = math.log %max3A_878 : vector<100x128xf32>
    %neg3A_880 = arith.constant 0.000000e+00 : f32
    %neg3A_881 = vector.broadcast %neg3A_880 : f32 to vector<100x128xf32>
    %neg3A_882 = arith.subf %neg3A_881, %log3A_879 : vector<100x128xf32>
    %log3A_883 = math.log %neg3A_882 : vector<100x128xf32>
    %neg3A_884 = arith.constant 0.000000e+00 : f32
    %neg3A_885 = vector.broadcast %neg3A_884 : f32 to vector<100x128xf32>
    %neg3A_886 = arith.subf %neg3A_885, %log3A_883 : vector<100x128xf32>
    %add3A_887 = arith.addf %neg3A_886, %concatenate3A : vector<100x128xf32>
    %slice3A_888 = vector.extract_strided_slice %add3A_887 {offsets = [0, 0], sizes = [50, 128], strides = [1, 1]} : vector<100x128xf32> to vector<50x128xf32>
    %slice3A_889 = vector.extract_strided_slice %add3A_887 {offsets = [50, 0], sizes = [50, 128], strides = [1, 1]} : vector<100x128xf32> to vector<50x128xf32>
    %reduce_max3A_890 = arith.constant dense<0xFF800000> : vector<128xf32>
    %reduce_max3A_891 = vector.multi_reduction <maximumf>, %slice3A_888, %reduce_max3A_890 [0] : vector<50x128xf32> to vector<128xf32>
    %broadcast_in_dim3A_892 = vector.shape_cast %reduce_max3A_891 : vector<128xf32> to vector<1x128xf32>
    %eq3A_893 = vector.broadcast %broadcast_in_dim3A_892 : vector<1x128xf32> to vector<50x128xf32>
    %eq3A_894 = arith.cmpf oeq, %slice3A_888, %eq3A_893 : vector<50x128xf32>
    %jit3A_895 = arith.constant 50 : i32
    %broadcast_in_dim3A_896 = vector.broadcast %jit3A_895 : i32 to vector<50x128xi32>
    %select_n3A_897 = arith.select %eq3A_894, %iota3A_28, %broadcast_in_dim3A_896 : vector<50x128xi1>, vector<50x128xi32>
    %reduce_min3A_898 = arith.constant dense<2147483647> : vector<128xi32>
    %reduce_min3A_899 = vector.multi_reduction <minsi>, %select_n3A_897, %reduce_min3A_898 [0] : vector<50x128xi32> to vector<128xi32>
    %mul3A_900 = arith.constant 4096 : i32
    %mul3A_901 = vector.broadcast %mul3A_900 : i32 to vector<128xi32>
    %mul3A_902 = arith.muli %reduce_min3A_899, %mul3A_901 : vector<128xi32>
    %add3A_903 = arith.addi %mul3A_902, %add3A_27 : vector<128xi32>
    %swap3A_904 = arith.constant 0 : index
    %swap3A_905 = arith.constant 2 : index
    %swap3A_906 = arith.constant 0 : index
    %swap3A_907 = vector.load %arg3[%swap3A_904, %swap3A_905, %swap3A_906] : memref<1x16x128xi32, #tpu.memory_space<vmem>>, vector<1x1x128xi32>
    %swap3A_908 = vector.shape_cast %swap3A_907 : vector<1x1x128xi32> to vector<128xi32>
    %swap3A_909 = vector.shape_cast %add3A_903 : vector<128xi32> to vector<1x1x128xi32>
    tpu.vector_store %arg3[%swap3A_904, %swap3A_905, %swap3A_906], %swap3A_909 {strides = array<i32>} : memref<1x16x128xi32, #tpu.memory_space<vmem>>, vector<1x1x128xi32>,
    %reduce_max3A_910 = arith.constant dense<0xFF800000> : vector<128xf32>
    %reduce_max3A_911 = vector.multi_reduction <maximumf>, %slice3A_889, %reduce_max3A_910 [0] : vector<50x128xf32> to vector<128xf32>
    %broadcast_in_dim3A_912 = vector.shape_cast %reduce_max3A_911 : vector<128xf32> to vector<1x128xf32>
    %eq3A_913 = vector.broadcast %broadcast_in_dim3A_912 : vector<1x128xf32> to vector<50x128xf32>
    %eq3A_914 = arith.cmpf oeq, %slice3A_889, %eq3A_913 : vector<50x128xf32>
    %jit3A_915 = arith.constant 50 : i32
    %broadcast_in_dim3A_916 = vector.broadcast %jit3A_915 : i32 to vector<50x128xi32>
    %select_n3A_917 = arith.select %eq3A_914, %iota3A_28, %broadcast_in_dim3A_916 : vector<50x128xi1>, vector<50x128xi32>
    %reduce_min3A_918 = arith.constant dense<2147483647> : vector<128xi32>
    %reduce_min3A_919 = vector.multi_reduction <minsi>, %select_n3A_917, %reduce_min3A_918 [0] : vector<50x128xi32> to vector<128xi32>
    %mul3A_920 = arith.constant 4096 : i32
    %mul3A_921 = vector.broadcast %mul3A_920 : i32 to vector<128xi32>
    %mul3A_922 = arith.muli %reduce_min3A_919, %mul3A_921 : vector<128xi32>
    %add3A_923 = arith.addi %mul3A_922, %add3A_27 : vector<128xi32>
    %swap3A_924 = arith.constant 0 : index
    %swap3A_925 = arith.constant 10 : index
    %swap3A_926 = arith.constant 0 : index
    %swap3A_927 = vector.load %arg3[%swap3A_924, %swap3A_925, %swap3A_926] : memref<1x16x128xi32, #tpu.memory_space<vmem>>, vector<1x1x128xi32>
    %swap3A_928 = vector.shape_cast %swap3A_927 : vector<1x1x128xi32> to vector<128xi32>
    %swap3A_929 = vector.shape_cast %add3A_923 : vector<128xi32> to vector<1x1x128xi32>
    tpu.vector_store %arg3[%swap3A_924, %swap3A_925, %swap3A_926], %swap3A_929 {strides = array<i32>} : memref<1x16x128xi32, #tpu.memory_space<vmem>>, vector<1x1x128xi32>,
    %add3A_930 = arith.constant 6 : i32
    %add3A_931 = vector.broadcast %add3A_930 : i32 to vector<100x128xi32>
    %add3A_932 = arith.addi %add3A_931, %convert_element_type3A : vector<100x128xi32>
    %mul3A_933 = arith.constant 16 : i32
    %mul3A_934 = vector.broadcast %mul3A_933 : i32 to vector<100x128xi32>
    %mul3A_935 = arith.muli %add3A_12, %mul3A_934 : vector<100x128xi32>
    %add3A_936 = arith.addi %mul3A_935, %add3A_932 : vector<100x128xi32>
    %mul3A_937 = arith.constant 50 : i32
    %mul3A_938 = vector.broadcast %mul3A_937 : i32 to vector<100x128xi32>
    %mul3A_939 = arith.muli %add3A_936, %mul3A_938 : vector<100x128xi32>
    %add3A_940 = arith.addi %mul3A_939, %sub3A : vector<100x128xi32>
    %broadcast_in_dim3A_941 = arith.constant 0 : i32
    %broadcast_in_dim3A_942 = vector.broadcast %broadcast_in_dim3A_941 : i32 to vector<100x128xi32>
    %add3A_943 = vector.broadcast %get3A_0 : i32 to vector<100x128xi32>
    %add3A_944 = arith.addi %broadcast_in_dim3A_942, %add3A_943 : vector<100x128xi32>
    %add3A_945 = vector.broadcast %get3A_2 : i32 to vector<100x128xi32>
    %add3A_946 = arith.addi %add3A_940, %add3A_945 : vector<100x128xi32>
    %add3A_947 = arith.addi %add3A_944, %add3A_946 : vector<100x128xi32>
    %shift_left3A_948 = arith.constant 13 : i32
    %shift_left3A_949 = vector.broadcast %shift_left3A_948 : i32 to vector<100x128xi32>
    %shift_left3A_950 = arith.shli %add3A_946, %shift_left3A_949 : vector<100x128xi32>
    %shift_right_logical3A_951 = arith.constant 19 : i32
    %shift_right_logical3A_952 = vector.broadcast %shift_right_logical3A_951 : i32 to vector<100x128xi32>
    %shift_right_logical3A_953 = arith.shrui %add3A_946, %shift_right_logical3A_952 : vector<100x128xi32>
    %or3A_954 = arith.ori %shift_left3A_950, %shift_right_logical3A_953 : vector<100x128xi32>
    %xor3A_955 = arith.xori %or3A_954, %add3A_947 : vector<100x128xi32>
    %add3A_956 = arith.addi %add3A_947, %xor3A_955 : vector<100x128xi32>
    %shift_left3A_957 = arith.constant 15 : i32
    %shift_left3A_958 = vector.broadcast %shift_left3A_957 : i32 to vector<100x128xi32>
    %shift_left3A_959 = arith.shli %xor3A_955, %shift_left3A_958 : vector<100x128xi32>
    %shift_right_logical3A_960 = arith.constant 17 : i32
    %shift_right_logical3A_961 = vector.broadcast %shift_right_logical3A_960 : i32 to vector<100x128xi32>
    %shift_right_logical3A_962 = arith.shrui %xor3A_955, %shift_right_logical3A_961 : vector<100x128xi32>
    %or3A_963 = arith.ori %shift_left3A_959, %shift_right_logical3A_962 : vector<100x128xi32>
    %xor3A_964 = arith.xori %or3A_963, %add3A_956 : vector<100x128xi32>
    %add3A_965 = arith.addi %add3A_956, %xor3A_964 : vector<100x128xi32>
    %shift_left3A_966 = arith.constant 26 : i32
    %shift_left3A_967 = vector.broadcast %shift_left3A_966 : i32 to vector<100x128xi32>
    %shift_left3A_968 = arith.shli %xor3A_964, %shift_left3A_967 : vector<100x128xi32>
    %shift_right_logical3A_969 = arith.constant 6 : i32
    %shift_right_logical3A_970 = vector.broadcast %shift_right_logical3A_969 : i32 to vector<100x128xi32>
    %shift_right_logical3A_971 = arith.shrui %xor3A_964, %shift_right_logical3A_970 : vector<100x128xi32>
    %or3A_972 = arith.ori %shift_left3A_968, %shift_right_logical3A_971 : vector<100x128xi32>
    %xor3A_973 = arith.xori %or3A_972, %add3A_965 : vector<100x128xi32>
    %add3A_974 = arith.addi %add3A_965, %xor3A_973 : vector<100x128xi32>
    %shift_left3A_975 = arith.constant 6 : i32
    %shift_left3A_976 = vector.broadcast %shift_left3A_975 : i32 to vector<100x128xi32>
    %shift_left3A_977 = arith.shli %xor3A_973, %shift_left3A_976 : vector<100x128xi32>
    %shift_right_logical3A_978 = arith.constant 26 : i32
    %shift_right_logical3A_979 = vector.broadcast %shift_right_logical3A_978 : i32 to vector<100x128xi32>
    %shift_right_logical3A_980 = arith.shrui %xor3A_973, %shift_right_logical3A_979 : vector<100x128xi32>
    %or3A_981 = arith.ori %shift_left3A_977, %shift_right_logical3A_980 : vector<100x128xi32>
    %xor3A_982 = arith.xori %or3A_981, %add3A_974 : vector<100x128xi32>
    %add3A_983 = vector.broadcast %get3A_2 : i32 to vector<100x128xi32>
    %add3A_984 = arith.addi %add3A_974, %add3A_983 : vector<100x128xi32>
    %add3A_985 = vector.broadcast %xor3A_4 : i32 to vector<100x128xi32>
    %add3A_986 = arith.addi %xor3A_982, %add3A_985 : vector<100x128xi32>
    %add3A_987 = arith.constant 1 : i32
    %add3A_988 = vector.broadcast %add3A_987 : i32 to vector<100x128xi32>
    %add3A_989 = arith.addi %add3A_986, %add3A_988 : vector<100x128xi32>
    %add3A_990 = arith.addi %add3A_984, %add3A_989 : vector<100x128xi32>
    %shift_left3A_991 = arith.constant 17 : i32
    %shift_left3A_992 = vector.broadcast %shift_left3A_991 : i32 to vector<100x128xi32>
    %shift_left3A_993 = arith.shli %add3A_989, %shift_left3A_992 : vector<100x128xi32>
    %shift_right_logical3A_994 = arith.constant 15 : i32
    %shift_right_logical3A_995 = vector.broadcast %shift_right_logical3A_994 : i32 to vector<100x128xi32>
    %shift_right_logical3A_996 = arith.shrui %add3A_989, %shift_right_logical3A_995 : vector<100x128xi32>
    %or3A_997 = arith.ori %shift_left3A_993, %shift_right_logical3A_996 : vector<100x128xi32>
    %xor3A_998 = arith.xori %or3A_997, %add3A_990 : vector<100x128xi32>
    %add3A_999 = arith.addi %add3A_990, %xor3A_998 : vector<100x128xi32>
    %shift_left3A_1000 = arith.constant 29 : i32
    %shift_left3A_1001 = vector.broadcast %shift_left3A_1000 : i32 to vector<100x128xi32>
    %shift_left3A_1002 = arith.shli %xor3A_998, %shift_left3A_1001 : vector<100x128xi32>
    %shift_right_logical3A_1003 = arith.constant 3 : i32
    %shift_right_logical3A_1004 = vector.broadcast %shift_right_logical3A_1003 : i32 to vector<100x128xi32>
    %shift_right_logical3A_1005 = arith.shrui %xor3A_998, %shift_right_logical3A_1004 : vector<100x128xi32>
    %or3A_1006 = arith.ori %shift_left3A_1002, %shift_right_logical3A_1005 : vector<100x128xi32>
    %xor3A_1007 = arith.xori %or3A_1006, %add3A_999 : vector<100x128xi32>
    %add3A_1008 = arith.addi %add3A_999, %xor3A_1007 : vector<100x128xi32>
    %shift_left3A_1009 = arith.constant 16 : i32
    %shift_left3A_1010 = vector.broadcast %shift_left3A_1009 : i32 to vector<100x128xi32>
    %shift_left3A_1011 = arith.shli %xor3A_1007, %shift_left3A_1010 : vector<100x128xi32>
    %shift_right_logical3A_1012 = arith.constant 16 : i32
    %shift_right_logical3A_1013 = vector.broadcast %shift_right_logical3A_1012 : i32 to vector<100x128xi32>
    %shift_right_logical3A_1014 = arith.shrui %xor3A_1007, %shift_right_logical3A_1013 : vector<100x128xi32>
    %or3A_1015 = arith.ori %shift_left3A_1011, %shift_right_logical3A_1014 : vector<100x128xi32>
    %xor3A_1016 = arith.xori %or3A_1015, %add3A_1008 : vector<100x128xi32>
    %add3A_1017 = arith.addi %add3A_1008, %xor3A_1016 : vector<100x128xi32>
    %shift_left3A_1018 = arith.constant 24 : i32
    %shift_left3A_1019 = vector.broadcast %shift_left3A_1018 : i32 to vector<100x128xi32>
    %shift_left3A_1020 = arith.shli %xor3A_1016, %shift_left3A_1019 : vector<100x128xi32>
    %shift_right_logical3A_1021 = arith.constant 8 : i32
    %shift_right_logical3A_1022 = vector.broadcast %shift_right_logical3A_1021 : i32 to vector<100x128xi32>
    %shift_right_logical3A_1023 = arith.shrui %xor3A_1016, %shift_right_logical3A_1022 : vector<100x128xi32>
    %or3A_1024 = arith.ori %shift_left3A_1020, %shift_right_logical3A_1023 : vector<100x128xi32>
    %xor3A_1025 = arith.xori %or3A_1024, %add3A_1017 : vector<100x128xi32>
    %add3A_1026 = vector.broadcast %xor3A_4 : i32 to vector<100x128xi32>
    %add3A_1027 = arith.addi %add3A_1017, %add3A_1026 : vector<100x128xi32>
    %add3A_1028 = vector.broadcast %get3A_0 : i32 to vector<100x128xi32>
    %add3A_1029 = arith.addi %xor3A_1025, %add3A_1028 : vector<100x128xi32>
    %add3A_1030 = arith.constant 2 : i32
    %add3A_1031 = vector.broadcast %add3A_1030 : i32 to vector<100x128xi32>
    %add3A_1032 = arith.addi %add3A_1029, %add3A_1031 : vector<100x128xi32>
    %add3A_1033 = arith.addi %add3A_1027, %add3A_1032 : vector<100x128xi32>
    %shift_left3A_1034 = arith.constant 13 : i32
    %shift_left3A_1035 = vector.broadcast %shift_left3A_1034 : i32 to vector<100x128xi32>
    %shift_left3A_1036 = arith.shli %add3A_1032, %shift_left3A_1035 : vector<100x128xi32>
    %shift_right_logical3A_1037 = arith.constant 19 : i32
    %shift_right_logical3A_1038 = vector.broadcast %shift_right_logical3A_1037 : i32 to vector<100x128xi32>
    %shift_right_logical3A_1039 = arith.shrui %add3A_1032, %shift_right_logical3A_1038 : vector<100x128xi32>
    %or3A_1040 = arith.ori %shift_left3A_1036, %shift_right_logical3A_1039 : vector<100x128xi32>
    %xor3A_1041 = arith.xori %or3A_1040, %add3A_1033 : vector<100x128xi32>
    %add3A_1042 = arith.addi %add3A_1033, %xor3A_1041 : vector<100x128xi32>
    %shift_left3A_1043 = arith.constant 15 : i32
    %shift_left3A_1044 = vector.broadcast %shift_left3A_1043 : i32 to vector<100x128xi32>
    %shift_left3A_1045 = arith.shli %xor3A_1041, %shift_left3A_1044 : vector<100x128xi32>
    %shift_right_logical3A_1046 = arith.constant 17 : i32
    %shift_right_logical3A_1047 = vector.broadcast %shift_right_logical3A_1046 : i32 to vector<100x128xi32>
    %shift_right_logical3A_1048 = arith.shrui %xor3A_1041, %shift_right_logical3A_1047 : vector<100x128xi32>
    %or3A_1049 = arith.ori %shift_left3A_1045, %shift_right_logical3A_1048 : vector<100x128xi32>
    %xor3A_1050 = arith.xori %or3A_1049, %add3A_1042 : vector<100x128xi32>
    %add3A_1051 = arith.addi %add3A_1042, %xor3A_1050 : vector<100x128xi32>
    %shift_left3A_1052 = arith.constant 26 : i32
    %shift_left3A_1053 = vector.broadcast %shift_left3A_1052 : i32 to vector<100x128xi32>
    %shift_left3A_1054 = arith.shli %xor3A_1050, %shift_left3A_1053 : vector<100x128xi32>
    %shift_right_logical3A_1055 = arith.constant 6 : i32
    %shift_right_logical3A_1056 = vector.broadcast %shift_right_logical3A_1055 : i32 to vector<100x128xi32>
    %shift_right_logical3A_1057 = arith.shrui %xor3A_1050, %shift_right_logical3A_1056 : vector<100x128xi32>
    %or3A_1058 = arith.ori %shift_left3A_1054, %shift_right_logical3A_1057 : vector<100x128xi32>
    %xor3A_1059 = arith.xori %or3A_1058, %add3A_1051 : vector<100x128xi32>
    %add3A_1060 = arith.addi %add3A_1051, %xor3A_1059 : vector<100x128xi32>
    %shift_left3A_1061 = arith.constant 6 : i32
    %shift_left3A_1062 = vector.broadcast %shift_left3A_1061 : i32 to vector<100x128xi32>
    %shift_left3A_1063 = arith.shli %xor3A_1059, %shift_left3A_1062 : vector<100x128xi32>
    %shift_right_logical3A_1064 = arith.constant 26 : i32
    %shift_right_logical3A_1065 = vector.broadcast %shift_right_logical3A_1064 : i32 to vector<100x128xi32>
    %shift_right_logical3A_1066 = arith.shrui %xor3A_1059, %shift_right_logical3A_1065 : vector<100x128xi32>
    %or3A_1067 = arith.ori %shift_left3A_1063, %shift_right_logical3A_1066 : vector<100x128xi32>
    %xor3A_1068 = arith.xori %or3A_1067, %add3A_1060 : vector<100x128xi32>
    %add3A_1069 = vector.broadcast %get3A_0 : i32 to vector<100x128xi32>
    %add3A_1070 = arith.addi %add3A_1060, %add3A_1069 : vector<100x128xi32>
    %add3A_1071 = vector.broadcast %get3A_2 : i32 to vector<100x128xi32>
    %add3A_1072 = arith.addi %xor3A_1068, %add3A_1071 : vector<100x128xi32>
    %add3A_1073 = arith.constant 3 : i32
    %add3A_1074 = vector.broadcast %add3A_1073 : i32 to vector<100x128xi32>
    %add3A_1075 = arith.addi %add3A_1072, %add3A_1074 : vector<100x128xi32>
    %add3A_1076 = arith.addi %add3A_1070, %add3A_1075 : vector<100x128xi32>
    %shift_left3A_1077 = arith.constant 17 : i32
    %shift_left3A_1078 = vector.broadcast %shift_left3A_1077 : i32 to vector<100x128xi32>
    %shift_left3A_1079 = arith.shli %add3A_1075, %shift_left3A_1078 : vector<100x128xi32>
    %shift_right_logical3A_1080 = arith.constant 15 : i32
    %shift_right_logical3A_1081 = vector.broadcast %shift_right_logical3A_1080 : i32 to vector<100x128xi32>
    %shift_right_logical3A_1082 = arith.shrui %add3A_1075, %shift_right_logical3A_1081 : vector<100x128xi32>
    %or3A_1083 = arith.ori %shift_left3A_1079, %shift_right_logical3A_1082 : vector<100x128xi32>
    %xor3A_1084 = arith.xori %or3A_1083, %add3A_1076 : vector<100x128xi32>
    %add3A_1085 = arith.addi %add3A_1076, %xor3A_1084 : vector<100x128xi32>
    %shift_left3A_1086 = arith.constant 29 : i32
    %shift_left3A_1087 = vector.broadcast %shift_left3A_1086 : i32 to vector<100x128xi32>
    %shift_left3A_1088 = arith.shli %xor3A_1084, %shift_left3A_1087 : vector<100x128xi32>
    %shift_right_logical3A_1089 = arith.constant 3 : i32
    %shift_right_logical3A_1090 = vector.broadcast %shift_right_logical3A_1089 : i32 to vector<100x128xi32>
    %shift_right_logical3A_1091 = arith.shrui %xor3A_1084, %shift_right_logical3A_1090 : vector<100x128xi32>
    %or3A_1092 = arith.ori %shift_left3A_1088, %shift_right_logical3A_1091 : vector<100x128xi32>
    %xor3A_1093 = arith.xori %or3A_1092, %add3A_1085 : vector<100x128xi32>
    %add3A_1094 = arith.addi %add3A_1085, %xor3A_1093 : vector<100x128xi32>
    %shift_left3A_1095 = arith.constant 16 : i32
    %shift_left3A_1096 = vector.broadcast %shift_left3A_1095 : i32 to vector<100x128xi32>
    %shift_left3A_1097 = arith.shli %xor3A_1093, %shift_left3A_1096 : vector<100x128xi32>
    %shift_right_logical3A_1098 = arith.constant 16 : i32
    %shift_right_logical3A_1099 = vector.broadcast %shift_right_logical3A_1098 : i32 to vector<100x128xi32>
    %shift_right_logical3A_1100 = arith.shrui %xor3A_1093, %shift_right_logical3A_1099 : vector<100x128xi32>
    %or3A_1101 = arith.ori %shift_left3A_1097, %shift_right_logical3A_1100 : vector<100x128xi32>
    %xor3A_1102 = arith.xori %or3A_1101, %add3A_1094 : vector<100x128xi32>
    %add3A_1103 = arith.addi %add3A_1094, %xor3A_1102 : vector<100x128xi32>
    %shift_left3A_1104 = arith.constant 24 : i32
    %shift_left3A_1105 = vector.broadcast %shift_left3A_1104 : i32 to vector<100x128xi32>
    %shift_left3A_1106 = arith.shli %xor3A_1102, %shift_left3A_1105 : vector<100x128xi32>
    %shift_right_logical3A_1107 = arith.constant 8 : i32
    %shift_right_logical3A_1108 = vector.broadcast %shift_right_logical3A_1107 : i32 to vector<100x128xi32>
    %shift_right_logical3A_1109 = arith.shrui %xor3A_1102, %shift_right_logical3A_1108 : vector<100x128xi32>
    %or3A_1110 = arith.ori %shift_left3A_1106, %shift_right_logical3A_1109 : vector<100x128xi32>
    %xor3A_1111 = arith.xori %or3A_1110, %add3A_1103 : vector<100x128xi32>
    %add3A_1112 = vector.broadcast %get3A_2 : i32 to vector<100x128xi32>
    %add3A_1113 = arith.addi %add3A_1103, %add3A_1112 : vector<100x128xi32>
    %add3A_1114 = vector.broadcast %xor3A_4 : i32 to vector<100x128xi32>
    %add3A_1115 = arith.addi %xor3A_1111, %add3A_1114 : vector<100x128xi32>
    %add3A_1116 = arith.constant 4 : i32
    %add3A_1117 = vector.broadcast %add3A_1116 : i32 to vector<100x128xi32>
    %add3A_1118 = arith.addi %add3A_1115, %add3A_1117 : vector<100x128xi32>
    %add3A_1119 = arith.addi %add3A_1113, %add3A_1118 : vector<100x128xi32>
    %shift_left3A_1120 = arith.constant 13 : i32
    %shift_left3A_1121 = vector.broadcast %shift_left3A_1120 : i32 to vector<100x128xi32>
    %shift_left3A_1122 = arith.shli %add3A_1118, %shift_left3A_1121 : vector<100x128xi32>
    %shift_right_logical3A_1123 = arith.constant 19 : i32
    %shift_right_logical3A_1124 = vector.broadcast %shift_right_logical3A_1123 : i32 to vector<100x128xi32>
    %shift_right_logical3A_1125 = arith.shrui %add3A_1118, %shift_right_logical3A_1124 : vector<100x128xi32>
    %or3A_1126 = arith.ori %shift_left3A_1122, %shift_right_logical3A_1125 : vector<100x128xi32>
    %xor3A_1127 = arith.xori %or3A_1126, %add3A_1119 : vector<100x128xi32>
    %add3A_1128 = arith.addi %add3A_1119, %xor3A_1127 : vector<100x128xi32>
    %shift_left3A_1129 = arith.constant 15 : i32
    %shift_left3A_1130 = vector.broadcast %shift_left3A_1129 : i32 to vector<100x128xi32>
    %shift_left3A_1131 = arith.shli %xor3A_1127, %shift_left3A_1130 : vector<100x128xi32>
    %shift_right_logical3A_1132 = arith.constant 17 : i32
    %shift_right_logical3A_1133 = vector.broadcast %shift_right_logical3A_1132 : i32 to vector<100x128xi32>
    %shift_right_logical3A_1134 = arith.shrui %xor3A_1127, %shift_right_logical3A_1133 : vector<100x128xi32>
    %or3A_1135 = arith.ori %shift_left3A_1131, %shift_right_logical3A_1134 : vector<100x128xi32>
    %xor3A_1136 = arith.xori %or3A_1135, %add3A_1128 : vector<100x128xi32>
    %add3A_1137 = arith.addi %add3A_1128, %xor3A_1136 : vector<100x128xi32>
    %shift_left3A_1138 = arith.constant 26 : i32
    %shift_left3A_1139 = vector.broadcast %shift_left3A_1138 : i32 to vector<100x128xi32>
    %shift_left3A_1140 = arith.shli %xor3A_1136, %shift_left3A_1139 : vector<100x128xi32>
    %shift_right_logical3A_1141 = arith.constant 6 : i32
    %shift_right_logical3A_1142 = vector.broadcast %shift_right_logical3A_1141 : i32 to vector<100x128xi32>
    %shift_right_logical3A_1143 = arith.shrui %xor3A_1136, %shift_right_logical3A_1142 : vector<100x128xi32>
    %or3A_1144 = arith.ori %shift_left3A_1140, %shift_right_logical3A_1143 : vector<100x128xi32>
    %xor3A_1145 = arith.xori %or3A_1144, %add3A_1137 : vector<100x128xi32>
    %add3A_1146 = arith.addi %add3A_1137, %xor3A_1145 : vector<100x128xi32>
    %shift_left3A_1147 = arith.constant 6 : i32
    %shift_left3A_1148 = vector.broadcast %shift_left3A_1147 : i32 to vector<100x128xi32>
    %shift_left3A_1149 = arith.shli %xor3A_1145, %shift_left3A_1148 : vector<100x128xi32>
    %shift_right_logical3A_1150 = arith.constant 26 : i32
    %shift_right_logical3A_1151 = vector.broadcast %shift_right_logical3A_1150 : i32 to vector<100x128xi32>
    %shift_right_logical3A_1152 = arith.shrui %xor3A_1145, %shift_right_logical3A_1151 : vector<100x128xi32>
    %or3A_1153 = arith.ori %shift_left3A_1149, %shift_right_logical3A_1152 : vector<100x128xi32>
    %xor3A_1154 = arith.xori %or3A_1153, %add3A_1146 : vector<100x128xi32>
    %add3A_1155 = vector.broadcast %xor3A_4 : i32 to vector<100x128xi32>
    %add3A_1156 = arith.addi %add3A_1146, %add3A_1155 : vector<100x128xi32>
    %add3A_1157 = vector.broadcast %get3A_0 : i32 to vector<100x128xi32>
    %add3A_1158 = arith.addi %xor3A_1154, %add3A_1157 : vector<100x128xi32>
    %add3A_1159 = arith.constant 5 : i32
    %add3A_1160 = vector.broadcast %add3A_1159 : i32 to vector<100x128xi32>
    %add3A_1161 = arith.addi %add3A_1158, %add3A_1160 : vector<100x128xi32>
    %xor3A_1162 = arith.xori %add3A_1156, %add3A_1161 : vector<100x128xi32>
    %shift_right_logical3A_1163 = arith.constant 9 : i32
    %shift_right_logical3A_1164 = vector.broadcast %shift_right_logical3A_1163 : i32 to vector<100x128xi32>
    %shift_right_logical3A_1165 = arith.shrui %xor3A_1162, %shift_right_logical3A_1164 : vector<100x128xi32>
    %or3A_1166 = arith.constant 1065353216 : i32
    %or3A_1167 = vector.broadcast %or3A_1166 : i32 to vector<100x128xi32>
    %or3A_1168 = arith.ori %shift_right_logical3A_1165, %or3A_1167 : vector<100x128xi32>
    %bitcast_convert_type3A_1169 = tpu.bitcast %or3A_1168 : vector<100x128xi32> -> vector<100x128xf32>
    %sub3A_1170 = arith.constant 1.000000e+00 : f32
    %sub3A_1171 = vector.broadcast %sub3A_1170 : f32 to vector<100x128xf32>
    %sub3A_1172 = arith.subf %bitcast_convert_type3A_1169, %sub3A_1171 : vector<100x128xf32>
    %sub3A_1173 = arith.constant 1.000000e+00 : f32
    %sub3A_1174 = arith.constant 1.17549435E-38 : f32
    %sub3A_1175 = arith.subf %sub3A_1173, %sub3A_1174 : f32
    %mul3A_1176 = vector.broadcast %sub3A_1175 : f32 to vector<100x128xf32>
    %mul3A_1177 = arith.mulf %sub3A_1172, %mul3A_1176 : vector<100x128xf32>
    %add3A_1178 = arith.constant 1.17549435E-38 : f32
    %add3A_1179 = vector.broadcast %add3A_1178 : f32 to vector<100x128xf32>
    %add3A_1180 = arith.addf %mul3A_1177, %add3A_1179 : vector<100x128xf32>
    %max3A_1181 = arith.constant 1.17549435E-38 : f32
    %max3A_1182 = vector.broadcast %max3A_1181 : f32 to vector<100x128xf32>
    %max3A_1183 = arith.maximumf %max3A_1182, %add3A_1180 : vector<100x128xf32>
    %log3A_1184 = math.log %max3A_1183 : vector<100x128xf32>
    %neg3A_1185 = arith.constant 0.000000e+00 : f32
    %neg3A_1186 = vector.broadcast %neg3A_1185 : f32 to vector<100x128xf32>
    %neg3A_1187 = arith.subf %neg3A_1186, %log3A_1184 : vector<100x128xf32>
    %log3A_1188 = math.log %neg3A_1187 : vector<100x128xf32>
    %neg3A_1189 = arith.constant 0.000000e+00 : f32
    %neg3A_1190 = vector.broadcast %neg3A_1189 : f32 to vector<100x128xf32>
    %neg3A_1191 = arith.subf %neg3A_1190, %log3A_1188 : vector<100x128xf32>
    %add3A_1192 = arith.addf %neg3A_1191, %concatenate3A : vector<100x128xf32>
    %slice3A_1193 = vector.extract_strided_slice %add3A_1192 {offsets = [0, 0], sizes = [50, 128], strides = [1, 1]} : vector<100x128xf32> to vector<50x128xf32>
    %slice3A_1194 = vector.extract_strided_slice %add3A_1192 {offsets = [50, 0], sizes = [50, 128], strides = [1, 1]} : vector<100x128xf32> to vector<50x128xf32>
    %reduce_max3A_1195 = arith.constant dense<0xFF800000> : vector<128xf32>
    %reduce_max3A_1196 = vector.multi_reduction <maximumf>, %slice3A_1193, %reduce_max3A_1195 [0] : vector<50x128xf32> to vector<128xf32>
    %broadcast_in_dim3A_1197 = vector.shape_cast %reduce_max3A_1196 : vector<128xf32> to vector<1x128xf32>
    %eq3A_1198 = vector.broadcast %broadcast_in_dim3A_1197 : vector<1x128xf32> to vector<50x128xf32>
    %eq3A_1199 = arith.cmpf oeq, %slice3A_1193, %eq3A_1198 : vector<50x128xf32>
    %jit3A_1200 = arith.constant 50 : i32
    %broadcast_in_dim3A_1201 = vector.broadcast %jit3A_1200 : i32 to vector<50x128xi32>
    %select_n3A_1202 = arith.select %eq3A_1199, %iota3A_28, %broadcast_in_dim3A_1201 : vector<50x128xi1>, vector<50x128xi32>
    %reduce_min3A_1203 = arith.constant dense<2147483647> : vector<128xi32>
    %reduce_min3A_1204 = vector.multi_reduction <minsi>, %select_n3A_1202, %reduce_min3A_1203 [0] : vector<50x128xi32> to vector<128xi32>
    %mul3A_1205 = arith.constant 4096 : i32
    %mul3A_1206 = vector.broadcast %mul3A_1205 : i32 to vector<128xi32>
    %mul3A_1207 = arith.muli %reduce_min3A_1204, %mul3A_1206 : vector<128xi32>
    %add3A_1208 = arith.addi %mul3A_1207, %add3A_27 : vector<128xi32>
    %swap3A_1209 = arith.constant 0 : index
    %swap3A_1210 = arith.constant 3 : index
    %swap3A_1211 = arith.constant 0 : index
    %swap3A_1212 = vector.load %arg3[%swap3A_1209, %swap3A_1210, %swap3A_1211] : memref<1x16x128xi32, #tpu.memory_space<vmem>>, vector<1x1x128xi32>
    %swap3A_1213 = vector.shape_cast %swap3A_1212 : vector<1x1x128xi32> to vector<128xi32>
    %swap3A_1214 = vector.shape_cast %add3A_1208 : vector<128xi32> to vector<1x1x128xi32>
    tpu.vector_store %arg3[%swap3A_1209, %swap3A_1210, %swap3A_1211], %swap3A_1214 {strides = array<i32>} : memref<1x16x128xi32, #tpu.memory_space<vmem>>, vector<1x1x128xi32>,
    %reduce_max3A_1215 = arith.constant dense<0xFF800000> : vector<128xf32>
    %reduce_max3A_1216 = vector.multi_reduction <maximumf>, %slice3A_1194, %reduce_max3A_1215 [0] : vector<50x128xf32> to vector<128xf32>
    %broadcast_in_dim3A_1217 = vector.shape_cast %reduce_max3A_1216 : vector<128xf32> to vector<1x128xf32>
    %eq3A_1218 = vector.broadcast %broadcast_in_dim3A_1217 : vector<1x128xf32> to vector<50x128xf32>
    %eq3A_1219 = arith.cmpf oeq, %slice3A_1194, %eq3A_1218 : vector<50x128xf32>
    %jit3A_1220 = arith.constant 50 : i32
    %broadcast_in_dim3A_1221 = vector.broadcast %jit3A_1220 : i32 to vector<50x128xi32>
    %select_n3A_1222 = arith.select %eq3A_1219, %iota3A_28, %broadcast_in_dim3A_1221 : vector<50x128xi1>, vector<50x128xi32>
    %reduce_min3A_1223 = arith.constant dense<2147483647> : vector<128xi32>
    %reduce_min3A_1224 = vector.multi_reduction <minsi>, %select_n3A_1222, %reduce_min3A_1223 [0] : vector<50x128xi32> to vector<128xi32>
    %mul3A_1225 = arith.constant 4096 : i32
    %mul3A_1226 = vector.broadcast %mul3A_1225 : i32 to vector<128xi32>
    %mul3A_1227 = arith.muli %reduce_min3A_1224, %mul3A_1226 : vector<128xi32>
    %add3A_1228 = arith.addi %mul3A_1227, %add3A_27 : vector<128xi32>
    %swap3A_1229 = arith.constant 0 : index
    %swap3A_1230 = arith.constant 11 : index
    %swap3A_1231 = arith.constant 0 : index
    %swap3A_1232 = vector.load %arg3[%swap3A_1229, %swap3A_1230, %swap3A_1231] : memref<1x16x128xi32, #tpu.memory_space<vmem>>, vector<1x1x128xi32>
    %swap3A_1233 = vector.shape_cast %swap3A_1232 : vector<1x1x128xi32> to vector<128xi32>
    %swap3A_1234 = vector.shape_cast %add3A_1228 : vector<128xi32> to vector<1x1x128xi32>
    tpu.vector_store %arg3[%swap3A_1229, %swap3A_1230, %swap3A_1231], %swap3A_1234 {strides = array<i32>} : memref<1x16x128xi32, #tpu.memory_space<vmem>>, vector<1x1x128xi32>,
    %add3A_1235 = arith.constant 8 : i32
    %add3A_1236 = vector.broadcast %add3A_1235 : i32 to vector<100x128xi32>
    %add3A_1237 = arith.addi %add3A_1236, %convert_element_type3A : vector<100x128xi32>
    %mul3A_1238 = arith.constant 16 : i32
    %mul3A_1239 = vector.broadcast %mul3A_1238 : i32 to vector<100x128xi32>
    %mul3A_1240 = arith.muli %add3A_12, %mul3A_1239 : vector<100x128xi32>
    %add3A_1241 = arith.addi %mul3A_1240, %add3A_1237 : vector<100x128xi32>
    %mul3A_1242 = arith.constant 50 : i32
    %mul3A_1243 = vector.broadcast %mul3A_1242 : i32 to vector<100x128xi32>
    %mul3A_1244 = arith.muli %add3A_1241, %mul3A_1243 : vector<100x128xi32>
    %add3A_1245 = arith.addi %mul3A_1244, %sub3A : vector<100x128xi32>
    %broadcast_in_dim3A_1246 = arith.constant 0 : i32
    %broadcast_in_dim3A_1247 = vector.broadcast %broadcast_in_dim3A_1246 : i32 to vector<100x128xi32>
    %add3A_1248 = vector.broadcast %get3A_0 : i32 to vector<100x128xi32>
    %add3A_1249 = arith.addi %broadcast_in_dim3A_1247, %add3A_1248 : vector<100x128xi32>
    %add3A_1250 = vector.broadcast %get3A_2 : i32 to vector<100x128xi32>
    %add3A_1251 = arith.addi %add3A_1245, %add3A_1250 : vector<100x128xi32>
    %add3A_1252 = arith.addi %add3A_1249, %add3A_1251 : vector<100x128xi32>
    %shift_left3A_1253 = arith.constant 13 : i32
    %shift_left3A_1254 = vector.broadcast %shift_left3A_1253 : i32 to vector<100x128xi32>
    %shift_left3A_1255 = arith.shli %add3A_1251, %shift_left3A_1254 : vector<100x128xi32>
    %shift_right_logical3A_1256 = arith.constant 19 : i32
    %shift_right_logical3A_1257 = vector.broadcast %shift_right_logical3A_1256 : i32 to vector<100x128xi32>
    %shift_right_logical3A_1258 = arith.shrui %add3A_1251, %shift_right_logical3A_1257 : vector<100x128xi32>
    %or3A_1259 = arith.ori %shift_left3A_1255, %shift_right_logical3A_1258 : vector<100x128xi32>
    %xor3A_1260 = arith.xori %or3A_1259, %add3A_1252 : vector<100x128xi32>
    %add3A_1261 = arith.addi %add3A_1252, %xor3A_1260 : vector<100x128xi32>
    %shift_left3A_1262 = arith.constant 15 : i32
    %shift_left3A_1263 = vector.broadcast %shift_left3A_1262 : i32 to vector<100x128xi32>
    %shift_left3A_1264 = arith.shli %xor3A_1260, %shift_left3A_1263 : vector<100x128xi32>
    %shift_right_logical3A_1265 = arith.constant 17 : i32
    %shift_right_logical3A_1266 = vector.broadcast %shift_right_logical3A_1265 : i32 to vector<100x128xi32>
    %shift_right_logical3A_1267 = arith.shrui %xor3A_1260, %shift_right_logical3A_1266 : vector<100x128xi32>
    %or3A_1268 = arith.ori %shift_left3A_1264, %shift_right_logical3A_1267 : vector<100x128xi32>
    %xor3A_1269 = arith.xori %or3A_1268, %add3A_1261 : vector<100x128xi32>
    %add3A_1270 = arith.addi %add3A_1261, %xor3A_1269 : vector<100x128xi32>
    %shift_left3A_1271 = arith.constant 26 : i32
    %shift_left3A_1272 = vector.broadcast %shift_left3A_1271 : i32 to vector<100x128xi32>
    %shift_left3A_1273 = arith.shli %xor3A_1269, %shift_left3A_1272 : vector<100x128xi32>
    %shift_right_logical3A_1274 = arith.constant 6 : i32
    %shift_right_logical3A_1275 = vector.broadcast %shift_right_logical3A_1274 : i32 to vector<100x128xi32>
    %shift_right_logical3A_1276 = arith.shrui %xor3A_1269, %shift_right_logical3A_1275 : vector<100x128xi32>
    %or3A_1277 = arith.ori %shift_left3A_1273, %shift_right_logical3A_1276 : vector<100x128xi32>
    %xor3A_1278 = arith.xori %or3A_1277, %add3A_1270 : vector<100x128xi32>
    %add3A_1279 = arith.addi %add3A_1270, %xor3A_1278 : vector<100x128xi32>
    %shift_left3A_1280 = arith.constant 6 : i32
    %shift_left3A_1281 = vector.broadcast %shift_left3A_1280 : i32 to vector<100x128xi32>
    %shift_left3A_1282 = arith.shli %xor3A_1278, %shift_left3A_1281 : vector<100x128xi32>
    %shift_right_logical3A_1283 = arith.constant 26 : i32
    %shift_right_logical3A_1284 = vector.broadcast %shift_right_logical3A_1283 : i32 to vector<100x128xi32>
    %shift_right_logical3A_1285 = arith.shrui %xor3A_1278, %shift_right_logical3A_1284 : vector<100x128xi32>
    %or3A_1286 = arith.ori %shift_left3A_1282, %shift_right_logical3A_1285 : vector<100x128xi32>
    %xor3A_1287 = arith.xori %or3A_1286, %add3A_1279 : vector<100x128xi32>
    %add3A_1288 = vector.broadcast %get3A_2 : i32 to vector<100x128xi32>
    %add3A_1289 = arith.addi %add3A_1279, %add3A_1288 : vector<100x128xi32>
    %add3A_1290 = vector.broadcast %xor3A_4 : i32 to vector<100x128xi32>
    %add3A_1291 = arith.addi %xor3A_1287, %add3A_1290 : vector<100x128xi32>
    %add3A_1292 = arith.constant 1 : i32
    %add3A_1293 = vector.broadcast %add3A_1292 : i32 to vector<100x128xi32>
    %add3A_1294 = arith.addi %add3A_1291, %add3A_1293 : vector<100x128xi32>
    %add3A_1295 = arith.addi %add3A_1289, %add3A_1294 : vector<100x128xi32>
    %shift_left3A_1296 = arith.constant 17 : i32
    %shift_left3A_1297 = vector.broadcast %shift_left3A_1296 : i32 to vector<100x128xi32>
    %shift_left3A_1298 = arith.shli %add3A_1294, %shift_left3A_1297 : vector<100x128xi32>
    %shift_right_logical3A_1299 = arith.constant 15 : i32
    %shift_right_logical3A_1300 = vector.broadcast %shift_right_logical3A_1299 : i32 to vector<100x128xi32>
    %shift_right_logical3A_1301 = arith.shrui %add3A_1294, %shift_right_logical3A_1300 : vector<100x128xi32>
    %or3A_1302 = arith.ori %shift_left3A_1298, %shift_right_logical3A_1301 : vector<100x128xi32>
    %xor3A_1303 = arith.xori %or3A_1302, %add3A_1295 : vector<100x128xi32>
    %add3A_1304 = arith.addi %add3A_1295, %xor3A_1303 : vector<100x128xi32>
    %shift_left3A_1305 = arith.constant 29 : i32
    %shift_left3A_1306 = vector.broadcast %shift_left3A_1305 : i32 to vector<100x128xi32>
    %shift_left3A_1307 = arith.shli %xor3A_1303, %shift_left3A_1306 : vector<100x128xi32>
    %shift_right_logical3A_1308 = arith.constant 3 : i32
    %shift_right_logical3A_1309 = vector.broadcast %shift_right_logical3A_1308 : i32 to vector<100x128xi32>
    %shift_right_logical3A_1310 = arith.shrui %xor3A_1303, %shift_right_logical3A_1309 : vector<100x128xi32>
    %or3A_1311 = arith.ori %shift_left3A_1307, %shift_right_logical3A_1310 : vector<100x128xi32>
    %xor3A_1312 = arith.xori %or3A_1311, %add3A_1304 : vector<100x128xi32>
    %add3A_1313 = arith.addi %add3A_1304, %xor3A_1312 : vector<100x128xi32>
    %shift_left3A_1314 = arith.constant 16 : i32
    %shift_left3A_1315 = vector.broadcast %shift_left3A_1314 : i32 to vector<100x128xi32>
    %shift_left3A_1316 = arith.shli %xor3A_1312, %shift_left3A_1315 : vector<100x128xi32>
    %shift_right_logical3A_1317 = arith.constant 16 : i32
    %shift_right_logical3A_1318 = vector.broadcast %shift_right_logical3A_1317 : i32 to vector<100x128xi32>
    %shift_right_logical3A_1319 = arith.shrui %xor3A_1312, %shift_right_logical3A_1318 : vector<100x128xi32>
    %or3A_1320 = arith.ori %shift_left3A_1316, %shift_right_logical3A_1319 : vector<100x128xi32>
    %xor3A_1321 = arith.xori %or3A_1320, %add3A_1313 : vector<100x128xi32>
    %add3A_1322 = arith.addi %add3A_1313, %xor3A_1321 : vector<100x128xi32>
    %shift_left3A_1323 = arith.constant 24 : i32
    %shift_left3A_1324 = vector.broadcast %shift_left3A_1323 : i32 to vector<100x128xi32>
    %shift_left3A_1325 = arith.shli %xor3A_1321, %shift_left3A_1324 : vector<100x128xi32>
    %shift_right_logical3A_1326 = arith.constant 8 : i32
    %shift_right_logical3A_1327 = vector.broadcast %shift_right_logical3A_1326 : i32 to vector<100x128xi32>
    %shift_right_logical3A_1328 = arith.shrui %xor3A_1321, %shift_right_logical3A_1327 : vector<100x128xi32>
    %or3A_1329 = arith.ori %shift_left3A_1325, %shift_right_logical3A_1328 : vector<100x128xi32>
    %xor3A_1330 = arith.xori %or3A_1329, %add3A_1322 : vector<100x128xi32>
    %add3A_1331 = vector.broadcast %xor3A_4 : i32 to vector<100x128xi32>
    %add3A_1332 = arith.addi %add3A_1322, %add3A_1331 : vector<100x128xi32>
    %add3A_1333 = vector.broadcast %get3A_0 : i32 to vector<100x128xi32>
    %add3A_1334 = arith.addi %xor3A_1330, %add3A_1333 : vector<100x128xi32>
    %add3A_1335 = arith.constant 2 : i32
    %add3A_1336 = vector.broadcast %add3A_1335 : i32 to vector<100x128xi32>
    %add3A_1337 = arith.addi %add3A_1334, %add3A_1336 : vector<100x128xi32>
    %add3A_1338 = arith.addi %add3A_1332, %add3A_1337 : vector<100x128xi32>
    %shift_left3A_1339 = arith.constant 13 : i32
    %shift_left3A_1340 = vector.broadcast %shift_left3A_1339 : i32 to vector<100x128xi32>
    %shift_left3A_1341 = arith.shli %add3A_1337, %shift_left3A_1340 : vector<100x128xi32>
    %shift_right_logical3A_1342 = arith.constant 19 : i32
    %shift_right_logical3A_1343 = vector.broadcast %shift_right_logical3A_1342 : i32 to vector<100x128xi32>
    %shift_right_logical3A_1344 = arith.shrui %add3A_1337, %shift_right_logical3A_1343 : vector<100x128xi32>
    %or3A_1345 = arith.ori %shift_left3A_1341, %shift_right_logical3A_1344 : vector<100x128xi32>
    %xor3A_1346 = arith.xori %or3A_1345, %add3A_1338 : vector<100x128xi32>
    %add3A_1347 = arith.addi %add3A_1338, %xor3A_1346 : vector<100x128xi32>
    %shift_left3A_1348 = arith.constant 15 : i32
    %shift_left3A_1349 = vector.broadcast %shift_left3A_1348 : i32 to vector<100x128xi32>
    %shift_left3A_1350 = arith.shli %xor3A_1346, %shift_left3A_1349 : vector<100x128xi32>
    %shift_right_logical3A_1351 = arith.constant 17 : i32
    %shift_right_logical3A_1352 = vector.broadcast %shift_right_logical3A_1351 : i32 to vector<100x128xi32>
    %shift_right_logical3A_1353 = arith.shrui %xor3A_1346, %shift_right_logical3A_1352 : vector<100x128xi32>
    %or3A_1354 = arith.ori %shift_left3A_1350, %shift_right_logical3A_1353 : vector<100x128xi32>
    %xor3A_1355 = arith.xori %or3A_1354, %add3A_1347 : vector<100x128xi32>
    %add3A_1356 = arith.addi %add3A_1347, %xor3A_1355 : vector<100x128xi32>
    %shift_left3A_1357 = arith.constant 26 : i32
    %shift_left3A_1358 = vector.broadcast %shift_left3A_1357 : i32 to vector<100x128xi32>
    %shift_left3A_1359 = arith.shli %xor3A_1355, %shift_left3A_1358 : vector<100x128xi32>
    %shift_right_logical3A_1360 = arith.constant 6 : i32
    %shift_right_logical3A_1361 = vector.broadcast %shift_right_logical3A_1360 : i32 to vector<100x128xi32>
    %shift_right_logical3A_1362 = arith.shrui %xor3A_1355, %shift_right_logical3A_1361 : vector<100x128xi32>
    %or3A_1363 = arith.ori %shift_left3A_1359, %shift_right_logical3A_1362 : vector<100x128xi32>
    %xor3A_1364 = arith.xori %or3A_1363, %add3A_1356 : vector<100x128xi32>
    %add3A_1365 = arith.addi %add3A_1356, %xor3A_1364 : vector<100x128xi32>
    %shift_left3A_1366 = arith.constant 6 : i32
    %shift_left3A_1367 = vector.broadcast %shift_left3A_1366 : i32 to vector<100x128xi32>
    %shift_left3A_1368 = arith.shli %xor3A_1364, %shift_left3A_1367 : vector<100x128xi32>
    %shift_right_logical3A_1369 = arith.constant 26 : i32
    %shift_right_logical3A_1370 = vector.broadcast %shift_right_logical3A_1369 : i32 to vector<100x128xi32>
    %shift_right_logical3A_1371 = arith.shrui %xor3A_1364, %shift_right_logical3A_1370 : vector<100x128xi32>
    %or3A_1372 = arith.ori %shift_left3A_1368, %shift_right_logical3A_1371 : vector<100x128xi32>
    %xor3A_1373 = arith.xori %or3A_1372, %add3A_1365 : vector<100x128xi32>
    %add3A_1374 = vector.broadcast %get3A_0 : i32 to vector<100x128xi32>
    %add3A_1375 = arith.addi %add3A_1365, %add3A_1374 : vector<100x128xi32>
    %add3A_1376 = vector.broadcast %get3A_2 : i32 to vector<100x128xi32>
    %add3A_1377 = arith.addi %xor3A_1373, %add3A_1376 : vector<100x128xi32>
    %add3A_1378 = arith.constant 3 : i32
    %add3A_1379 = vector.broadcast %add3A_1378 : i32 to vector<100x128xi32>
    %add3A_1380 = arith.addi %add3A_1377, %add3A_1379 : vector<100x128xi32>
    %add3A_1381 = arith.addi %add3A_1375, %add3A_1380 : vector<100x128xi32>
    %shift_left3A_1382 = arith.constant 17 : i32
    %shift_left3A_1383 = vector.broadcast %shift_left3A_1382 : i32 to vector<100x128xi32>
    %shift_left3A_1384 = arith.shli %add3A_1380, %shift_left3A_1383 : vector<100x128xi32>
    %shift_right_logical3A_1385 = arith.constant 15 : i32
    %shift_right_logical3A_1386 = vector.broadcast %shift_right_logical3A_1385 : i32 to vector<100x128xi32>
    %shift_right_logical3A_1387 = arith.shrui %add3A_1380, %shift_right_logical3A_1386 : vector<100x128xi32>
    %or3A_1388 = arith.ori %shift_left3A_1384, %shift_right_logical3A_1387 : vector<100x128xi32>
    %xor3A_1389 = arith.xori %or3A_1388, %add3A_1381 : vector<100x128xi32>
    %add3A_1390 = arith.addi %add3A_1381, %xor3A_1389 : vector<100x128xi32>
    %shift_left3A_1391 = arith.constant 29 : i32
    %shift_left3A_1392 = vector.broadcast %shift_left3A_1391 : i32 to vector<100x128xi32>
    %shift_left3A_1393 = arith.shli %xor3A_1389, %shift_left3A_1392 : vector<100x128xi32>
    %shift_right_logical3A_1394 = arith.constant 3 : i32
    %shift_right_logical3A_1395 = vector.broadcast %shift_right_logical3A_1394 : i32 to vector<100x128xi32>
    %shift_right_logical3A_1396 = arith.shrui %xor3A_1389, %shift_right_logical3A_1395 : vector<100x128xi32>
    %or3A_1397 = arith.ori %shift_left3A_1393, %shift_right_logical3A_1396 : vector<100x128xi32>
    %xor3A_1398 = arith.xori %or3A_1397, %add3A_1390 : vector<100x128xi32>
    %add3A_1399 = arith.addi %add3A_1390, %xor3A_1398 : vector<100x128xi32>
    %shift_left3A_1400 = arith.constant 16 : i32
    %shift_left3A_1401 = vector.broadcast %shift_left3A_1400 : i32 to vector<100x128xi32>
    %shift_left3A_1402 = arith.shli %xor3A_1398, %shift_left3A_1401 : vector<100x128xi32>
    %shift_right_logical3A_1403 = arith.constant 16 : i32
    %shift_right_logical3A_1404 = vector.broadcast %shift_right_logical3A_1403 : i32 to vector<100x128xi32>
    %shift_right_logical3A_1405 = arith.shrui %xor3A_1398, %shift_right_logical3A_1404 : vector<100x128xi32>
    %or3A_1406 = arith.ori %shift_left3A_1402, %shift_right_logical3A_1405 : vector<100x128xi32>
    %xor3A_1407 = arith.xori %or3A_1406, %add3A_1399 : vector<100x128xi32>
    %add3A_1408 = arith.addi %add3A_1399, %xor3A_1407 : vector<100x128xi32>
    %shift_left3A_1409 = arith.constant 24 : i32
    %shift_left3A_1410 = vector.broadcast %shift_left3A_1409 : i32 to vector<100x128xi32>
    %shift_left3A_1411 = arith.shli %xor3A_1407, %shift_left3A_1410 : vector<100x128xi32>
    %shift_right_logical3A_1412 = arith.constant 8 : i32
    %shift_right_logical3A_1413 = vector.broadcast %shift_right_logical3A_1412 : i32 to vector<100x128xi32>
    %shift_right_logical3A_1414 = arith.shrui %xor3A_1407, %shift_right_logical3A_1413 : vector<100x128xi32>
    %or3A_1415 = arith.ori %shift_left3A_1411, %shift_right_logical3A_1414 : vector<100x128xi32>
    %xor3A_1416 = arith.xori %or3A_1415, %add3A_1408 : vector<100x128xi32>
    %add3A_1417 = vector.broadcast %get3A_2 : i32 to vector<100x128xi32>
    %add3A_1418 = arith.addi %add3A_1408, %add3A_1417 : vector<100x128xi32>
    %add3A_1419 = vector.broadcast %xor3A_4 : i32 to vector<100x128xi32>
    %add3A_1420 = arith.addi %xor3A_1416, %add3A_1419 : vector<100x128xi32>
    %add3A_1421 = arith.constant 4 : i32
    %add3A_1422 = vector.broadcast %add3A_1421 : i32 to vector<100x128xi32>
    %add3A_1423 = arith.addi %add3A_1420, %add3A_1422 : vector<100x128xi32>
    %add3A_1424 = arith.addi %add3A_1418, %add3A_1423 : vector<100x128xi32>
    %shift_left3A_1425 = arith.constant 13 : i32
    %shift_left3A_1426 = vector.broadcast %shift_left3A_1425 : i32 to vector<100x128xi32>
    %shift_left3A_1427 = arith.shli %add3A_1423, %shift_left3A_1426 : vector<100x128xi32>
    %shift_right_logical3A_1428 = arith.constant 19 : i32
    %shift_right_logical3A_1429 = vector.broadcast %shift_right_logical3A_1428 : i32 to vector<100x128xi32>
    %shift_right_logical3A_1430 = arith.shrui %add3A_1423, %shift_right_logical3A_1429 : vector<100x128xi32>
    %or3A_1431 = arith.ori %shift_left3A_1427, %shift_right_logical3A_1430 : vector<100x128xi32>
    %xor3A_1432 = arith.xori %or3A_1431, %add3A_1424 : vector<100x128xi32>
    %add3A_1433 = arith.addi %add3A_1424, %xor3A_1432 : vector<100x128xi32>
    %shift_left3A_1434 = arith.constant 15 : i32
    %shift_left3A_1435 = vector.broadcast %shift_left3A_1434 : i32 to vector<100x128xi32>
    %shift_left3A_1436 = arith.shli %xor3A_1432, %shift_left3A_1435 : vector<100x128xi32>
    %shift_right_logical3A_1437 = arith.constant 17 : i32
    %shift_right_logical3A_1438 = vector.broadcast %shift_right_logical3A_1437 : i32 to vector<100x128xi32>
    %shift_right_logical3A_1439 = arith.shrui %xor3A_1432, %shift_right_logical3A_1438 : vector<100x128xi32>
    %or3A_1440 = arith.ori %shift_left3A_1436, %shift_right_logical3A_1439 : vector<100x128xi32>
    %xor3A_1441 = arith.xori %or3A_1440, %add3A_1433 : vector<100x128xi32>
    %add3A_1442 = arith.addi %add3A_1433, %xor3A_1441 : vector<100x128xi32>
    %shift_left3A_1443 = arith.constant 26 : i32
    %shift_left3A_1444 = vector.broadcast %shift_left3A_1443 : i32 to vector<100x128xi32>
    %shift_left3A_1445 = arith.shli %xor3A_1441, %shift_left3A_1444 : vector<100x128xi32>
    %shift_right_logical3A_1446 = arith.constant 6 : i32
    %shift_right_logical3A_1447 = vector.broadcast %shift_right_logical3A_1446 : i32 to vector<100x128xi32>
    %shift_right_logical3A_1448 = arith.shrui %xor3A_1441, %shift_right_logical3A_1447 : vector<100x128xi32>
    %or3A_1449 = arith.ori %shift_left3A_1445, %shift_right_logical3A_1448 : vector<100x128xi32>
    %xor3A_1450 = arith.xori %or3A_1449, %add3A_1442 : vector<100x128xi32>
    %add3A_1451 = arith.addi %add3A_1442, %xor3A_1450 : vector<100x128xi32>
    %shift_left3A_1452 = arith.constant 6 : i32
    %shift_left3A_1453 = vector.broadcast %shift_left3A_1452 : i32 to vector<100x128xi32>
    %shift_left3A_1454 = arith.shli %xor3A_1450, %shift_left3A_1453 : vector<100x128xi32>
    %shift_right_logical3A_1455 = arith.constant 26 : i32
    %shift_right_logical3A_1456 = vector.broadcast %shift_right_logical3A_1455 : i32 to vector<100x128xi32>
    %shift_right_logical3A_1457 = arith.shrui %xor3A_1450, %shift_right_logical3A_1456 : vector<100x128xi32>
    %or3A_1458 = arith.ori %shift_left3A_1454, %shift_right_logical3A_1457 : vector<100x128xi32>
    %xor3A_1459 = arith.xori %or3A_1458, %add3A_1451 : vector<100x128xi32>
    %add3A_1460 = vector.broadcast %xor3A_4 : i32 to vector<100x128xi32>
    %add3A_1461 = arith.addi %add3A_1451, %add3A_1460 : vector<100x128xi32>
    %add3A_1462 = vector.broadcast %get3A_0 : i32 to vector<100x128xi32>
    %add3A_1463 = arith.addi %xor3A_1459, %add3A_1462 : vector<100x128xi32>
    %add3A_1464 = arith.constant 5 : i32
    %add3A_1465 = vector.broadcast %add3A_1464 : i32 to vector<100x128xi32>
    %add3A_1466 = arith.addi %add3A_1463, %add3A_1465 : vector<100x128xi32>
    %xor3A_1467 = arith.xori %add3A_1461, %add3A_1466 : vector<100x128xi32>
    %shift_right_logical3A_1468 = arith.constant 9 : i32
    %shift_right_logical3A_1469 = vector.broadcast %shift_right_logical3A_1468 : i32 to vector<100x128xi32>
    %shift_right_logical3A_1470 = arith.shrui %xor3A_1467, %shift_right_logical3A_1469 : vector<100x128xi32>
    %or3A_1471 = arith.constant 1065353216 : i32
    %or3A_1472 = vector.broadcast %or3A_1471 : i32 to vector<100x128xi32>
    %or3A_1473 = arith.ori %shift_right_logical3A_1470, %or3A_1472 : vector<100x128xi32>
    %bitcast_convert_type3A_1474 = tpu.bitcast %or3A_1473 : vector<100x128xi32> -> vector<100x128xf32>
    %sub3A_1475 = arith.constant 1.000000e+00 : f32
    %sub3A_1476 = vector.broadcast %sub3A_1475 : f32 to vector<100x128xf32>
    %sub3A_1477 = arith.subf %bitcast_convert_type3A_1474, %sub3A_1476 : vector<100x128xf32>
    %sub3A_1478 = arith.constant 1.000000e+00 : f32
    %sub3A_1479 = arith.constant 1.17549435E-38 : f32
    %sub3A_1480 = arith.subf %sub3A_1478, %sub3A_1479 : f32
    %mul3A_1481 = vector.broadcast %sub3A_1480 : f32 to vector<100x128xf32>
    %mul3A_1482 = arith.mulf %sub3A_1477, %mul3A_1481 : vector<100x128xf32>
    %add3A_1483 = arith.constant 1.17549435E-38 : f32
    %add3A_1484 = vector.broadcast %add3A_1483 : f32 to vector<100x128xf32>
    %add3A_1485 = arith.addf %mul3A_1482, %add3A_1484 : vector<100x128xf32>
    %max3A_1486 = arith.constant 1.17549435E-38 : f32
    %max3A_1487 = vector.broadcast %max3A_1486 : f32 to vector<100x128xf32>
    %max3A_1488 = arith.maximumf %max3A_1487, %add3A_1485 : vector<100x128xf32>
    %log3A_1489 = math.log %max3A_1488 : vector<100x128xf32>
    %neg3A_1490 = arith.constant 0.000000e+00 : f32
    %neg3A_1491 = vector.broadcast %neg3A_1490 : f32 to vector<100x128xf32>
    %neg3A_1492 = arith.subf %neg3A_1491, %log3A_1489 : vector<100x128xf32>
    %log3A_1493 = math.log %neg3A_1492 : vector<100x128xf32>
    %neg3A_1494 = arith.constant 0.000000e+00 : f32
    %neg3A_1495 = vector.broadcast %neg3A_1494 : f32 to vector<100x128xf32>
    %neg3A_1496 = arith.subf %neg3A_1495, %log3A_1493 : vector<100x128xf32>
    %add3A_1497 = arith.addf %neg3A_1496, %concatenate3A : vector<100x128xf32>
    %slice3A_1498 = vector.extract_strided_slice %add3A_1497 {offsets = [0, 0], sizes = [50, 128], strides = [1, 1]} : vector<100x128xf32> to vector<50x128xf32>
    %slice3A_1499 = vector.extract_strided_slice %add3A_1497 {offsets = [50, 0], sizes = [50, 128], strides = [1, 1]} : vector<100x128xf32> to vector<50x128xf32>
    %reduce_max3A_1500 = arith.constant dense<0xFF800000> : vector<128xf32>
    %reduce_max3A_1501 = vector.multi_reduction <maximumf>, %slice3A_1498, %reduce_max3A_1500 [0] : vector<50x128xf32> to vector<128xf32>
    %broadcast_in_dim3A_1502 = vector.shape_cast %reduce_max3A_1501 : vector<128xf32> to vector<1x128xf32>
    %eq3A_1503 = vector.broadcast %broadcast_in_dim3A_1502 : vector<1x128xf32> to vector<50x128xf32>
    %eq3A_1504 = arith.cmpf oeq, %slice3A_1498, %eq3A_1503 : vector<50x128xf32>
    %jit3A_1505 = arith.constant 50 : i32
    %broadcast_in_dim3A_1506 = vector.broadcast %jit3A_1505 : i32 to vector<50x128xi32>
    %select_n3A_1507 = arith.select %eq3A_1504, %iota3A_28, %broadcast_in_dim3A_1506 : vector<50x128xi1>, vector<50x128xi32>
    %reduce_min3A_1508 = arith.constant dense<2147483647> : vector<128xi32>
    %reduce_min3A_1509 = vector.multi_reduction <minsi>, %select_n3A_1507, %reduce_min3A_1508 [0] : vector<50x128xi32> to vector<128xi32>
    %mul3A_1510 = arith.constant 4096 : i32
    %mul3A_1511 = vector.broadcast %mul3A_1510 : i32 to vector<128xi32>
    %mul3A_1512 = arith.muli %reduce_min3A_1509, %mul3A_1511 : vector<128xi32>
    %add3A_1513 = arith.addi %mul3A_1512, %add3A_27 : vector<128xi32>
    %swap3A_1514 = arith.constant 0 : index
    %swap3A_1515 = arith.constant 4 : index
    %swap3A_1516 = arith.constant 0 : index
    %swap3A_1517 = vector.load %arg3[%swap3A_1514, %swap3A_1515, %swap3A_1516] : memref<1x16x128xi32, #tpu.memory_space<vmem>>, vector<1x1x128xi32>
    %swap3A_1518 = vector.shape_cast %swap3A_1517 : vector<1x1x128xi32> to vector<128xi32>
    %swap3A_1519 = vector.shape_cast %add3A_1513 : vector<128xi32> to vector<1x1x128xi32>
    tpu.vector_store %arg3[%swap3A_1514, %swap3A_1515, %swap3A_1516], %swap3A_1519 {strides = array<i32>} : memref<1x16x128xi32, #tpu.memory_space<vmem>>, vector<1x1x128xi32>,
    %reduce_max3A_1520 = arith.constant dense<0xFF800000> : vector<128xf32>
    %reduce_max3A_1521 = vector.multi_reduction <maximumf>, %slice3A_1499, %reduce_max3A_1520 [0] : vector<50x128xf32> to vector<128xf32>
    %broadcast_in_dim3A_1522 = vector.shape_cast %reduce_max3A_1521 : vector<128xf32> to vector<1x128xf32>
    %eq3A_1523 = vector.broadcast %broadcast_in_dim3A_1522 : vector<1x128xf32> to vector<50x128xf32>
    %eq3A_1524 = arith.cmpf oeq, %slice3A_1499, %eq3A_1523 : vector<50x128xf32>
    %jit3A_1525 = arith.constant 50 : i32
    %broadcast_in_dim3A_1526 = vector.broadcast %jit3A_1525 : i32 to vector<50x128xi32>
    %select_n3A_1527 = arith.select %eq3A_1524, %iota3A_28, %broadcast_in_dim3A_1526 : vector<50x128xi1>, vector<50x128xi32>
    %reduce_min3A_1528 = arith.constant dense<2147483647> : vector<128xi32>
    %reduce_min3A_1529 = vector.multi_reduction <minsi>, %select_n3A_1527, %reduce_min3A_1528 [0] : vector<50x128xi32> to vector<128xi32>
    %mul3A_1530 = arith.constant 4096 : i32
    %mul3A_1531 = vector.broadcast %mul3A_1530 : i32 to vector<128xi32>
    %mul3A_1532 = arith.muli %reduce_min3A_1529, %mul3A_1531 : vector<128xi32>
    %add3A_1533 = arith.addi %mul3A_1532, %add3A_27 : vector<128xi32>
    %swap3A_1534 = arith.constant 0 : index
    %swap3A_1535 = arith.constant 12 : index
    %swap3A_1536 = arith.constant 0 : index
    %swap3A_1537 = vector.load %arg3[%swap3A_1534, %swap3A_1535, %swap3A_1536] : memref<1x16x128xi32, #tpu.memory_space<vmem>>, vector<1x1x128xi32>
    %swap3A_1538 = vector.shape_cast %swap3A_1537 : vector<1x1x128xi32> to vector<128xi32>
    %swap3A_1539 = vector.shape_cast %add3A_1533 : vector<128xi32> to vector<1x1x128xi32>
    tpu.vector_store %arg3[%swap3A_1534, %swap3A_1535, %swap3A_1536], %swap3A_1539 {strides = array<i32>} : memref<1x16x128xi32, #tpu.memory_space<vmem>>, vector<1x1x128xi32>,
    %add3A_1540 = arith.constant 10 : i32
    %add3A_1541 = vector.broadcast %add3A_1540 : i32 to vector<100x128xi32>
    %add3A_1542 = arith.addi %add3A_1541, %convert_element_type3A : vector<100x128xi32>
    %mul3A_1543 = arith.constant 16 : i32
    %mul3A_1544 = vector.broadcast %mul3A_1543 : i32 to vector<100x128xi32>
    %mul3A_1545 = arith.muli %add3A_12, %mul3A_1544 : vector<100x128xi32>
    %add3A_1546 = arith.addi %mul3A_1545, %add3A_1542 : vector<100x128xi32>
    %mul3A_1547 = arith.constant 50 : i32
    %mul3A_1548 = vector.broadcast %mul3A_1547 : i32 to vector<100x128xi32>
    %mul3A_1549 = arith.muli %add3A_1546, %mul3A_1548 : vector<100x128xi32>
    %add3A_1550 = arith.addi %mul3A_1549, %sub3A : vector<100x128xi32>
    %broadcast_in_dim3A_1551 = arith.constant 0 : i32
    %broadcast_in_dim3A_1552 = vector.broadcast %broadcast_in_dim3A_1551 : i32 to vector<100x128xi32>
    %add3A_1553 = vector.broadcast %get3A_0 : i32 to vector<100x128xi32>
    %add3A_1554 = arith.addi %broadcast_in_dim3A_1552, %add3A_1553 : vector<100x128xi32>
    %add3A_1555 = vector.broadcast %get3A_2 : i32 to vector<100x128xi32>
    %add3A_1556 = arith.addi %add3A_1550, %add3A_1555 : vector<100x128xi32>
    %add3A_1557 = arith.addi %add3A_1554, %add3A_1556 : vector<100x128xi32>
    %shift_left3A_1558 = arith.constant 13 : i32
    %shift_left3A_1559 = vector.broadcast %shift_left3A_1558 : i32 to vector<100x128xi32>
    %shift_left3A_1560 = arith.shli %add3A_1556, %shift_left3A_1559 : vector<100x128xi32>
    %shift_right_logical3A_1561 = arith.constant 19 : i32
    %shift_right_logical3A_1562 = vector.broadcast %shift_right_logical3A_1561 : i32 to vector<100x128xi32>
    %shift_right_logical3A_1563 = arith.shrui %add3A_1556, %shift_right_logical3A_1562 : vector<100x128xi32>
    %or3A_1564 = arith.ori %shift_left3A_1560, %shift_right_logical3A_1563 : vector<100x128xi32>
    %xor3A_1565 = arith.xori %or3A_1564, %add3A_1557 : vector<100x128xi32>
    %add3A_1566 = arith.addi %add3A_1557, %xor3A_1565 : vector<100x128xi32>
    %shift_left3A_1567 = arith.constant 15 : i32
    %shift_left3A_1568 = vector.broadcast %shift_left3A_1567 : i32 to vector<100x128xi32>
    %shift_left3A_1569 = arith.shli %xor3A_1565, %shift_left3A_1568 : vector<100x128xi32>
    %shift_right_logical3A_1570 = arith.constant 17 : i32
    %shift_right_logical3A_1571 = vector.broadcast %shift_right_logical3A_1570 : i32 to vector<100x128xi32>
    %shift_right_logical3A_1572 = arith.shrui %xor3A_1565, %shift_right_logical3A_1571 : vector<100x128xi32>
    %or3A_1573 = arith.ori %shift_left3A_1569, %shift_right_logical3A_1572 : vector<100x128xi32>
    %xor3A_1574 = arith.xori %or3A_1573, %add3A_1566 : vector<100x128xi32>
    %add3A_1575 = arith.addi %add3A_1566, %xor3A_1574 : vector<100x128xi32>
    %shift_left3A_1576 = arith.constant 26 : i32
    %shift_left3A_1577 = vector.broadcast %shift_left3A_1576 : i32 to vector<100x128xi32>
    %shift_left3A_1578 = arith.shli %xor3A_1574, %shift_left3A_1577 : vector<100x128xi32>
    %shift_right_logical3A_1579 = arith.constant 6 : i32
    %shift_right_logical3A_1580 = vector.broadcast %shift_right_logical3A_1579 : i32 to vector<100x128xi32>
    %shift_right_logical3A_1581 = arith.shrui %xor3A_1574, %shift_right_logical3A_1580 : vector<100x128xi32>
    %or3A_1582 = arith.ori %shift_left3A_1578, %shift_right_logical3A_1581 : vector<100x128xi32>
    %xor3A_1583 = arith.xori %or3A_1582, %add3A_1575 : vector<100x128xi32>
    %add3A_1584 = arith.addi %add3A_1575, %xor3A_1583 : vector<100x128xi32>
    %shift_left3A_1585 = arith.constant 6 : i32
    %shift_left3A_1586 = vector.broadcast %shift_left3A_1585 : i32 to vector<100x128xi32>
    %shift_left3A_1587 = arith.shli %xor3A_1583, %shift_left3A_1586 : vector<100x128xi32>
    %shift_right_logical3A_1588 = arith.constant 26 : i32
    %shift_right_logical3A_1589 = vector.broadcast %shift_right_logical3A_1588 : i32 to vector<100x128xi32>
    %shift_right_logical3A_1590 = arith.shrui %xor3A_1583, %shift_right_logical3A_1589 : vector<100x128xi32>
    %or3A_1591 = arith.ori %shift_left3A_1587, %shift_right_logical3A_1590 : vector<100x128xi32>
    %xor3A_1592 = arith.xori %or3A_1591, %add3A_1584 : vector<100x128xi32>
    %add3A_1593 = vector.broadcast %get3A_2 : i32 to vector<100x128xi32>
    %add3A_1594 = arith.addi %add3A_1584, %add3A_1593 : vector<100x128xi32>
    %add3A_1595 = vector.broadcast %xor3A_4 : i32 to vector<100x128xi32>
    %add3A_1596 = arith.addi %xor3A_1592, %add3A_1595 : vector<100x128xi32>
    %add3A_1597 = arith.constant 1 : i32
    %add3A_1598 = vector.broadcast %add3A_1597 : i32 to vector<100x128xi32>
    %add3A_1599 = arith.addi %add3A_1596, %add3A_1598 : vector<100x128xi32>
    %add3A_1600 = arith.addi %add3A_1594, %add3A_1599 : vector<100x128xi32>
    %shift_left3A_1601 = arith.constant 17 : i32
    %shift_left3A_1602 = vector.broadcast %shift_left3A_1601 : i32 to vector<100x128xi32>
    %shift_left3A_1603 = arith.shli %add3A_1599, %shift_left3A_1602 : vector<100x128xi32>
    %shift_right_logical3A_1604 = arith.constant 15 : i32
    %shift_right_logical3A_1605 = vector.broadcast %shift_right_logical3A_1604 : i32 to vector<100x128xi32>
    %shift_right_logical3A_1606 = arith.shrui %add3A_1599, %shift_right_logical3A_1605 : vector<100x128xi32>
    %or3A_1607 = arith.ori %shift_left3A_1603, %shift_right_logical3A_1606 : vector<100x128xi32>
    %xor3A_1608 = arith.xori %or3A_1607, %add3A_1600 : vector<100x128xi32>
    %add3A_1609 = arith.addi %add3A_1600, %xor3A_1608 : vector<100x128xi32>
    %shift_left3A_1610 = arith.constant 29 : i32
    %shift_left3A_1611 = vector.broadcast %shift_left3A_1610 : i32 to vector<100x128xi32>
    %shift_left3A_1612 = arith.shli %xor3A_1608, %shift_left3A_1611 : vector<100x128xi32>
    %shift_right_logical3A_1613 = arith.constant 3 : i32
    %shift_right_logical3A_1614 = vector.broadcast %shift_right_logical3A_1613 : i32 to vector<100x128xi32>
    %shift_right_logical3A_1615 = arith.shrui %xor3A_1608, %shift_right_logical3A_1614 : vector<100x128xi32>
    %or3A_1616 = arith.ori %shift_left3A_1612, %shift_right_logical3A_1615 : vector<100x128xi32>
    %xor3A_1617 = arith.xori %or3A_1616, %add3A_1609 : vector<100x128xi32>
    %add3A_1618 = arith.addi %add3A_1609, %xor3A_1617 : vector<100x128xi32>
    %shift_left3A_1619 = arith.constant 16 : i32
    %shift_left3A_1620 = vector.broadcast %shift_left3A_1619 : i32 to vector<100x128xi32>
    %shift_left3A_1621 = arith.shli %xor3A_1617, %shift_left3A_1620 : vector<100x128xi32>
    %shift_right_logical3A_1622 = arith.constant 16 : i32
    %shift_right_logical3A_1623 = vector.broadcast %shift_right_logical3A_1622 : i32 to vector<100x128xi32>
    %shift_right_logical3A_1624 = arith.shrui %xor3A_1617, %shift_right_logical3A_1623 : vector<100x128xi32>
    %or3A_1625 = arith.ori %shift_left3A_1621, %shift_right_logical3A_1624 : vector<100x128xi32>
    %xor3A_1626 = arith.xori %or3A_1625, %add3A_1618 : vector<100x128xi32>
    %add3A_1627 = arith.addi %add3A_1618, %xor3A_1626 : vector<100x128xi32>
    %shift_left3A_1628 = arith.constant 24 : i32
    %shift_left3A_1629 = vector.broadcast %shift_left3A_1628 : i32 to vector<100x128xi32>
    %shift_left3A_1630 = arith.shli %xor3A_1626, %shift_left3A_1629 : vector<100x128xi32>
    %shift_right_logical3A_1631 = arith.constant 8 : i32
    %shift_right_logical3A_1632 = vector.broadcast %shift_right_logical3A_1631 : i32 to vector<100x128xi32>
    %shift_right_logical3A_1633 = arith.shrui %xor3A_1626, %shift_right_logical3A_1632 : vector<100x128xi32>
    %or3A_1634 = arith.ori %shift_left3A_1630, %shift_right_logical3A_1633 : vector<100x128xi32>
    %xor3A_1635 = arith.xori %or3A_1634, %add3A_1627 : vector<100x128xi32>
    %add3A_1636 = vector.broadcast %xor3A_4 : i32 to vector<100x128xi32>
    %add3A_1637 = arith.addi %add3A_1627, %add3A_1636 : vector<100x128xi32>
    %add3A_1638 = vector.broadcast %get3A_0 : i32 to vector<100x128xi32>
    %add3A_1639 = arith.addi %xor3A_1635, %add3A_1638 : vector<100x128xi32>
    %add3A_1640 = arith.constant 2 : i32
    %add3A_1641 = vector.broadcast %add3A_1640 : i32 to vector<100x128xi32>
    %add3A_1642 = arith.addi %add3A_1639, %add3A_1641 : vector<100x128xi32>
    %add3A_1643 = arith.addi %add3A_1637, %add3A_1642 : vector<100x128xi32>
    %shift_left3A_1644 = arith.constant 13 : i32
    %shift_left3A_1645 = vector.broadcast %shift_left3A_1644 : i32 to vector<100x128xi32>
    %shift_left3A_1646 = arith.shli %add3A_1642, %shift_left3A_1645 : vector<100x128xi32>
    %shift_right_logical3A_1647 = arith.constant 19 : i32
    %shift_right_logical3A_1648 = vector.broadcast %shift_right_logical3A_1647 : i32 to vector<100x128xi32>
    %shift_right_logical3A_1649 = arith.shrui %add3A_1642, %shift_right_logical3A_1648 : vector<100x128xi32>
    %or3A_1650 = arith.ori %shift_left3A_1646, %shift_right_logical3A_1649 : vector<100x128xi32>
    %xor3A_1651 = arith.xori %or3A_1650, %add3A_1643 : vector<100x128xi32>
    %add3A_1652 = arith.addi %add3A_1643, %xor3A_1651 : vector<100x128xi32>
    %shift_left3A_1653 = arith.constant 15 : i32
    %shift_left3A_1654 = vector.broadcast %shift_left3A_1653 : i32 to vector<100x128xi32>
    %shift_left3A_1655 = arith.shli %xor3A_1651, %shift_left3A_1654 : vector<100x128xi32>
    %shift_right_logical3A_1656 = arith.constant 17 : i32
    %shift_right_logical3A_1657 = vector.broadcast %shift_right_logical3A_1656 : i32 to vector<100x128xi32>
    %shift_right_logical3A_1658 = arith.shrui %xor3A_1651, %shift_right_logical3A_1657 : vector<100x128xi32>
    %or3A_1659 = arith.ori %shift_left3A_1655, %shift_right_logical3A_1658 : vector<100x128xi32>
    %xor3A_1660 = arith.xori %or3A_1659, %add3A_1652 : vector<100x128xi32>
    %add3A_1661 = arith.addi %add3A_1652, %xor3A_1660 : vector<100x128xi32>
    %shift_left3A_1662 = arith.constant 26 : i32
    %shift_left3A_1663 = vector.broadcast %shift_left3A_1662 : i32 to vector<100x128xi32>
    %shift_left3A_1664 = arith.shli %xor3A_1660, %shift_left3A_1663 : vector<100x128xi32>
    %shift_right_logical3A_1665 = arith.constant 6 : i32
    %shift_right_logical3A_1666 = vector.broadcast %shift_right_logical3A_1665 : i32 to vector<100x128xi32>
    %shift_right_logical3A_1667 = arith.shrui %xor3A_1660, %shift_right_logical3A_1666 : vector<100x128xi32>
    %or3A_1668 = arith.ori %shift_left3A_1664, %shift_right_logical3A_1667 : vector<100x128xi32>
    %xor3A_1669 = arith.xori %or3A_1668, %add3A_1661 : vector<100x128xi32>
    %add3A_1670 = arith.addi %add3A_1661, %xor3A_1669 : vector<100x128xi32>
    %shift_left3A_1671 = arith.constant 6 : i32
    %shift_left3A_1672 = vector.broadcast %shift_left3A_1671 : i32 to vector<100x128xi32>
    %shift_left3A_1673 = arith.shli %xor3A_1669, %shift_left3A_1672 : vector<100x128xi32>
    %shift_right_logical3A_1674 = arith.constant 26 : i32
    %shift_right_logical3A_1675 = vector.broadcast %shift_right_logical3A_1674 : i32 to vector<100x128xi32>
    %shift_right_logical3A_1676 = arith.shrui %xor3A_1669, %shift_right_logical3A_1675 : vector<100x128xi32>
    %or3A_1677 = arith.ori %shift_left3A_1673, %shift_right_logical3A_1676 : vector<100x128xi32>
    %xor3A_1678 = arith.xori %or3A_1677, %add3A_1670 : vector<100x128xi32>
    %add3A_1679 = vector.broadcast %get3A_0 : i32 to vector<100x128xi32>
    %add3A_1680 = arith.addi %add3A_1670, %add3A_1679 : vector<100x128xi32>
    %add3A_1681 = vector.broadcast %get3A_2 : i32 to vector<100x128xi32>
    %add3A_1682 = arith.addi %xor3A_1678, %add3A_1681 : vector<100x128xi32>
    %add3A_1683 = arith.constant 3 : i32
    %add3A_1684 = vector.broadcast %add3A_1683 : i32 to vector<100x128xi32>
    %add3A_1685 = arith.addi %add3A_1682, %add3A_1684 : vector<100x128xi32>
    %add3A_1686 = arith.addi %add3A_1680, %add3A_1685 : vector<100x128xi32>
    %shift_left3A_1687 = arith.constant 17 : i32
    %shift_left3A_1688 = vector.broadcast %shift_left3A_1687 : i32 to vector<100x128xi32>
    %shift_left3A_1689 = arith.shli %add3A_1685, %shift_left3A_1688 : vector<100x128xi32>
    %shift_right_logical3A_1690 = arith.constant 15 : i32
    %shift_right_logical3A_1691 = vector.broadcast %shift_right_logical3A_1690 : i32 to vector<100x128xi32>
    %shift_right_logical3A_1692 = arith.shrui %add3A_1685, %shift_right_logical3A_1691 : vector<100x128xi32>
    %or3A_1693 = arith.ori %shift_left3A_1689, %shift_right_logical3A_1692 : vector<100x128xi32>
    %xor3A_1694 = arith.xori %or3A_1693, %add3A_1686 : vector<100x128xi32>
    %add3A_1695 = arith.addi %add3A_1686, %xor3A_1694 : vector<100x128xi32>
    %shift_left3A_1696 = arith.constant 29 : i32
    %shift_left3A_1697 = vector.broadcast %shift_left3A_1696 : i32 to vector<100x128xi32>
    %shift_left3A_1698 = arith.shli %xor3A_1694, %shift_left3A_1697 : vector<100x128xi32>
    %shift_right_logical3A_1699 = arith.constant 3 : i32
    %shift_right_logical3A_1700 = vector.broadcast %shift_right_logical3A_1699 : i32 to vector<100x128xi32>
    %shift_right_logical3A_1701 = arith.shrui %xor3A_1694, %shift_right_logical3A_1700 : vector<100x128xi32>
    %or3A_1702 = arith.ori %shift_left3A_1698, %shift_right_logical3A_1701 : vector<100x128xi32>
    %xor3A_1703 = arith.xori %or3A_1702, %add3A_1695 : vector<100x128xi32>
    %add3A_1704 = arith.addi %add3A_1695, %xor3A_1703 : vector<100x128xi32>
    %shift_left3A_1705 = arith.constant 16 : i32
    %shift_left3A_1706 = vector.broadcast %shift_left3A_1705 : i32 to vector<100x128xi32>
    %shift_left3A_1707 = arith.shli %xor3A_1703, %shift_left3A_1706 : vector<100x128xi32>
    %shift_right_logical3A_1708 = arith.constant 16 : i32
    %shift_right_logical3A_1709 = vector.broadcast %shift_right_logical3A_1708 : i32 to vector<100x128xi32>
    %shift_right_logical3A_1710 = arith.shrui %xor3A_1703, %shift_right_logical3A_1709 : vector<100x128xi32>
    %or3A_1711 = arith.ori %shift_left3A_1707, %shift_right_logical3A_1710 : vector<100x128xi32>
    %xor3A_1712 = arith.xori %or3A_1711, %add3A_1704 : vector<100x128xi32>
    %add3A_1713 = arith.addi %add3A_1704, %xor3A_1712 : vector<100x128xi32>
    %shift_left3A_1714 = arith.constant 24 : i32
    %shift_left3A_1715 = vector.broadcast %shift_left3A_1714 : i32 to vector<100x128xi32>
    %shift_left3A_1716 = arith.shli %xor3A_1712, %shift_left3A_1715 : vector<100x128xi32>
    %shift_right_logical3A_1717 = arith.constant 8 : i32
    %shift_right_logical3A_1718 = vector.broadcast %shift_right_logical3A_1717 : i32 to vector<100x128xi32>
    %shift_right_logical3A_1719 = arith.shrui %xor3A_1712, %shift_right_logical3A_1718 : vector<100x128xi32>
    %or3A_1720 = arith.ori %shift_left3A_1716, %shift_right_logical3A_1719 : vector<100x128xi32>
    %xor3A_1721 = arith.xori %or3A_1720, %add3A_1713 : vector<100x128xi32>
    %add3A_1722 = vector.broadcast %get3A_2 : i32 to vector<100x128xi32>
    %add3A_1723 = arith.addi %add3A_1713, %add3A_1722 : vector<100x128xi32>
    %add3A_1724 = vector.broadcast %xor3A_4 : i32 to vector<100x128xi32>
    %add3A_1725 = arith.addi %xor3A_1721, %add3A_1724 : vector<100x128xi32>
    %add3A_1726 = arith.constant 4 : i32
    %add3A_1727 = vector.broadcast %add3A_1726 : i32 to vector<100x128xi32>
    %add3A_1728 = arith.addi %add3A_1725, %add3A_1727 : vector<100x128xi32>
    %add3A_1729 = arith.addi %add3A_1723, %add3A_1728 : vector<100x128xi32>
    %shift_left3A_1730 = arith.constant 13 : i32
    %shift_left3A_1731 = vector.broadcast %shift_left3A_1730 : i32 to vector<100x128xi32>
    %shift_left3A_1732 = arith.shli %add3A_1728, %shift_left3A_1731 : vector<100x128xi32>
    %shift_right_logical3A_1733 = arith.constant 19 : i32
    %shift_right_logical3A_1734 = vector.broadcast %shift_right_logical3A_1733 : i32 to vector<100x128xi32>
    %shift_right_logical3A_1735 = arith.shrui %add3A_1728, %shift_right_logical3A_1734 : vector<100x128xi32>
    %or3A_1736 = arith.ori %shift_left3A_1732, %shift_right_logical3A_1735 : vector<100x128xi32>
    %xor3A_1737 = arith.xori %or3A_1736, %add3A_1729 : vector<100x128xi32>
    %add3A_1738 = arith.addi %add3A_1729, %xor3A_1737 : vector<100x128xi32>
    %shift_left3A_1739 = arith.constant 15 : i32
    %shift_left3A_1740 = vector.broadcast %shift_left3A_1739 : i32 to vector<100x128xi32>
    %shift_left3A_1741 = arith.shli %xor3A_1737, %shift_left3A_1740 : vector<100x128xi32>
    %shift_right_logical3A_1742 = arith.constant 17 : i32
    %shift_right_logical3A_1743 = vector.broadcast %shift_right_logical3A_1742 : i32 to vector<100x128xi32>
    %shift_right_logical3A_1744 = arith.shrui %xor3A_1737, %shift_right_logical3A_1743 : vector<100x128xi32>
    %or3A_1745 = arith.ori %shift_left3A_1741, %shift_right_logical3A_1744 : vector<100x128xi32>
    %xor3A_1746 = arith.xori %or3A_1745, %add3A_1738 : vector<100x128xi32>
    %add3A_1747 = arith.addi %add3A_1738, %xor3A_1746 : vector<100x128xi32>
    %shift_left3A_1748 = arith.constant 26 : i32
    %shift_left3A_1749 = vector.broadcast %shift_left3A_1748 : i32 to vector<100x128xi32>
    %shift_left3A_1750 = arith.shli %xor3A_1746, %shift_left3A_1749 : vector<100x128xi32>
    %shift_right_logical3A_1751 = arith.constant 6 : i32
    %shift_right_logical3A_1752 = vector.broadcast %shift_right_logical3A_1751 : i32 to vector<100x128xi32>
    %shift_right_logical3A_1753 = arith.shrui %xor3A_1746, %shift_right_logical3A_1752 : vector<100x128xi32>
    %or3A_1754 = arith.ori %shift_left3A_1750, %shift_right_logical3A_1753 : vector<100x128xi32>
    %xor3A_1755 = arith.xori %or3A_1754, %add3A_1747 : vector<100x128xi32>
    %add3A_1756 = arith.addi %add3A_1747, %xor3A_1755 : vector<100x128xi32>
    %shift_left3A_1757 = arith.constant 6 : i32
    %shift_left3A_1758 = vector.broadcast %shift_left3A_1757 : i32 to vector<100x128xi32>
    %shift_left3A_1759 = arith.shli %xor3A_1755, %shift_left3A_1758 : vector<100x128xi32>
    %shift_right_logical3A_1760 = arith.constant 26 : i32
    %shift_right_logical3A_1761 = vector.broadcast %shift_right_logical3A_1760 : i32 to vector<100x128xi32>
    %shift_right_logical3A_1762 = arith.shrui %xor3A_1755, %shift_right_logical3A_1761 : vector<100x128xi32>
    %or3A_1763 = arith.ori %shift_left3A_1759, %shift_right_logical3A_1762 : vector<100x128xi32>
    %xor3A_1764 = arith.xori %or3A_1763, %add3A_1756 : vector<100x128xi32>
    %add3A_1765 = vector.broadcast %xor3A_4 : i32 to vector<100x128xi32>
    %add3A_1766 = arith.addi %add3A_1756, %add3A_1765 : vector<100x128xi32>
    %add3A_1767 = vector.broadcast %get3A_0 : i32 to vector<100x128xi32>
    %add3A_1768 = arith.addi %xor3A_1764, %add3A_1767 : vector<100x128xi32>
    %add3A_1769 = arith.constant 5 : i32
    %add3A_1770 = vector.broadcast %add3A_1769 : i32 to vector<100x128xi32>
    %add3A_1771 = arith.addi %add3A_1768, %add3A_1770 : vector<100x128xi32>
    %xor3A_1772 = arith.xori %add3A_1766, %add3A_1771 : vector<100x128xi32>
    %shift_right_logical3A_1773 = arith.constant 9 : i32
    %shift_right_logical3A_1774 = vector.broadcast %shift_right_logical3A_1773 : i32 to vector<100x128xi32>
    %shift_right_logical3A_1775 = arith.shrui %xor3A_1772, %shift_right_logical3A_1774 : vector<100x128xi32>
    %or3A_1776 = arith.constant 1065353216 : i32
    %or3A_1777 = vector.broadcast %or3A_1776 : i32 to vector<100x128xi32>
    %or3A_1778 = arith.ori %shift_right_logical3A_1775, %or3A_1777 : vector<100x128xi32>
    %bitcast_convert_type3A_1779 = tpu.bitcast %or3A_1778 : vector<100x128xi32> -> vector<100x128xf32>
    %sub3A_1780 = arith.constant 1.000000e+00 : f32
    %sub3A_1781 = vector.broadcast %sub3A_1780 : f32 to vector<100x128xf32>
    %sub3A_1782 = arith.subf %bitcast_convert_type3A_1779, %sub3A_1781 : vector<100x128xf32>
    %sub3A_1783 = arith.constant 1.000000e+00 : f32
    %sub3A_1784 = arith.constant 1.17549435E-38 : f32
    %sub3A_1785 = arith.subf %sub3A_1783, %sub3A_1784 : f32
    %mul3A_1786 = vector.broadcast %sub3A_1785 : f32 to vector<100x128xf32>
    %mul3A_1787 = arith.mulf %sub3A_1782, %mul3A_1786 : vector<100x128xf32>
    %add3A_1788 = arith.constant 1.17549435E-38 : f32
    %add3A_1789 = vector.broadcast %add3A_1788 : f32 to vector<100x128xf32>
    %add3A_1790 = arith.addf %mul3A_1787, %add3A_1789 : vector<100x128xf32>
    %max3A_1791 = arith.constant 1.17549435E-38 : f32
    %max3A_1792 = vector.broadcast %max3A_1791 : f32 to vector<100x128xf32>
    %max3A_1793 = arith.maximumf %max3A_1792, %add3A_1790 : vector<100x128xf32>
    %log3A_1794 = math.log %max3A_1793 : vector<100x128xf32>
    %neg3A_1795 = arith.constant 0.000000e+00 : f32
    %neg3A_1796 = vector.broadcast %neg3A_1795 : f32 to vector<100x128xf32>
    %neg3A_1797 = arith.subf %neg3A_1796, %log3A_1794 : vector<100x128xf32>
    %log3A_1798 = math.log %neg3A_1797 : vector<100x128xf32>
    %neg3A_1799 = arith.constant 0.000000e+00 : f32
    %neg3A_1800 = vector.broadcast %neg3A_1799 : f32 to vector<100x128xf32>
    %neg3A_1801 = arith.subf %neg3A_1800, %log3A_1798 : vector<100x128xf32>
    %add3A_1802 = arith.addf %neg3A_1801, %concatenate3A : vector<100x128xf32>
    %slice3A_1803 = vector.extract_strided_slice %add3A_1802 {offsets = [0, 0], sizes = [50, 128], strides = [1, 1]} : vector<100x128xf32> to vector<50x128xf32>
    %slice3A_1804 = vector.extract_strided_slice %add3A_1802 {offsets = [50, 0], sizes = [50, 128], strides = [1, 1]} : vector<100x128xf32> to vector<50x128xf32>
    %reduce_max3A_1805 = arith.constant dense<0xFF800000> : vector<128xf32>
    %reduce_max3A_1806 = vector.multi_reduction <maximumf>, %slice3A_1803, %reduce_max3A_1805 [0] : vector<50x128xf32> to vector<128xf32>
    %broadcast_in_dim3A_1807 = vector.shape_cast %reduce_max3A_1806 : vector<128xf32> to vector<1x128xf32>
    %eq3A_1808 = vector.broadcast %broadcast_in_dim3A_1807 : vector<1x128xf32> to vector<50x128xf32>
    %eq3A_1809 = arith.cmpf oeq, %slice3A_1803, %eq3A_1808 : vector<50x128xf32>
    %jit3A_1810 = arith.constant 50 : i32
    %broadcast_in_dim3A_1811 = vector.broadcast %jit3A_1810 : i32 to vector<50x128xi32>
    %select_n3A_1812 = arith.select %eq3A_1809, %iota3A_28, %broadcast_in_dim3A_1811 : vector<50x128xi1>, vector<50x128xi32>
    %reduce_min3A_1813 = arith.constant dense<2147483647> : vector<128xi32>
    %reduce_min3A_1814 = vector.multi_reduction <minsi>, %select_n3A_1812, %reduce_min3A_1813 [0] : vector<50x128xi32> to vector<128xi32>
    %mul3A_1815 = arith.constant 4096 : i32
    %mul3A_1816 = vector.broadcast %mul3A_1815 : i32 to vector<128xi32>
    %mul3A_1817 = arith.muli %reduce_min3A_1814, %mul3A_1816 : vector<128xi32>
    %add3A_1818 = arith.addi %mul3A_1817, %add3A_27 : vector<128xi32>
    %swap3A_1819 = arith.constant 0 : index
    %swap3A_1820 = arith.constant 5 : index
    %swap3A_1821 = arith.constant 0 : index
    %swap3A_1822 = vector.load %arg3[%swap3A_1819, %swap3A_1820, %swap3A_1821] : memref<1x16x128xi32, #tpu.memory_space<vmem>>, vector<1x1x128xi32>
    %swap3A_1823 = vector.shape_cast %swap3A_1822 : vector<1x1x128xi32> to vector<128xi32>
    %swap3A_1824 = vector.shape_cast %add3A_1818 : vector<128xi32> to vector<1x1x128xi32>
    tpu.vector_store %arg3[%swap3A_1819, %swap3A_1820, %swap3A_1821], %swap3A_1824 {strides = array<i32>} : memref<1x16x128xi32, #tpu.memory_space<vmem>>, vector<1x1x128xi32>,
    %reduce_max3A_1825 = arith.constant dense<0xFF800000> : vector<128xf32>
    %reduce_max3A_1826 = vector.multi_reduction <maximumf>, %slice3A_1804, %reduce_max3A_1825 [0] : vector<50x128xf32> to vector<128xf32>
    %broadcast_in_dim3A_1827 = vector.shape_cast %reduce_max3A_1826 : vector<128xf32> to vector<1x128xf32>
    %eq3A_1828 = vector.broadcast %broadcast_in_dim3A_1827 : vector<1x128xf32> to vector<50x128xf32>
    %eq3A_1829 = arith.cmpf oeq, %slice3A_1804, %eq3A_1828 : vector<50x128xf32>
    %jit3A_1830 = arith.constant 50 : i32
    %broadcast_in_dim3A_1831 = vector.broadcast %jit3A_1830 : i32 to vector<50x128xi32>
    %select_n3A_1832 = arith.select %eq3A_1829, %iota3A_28, %broadcast_in_dim3A_1831 : vector<50x128xi1>, vector<50x128xi32>
    %reduce_min3A_1833 = arith.constant dense<2147483647> : vector<128xi32>
    %reduce_min3A_1834 = vector.multi_reduction <minsi>, %select_n3A_1832, %reduce_min3A_1833 [0] : vector<50x128xi32> to vector<128xi32>
    %mul3A_1835 = arith.constant 4096 : i32
    %mul3A_1836 = vector.broadcast %mul3A_1835 : i32 to vector<128xi32>
    %mul3A_1837 = arith.muli %reduce_min3A_1834, %mul3A_1836 : vector<128xi32>
    %add3A_1838 = arith.addi %mul3A_1837, %add3A_27 : vector<128xi32>
    %swap3A_1839 = arith.constant 0 : index
    %swap3A_1840 = arith.constant 13 : index
    %swap3A_1841 = arith.constant 0 : index
    %swap3A_1842 = vector.load %arg3[%swap3A_1839, %swap3A_1840, %swap3A_1841] : memref<1x16x128xi32, #tpu.memory_space<vmem>>, vector<1x1x128xi32>
    %swap3A_1843 = vector.shape_cast %swap3A_1842 : vector<1x1x128xi32> to vector<128xi32>
    %swap3A_1844 = vector.shape_cast %add3A_1838 : vector<128xi32> to vector<1x1x128xi32>
    tpu.vector_store %arg3[%swap3A_1839, %swap3A_1840, %swap3A_1841], %swap3A_1844 {strides = array<i32>} : memref<1x16x128xi32, #tpu.memory_space<vmem>>, vector<1x1x128xi32>,
    %add3A_1845 = arith.constant 12 : i32
    %add3A_1846 = vector.broadcast %add3A_1845 : i32 to vector<100x128xi32>
    %add3A_1847 = arith.addi %add3A_1846, %convert_element_type3A : vector<100x128xi32>
    %mul3A_1848 = arith.constant 16 : i32
    %mul3A_1849 = vector.broadcast %mul3A_1848 : i32 to vector<100x128xi32>
    %mul3A_1850 = arith.muli %add3A_12, %mul3A_1849 : vector<100x128xi32>
    %add3A_1851 = arith.addi %mul3A_1850, %add3A_1847 : vector<100x128xi32>
    %mul3A_1852 = arith.constant 50 : i32
    %mul3A_1853 = vector.broadcast %mul3A_1852 : i32 to vector<100x128xi32>
    %mul3A_1854 = arith.muli %add3A_1851, %mul3A_1853 : vector<100x128xi32>
    %add3A_1855 = arith.addi %mul3A_1854, %sub3A : vector<100x128xi32>
    %broadcast_in_dim3A_1856 = arith.constant 0 : i32
    %broadcast_in_dim3A_1857 = vector.broadcast %broadcast_in_dim3A_1856 : i32 to vector<100x128xi32>
    %add3A_1858 = vector.broadcast %get3A_0 : i32 to vector<100x128xi32>
    %add3A_1859 = arith.addi %broadcast_in_dim3A_1857, %add3A_1858 : vector<100x128xi32>
    %add3A_1860 = vector.broadcast %get3A_2 : i32 to vector<100x128xi32>
    %add3A_1861 = arith.addi %add3A_1855, %add3A_1860 : vector<100x128xi32>
    %add3A_1862 = arith.addi %add3A_1859, %add3A_1861 : vector<100x128xi32>
    %shift_left3A_1863 = arith.constant 13 : i32
    %shift_left3A_1864 = vector.broadcast %shift_left3A_1863 : i32 to vector<100x128xi32>
    %shift_left3A_1865 = arith.shli %add3A_1861, %shift_left3A_1864 : vector<100x128xi32>
    %shift_right_logical3A_1866 = arith.constant 19 : i32
    %shift_right_logical3A_1867 = vector.broadcast %shift_right_logical3A_1866 : i32 to vector<100x128xi32>
    %shift_right_logical3A_1868 = arith.shrui %add3A_1861, %shift_right_logical3A_1867 : vector<100x128xi32>
    %or3A_1869 = arith.ori %shift_left3A_1865, %shift_right_logical3A_1868 : vector<100x128xi32>
    %xor3A_1870 = arith.xori %or3A_1869, %add3A_1862 : vector<100x128xi32>
    %add3A_1871 = arith.addi %add3A_1862, %xor3A_1870 : vector<100x128xi32>
    %shift_left3A_1872 = arith.constant 15 : i32
    %shift_left3A_1873 = vector.broadcast %shift_left3A_1872 : i32 to vector<100x128xi32>
    %shift_left3A_1874 = arith.shli %xor3A_1870, %shift_left3A_1873 : vector<100x128xi32>
    %shift_right_logical3A_1875 = arith.constant 17 : i32
    %shift_right_logical3A_1876 = vector.broadcast %shift_right_logical3A_1875 : i32 to vector<100x128xi32>
    %shift_right_logical3A_1877 = arith.shrui %xor3A_1870, %shift_right_logical3A_1876 : vector<100x128xi32>
    %or3A_1878 = arith.ori %shift_left3A_1874, %shift_right_logical3A_1877 : vector<100x128xi32>
    %xor3A_1879 = arith.xori %or3A_1878, %add3A_1871 : vector<100x128xi32>
    %add3A_1880 = arith.addi %add3A_1871, %xor3A_1879 : vector<100x128xi32>
    %shift_left3A_1881 = arith.constant 26 : i32
    %shift_left3A_1882 = vector.broadcast %shift_left3A_1881 : i32 to vector<100x128xi32>
    %shift_left3A_1883 = arith.shli %xor3A_1879, %shift_left3A_1882 : vector<100x128xi32>
    %shift_right_logical3A_1884 = arith.constant 6 : i32
    %shift_right_logical3A_1885 = vector.broadcast %shift_right_logical3A_1884 : i32 to vector<100x128xi32>
    %shift_right_logical3A_1886 = arith.shrui %xor3A_1879, %shift_right_logical3A_1885 : vector<100x128xi32>
    %or3A_1887 = arith.ori %shift_left3A_1883, %shift_right_logical3A_1886 : vector<100x128xi32>
    %xor3A_1888 = arith.xori %or3A_1887, %add3A_1880 : vector<100x128xi32>
    %add3A_1889 = arith.addi %add3A_1880, %xor3A_1888 : vector<100x128xi32>
    %shift_left3A_1890 = arith.constant 6 : i32
    %shift_left3A_1891 = vector.broadcast %shift_left3A_1890 : i32 to vector<100x128xi32>
    %shift_left3A_1892 = arith.shli %xor3A_1888, %shift_left3A_1891 : vector<100x128xi32>
    %shift_right_logical3A_1893 = arith.constant 26 : i32
    %shift_right_logical3A_1894 = vector.broadcast %shift_right_logical3A_1893 : i32 to vector<100x128xi32>
    %shift_right_logical3A_1895 = arith.shrui %xor3A_1888, %shift_right_logical3A_1894 : vector<100x128xi32>
    %or3A_1896 = arith.ori %shift_left3A_1892, %shift_right_logical3A_1895 : vector<100x128xi32>
    %xor3A_1897 = arith.xori %or3A_1896, %add3A_1889 : vector<100x128xi32>
    %add3A_1898 = vector.broadcast %get3A_2 : i32 to vector<100x128xi32>
    %add3A_1899 = arith.addi %add3A_1889, %add3A_1898 : vector<100x128xi32>
    %add3A_1900 = vector.broadcast %xor3A_4 : i32 to vector<100x128xi32>
    %add3A_1901 = arith.addi %xor3A_1897, %add3A_1900 : vector<100x128xi32>
    %add3A_1902 = arith.constant 1 : i32
    %add3A_1903 = vector.broadcast %add3A_1902 : i32 to vector<100x128xi32>
    %add3A_1904 = arith.addi %add3A_1901, %add3A_1903 : vector<100x128xi32>
    %add3A_1905 = arith.addi %add3A_1899, %add3A_1904 : vector<100x128xi32>
    %shift_left3A_1906 = arith.constant 17 : i32
    %shift_left3A_1907 = vector.broadcast %shift_left3A_1906 : i32 to vector<100x128xi32>
    %shift_left3A_1908 = arith.shli %add3A_1904, %shift_left3A_1907 : vector<100x128xi32>
    %shift_right_logical3A_1909 = arith.constant 15 : i32
    %shift_right_logical3A_1910 = vector.broadcast %shift_right_logical3A_1909 : i32 to vector<100x128xi32>
    %shift_right_logical3A_1911 = arith.shrui %add3A_1904, %shift_right_logical3A_1910 : vector<100x128xi32>
    %or3A_1912 = arith.ori %shift_left3A_1908, %shift_right_logical3A_1911 : vector<100x128xi32>
    %xor3A_1913 = arith.xori %or3A_1912, %add3A_1905 : vector<100x128xi32>
    %add3A_1914 = arith.addi %add3A_1905, %xor3A_1913 : vector<100x128xi32>
    %shift_left3A_1915 = arith.constant 29 : i32
    %shift_left3A_1916 = vector.broadcast %shift_left3A_1915 : i32 to vector<100x128xi32>
    %shift_left3A_1917 = arith.shli %xor3A_1913, %shift_left3A_1916 : vector<100x128xi32>
    %shift_right_logical3A_1918 = arith.constant 3 : i32
    %shift_right_logical3A_1919 = vector.broadcast %shift_right_logical3A_1918 : i32 to vector<100x128xi32>
    %shift_right_logical3A_1920 = arith.shrui %xor3A_1913, %shift_right_logical3A_1919 : vector<100x128xi32>
    %or3A_1921 = arith.ori %shift_left3A_1917, %shift_right_logical3A_1920 : vector<100x128xi32>
    %xor3A_1922 = arith.xori %or3A_1921, %add3A_1914 : vector<100x128xi32>
    %add3A_1923 = arith.addi %add3A_1914, %xor3A_1922 : vector<100x128xi32>
    %shift_left3A_1924 = arith.constant 16 : i32
    %shift_left3A_1925 = vector.broadcast %shift_left3A_1924 : i32 to vector<100x128xi32>
    %shift_left3A_1926 = arith.shli %xor3A_1922, %shift_left3A_1925 : vector<100x128xi32>
    %shift_right_logical3A_1927 = arith.constant 16 : i32
    %shift_right_logical3A_1928 = vector.broadcast %shift_right_logical3A_1927 : i32 to vector<100x128xi32>
    %shift_right_logical3A_1929 = arith.shrui %xor3A_1922, %shift_right_logical3A_1928 : vector<100x128xi32>
    %or3A_1930 = arith.ori %shift_left3A_1926, %shift_right_logical3A_1929 : vector<100x128xi32>
    %xor3A_1931 = arith.xori %or3A_1930, %add3A_1923 : vector<100x128xi32>
    %add3A_1932 = arith.addi %add3A_1923, %xor3A_1931 : vector<100x128xi32>
    %shift_left3A_1933 = arith.constant 24 : i32
    %shift_left3A_1934 = vector.broadcast %shift_left3A_1933 : i32 to vector<100x128xi32>
    %shift_left3A_1935 = arith.shli %xor3A_1931, %shift_left3A_1934 : vector<100x128xi32>
    %shift_right_logical3A_1936 = arith.constant 8 : i32
    %shift_right_logical3A_1937 = vector.broadcast %shift_right_logical3A_1936 : i32 to vector<100x128xi32>
    %shift_right_logical3A_1938 = arith.shrui %xor3A_1931, %shift_right_logical3A_1937 : vector<100x128xi32>
    %or3A_1939 = arith.ori %shift_left3A_1935, %shift_right_logical3A_1938 : vector<100x128xi32>
    %xor3A_1940 = arith.xori %or3A_1939, %add3A_1932 : vector<100x128xi32>
    %add3A_1941 = vector.broadcast %xor3A_4 : i32 to vector<100x128xi32>
    %add3A_1942 = arith.addi %add3A_1932, %add3A_1941 : vector<100x128xi32>
    %add3A_1943 = vector.broadcast %get3A_0 : i32 to vector<100x128xi32>
    %add3A_1944 = arith.addi %xor3A_1940, %add3A_1943 : vector<100x128xi32>
    %add3A_1945 = arith.constant 2 : i32
    %add3A_1946 = vector.broadcast %add3A_1945 : i32 to vector<100x128xi32>
    %add3A_1947 = arith.addi %add3A_1944, %add3A_1946 : vector<100x128xi32>
    %add3A_1948 = arith.addi %add3A_1942, %add3A_1947 : vector<100x128xi32>
    %shift_left3A_1949 = arith.constant 13 : i32
    %shift_left3A_1950 = vector.broadcast %shift_left3A_1949 : i32 to vector<100x128xi32>
    %shift_left3A_1951 = arith.shli %add3A_1947, %shift_left3A_1950 : vector<100x128xi32>
    %shift_right_logical3A_1952 = arith.constant 19 : i32
    %shift_right_logical3A_1953 = vector.broadcast %shift_right_logical3A_1952 : i32 to vector<100x128xi32>
    %shift_right_logical3A_1954 = arith.shrui %add3A_1947, %shift_right_logical3A_1953 : vector<100x128xi32>
    %or3A_1955 = arith.ori %shift_left3A_1951, %shift_right_logical3A_1954 : vector<100x128xi32>
    %xor3A_1956 = arith.xori %or3A_1955, %add3A_1948 : vector<100x128xi32>
    %add3A_1957 = arith.addi %add3A_1948, %xor3A_1956 : vector<100x128xi32>
    %shift_left3A_1958 = arith.constant 15 : i32
    %shift_left3A_1959 = vector.broadcast %shift_left3A_1958 : i32 to vector<100x128xi32>
    %shift_left3A_1960 = arith.shli %xor3A_1956, %shift_left3A_1959 : vector<100x128xi32>
    %shift_right_logical3A_1961 = arith.constant 17 : i32
    %shift_right_logical3A_1962 = vector.broadcast %shift_right_logical3A_1961 : i32 to vector<100x128xi32>
    %shift_right_logical3A_1963 = arith.shrui %xor3A_1956, %shift_right_logical3A_1962 : vector<100x128xi32>
    %or3A_1964 = arith.ori %shift_left3A_1960, %shift_right_logical3A_1963 : vector<100x128xi32>
    %xor3A_1965 = arith.xori %or3A_1964, %add3A_1957 : vector<100x128xi32>
    %add3A_1966 = arith.addi %add3A_1957, %xor3A_1965 : vector<100x128xi32>
    %shift_left3A_1967 = arith.constant 26 : i32
    %shift_left3A_1968 = vector.broadcast %shift_left3A_1967 : i32 to vector<100x128xi32>
    %shift_left3A_1969 = arith.shli %xor3A_1965, %shift_left3A_1968 : vector<100x128xi32>
    %shift_right_logical3A_1970 = arith.constant 6 : i32
    %shift_right_logical3A_1971 = vector.broadcast %shift_right_logical3A_1970 : i32 to vector<100x128xi32>
    %shift_right_logical3A_1972 = arith.shrui %xor3A_1965, %shift_right_logical3A_1971 : vector<100x128xi32>
    %or3A_1973 = arith.ori %shift_left3A_1969, %shift_right_logical3A_1972 : vector<100x128xi32>
    %xor3A_1974 = arith.xori %or3A_1973, %add3A_1966 : vector<100x128xi32>
    %add3A_1975 = arith.addi %add3A_1966, %xor3A_1974 : vector<100x128xi32>
    %shift_left3A_1976 = arith.constant 6 : i32
    %shift_left3A_1977 = vector.broadcast %shift_left3A_1976 : i32 to vector<100x128xi32>
    %shift_left3A_1978 = arith.shli %xor3A_1974, %shift_left3A_1977 : vector<100x128xi32>
    %shift_right_logical3A_1979 = arith.constant 26 : i32
    %shift_right_logical3A_1980 = vector.broadcast %shift_right_logical3A_1979 : i32 to vector<100x128xi32>
    %shift_right_logical3A_1981 = arith.shrui %xor3A_1974, %shift_right_logical3A_1980 : vector<100x128xi32>
    %or3A_1982 = arith.ori %shift_left3A_1978, %shift_right_logical3A_1981 : vector<100x128xi32>
    %xor3A_1983 = arith.xori %or3A_1982, %add3A_1975 : vector<100x128xi32>
    %add3A_1984 = vector.broadcast %get3A_0 : i32 to vector<100x128xi32>
    %add3A_1985 = arith.addi %add3A_1975, %add3A_1984 : vector<100x128xi32>
    %add3A_1986 = vector.broadcast %get3A_2 : i32 to vector<100x128xi32>
    %add3A_1987 = arith.addi %xor3A_1983, %add3A_1986 : vector<100x128xi32>
    %add3A_1988 = arith.constant 3 : i32
    %add3A_1989 = vector.broadcast %add3A_1988 : i32 to vector<100x128xi32>
    %add3A_1990 = arith.addi %add3A_1987, %add3A_1989 : vector<100x128xi32>
    %add3A_1991 = arith.addi %add3A_1985, %add3A_1990 : vector<100x128xi32>
    %shift_left3A_1992 = arith.constant 17 : i32
    %shift_left3A_1993 = vector.broadcast %shift_left3A_1992 : i32 to vector<100x128xi32>
    %shift_left3A_1994 = arith.shli %add3A_1990, %shift_left3A_1993 : vector<100x128xi32>
    %shift_right_logical3A_1995 = arith.constant 15 : i32
    %shift_right_logical3A_1996 = vector.broadcast %shift_right_logical3A_1995 : i32 to vector<100x128xi32>
    %shift_right_logical3A_1997 = arith.shrui %add3A_1990, %shift_right_logical3A_1996 : vector<100x128xi32>
    %or3A_1998 = arith.ori %shift_left3A_1994, %shift_right_logical3A_1997 : vector<100x128xi32>
    %xor3A_1999 = arith.xori %or3A_1998, %add3A_1991 : vector<100x128xi32>
    %add3A_2000 = arith.addi %add3A_1991, %xor3A_1999 : vector<100x128xi32>
    %shift_left3A_2001 = arith.constant 29 : i32
    %shift_left3A_2002 = vector.broadcast %shift_left3A_2001 : i32 to vector<100x128xi32>
    %shift_left3A_2003 = arith.shli %xor3A_1999, %shift_left3A_2002 : vector<100x128xi32>
    %shift_right_logical3A_2004 = arith.constant 3 : i32
    %shift_right_logical3A_2005 = vector.broadcast %shift_right_logical3A_2004 : i32 to vector<100x128xi32>
    %shift_right_logical3A_2006 = arith.shrui %xor3A_1999, %shift_right_logical3A_2005 : vector<100x128xi32>
    %or3A_2007 = arith.ori %shift_left3A_2003, %shift_right_logical3A_2006 : vector<100x128xi32>
    %xor3A_2008 = arith.xori %or3A_2007, %add3A_2000 : vector<100x128xi32>
    %add3A_2009 = arith.addi %add3A_2000, %xor3A_2008 : vector<100x128xi32>
    %shift_left3A_2010 = arith.constant 16 : i32
    %shift_left3A_2011 = vector.broadcast %shift_left3A_2010 : i32 to vector<100x128xi32>
    %shift_left3A_2012 = arith.shli %xor3A_2008, %shift_left3A_2011 : vector<100x128xi32>
    %shift_right_logical3A_2013 = arith.constant 16 : i32
    %shift_right_logical3A_2014 = vector.broadcast %shift_right_logical3A_2013 : i32 to vector<100x128xi32>
    %shift_right_logical3A_2015 = arith.shrui %xor3A_2008, %shift_right_logical3A_2014 : vector<100x128xi32>
    %or3A_2016 = arith.ori %shift_left3A_2012, %shift_right_logical3A_2015 : vector<100x128xi32>
    %xor3A_2017 = arith.xori %or3A_2016, %add3A_2009 : vector<100x128xi32>
    %add3A_2018 = arith.addi %add3A_2009, %xor3A_2017 : vector<100x128xi32>
    %shift_left3A_2019 = arith.constant 24 : i32
    %shift_left3A_2020 = vector.broadcast %shift_left3A_2019 : i32 to vector<100x128xi32>
    %shift_left3A_2021 = arith.shli %xor3A_2017, %shift_left3A_2020 : vector<100x128xi32>
    %shift_right_logical3A_2022 = arith.constant 8 : i32
    %shift_right_logical3A_2023 = vector.broadcast %shift_right_logical3A_2022 : i32 to vector<100x128xi32>
    %shift_right_logical3A_2024 = arith.shrui %xor3A_2017, %shift_right_logical3A_2023 : vector<100x128xi32>
    %or3A_2025 = arith.ori %shift_left3A_2021, %shift_right_logical3A_2024 : vector<100x128xi32>
    %xor3A_2026 = arith.xori %or3A_2025, %add3A_2018 : vector<100x128xi32>
    %add3A_2027 = vector.broadcast %get3A_2 : i32 to vector<100x128xi32>
    %add3A_2028 = arith.addi %add3A_2018, %add3A_2027 : vector<100x128xi32>
    %add3A_2029 = vector.broadcast %xor3A_4 : i32 to vector<100x128xi32>
    %add3A_2030 = arith.addi %xor3A_2026, %add3A_2029 : vector<100x128xi32>
    %add3A_2031 = arith.constant 4 : i32
    %add3A_2032 = vector.broadcast %add3A_2031 : i32 to vector<100x128xi32>
    %add3A_2033 = arith.addi %add3A_2030, %add3A_2032 : vector<100x128xi32>
    %add3A_2034 = arith.addi %add3A_2028, %add3A_2033 : vector<100x128xi32>
    %shift_left3A_2035 = arith.constant 13 : i32
    %shift_left3A_2036 = vector.broadcast %shift_left3A_2035 : i32 to vector<100x128xi32>
    %shift_left3A_2037 = arith.shli %add3A_2033, %shift_left3A_2036 : vector<100x128xi32>
    %shift_right_logical3A_2038 = arith.constant 19 : i32
    %shift_right_logical3A_2039 = vector.broadcast %shift_right_logical3A_2038 : i32 to vector<100x128xi32>
    %shift_right_logical3A_2040 = arith.shrui %add3A_2033, %shift_right_logical3A_2039 : vector<100x128xi32>
    %or3A_2041 = arith.ori %shift_left3A_2037, %shift_right_logical3A_2040 : vector<100x128xi32>
    %xor3A_2042 = arith.xori %or3A_2041, %add3A_2034 : vector<100x128xi32>
    %add3A_2043 = arith.addi %add3A_2034, %xor3A_2042 : vector<100x128xi32>
    %shift_left3A_2044 = arith.constant 15 : i32
    %shift_left3A_2045 = vector.broadcast %shift_left3A_2044 : i32 to vector<100x128xi32>
    %shift_left3A_2046 = arith.shli %xor3A_2042, %shift_left3A_2045 : vector<100x128xi32>
    %shift_right_logical3A_2047 = arith.constant 17 : i32
    %shift_right_logical3A_2048 = vector.broadcast %shift_right_logical3A_2047 : i32 to vector<100x128xi32>
    %shift_right_logical3A_2049 = arith.shrui %xor3A_2042, %shift_right_logical3A_2048 : vector<100x128xi32>
    %or3A_2050 = arith.ori %shift_left3A_2046, %shift_right_logical3A_2049 : vector<100x128xi32>
    %xor3A_2051 = arith.xori %or3A_2050, %add3A_2043 : vector<100x128xi32>
    %add3A_2052 = arith.addi %add3A_2043, %xor3A_2051 : vector<100x128xi32>
    %shift_left3A_2053 = arith.constant 26 : i32
    %shift_left3A_2054 = vector.broadcast %shift_left3A_2053 : i32 to vector<100x128xi32>
    %shift_left3A_2055 = arith.shli %xor3A_2051, %shift_left3A_2054 : vector<100x128xi32>
    %shift_right_logical3A_2056 = arith.constant 6 : i32
    %shift_right_logical3A_2057 = vector.broadcast %shift_right_logical3A_2056 : i32 to vector<100x128xi32>
    %shift_right_logical3A_2058 = arith.shrui %xor3A_2051, %shift_right_logical3A_2057 : vector<100x128xi32>
    %or3A_2059 = arith.ori %shift_left3A_2055, %shift_right_logical3A_2058 : vector<100x128xi32>
    %xor3A_2060 = arith.xori %or3A_2059, %add3A_2052 : vector<100x128xi32>
    %add3A_2061 = arith.addi %add3A_2052, %xor3A_2060 : vector<100x128xi32>
    %shift_left3A_2062 = arith.constant 6 : i32
    %shift_left3A_2063 = vector.broadcast %shift_left3A_2062 : i32 to vector<100x128xi32>
    %shift_left3A_2064 = arith.shli %xor3A_2060, %shift_left3A_2063 : vector<100x128xi32>
    %shift_right_logical3A_2065 = arith.constant 26 : i32
    %shift_right_logical3A_2066 = vector.broadcast %shift_right_logical3A_2065 : i32 to vector<100x128xi32>
    %shift_right_logical3A_2067 = arith.shrui %xor3A_2060, %shift_right_logical3A_2066 : vector<100x128xi32>
    %or3A_2068 = arith.ori %shift_left3A_2064, %shift_right_logical3A_2067 : vector<100x128xi32>
    %xor3A_2069 = arith.xori %or3A_2068, %add3A_2061 : vector<100x128xi32>
    %add3A_2070 = vector.broadcast %xor3A_4 : i32 to vector<100x128xi32>
    %add3A_2071 = arith.addi %add3A_2061, %add3A_2070 : vector<100x128xi32>
    %add3A_2072 = vector.broadcast %get3A_0 : i32 to vector<100x128xi32>
    %add3A_2073 = arith.addi %xor3A_2069, %add3A_2072 : vector<100x128xi32>
    %add3A_2074 = arith.constant 5 : i32
    %add3A_2075 = vector.broadcast %add3A_2074 : i32 to vector<100x128xi32>
    %add3A_2076 = arith.addi %add3A_2073, %add3A_2075 : vector<100x128xi32>
    %xor3A_2077 = arith.xori %add3A_2071, %add3A_2076 : vector<100x128xi32>
    %shift_right_logical3A_2078 = arith.constant 9 : i32
    %shift_right_logical3A_2079 = vector.broadcast %shift_right_logical3A_2078 : i32 to vector<100x128xi32>
    %shift_right_logical3A_2080 = arith.shrui %xor3A_2077, %shift_right_logical3A_2079 : vector<100x128xi32>
    %or3A_2081 = arith.constant 1065353216 : i32
    %or3A_2082 = vector.broadcast %or3A_2081 : i32 to vector<100x128xi32>
    %or3A_2083 = arith.ori %shift_right_logical3A_2080, %or3A_2082 : vector<100x128xi32>
    %bitcast_convert_type3A_2084 = tpu.bitcast %or3A_2083 : vector<100x128xi32> -> vector<100x128xf32>
    %sub3A_2085 = arith.constant 1.000000e+00 : f32
    %sub3A_2086 = vector.broadcast %sub3A_2085 : f32 to vector<100x128xf32>
    %sub3A_2087 = arith.subf %bitcast_convert_type3A_2084, %sub3A_2086 : vector<100x128xf32>
    %sub3A_2088 = arith.constant 1.000000e+00 : f32
    %sub3A_2089 = arith.constant 1.17549435E-38 : f32
    %sub3A_2090 = arith.subf %sub3A_2088, %sub3A_2089 : f32
    %mul3A_2091 = vector.broadcast %sub3A_2090 : f32 to vector<100x128xf32>
    %mul3A_2092 = arith.mulf %sub3A_2087, %mul3A_2091 : vector<100x128xf32>
    %add3A_2093 = arith.constant 1.17549435E-38 : f32
    %add3A_2094 = vector.broadcast %add3A_2093 : f32 to vector<100x128xf32>
    %add3A_2095 = arith.addf %mul3A_2092, %add3A_2094 : vector<100x128xf32>
    %max3A_2096 = arith.constant 1.17549435E-38 : f32
    %max3A_2097 = vector.broadcast %max3A_2096 : f32 to vector<100x128xf32>
    %max3A_2098 = arith.maximumf %max3A_2097, %add3A_2095 : vector<100x128xf32>
    %log3A_2099 = math.log %max3A_2098 : vector<100x128xf32>
    %neg3A_2100 = arith.constant 0.000000e+00 : f32
    %neg3A_2101 = vector.broadcast %neg3A_2100 : f32 to vector<100x128xf32>
    %neg3A_2102 = arith.subf %neg3A_2101, %log3A_2099 : vector<100x128xf32>
    %log3A_2103 = math.log %neg3A_2102 : vector<100x128xf32>
    %neg3A_2104 = arith.constant 0.000000e+00 : f32
    %neg3A_2105 = vector.broadcast %neg3A_2104 : f32 to vector<100x128xf32>
    %neg3A_2106 = arith.subf %neg3A_2105, %log3A_2103 : vector<100x128xf32>
    %add3A_2107 = arith.addf %neg3A_2106, %concatenate3A : vector<100x128xf32>
    %slice3A_2108 = vector.extract_strided_slice %add3A_2107 {offsets = [0, 0], sizes = [50, 128], strides = [1, 1]} : vector<100x128xf32> to vector<50x128xf32>
    %slice3A_2109 = vector.extract_strided_slice %add3A_2107 {offsets = [50, 0], sizes = [50, 128], strides = [1, 1]} : vector<100x128xf32> to vector<50x128xf32>
    %reduce_max3A_2110 = arith.constant dense<0xFF800000> : vector<128xf32>
    %reduce_max3A_2111 = vector.multi_reduction <maximumf>, %slice3A_2108, %reduce_max3A_2110 [0] : vector<50x128xf32> to vector<128xf32>
    %broadcast_in_dim3A_2112 = vector.shape_cast %reduce_max3A_2111 : vector<128xf32> to vector<1x128xf32>
    %eq3A_2113 = vector.broadcast %broadcast_in_dim3A_2112 : vector<1x128xf32> to vector<50x128xf32>
    %eq3A_2114 = arith.cmpf oeq, %slice3A_2108, %eq3A_2113 : vector<50x128xf32>
    %jit3A_2115 = arith.constant 50 : i32
    %broadcast_in_dim3A_2116 = vector.broadcast %jit3A_2115 : i32 to vector<50x128xi32>
    %select_n3A_2117 = arith.select %eq3A_2114, %iota3A_28, %broadcast_in_dim3A_2116 : vector<50x128xi1>, vector<50x128xi32>
    %reduce_min3A_2118 = arith.constant dense<2147483647> : vector<128xi32>
    %reduce_min3A_2119 = vector.multi_reduction <minsi>, %select_n3A_2117, %reduce_min3A_2118 [0] : vector<50x128xi32> to vector<128xi32>
    %mul3A_2120 = arith.constant 4096 : i32
    %mul3A_2121 = vector.broadcast %mul3A_2120 : i32 to vector<128xi32>
    %mul3A_2122 = arith.muli %reduce_min3A_2119, %mul3A_2121 : vector<128xi32>
    %add3A_2123 = arith.addi %mul3A_2122, %add3A_27 : vector<128xi32>
    %swap3A_2124 = arith.constant 0 : index
    %swap3A_2125 = arith.constant 6 : index
    %swap3A_2126 = arith.constant 0 : index
    %swap3A_2127 = vector.load %arg3[%swap3A_2124, %swap3A_2125, %swap3A_2126] : memref<1x16x128xi32, #tpu.memory_space<vmem>>, vector<1x1x128xi32>
    %swap3A_2128 = vector.shape_cast %swap3A_2127 : vector<1x1x128xi32> to vector<128xi32>
    %swap3A_2129 = vector.shape_cast %add3A_2123 : vector<128xi32> to vector<1x1x128xi32>
    tpu.vector_store %arg3[%swap3A_2124, %swap3A_2125, %swap3A_2126], %swap3A_2129 {strides = array<i32>} : memref<1x16x128xi32, #tpu.memory_space<vmem>>, vector<1x1x128xi32>,
    %reduce_max3A_2130 = arith.constant dense<0xFF800000> : vector<128xf32>
    %reduce_max3A_2131 = vector.multi_reduction <maximumf>, %slice3A_2109, %reduce_max3A_2130 [0] : vector<50x128xf32> to vector<128xf32>
    %broadcast_in_dim3A_2132 = vector.shape_cast %reduce_max3A_2131 : vector<128xf32> to vector<1x128xf32>
    %eq3A_2133 = vector.broadcast %broadcast_in_dim3A_2132 : vector<1x128xf32> to vector<50x128xf32>
    %eq3A_2134 = arith.cmpf oeq, %slice3A_2109, %eq3A_2133 : vector<50x128xf32>
    %jit3A_2135 = arith.constant 50 : i32
    %broadcast_in_dim3A_2136 = vector.broadcast %jit3A_2135 : i32 to vector<50x128xi32>
    %select_n3A_2137 = arith.select %eq3A_2134, %iota3A_28, %broadcast_in_dim3A_2136 : vector<50x128xi1>, vector<50x128xi32>
    %reduce_min3A_2138 = arith.constant dense<2147483647> : vector<128xi32>
    %reduce_min3A_2139 = vector.multi_reduction <minsi>, %select_n3A_2137, %reduce_min3A_2138 [0] : vector<50x128xi32> to vector<128xi32>
    %mul3A_2140 = arith.constant 4096 : i32
    %mul3A_2141 = vector.broadcast %mul3A_2140 : i32 to vector<128xi32>
    %mul3A_2142 = arith.muli %reduce_min3A_2139, %mul3A_2141 : vector<128xi32>
    %add3A_2143 = arith.addi %mul3A_2142, %add3A_27 : vector<128xi32>
    %swap3A_2144 = arith.constant 0 : index
    %swap3A_2145 = arith.constant 14 : index
    %swap3A_2146 = arith.constant 0 : index
    %swap3A_2147 = vector.load %arg3[%swap3A_2144, %swap3A_2145, %swap3A_2146] : memref<1x16x128xi32, #tpu.memory_space<vmem>>, vector<1x1x128xi32>
    %swap3A_2148 = vector.shape_cast %swap3A_2147 : vector<1x1x128xi32> to vector<128xi32>
    %swap3A_2149 = vector.shape_cast %add3A_2143 : vector<128xi32> to vector<1x1x128xi32>
    tpu.vector_store %arg3[%swap3A_2144, %swap3A_2145, %swap3A_2146], %swap3A_2149 {strides = array<i32>} : memref<1x16x128xi32, #tpu.memory_space<vmem>>, vector<1x1x128xi32>,
    %add3A_2150 = arith.constant 14 : i32
    %add3A_2151 = vector.broadcast %add3A_2150 : i32 to vector<100x128xi32>
    %add3A_2152 = arith.addi %add3A_2151, %convert_element_type3A : vector<100x128xi32>
    %mul3A_2153 = arith.constant 16 : i32
    %mul3A_2154 = vector.broadcast %mul3A_2153 : i32 to vector<100x128xi32>
    %mul3A_2155 = arith.muli %add3A_12, %mul3A_2154 : vector<100x128xi32>
    %add3A_2156 = arith.addi %mul3A_2155, %add3A_2152 : vector<100x128xi32>
    %mul3A_2157 = arith.constant 50 : i32
    %mul3A_2158 = vector.broadcast %mul3A_2157 : i32 to vector<100x128xi32>
    %mul3A_2159 = arith.muli %add3A_2156, %mul3A_2158 : vector<100x128xi32>
    %add3A_2160 = arith.addi %mul3A_2159, %sub3A : vector<100x128xi32>
    %broadcast_in_dim3A_2161 = arith.constant 0 : i32
    %broadcast_in_dim3A_2162 = vector.broadcast %broadcast_in_dim3A_2161 : i32 to vector<100x128xi32>
    %add3A_2163 = vector.broadcast %get3A_0 : i32 to vector<100x128xi32>
    %add3A_2164 = arith.addi %broadcast_in_dim3A_2162, %add3A_2163 : vector<100x128xi32>
    %add3A_2165 = vector.broadcast %get3A_2 : i32 to vector<100x128xi32>
    %add3A_2166 = arith.addi %add3A_2160, %add3A_2165 : vector<100x128xi32>
    %add3A_2167 = arith.addi %add3A_2164, %add3A_2166 : vector<100x128xi32>
    %shift_left3A_2168 = arith.constant 13 : i32
    %shift_left3A_2169 = vector.broadcast %shift_left3A_2168 : i32 to vector<100x128xi32>
    %shift_left3A_2170 = arith.shli %add3A_2166, %shift_left3A_2169 : vector<100x128xi32>
    %shift_right_logical3A_2171 = arith.constant 19 : i32
    %shift_right_logical3A_2172 = vector.broadcast %shift_right_logical3A_2171 : i32 to vector<100x128xi32>
    %shift_right_logical3A_2173 = arith.shrui %add3A_2166, %shift_right_logical3A_2172 : vector<100x128xi32>
    %or3A_2174 = arith.ori %shift_left3A_2170, %shift_right_logical3A_2173 : vector<100x128xi32>
    %xor3A_2175 = arith.xori %or3A_2174, %add3A_2167 : vector<100x128xi32>
    %add3A_2176 = arith.addi %add3A_2167, %xor3A_2175 : vector<100x128xi32>
    %shift_left3A_2177 = arith.constant 15 : i32
    %shift_left3A_2178 = vector.broadcast %shift_left3A_2177 : i32 to vector<100x128xi32>
    %shift_left3A_2179 = arith.shli %xor3A_2175, %shift_left3A_2178 : vector<100x128xi32>
    %shift_right_logical3A_2180 = arith.constant 17 : i32
    %shift_right_logical3A_2181 = vector.broadcast %shift_right_logical3A_2180 : i32 to vector<100x128xi32>
    %shift_right_logical3A_2182 = arith.shrui %xor3A_2175, %shift_right_logical3A_2181 : vector<100x128xi32>
    %or3A_2183 = arith.ori %shift_left3A_2179, %shift_right_logical3A_2182 : vector<100x128xi32>
    %xor3A_2184 = arith.xori %or3A_2183, %add3A_2176 : vector<100x128xi32>
    %add3A_2185 = arith.addi %add3A_2176, %xor3A_2184 : vector<100x128xi32>
    %shift_left3A_2186 = arith.constant 26 : i32
    %shift_left3A_2187 = vector.broadcast %shift_left3A_2186 : i32 to vector<100x128xi32>
    %shift_left3A_2188 = arith.shli %xor3A_2184, %shift_left3A_2187 : vector<100x128xi32>
    %shift_right_logical3A_2189 = arith.constant 6 : i32
    %shift_right_logical3A_2190 = vector.broadcast %shift_right_logical3A_2189 : i32 to vector<100x128xi32>
    %shift_right_logical3A_2191 = arith.shrui %xor3A_2184, %shift_right_logical3A_2190 : vector<100x128xi32>
    %or3A_2192 = arith.ori %shift_left3A_2188, %shift_right_logical3A_2191 : vector<100x128xi32>
    %xor3A_2193 = arith.xori %or3A_2192, %add3A_2185 : vector<100x128xi32>
    %add3A_2194 = arith.addi %add3A_2185, %xor3A_2193 : vector<100x128xi32>
    %shift_left3A_2195 = arith.constant 6 : i32
    %shift_left3A_2196 = vector.broadcast %shift_left3A_2195 : i32 to vector<100x128xi32>
    %shift_left3A_2197 = arith.shli %xor3A_2193, %shift_left3A_2196 : vector<100x128xi32>
    %shift_right_logical3A_2198 = arith.constant 26 : i32
    %shift_right_logical3A_2199 = vector.broadcast %shift_right_logical3A_2198 : i32 to vector<100x128xi32>
    %shift_right_logical3A_2200 = arith.shrui %xor3A_2193, %shift_right_logical3A_2199 : vector<100x128xi32>
    %or3A_2201 = arith.ori %shift_left3A_2197, %shift_right_logical3A_2200 : vector<100x128xi32>
    %xor3A_2202 = arith.xori %or3A_2201, %add3A_2194 : vector<100x128xi32>
    %add3A_2203 = vector.broadcast %get3A_2 : i32 to vector<100x128xi32>
    %add3A_2204 = arith.addi %add3A_2194, %add3A_2203 : vector<100x128xi32>
    %add3A_2205 = vector.broadcast %xor3A_4 : i32 to vector<100x128xi32>
    %add3A_2206 = arith.addi %xor3A_2202, %add3A_2205 : vector<100x128xi32>
    %add3A_2207 = arith.constant 1 : i32
    %add3A_2208 = vector.broadcast %add3A_2207 : i32 to vector<100x128xi32>
    %add3A_2209 = arith.addi %add3A_2206, %add3A_2208 : vector<100x128xi32>
    %add3A_2210 = arith.addi %add3A_2204, %add3A_2209 : vector<100x128xi32>
    %shift_left3A_2211 = arith.constant 17 : i32
    %shift_left3A_2212 = vector.broadcast %shift_left3A_2211 : i32 to vector<100x128xi32>
    %shift_left3A_2213 = arith.shli %add3A_2209, %shift_left3A_2212 : vector<100x128xi32>
    %shift_right_logical3A_2214 = arith.constant 15 : i32
    %shift_right_logical3A_2215 = vector.broadcast %shift_right_logical3A_2214 : i32 to vector<100x128xi32>
    %shift_right_logical3A_2216 = arith.shrui %add3A_2209, %shift_right_logical3A_2215 : vector<100x128xi32>
    %or3A_2217 = arith.ori %shift_left3A_2213, %shift_right_logical3A_2216 : vector<100x128xi32>
    %xor3A_2218 = arith.xori %or3A_2217, %add3A_2210 : vector<100x128xi32>
    %add3A_2219 = arith.addi %add3A_2210, %xor3A_2218 : vector<100x128xi32>
    %shift_left3A_2220 = arith.constant 29 : i32
    %shift_left3A_2221 = vector.broadcast %shift_left3A_2220 : i32 to vector<100x128xi32>
    %shift_left3A_2222 = arith.shli %xor3A_2218, %shift_left3A_2221 : vector<100x128xi32>
    %shift_right_logical3A_2223 = arith.constant 3 : i32
    %shift_right_logical3A_2224 = vector.broadcast %shift_right_logical3A_2223 : i32 to vector<100x128xi32>
    %shift_right_logical3A_2225 = arith.shrui %xor3A_2218, %shift_right_logical3A_2224 : vector<100x128xi32>
    %or3A_2226 = arith.ori %shift_left3A_2222, %shift_right_logical3A_2225 : vector<100x128xi32>
    %xor3A_2227 = arith.xori %or3A_2226, %add3A_2219 : vector<100x128xi32>
    %add3A_2228 = arith.addi %add3A_2219, %xor3A_2227 : vector<100x128xi32>
    %shift_left3A_2229 = arith.constant 16 : i32
    %shift_left3A_2230 = vector.broadcast %shift_left3A_2229 : i32 to vector<100x128xi32>
    %shift_left3A_2231 = arith.shli %xor3A_2227, %shift_left3A_2230 : vector<100x128xi32>
    %shift_right_logical3A_2232 = arith.constant 16 : i32
    %shift_right_logical3A_2233 = vector.broadcast %shift_right_logical3A_2232 : i32 to vector<100x128xi32>
    %shift_right_logical3A_2234 = arith.shrui %xor3A_2227, %shift_right_logical3A_2233 : vector<100x128xi32>
    %or3A_2235 = arith.ori %shift_left3A_2231, %shift_right_logical3A_2234 : vector<100x128xi32>
    %xor3A_2236 = arith.xori %or3A_2235, %add3A_2228 : vector<100x128xi32>
    %add3A_2237 = arith.addi %add3A_2228, %xor3A_2236 : vector<100x128xi32>
    %shift_left3A_2238 = arith.constant 24 : i32
    %shift_left3A_2239 = vector.broadcast %shift_left3A_2238 : i32 to vector<100x128xi32>
    %shift_left3A_2240 = arith.shli %xor3A_2236, %shift_left3A_2239 : vector<100x128xi32>
    %shift_right_logical3A_2241 = arith.constant 8 : i32
    %shift_right_logical3A_2242 = vector.broadcast %shift_right_logical3A_2241 : i32 to vector<100x128xi32>
    %shift_right_logical3A_2243 = arith.shrui %xor3A_2236, %shift_right_logical3A_2242 : vector<100x128xi32>
    %or3A_2244 = arith.ori %shift_left3A_2240, %shift_right_logical3A_2243 : vector<100x128xi32>
    %xor3A_2245 = arith.xori %or3A_2244, %add3A_2237 : vector<100x128xi32>
    %add3A_2246 = vector.broadcast %xor3A_4 : i32 to vector<100x128xi32>
    %add3A_2247 = arith.addi %add3A_2237, %add3A_2246 : vector<100x128xi32>
    %add3A_2248 = vector.broadcast %get3A_0 : i32 to vector<100x128xi32>
    %add3A_2249 = arith.addi %xor3A_2245, %add3A_2248 : vector<100x128xi32>
    %add3A_2250 = arith.constant 2 : i32
    %add3A_2251 = vector.broadcast %add3A_2250 : i32 to vector<100x128xi32>
    %add3A_2252 = arith.addi %add3A_2249, %add3A_2251 : vector<100x128xi32>
    %add3A_2253 = arith.addi %add3A_2247, %add3A_2252 : vector<100x128xi32>
    %shift_left3A_2254 = arith.constant 13 : i32
    %shift_left3A_2255 = vector.broadcast %shift_left3A_2254 : i32 to vector<100x128xi32>
    %shift_left3A_2256 = arith.shli %add3A_2252, %shift_left3A_2255 : vector<100x128xi32>
    %shift_right_logical3A_2257 = arith.constant 19 : i32
    %shift_right_logical3A_2258 = vector.broadcast %shift_right_logical3A_2257 : i32 to vector<100x128xi32>
    %shift_right_logical3A_2259 = arith.shrui %add3A_2252, %shift_right_logical3A_2258 : vector<100x128xi32>
    %or3A_2260 = arith.ori %shift_left3A_2256, %shift_right_logical3A_2259 : vector<100x128xi32>
    %xor3A_2261 = arith.xori %or3A_2260, %add3A_2253 : vector<100x128xi32>
    %add3A_2262 = arith.addi %add3A_2253, %xor3A_2261 : vector<100x128xi32>
    %shift_left3A_2263 = arith.constant 15 : i32
    %shift_left3A_2264 = vector.broadcast %shift_left3A_2263 : i32 to vector<100x128xi32>
    %shift_left3A_2265 = arith.shli %xor3A_2261, %shift_left3A_2264 : vector<100x128xi32>
    %shift_right_logical3A_2266 = arith.constant 17 : i32
    %shift_right_logical3A_2267 = vector.broadcast %shift_right_logical3A_2266 : i32 to vector<100x128xi32>
    %shift_right_logical3A_2268 = arith.shrui %xor3A_2261, %shift_right_logical3A_2267 : vector<100x128xi32>
    %or3A_2269 = arith.ori %shift_left3A_2265, %shift_right_logical3A_2268 : vector<100x128xi32>
    %xor3A_2270 = arith.xori %or3A_2269, %add3A_2262 : vector<100x128xi32>
    %add3A_2271 = arith.addi %add3A_2262, %xor3A_2270 : vector<100x128xi32>
    %shift_left3A_2272 = arith.constant 26 : i32
    %shift_left3A_2273 = vector.broadcast %shift_left3A_2272 : i32 to vector<100x128xi32>
    %shift_left3A_2274 = arith.shli %xor3A_2270, %shift_left3A_2273 : vector<100x128xi32>
    %shift_right_logical3A_2275 = arith.constant 6 : i32
    %shift_right_logical3A_2276 = vector.broadcast %shift_right_logical3A_2275 : i32 to vector<100x128xi32>
    %shift_right_logical3A_2277 = arith.shrui %xor3A_2270, %shift_right_logical3A_2276 : vector<100x128xi32>
    %or3A_2278 = arith.ori %shift_left3A_2274, %shift_right_logical3A_2277 : vector<100x128xi32>
    %xor3A_2279 = arith.xori %or3A_2278, %add3A_2271 : vector<100x128xi32>
    %add3A_2280 = arith.addi %add3A_2271, %xor3A_2279 : vector<100x128xi32>
    %shift_left3A_2281 = arith.constant 6 : i32
    %shift_left3A_2282 = vector.broadcast %shift_left3A_2281 : i32 to vector<100x128xi32>
    %shift_left3A_2283 = arith.shli %xor3A_2279, %shift_left3A_2282 : vector<100x128xi32>
    %shift_right_logical3A_2284 = arith.constant 26 : i32
    %shift_right_logical3A_2285 = vector.broadcast %shift_right_logical3A_2284 : i32 to vector<100x128xi32>
    %shift_right_logical3A_2286 = arith.shrui %xor3A_2279, %shift_right_logical3A_2285 : vector<100x128xi32>
    %or3A_2287 = arith.ori %shift_left3A_2283, %shift_right_logical3A_2286 : vector<100x128xi32>
    %xor3A_2288 = arith.xori %or3A_2287, %add3A_2280 : vector<100x128xi32>
    %add3A_2289 = vector.broadcast %get3A_0 : i32 to vector<100x128xi32>
    %add3A_2290 = arith.addi %add3A_2280, %add3A_2289 : vector<100x128xi32>
    %add3A_2291 = vector.broadcast %get3A_2 : i32 to vector<100x128xi32>
    %add3A_2292 = arith.addi %xor3A_2288, %add3A_2291 : vector<100x128xi32>
    %add3A_2293 = arith.constant 3 : i32
    %add3A_2294 = vector.broadcast %add3A_2293 : i32 to vector<100x128xi32>
    %add3A_2295 = arith.addi %add3A_2292, %add3A_2294 : vector<100x128xi32>
    %add3A_2296 = arith.addi %add3A_2290, %add3A_2295 : vector<100x128xi32>
    %shift_left3A_2297 = arith.constant 17 : i32
    %shift_left3A_2298 = vector.broadcast %shift_left3A_2297 : i32 to vector<100x128xi32>
    %shift_left3A_2299 = arith.shli %add3A_2295, %shift_left3A_2298 : vector<100x128xi32>
    %shift_right_logical3A_2300 = arith.constant 15 : i32
    %shift_right_logical3A_2301 = vector.broadcast %shift_right_logical3A_2300 : i32 to vector<100x128xi32>
    %shift_right_logical3A_2302 = arith.shrui %add3A_2295, %shift_right_logical3A_2301 : vector<100x128xi32>
    %or3A_2303 = arith.ori %shift_left3A_2299, %shift_right_logical3A_2302 : vector<100x128xi32>
    %xor3A_2304 = arith.xori %or3A_2303, %add3A_2296 : vector<100x128xi32>
    %add3A_2305 = arith.addi %add3A_2296, %xor3A_2304 : vector<100x128xi32>
    %shift_left3A_2306 = arith.constant 29 : i32
    %shift_left3A_2307 = vector.broadcast %shift_left3A_2306 : i32 to vector<100x128xi32>
    %shift_left3A_2308 = arith.shli %xor3A_2304, %shift_left3A_2307 : vector<100x128xi32>
    %shift_right_logical3A_2309 = arith.constant 3 : i32
    %shift_right_logical3A_2310 = vector.broadcast %shift_right_logical3A_2309 : i32 to vector<100x128xi32>
    %shift_right_logical3A_2311 = arith.shrui %xor3A_2304, %shift_right_logical3A_2310 : vector<100x128xi32>
    %or3A_2312 = arith.ori %shift_left3A_2308, %shift_right_logical3A_2311 : vector<100x128xi32>
    %xor3A_2313 = arith.xori %or3A_2312, %add3A_2305 : vector<100x128xi32>
    %add3A_2314 = arith.addi %add3A_2305, %xor3A_2313 : vector<100x128xi32>
    %shift_left3A_2315 = arith.constant 16 : i32
    %shift_left3A_2316 = vector.broadcast %shift_left3A_2315 : i32 to vector<100x128xi32>
    %shift_left3A_2317 = arith.shli %xor3A_2313, %shift_left3A_2316 : vector<100x128xi32>
    %shift_right_logical3A_2318 = arith.constant 16 : i32
    %shift_right_logical3A_2319 = vector.broadcast %shift_right_logical3A_2318 : i32 to vector<100x128xi32>
    %shift_right_logical3A_2320 = arith.shrui %xor3A_2313, %shift_right_logical3A_2319 : vector<100x128xi32>
    %or3A_2321 = arith.ori %shift_left3A_2317, %shift_right_logical3A_2320 : vector<100x128xi32>
    %xor3A_2322 = arith.xori %or3A_2321, %add3A_2314 : vector<100x128xi32>
    %add3A_2323 = arith.addi %add3A_2314, %xor3A_2322 : vector<100x128xi32>
    %shift_left3A_2324 = arith.constant 24 : i32
    %shift_left3A_2325 = vector.broadcast %shift_left3A_2324 : i32 to vector<100x128xi32>
    %shift_left3A_2326 = arith.shli %xor3A_2322, %shift_left3A_2325 : vector<100x128xi32>
    %shift_right_logical3A_2327 = arith.constant 8 : i32
    %shift_right_logical3A_2328 = vector.broadcast %shift_right_logical3A_2327 : i32 to vector<100x128xi32>
    %shift_right_logical3A_2329 = arith.shrui %xor3A_2322, %shift_right_logical3A_2328 : vector<100x128xi32>
    %or3A_2330 = arith.ori %shift_left3A_2326, %shift_right_logical3A_2329 : vector<100x128xi32>
    %xor3A_2331 = arith.xori %or3A_2330, %add3A_2323 : vector<100x128xi32>
    %add3A_2332 = vector.broadcast %get3A_2 : i32 to vector<100x128xi32>
    %add3A_2333 = arith.addi %add3A_2323, %add3A_2332 : vector<100x128xi32>
    %add3A_2334 = vector.broadcast %xor3A_4 : i32 to vector<100x128xi32>
    %add3A_2335 = arith.addi %xor3A_2331, %add3A_2334 : vector<100x128xi32>
    %add3A_2336 = arith.constant 4 : i32
    %add3A_2337 = vector.broadcast %add3A_2336 : i32 to vector<100x128xi32>
    %add3A_2338 = arith.addi %add3A_2335, %add3A_2337 : vector<100x128xi32>
    %add3A_2339 = arith.addi %add3A_2333, %add3A_2338 : vector<100x128xi32>
    %shift_left3A_2340 = arith.constant 13 : i32
    %shift_left3A_2341 = vector.broadcast %shift_left3A_2340 : i32 to vector<100x128xi32>
    %shift_left3A_2342 = arith.shli %add3A_2338, %shift_left3A_2341 : vector<100x128xi32>
    %shift_right_logical3A_2343 = arith.constant 19 : i32
    %shift_right_logical3A_2344 = vector.broadcast %shift_right_logical3A_2343 : i32 to vector<100x128xi32>
    %shift_right_logical3A_2345 = arith.shrui %add3A_2338, %shift_right_logical3A_2344 : vector<100x128xi32>
    %or3A_2346 = arith.ori %shift_left3A_2342, %shift_right_logical3A_2345 : vector<100x128xi32>
    %xor3A_2347 = arith.xori %or3A_2346, %add3A_2339 : vector<100x128xi32>
    %add3A_2348 = arith.addi %add3A_2339, %xor3A_2347 : vector<100x128xi32>
    %shift_left3A_2349 = arith.constant 15 : i32
    %shift_left3A_2350 = vector.broadcast %shift_left3A_2349 : i32 to vector<100x128xi32>
    %shift_left3A_2351 = arith.shli %xor3A_2347, %shift_left3A_2350 : vector<100x128xi32>
    %shift_right_logical3A_2352 = arith.constant 17 : i32
    %shift_right_logical3A_2353 = vector.broadcast %shift_right_logical3A_2352 : i32 to vector<100x128xi32>
    %shift_right_logical3A_2354 = arith.shrui %xor3A_2347, %shift_right_logical3A_2353 : vector<100x128xi32>
    %or3A_2355 = arith.ori %shift_left3A_2351, %shift_right_logical3A_2354 : vector<100x128xi32>
    %xor3A_2356 = arith.xori %or3A_2355, %add3A_2348 : vector<100x128xi32>
    %add3A_2357 = arith.addi %add3A_2348, %xor3A_2356 : vector<100x128xi32>
    %shift_left3A_2358 = arith.constant 26 : i32
    %shift_left3A_2359 = vector.broadcast %shift_left3A_2358 : i32 to vector<100x128xi32>
    %shift_left3A_2360 = arith.shli %xor3A_2356, %shift_left3A_2359 : vector<100x128xi32>
    %shift_right_logical3A_2361 = arith.constant 6 : i32
    %shift_right_logical3A_2362 = vector.broadcast %shift_right_logical3A_2361 : i32 to vector<100x128xi32>
    %shift_right_logical3A_2363 = arith.shrui %xor3A_2356, %shift_right_logical3A_2362 : vector<100x128xi32>
    %or3A_2364 = arith.ori %shift_left3A_2360, %shift_right_logical3A_2363 : vector<100x128xi32>
    %xor3A_2365 = arith.xori %or3A_2364, %add3A_2357 : vector<100x128xi32>
    %add3A_2366 = arith.addi %add3A_2357, %xor3A_2365 : vector<100x128xi32>
    %shift_left3A_2367 = arith.constant 6 : i32
    %shift_left3A_2368 = vector.broadcast %shift_left3A_2367 : i32 to vector<100x128xi32>
    %shift_left3A_2369 = arith.shli %xor3A_2365, %shift_left3A_2368 : vector<100x128xi32>
    %shift_right_logical3A_2370 = arith.constant 26 : i32
    %shift_right_logical3A_2371 = vector.broadcast %shift_right_logical3A_2370 : i32 to vector<100x128xi32>
    %shift_right_logical3A_2372 = arith.shrui %xor3A_2365, %shift_right_logical3A_2371 : vector<100x128xi32>
    %or3A_2373 = arith.ori %shift_left3A_2369, %shift_right_logical3A_2372 : vector<100x128xi32>
    %xor3A_2374 = arith.xori %or3A_2373, %add3A_2366 : vector<100x128xi32>
    %add3A_2375 = vector.broadcast %xor3A_4 : i32 to vector<100x128xi32>
    %add3A_2376 = arith.addi %add3A_2366, %add3A_2375 : vector<100x128xi32>
    %add3A_2377 = vector.broadcast %get3A_0 : i32 to vector<100x128xi32>
    %add3A_2378 = arith.addi %xor3A_2374, %add3A_2377 : vector<100x128xi32>
    %add3A_2379 = arith.constant 5 : i32
    %add3A_2380 = vector.broadcast %add3A_2379 : i32 to vector<100x128xi32>
    %add3A_2381 = arith.addi %add3A_2378, %add3A_2380 : vector<100x128xi32>
    %xor3A_2382 = arith.xori %add3A_2376, %add3A_2381 : vector<100x128xi32>
    %shift_right_logical3A_2383 = arith.constant 9 : i32
    %shift_right_logical3A_2384 = vector.broadcast %shift_right_logical3A_2383 : i32 to vector<100x128xi32>
    %shift_right_logical3A_2385 = arith.shrui %xor3A_2382, %shift_right_logical3A_2384 : vector<100x128xi32>
    %or3A_2386 = arith.constant 1065353216 : i32
    %or3A_2387 = vector.broadcast %or3A_2386 : i32 to vector<100x128xi32>
    %or3A_2388 = arith.ori %shift_right_logical3A_2385, %or3A_2387 : vector<100x128xi32>
    %bitcast_convert_type3A_2389 = tpu.bitcast %or3A_2388 : vector<100x128xi32> -> vector<100x128xf32>
    %sub3A_2390 = arith.constant 1.000000e+00 : f32
    %sub3A_2391 = vector.broadcast %sub3A_2390 : f32 to vector<100x128xf32>
    %sub3A_2392 = arith.subf %bitcast_convert_type3A_2389, %sub3A_2391 : vector<100x128xf32>
    %sub3A_2393 = arith.constant 1.000000e+00 : f32
    %sub3A_2394 = arith.constant 1.17549435E-38 : f32
    %sub3A_2395 = arith.subf %sub3A_2393, %sub3A_2394 : f32
    %mul3A_2396 = vector.broadcast %sub3A_2395 : f32 to vector<100x128xf32>
    %mul3A_2397 = arith.mulf %sub3A_2392, %mul3A_2396 : vector<100x128xf32>
    %add3A_2398 = arith.constant 1.17549435E-38 : f32
    %add3A_2399 = vector.broadcast %add3A_2398 : f32 to vector<100x128xf32>
    %add3A_2400 = arith.addf %mul3A_2397, %add3A_2399 : vector<100x128xf32>
    %max3A_2401 = arith.constant 1.17549435E-38 : f32
    %max3A_2402 = vector.broadcast %max3A_2401 : f32 to vector<100x128xf32>
    %max3A_2403 = arith.maximumf %max3A_2402, %add3A_2400 : vector<100x128xf32>
    %log3A_2404 = math.log %max3A_2403 : vector<100x128xf32>
    %neg3A_2405 = arith.constant 0.000000e+00 : f32
    %neg3A_2406 = vector.broadcast %neg3A_2405 : f32 to vector<100x128xf32>
    %neg3A_2407 = arith.subf %neg3A_2406, %log3A_2404 : vector<100x128xf32>
    %log3A_2408 = math.log %neg3A_2407 : vector<100x128xf32>
    %neg3A_2409 = arith.constant 0.000000e+00 : f32
    %neg3A_2410 = vector.broadcast %neg3A_2409 : f32 to vector<100x128xf32>
    %neg3A_2411 = arith.subf %neg3A_2410, %log3A_2408 : vector<100x128xf32>
    %add3A_2412 = arith.addf %neg3A_2411, %concatenate3A : vector<100x128xf32>
    %slice3A_2413 = vector.extract_strided_slice %add3A_2412 {offsets = [0, 0], sizes = [50, 128], strides = [1, 1]} : vector<100x128xf32> to vector<50x128xf32>
    %slice3A_2414 = vector.extract_strided_slice %add3A_2412 {offsets = [50, 0], sizes = [50, 128], strides = [1, 1]} : vector<100x128xf32> to vector<50x128xf32>
    %reduce_max3A_2415 = arith.constant dense<0xFF800000> : vector<128xf32>
    %reduce_max3A_2416 = vector.multi_reduction <maximumf>, %slice3A_2413, %reduce_max3A_2415 [0] : vector<50x128xf32> to vector<128xf32>
    %broadcast_in_dim3A_2417 = vector.shape_cast %reduce_max3A_2416 : vector<128xf32> to vector<1x128xf32>
    %eq3A_2418 = vector.broadcast %broadcast_in_dim3A_2417 : vector<1x128xf32> to vector<50x128xf32>
    %eq3A_2419 = arith.cmpf oeq, %slice3A_2413, %eq3A_2418 : vector<50x128xf32>
    %jit3A_2420 = arith.constant 50 : i32
    %broadcast_in_dim3A_2421 = vector.broadcast %jit3A_2420 : i32 to vector<50x128xi32>
    %select_n3A_2422 = arith.select %eq3A_2419, %iota3A_28, %broadcast_in_dim3A_2421 : vector<50x128xi1>, vector<50x128xi32>
    %reduce_min3A_2423 = arith.constant dense<2147483647> : vector<128xi32>
    %reduce_min3A_2424 = vector.multi_reduction <minsi>, %select_n3A_2422, %reduce_min3A_2423 [0] : vector<50x128xi32> to vector<128xi32>
    %mul3A_2425 = arith.constant 4096 : i32
    %mul3A_2426 = vector.broadcast %mul3A_2425 : i32 to vector<128xi32>
    %mul3A_2427 = arith.muli %reduce_min3A_2424, %mul3A_2426 : vector<128xi32>
    %add3A_2428 = arith.addi %mul3A_2427, %add3A_27 : vector<128xi32>
    %swap3A_2429 = arith.constant 0 : index
    %swap3A_2430 = arith.constant 7 : index
    %swap3A_2431 = arith.constant 0 : index
    %swap3A_2432 = vector.load %arg3[%swap3A_2429, %swap3A_2430, %swap3A_2431] : memref<1x16x128xi32, #tpu.memory_space<vmem>>, vector<1x1x128xi32>
    %swap3A_2433 = vector.shape_cast %swap3A_2432 : vector<1x1x128xi32> to vector<128xi32>
    %swap3A_2434 = vector.shape_cast %add3A_2428 : vector<128xi32> to vector<1x1x128xi32>
    tpu.vector_store %arg3[%swap3A_2429, %swap3A_2430, %swap3A_2431], %swap3A_2434 {strides = array<i32>} : memref<1x16x128xi32, #tpu.memory_space<vmem>>, vector<1x1x128xi32>,
    %reduce_max3A_2435 = arith.constant dense<0xFF800000> : vector<128xf32>
    %reduce_max3A_2436 = vector.multi_reduction <maximumf>, %slice3A_2414, %reduce_max3A_2435 [0] : vector<50x128xf32> to vector<128xf32>
    %broadcast_in_dim3A_2437 = vector.shape_cast %reduce_max3A_2436 : vector<128xf32> to vector<1x128xf32>
    %eq3A_2438 = vector.broadcast %broadcast_in_dim3A_2437 : vector<1x128xf32> to vector<50x128xf32>
    %eq3A_2439 = arith.cmpf oeq, %slice3A_2414, %eq3A_2438 : vector<50x128xf32>
    %jit3A_2440 = arith.constant 50 : i32
    %broadcast_in_dim3A_2441 = vector.broadcast %jit3A_2440 : i32 to vector<50x128xi32>
    %select_n3A_2442 = arith.select %eq3A_2439, %iota3A_28, %broadcast_in_dim3A_2441 : vector<50x128xi1>, vector<50x128xi32>
    %reduce_min3A_2443 = arith.constant dense<2147483647> : vector<128xi32>
    %reduce_min3A_2444 = vector.multi_reduction <minsi>, %select_n3A_2442, %reduce_min3A_2443 [0] : vector<50x128xi32> to vector<128xi32>
    %mul3A_2445 = arith.constant 4096 : i32
    %mul3A_2446 = vector.broadcast %mul3A_2445 : i32 to vector<128xi32>
    %mul3A_2447 = arith.muli %reduce_min3A_2444, %mul3A_2446 : vector<128xi32>
    %add3A_2448 = arith.addi %mul3A_2447, %add3A_27 : vector<128xi32>
    %swap3A_2449 = arith.constant 0 : index
    %swap3A_2450 = arith.constant 15 : index
    %swap3A_2451 = arith.constant 0 : index
    %swap3A_2452 = vector.load %arg3[%swap3A_2449, %swap3A_2450, %swap3A_2451] : memref<1x16x128xi32, #tpu.memory_space<vmem>>, vector<1x1x128xi32>
    %swap3A_2453 = vector.shape_cast %swap3A_2452 : vector<1x1x128xi32> to vector<128xi32>
    %swap3A_2454 = vector.shape_cast %add3A_2448 : vector<128xi32> to vector<1x1x128xi32>
    tpu.vector_store %arg3[%swap3A_2449, %swap3A_2450, %swap3A_2451], %swap3A_2454 {strides = array<i32>} : memref<1x16x128xi32, #tpu.memory_space<vmem>>, vector<1x1x128xi32>,
    return
  }
  func.func @transform_0(%arg0: i32) -> i32 {
    %c0_i32 = arith.constant 0 : i32
    %c0_i32_0 = arith.constant 0 : i32
    return %c0_i32 : i32
  }
  func.func @transform_1(%arg0: i32) -> (i32, i32) {
    %c0_i32 = arith.constant 0 : i32
    %c0_i32_0 = arith.constant 0 : i32
    return %c0_i32, %arg0 : i32, i32
  }
  func.func @transform_2(%arg0: i32) -> (i32, i32, i32) {
    %c0_i32 = arith.constant 0 : i32
    %c0_i32_0 = arith.constant 0 : i32
    %c0_i32_1 = arith.constant 0 : i32
    return %arg0, %c0_i32, %c0_i32_0 : i32, i32, i32
  }
}

</mosaic_0001>

<sc_bundles>
// kernel: kernel.6.cloned.1.call-start
scs
__scs_entry_jumppad:
0x0: {  	(pc) =	sbr.rel $0x88, $3  }
0x1: {  	(tag) =	ssettag $0x0;
	lr =	simm.s32 $0x1  }
0x2: {  	[smem:$0x3F9E] =	sst lr;
	_ =	strace $0xD0000000  }
0x3: {  	_ = 	snop  }
0x4: {  	_ = 	snop  }
0x5: {  	_ = 	snop  }
0x6: {  	_ = 	snop  }
0x7: {  	_ = 	snop  }
__scs_overlays_trampoline_lowered:
0x8: {  	[smem:$0x3FAD] =	sst s0  }
0x9: {  	[smem:$0x3FAE] =	sst s1  }
0xa: {  	[smem:$0x3FAF] =	sst s2  }
0xb: {  	[smem:$0x3FB0] =	sst s3  }
0xc: {  	[smem:$0x3FB1] =	sst s4  }
0xd: {  	[smem:$0x3FB2] =	sst s5  }
0xe: {  	[smem:$0x3FB3] =	sst s6  }
0xf: {  	[smem:$0x3FB4] =	sst s7  }
0x10: {  	[smem:$0x3FB5] =	sst s8  }
0x11: {  	[smem:$0x3FB6] =	sst s9;
	s0 =	simm.s32 @!p0 $0x0  }
0x12: {  	s1 =	sld [smem:$0x3F9C];
	s0 =	simm.s32 @p0 $0x1  }
0x13: {  	[smem:$0x3FB7] =	sst s0;
	s0 =	simm.s32 @!p1 $0x0  }
0x14: {  	s2 =	sld [smem:$0x3F9B];
	s0 =	simm.s32 @p1 $0x1  }
0x15: {  	[smem:$0x3FB8] =	sst s0;
	s0 =	simm.s32 @!p2 $0x0  }
0x16: {  	s3 =	sld [smem:$0x3FDB];
	s0 =	simm.s32 @p2 $0x1  }
0x17: {  	s4 =	simm.s32 $0x1BF5;
	[smem:$0x3FBA] =	sst s0  }
0x18: {  	s0 =	sld [smem:$0x3F9D];
	_ =	swait.ge [sflag:s4], $0x0  }
0x19: {  	s7 =	sld [smem:$0x3F9E]  }
0x1a: {  	s8 =	sadd.s32 $0xFFFFE003, lr  }
0x1b: {  	s9 =	sadd.s32 $0xFFFFFEF7, lr;
	s5 =	simm.s32 $0xFFFFFFFF;
	p2 =	slt.u32 s8, $0xFFFFF086  }
0x1c: {  	p1 =	slt.u32 s9, $0xF7A;
	s5 =	simm.s32 @!p2 $0x0  }
0x1d: {  	s5 =	simm.s32 @p1 $0x1;
	p0 =	seq.s32 s7, s2  }
0x1e: {  	s7 =	smul.u32 @!p0 $0xF7A, s2;
	p2 =	seq.s32 @!p0 s5, $0x0  }
0x1f: {  	s9 =	smul.u32 $0xF7A, s1;
	s8 =	simm.s32 @!p0 $0x1BF5;
	p2 =	por !p2, p0  }
0x20: {  	[sflag:s8] =	ssyncset.s32 @!p0 $0xFFFFF086;
	s6 =	sadd.s32 @!p0 s3, s7;
	s7 =	simm.s32 @!p0 $0x108  }
0x21: {  	s3 =	sadd.s32 s3, s9;
	s6 =	sadd.s32 @!p0 $0x88, s6;
	s7 =	simm.s32 @p2 $0x1082  }
0x22: {  	[simem:s7], [sflag:s8] =	dma.local @!p0 [hbm:s6], $0xF7A  }
0x23: {  	s9 =	sor.u32 $0xD0000000, s2;
	s6 =	simm.s32 $0x108;
	_ =	swait.ge @!p0 [sflag:s8], $0x0  }
0x24: {  	s3 =	sadd.s32 $0x88, s3;
	s6 =	simm.s32 @!p1 $0x1082;
	[sflag:s4] =	ssyncset.s32 $0xFFFFF086  }
0x25: {  	[simem:s6], [sflag:s4] =	dma.local [hbm:s3], $0xF7A  }
0x26: {  	[smem:$0x3F9E] =	sst s1;
	(tag) =	ssettag s2;
	_ =	strace s9  }
0x27: {  	s1 =	sld [smem:$0x3FAE]  }
0x28: {  	s2 =	sld [smem:$0x3FAF]  }
0x29: {  	s4 =	sld [smem:$0x3FB1]  }
0x2a: {  	p0 =	seq.s32 s5, $0x0;
	s5 =	sld [smem:$0x3FB2]  }
0x2b: {  	s6 =	sld [smem:$0x3FB3]  }
0x2c: {  	s7 =	sld [smem:$0x3FB4]  }
0x2d: {  	s3 =	simm.s32 $0x108;
	s8 =	sld [smem:$0x3FB5]  }
0x2e: {  	s3 =	simm.s32 @!p0 $0x1082;
	s9 =	sld [smem:$0x3FB6]  }
0x2f: {  	lr =	sadd.s32 s0, s3;
	s0 =	sld [smem:$0x3FAD]  }
0x30: {  	s3 =	sld [smem:$0x3FB0]  }
0x31: {  	[smem:$0x3FB9] =	sst s10  }
0x32: {  	s10 =	sld [smem:$0x3FB7];
	_ =	sdelay $0x3  }
0x33: {  	p0 =	seq.s32 s10, $0x1;
	s10 =	sld [smem:$0x3FB9];
	_ =	sdelay $0x3  }
0x34: {  	[smem:$0x3FB9] =	sst s10  }
0x35: {  	s10 =	sld [smem:$0x3FB8];
	_ =	sdelay $0x3  }
0x36: {  	p1 =	seq.s32 s10, $0x1;
	s10 =	sld [smem:$0x3FB9];
	_ =	sdelay $0x3  }
0x37: {  	[smem:$0x3FB9] =	sst s10  }
0x38: {  	s10 =	sld [smem:$0x3FBA]  }
0x39: {  	_ = 	snop;
	(pc) =	sbr.ind lr, $3  }
0x3a: {  	_ = 	snop  }
0x3b: {  	_ = 	snop  }
0x3c: {  	p2 =	seq.s32 s10, $0x1;
	s10 =	sld [smem:$0x3FB9]  }
0x3d: {  	_ =	shalt  }
0x3e: {  	_ =	shalt  }
0x3f: {  	_ =	shalt  }
0x40: {  	_ =	shalt  }
0x41: {  	_ =	shalt  }
0x42: {  	_ =	shalt  }
0x43: {  	_ =	shalt  }
0x44: {  	_ =	shalt  }
0x45: {  	_ =	shalt  }
0x46: {  	_ =	shalt  }
0x47: {  	_ =	shalt  }
0x48: {  	_ =	shalt  }
0x49: {  	_ =	shalt  }
0x4a: {  	_ =	shalt  }
0x4b: {  	_ =	shalt  }
0x4c: {  	_ =	shalt  }
0x4d: {  	_ =	shalt  }
0x4e: {  	_ =	shalt  }
0x4f: {  	_ =	shalt  }
0x50: {  	_ =	shalt  }
0x51: {  	_ =	shalt  }
0x52: {  	_ =	shalt  }
0x53: {  	_ =	shalt  }
0x54: {  	_ =	shalt  }
0x55: {  	_ =	shalt  }
0x56: {  	_ =	shalt  }
0x57: {  	_ =	shalt  }
0x58: {  	_ =	shalt  }
0x59: {  	_ =	shalt  }
0x5a: {  	_ =	shalt  }
0x5b: {  	_ =	shalt  }
0x5c: {  	_ =	shalt  }
0x5d: {  	_ =	shalt  }
0x5e: {  	_ =	shalt  }
0x5f: {  	_ =	shalt  }
0x60: {  	_ =	shalt  }
0x61: {  	_ =	shalt  }
0x62: {  	_ =	shalt  }
0x63: {  	_ =	shalt  }
0x64: {  	_ =	shalt  }
0x65: {  	_ =	shalt  }
0x66: {  	_ =	shalt  }
0x67: {  	_ =	shalt  }
0x68: {  	_ =	shalt  }
0x69: {  	_ =	shalt  }
0x6a: {  	_ =	shalt  }
0x6b: {  	_ =	shalt  }
0x6c: {  	_ =	shalt  }
0x6d: {  	_ =	shalt  }
0x6e: {  	_ =	shalt  }
0x6f: {  	_ =	shalt  }
0x70: {  	_ =	shalt  }
0x71: {  	_ =	shalt  }
0x72: {  	_ =	shalt  }
0x73: {  	_ =	shalt  }
0x74: {  	_ =	shalt  }
0x75: {  	_ =	shalt  }
0x76: {  	_ =	shalt  }
0x77: {  	_ =	shalt  }
0x78: {  	_ =	shalt  }
0x79: {  	_ =	shalt  }
0x7a: {  	_ =	shalt  }
0x7b: {  	_ =	shalt  }
0x7c: {  	_ =	shalt  }
0x7d: {  	_ =	shalt  }
0x7e: {  	_ =	shalt  }
0x7f: {  	_ =	shalt  }
0x80: {  	_ =	shalt  }
0x81: {  	_ =	shalt  }
0x82: {  	_ =	shalt  }
0x83: {  	_ =	shalt  }
0x84: {  	_ =	shalt  }
0x85: {  	_ =	shalt  }
0x86: {  	_ =	shalt  }
0x87: {  	_ =	shalt  }
.Lfunc_end0:
.L_simem_size_0:
called_computation_lowered:
.L_overlay_start_0:
0x88: {  	s2 =	sld [smem:$0x3FD9]  }
0x89: {  	s3 =	sld [smem:$0x3FFE];
	_ =	sdelay $0x1  }
0x8a: {  	s1 =	srdreg.scid  }
0x8b: {  	s0 =	sand.u32 $0x1, s1  }
0x8c: {  	s17 =	sshll.u32 s0, $0xA;
	s2 =	sadd.s32 s3, s2  }
0x8d: {  	s2 =	sadd.s32 s2, s17  }
0x8e: {  	[smem:$0x3FC5] =	sst s2  }
0x8f: {  	_ = 	snop  }
0x90: {  	s2 =	sld [smem:$0x3FC9]  }
0x91: {  	s18 =	sld [smem:$0x3FD0];
	(tm) =	ssettm $0x1  }
0x92: {  	s4 =	sld [smem:$0x3FFB];
	_ =	sdelay $0x3  }
0x93: {  	_ =	strace s4  }
0x94: {  	s4 =	sld [smem:$0x3FFC];
	_ =	sdelay $0x3  }
0x95: {  	_ =	strace s4  }
0x96: {  	s4 =	sld [smem:$0x3FFD];
	_ =	sdelay $0x3  }
0x97: {  	_ =	strace s4  }
0x98: {  	_ =	strace $0x8FFFFFFF  }
0x99: {  	s19 =	sld [smem:$0x3FDB];
	_ =	sdelay $0x1  }
0x9a: {  	s5 =	simm.s32 $_scs_section_size  }
0x9b: {  	s6 =	simm.s32 $_size__tile_overlayer_lowered;
	s7 =	simm.s32 $_tile_overlayer_lowered  }
0x9c: {  	s22 =	simm.s32 $0x1BFF;
	s21 =	sshll.u32 s7, $0x1;
	s4 =	sadd.s32 s5, s19  }
0x9d: {  	s8 =	simm.s32 $0x0;
	s20 =	sshll.u32 s6, $0x1;
	s6 =	sadd.s32 s21, s4  }
0x9e: {  	[timem:s8], [sflag:s22] =	dma.local [hbm:s6], s20  }
0x9f: {  	_ =	swait.ge [sflag:s22], s20  }
0xa0: {  	s5 =	ssub.s32 $0x0, s20;
	[sflag:s22] =	ssyncset.done $0x0  }
0xa1: {  	[sflag:s22] =	ssyncadd.s32 s5;
	_ =	sdelay $0x1  }
0xa2: {  	s23 =	simm.s32 $0x1B8B  }
0xa3: {  	_ =	swait.ge [sflag:s23], $0x1  }
0xa4: {  	[sflag:s23] =	ssyncset.done $0x0  }
0xa5: {  	s25 =	simm.s32 $0x1B8E;
	s24 =	sld [smem:$0x3FFE];
	[sflag:s23] =	ssyncadd.s32 $0xFFFFFFFF  }
0xa6: {  	s26 =	simm.s32 $execute0_lowered;
	[smem:$0x3FD2] =	sst s25  }
0xa7: {  	s6 =	sshll.u32 s26, $0x1;
	_ =	strace $0x80000046;
	[dreg:$0x1] =	wrdreg $0xFFFFFFFF  }
0xa8: {  	s28 =	simm.s32 $_size_execute0_lowered;
	s4 =	sadd.s32 s4, s6;
	[dreg:$0x0] =	wrdreg $0x0  }
0xa9: {  	s6 =	sshll.u32 s28, $0x1;
	[dreg:$0x2] =	wrdreg s4  }
0xaa: {  	[dreg:$0x3] =	wrdreg s6  }
0xab: {  	[dreg:$0x4] =	wrdreg $0xC0  }
0xac: {  	_ =	task [dreg:s8], $0x5FFFF  }
0xad: {  	[dreg:$0x1] =	wrdreg $0xFFFFFFFF  }
0xae: {  	[dreg:$0x0] =	wrdreg $0x60  }
0xaf: {  	[dreg:$0x2] =	wrdreg s2  }
0xb0: {  	[dreg:$0x3] =	wrdreg s24  }
0xb1: {  	[dreg:$0x4] =	wrdreg s18  }
0xb2: {  	[dreg:$0x5] =	wrdreg $0x9  }
0xb3: {  	_ =	task.clear_ibuf [dreg:s8], $0x6FFFF;
	_ =	strace $0x90000046  }
0xb4: {  	s29 =	simm.s32 $0x9;
	_ =	strace $0x80000048  }
0xb5: {  	_ =	swait.ge [sflag:s29], $0x1  }
0xb6: {  	[sflag:s29] =	ssyncadd.s32 $0xFFFFFFFF  }
0xb7: {  	_ =	strace $0x90000048  }
0xb8: {  	_ =	sfence  }
0xb9: {  	s30 =	sld [smem:$0x0];
	_ =	sdelay $0x2  }
0xba: {  	s31 =	sshll.u32 s1, $0xD;
	s1 =	sshrl.u32 s1, $0x2  }
0xbb: {  	s3 =	sand.u32 $0x4000, s31;
	s1 =	sadd.s32 s1, s30  }
0xbc: {  	s0 =	sor.u32 s3, s0;
	s1 =	sshll.u32 s1, $0x11  }
0xbd: {  	s0 =	sor.u32 s1, s0  }
0xbe: {  	s0 =	sadd.s32 $0x8F2B, s0  }
0xbf: {  	[sflag:s0] =	ssyncadd.remote.s32 $0x1  }
0xc0: {  	_ =	sfence.sel $0xFFFF  }
0xc1: {  	[dreg:$0x0] =	wrdreg $0xFFFFFFFF;
	(pc) =	sbr.abs _section_cstart, $3  }
0xc2: {  	[dreg:$0x1] =	wrdreg $0xFFFFFFFF  }
0xc3: {  	_ =	task.clear_ibuf [dreg:s8], $0x2FFFF;
	_ =	strace $0x9FFFFFFF  }
0xc4: {  	(tm) =	ssettm $0x7FFFFFFF  }
0xc5: {  	_ =	shalt  }
tec
execute0_lowered:
.L_overlay_start_1:
0x0: {  	(tag) =	ssettag $0x1  }
0x1: {  	s2 =	rddreg [dreg:$0x0]  }
0x2: {  	s0 =	srdreg.scid;
	s3 =	stileid.u32  }
0x3: {  	s1 =	rddreg [dreg:$0x1];
	s0 =	sand.u32 $0x1, s0;
	s3 =	sshll.u32 s3, $0x1  }
0x4: {  	s4 =	rddreg [dreg:$0x2];
	s22 =	simm.s32 $0x0;
	s3 =	sor.u32 s0, s3  }
0x5: {  	s26 =	simm.s32 $0x480;
	[smem:$0x7FF] =	sst s22;
	s5 =	sshll.u32 s3, $0x8  }
0x6: {  	_ =	strace $0x80000047;
	s3 =	sshll.u32 s3, $0xE;
	s1 =	sadd.s32 s5, s1  }
0x7: {  	[dreg:$0x15] =	wrdreg s26;
	s3 =	sadd.s32 s3, s4;
	s1 =	sadd.s32 $0x1200, s1  }
0x8: {  	s31 =	simm.s32 $0x9;
	s8 =	sadd.s32 $0x80000, s3;
	[dreg:$0x4] =	wrdreg s1  }
0x9: {  	s6 =	simm.s32 $0x8800;
	s9 =	sadd.s32 $0x100000, s3;
	[dreg:$0x5] =	wrdreg s8  }
0xa: {  	s30 =	simm.s32 $0x100;
	s10 =	sadd.s32 $0x80010, s3;
	[dreg:$0x6] =	wrdreg s9  }
0xb: {  	s29 =	simm.s32 $0x500;
	s11 =	sadd.s32 $0x100010, s3;
	[dreg:$0x7] =	wrdreg s10  }
0xc: {  	s28 =	simm.s32 $0x180;
	s12 =	sadd.s32 $0x80020, s3;
	[dreg:$0x8] =	wrdreg s11  }
0xd: {  	s7 =	simm.s32 $0x8;
	s13 =	sadd.s32 $0x100020, s3;
	[dreg:$0x9] =	wrdreg s12  }
0xe: {  	p0 =	por $0x0, $0x0;
	s14 =	sadd.s32 $0x80030, s3;
	[dreg:$0xa] =	wrdreg s13  }
0xf: {  	s0 =	ssub.s32 $0x2, s0;
	s15 =	sadd.s32 $0x100030, s3;
	[dreg:$0xb] =	wrdreg s14  }
0x10: {  	s26 =	simm.s32 $0x580;
	s16 =	sadd.s32 $0x80040, s3;
	[dreg:$0xc] =	wrdreg s15  }
0x11: {  	s23 =	sshrl.u32 s0, $0x1;
	s17 =	sadd.s32 $0x100040, s3;
	[dreg:$0xd] =	wrdreg s16  }
0x12: {  	s0 =	ssub.s32 s0, s23;
	s18 =	sadd.s32 $0x80050, s3;
	[dreg:$0xe] =	wrdreg s17  }
0x13: {  	s4 =	simm.s32 $0x400;
	s19 =	sadd.s32 $0x100050, s3;
	[dreg:$0xf] =	wrdreg s18  }
0x14: {  	s5 =	simm.s32 $0xC800;
	s20 =	sadd.s32 $0x80060, s3;
	[dreg:$0x10] =	wrdreg s19  }
0x15: {  	s23 =	simm.s32 $0x280;
	s21 =	sadd.s32 $0x100060, s3;
	[dreg:$0x11] =	wrdreg s20  }
0x16: {  	s24 =	sadd.s32 $0x80070, s3;
	s25 =	sadd.s32 $0x100070, s3;
	[dreg:$0x12] =	wrdreg s21  }
0x17: {  	s0 =	smax.u32 s0, $0x1;
	s3 =	simm.s32 $0x80;
	[dreg:$0x13] =	wrdreg s24  }
0x18: {  	[dreg:$0x14] =	wrdreg s25;
	s12 =	simm.s32 $0x800;
	s9 =	simm.s32 $0x4800  }
0x19: {  	s16 =	simm.s32 $0x1;
	s15 =	simm.s32 $0x5;
	p1 =	sne.s32 s0, $0x1  }
.Ltmp0:
0x1a: {  	s14 =	simm.s32 $0x2;
	s13 =	simm.s32 $0x6;
	(pc) =	sbr.rel @!p1 .LBB2_3-.Ltmp0, $4  }
0x1b: {  	s11 =	simm.s32 $0x3;
	s10 =	simm.s32 $0x7;
	s8 =	simm.s32 $0x4  }
0x1c: {  	s25 =	simm.s32 $0x200;
	s24 =	simm.s32 $0x600;
	s1 =	sadd.s32 $0xFFFFFFFF, s0  }
0x1d: {  	s21 =	simm.s32 $0x680;
	s20 =	simm.s32 $0x300;
	s19 =	simm.s32 $0x700  }
0x1e: {  	s18 =	simm.s32 $0x380;
	s17 =	simm.s32 $0x780;
	s0 =	rddreg [dreg:$0x4]  }
0x1f: {  	[tilespmem:s22], [sflag:$0x9] =	stream.linear.gather [hbm4b:s0+s22], $0x800, $0x38;
	[tilespmem:$0x10800] =	vst v63  }
0x20: {  	_ =	swait.ge [sflag:s31], $0x800  }
0x21: {  	[sflag:s31] =	ssyncset.done $0x0  }
0x22: {  	[sflag:s31] =	ssyncadd.s32 $0xFFFFF800  }
0x23: {  	[tilespmem:s12], [sflag:$0x1] =	stream.indirect.gather [hbm4b:s2+s3], $0x80, s22, s3, $0xb8;
	[tilespmem:$0x10800] =	vst v63  }
0x24: {  	_ = 	snop  }
0x25: {  	[tilespmem:s9], [sflag:$0x2] =	stream.indirect.gather [hbm4b:s2+s3], $0x80, s4, s3, $0xb8;
	[tilespmem:$0x10800] =	vst v63  }
0x26: {  	_ = 	snop  }
0x27: {  	[tilespmem:s6], [sflag:$0x3] =	stream.indirect.gather [hbm4b:s2+s3], $0x80, s3, s3, $0xb8;
	[tilespmem:$0x10800] =	vst v63  }
0x28: {  	s0 =	rddreg [dreg:$0x15]  }
0x29: {  	[tilespmem:s5], [sflag:$0x4] =	stream.indirect.gather [hbm4b:s2+s3], $0x80, s0, s3, $0xb8;
	[tilespmem:$0x10800] =	vst v63  }
0x2a: {  	_ =	swait.ge [sflag:s16], $0x4000  }
0x2b: {  	[sflag:s16] =	ssyncset.done $0x0  }
0x2c: {  	s0 =	rddreg [dreg:$0x5];
	[sflag:s16] =	ssyncadd.s32 $0xFFFFC000  }
0x2d: {  	[hbm4b:s0+s3] =	stream.strided.scatter [tilespmem:s12], [sflag:$0x5], $0x4000, s4, s3, $0x38;
	[tilespmem:$0x10800] =	vst v63  }
0x2e: {  	_ =	swait.ge [sflag:s15], $0x4000  }
0x2f: {  	[sflag:s15] =	ssyncset.done $0x0  }
0x30: {  	[sflag:s15] =	ssyncadd.s32 $0xFFFFC000  }
0x31: {  	[tilespmem:s12], [sflag:$0x1] =	stream.indirect.gather [hbm4b:s2+s3], $0x80, s30, s3, $0xb8;
	[tilespmem:$0x10800] =	vst v63  }
0x32: {  	_ =	swait.ge [sflag:s14], $0x4000  }
0x33: {  	[sflag:s14] =	ssyncset.done $0x0  }
0x34: {  	s0 =	rddreg [dreg:$0x6];
	[sflag:s14] =	ssyncadd.s32 $0xFFFFC000  }
0x35: {  	[hbm4b:s0+s3] =	stream.strided.scatter [tilespmem:s9], [sflag:$0x6], $0x4000, s4, s3, $0x38;
	[tilespmem:$0x10800] =	vst v63  }
0x36: {  	_ =	swait.ge [sflag:s13], $0x4000  }
0x37: {  	[sflag:s13] =	ssyncset.done $0x0  }
0x38: {  	[sflag:s13] =	ssyncadd.s32 $0xFFFFC000  }
0x39: {  	[tilespmem:s9], [sflag:$0x2] =	stream.indirect.gather [hbm4b:s2+s3], $0x80, s29, s3, $0xb8;
	[tilespmem:$0x10800] =	vst v63  }
0x3a: {  	_ =	swait.ge [sflag:s11], $0x4000  }
0x3b: {  	[sflag:s11] =	ssyncset.done $0x0  }
0x3c: {  	s0 =	rddreg [dreg:$0x7];
	[sflag:s11] =	ssyncadd.s32 $0xFFFFC000  }
0x3d: {  	[hbm4b:s0+s3] =	stream.strided.scatter [tilespmem:s6], [sflag:$0x7], $0x4000, s4, s3, $0x38;
	[tilespmem:$0x10800] =	vst v63  }
0x3e: {  	_ =	swait.ge [sflag:s10], $0x4000  }
0x3f: {  	[sflag:s10] =	ssyncset.done $0x0  }
0x40: {  	[sflag:s10] =	ssyncadd.s32 $0xFFFFC000  }
0x41: {  	[tilespmem:s6], [sflag:$0x3] =	stream.indirect.gather [hbm4b:s2+s3], $0x80, s28, s3, $0xb8;
	[tilespmem:$0x10800] =	vst v63  }
0x42: {  	_ =	swait.ge [sflag:s8], $0x4000  }
0x43: {  	[sflag:s8] =	ssyncset.done $0x0  }
0x44: {  	s0 =	rddreg [dreg:$0x8];
	[sflag:s8] =	ssyncadd.s32 $0xFFFFC000  }
0x45: {  	[hbm4b:s0+s3] =	stream.strided.scatter [tilespmem:s5], [sflag:$0x8], $0x4000, s4, s3, $0x38;
	[tilespmem:$0x10800] =	vst v63  }
0x46: {  	_ =	swait.ge [sflag:s7], $0x4000  }
0x47: {  	[sflag:s7] =	ssyncset.done $0x0  }
0x48: {  	[sflag:s7] =	ssyncadd.s32 $0xFFFFC000  }
0x49: {  	[tilespmem:s5], [sflag:$0x4] =	stream.indirect.gather [hbm4b:s2+s3], $0x80, s26, s3, $0xb8;
	[tilespmem:$0x10800] =	vst v63  }
0x4a: {  	_ =	swait.ge [sflag:s16], $0x4000  }
0x4b: {  	[sflag:s16] =	ssyncset.done $0x0  }
0x4c: {  	s0 =	rddreg [dreg:$0x9];
	[sflag:s16] =	ssyncadd.s32 $0xFFFFC000  }
0x4d: {  	[hbm4b:s0+s3] =	stream.strided.scatter [tilespmem:s12], [sflag:$0x5], $0x4000, s4, s3, $0x38;
	[tilespmem:$0x10800] =	vst v63  }
0x4e: {  	_ =	swait.ge [sflag:s15], $0x4000  }
0x4f: {  	[sflag:s15] =	ssyncset.done $0x0  }
0x50: {  	[sflag:s15] =	ssyncadd.s32 $0xFFFFC000  }
0x51: {  	[tilespmem:s12], [sflag:$0x1] =	stream.indirect.gather [hbm4b:s2+s3], $0x80, s25, s3, $0xb8;
	[tilespmem:$0x10800] =	vst v63  }
0x52: {  	_ =	swait.ge [sflag:s14], $0x4000  }
0x53: {  	[sflag:s14] =	ssyncset.done $0x0  }
0x54: {  	s0 =	rddreg [dreg:$0xa];
	[sflag:s14] =	ssyncadd.s32 $0xFFFFC000  }
0x55: {  	[hbm4b:s0+s3] =	stream.strided.scatter [tilespmem:s9], [sflag:$0x6], $0x4000, s4, s3, $0x38;
	[tilespmem:$0x10800] =	vst v63  }
0x56: {  	_ =	swait.ge [sflag:s13], $0x4000  }
0x57: {  	[sflag:s13] =	ssyncset.done $0x0  }
0x58: {  	[sflag:s13] =	ssyncadd.s32 $0xFFFFC000  }
0x59: {  	[tilespmem:s9], [sflag:$0x2] =	stream.indirect.gather [hbm4b:s2+s3], $0x80, s24, s3, $0xb8;
	[tilespmem:$0x10800] =	vst v63  }
0x5a: {  	_ =	swait.ge [sflag:s11], $0x4000  }
0x5b: {  	[sflag:s11] =	ssyncset.done $0x0  }
0x5c: {  	s0 =	rddreg [dreg:$0xb];
	[sflag:s11] =	ssyncadd.s32 $0xFFFFC000  }
0x5d: {  	[hbm4b:s0+s3] =	stream.strided.scatter [tilespmem:s6], [sflag:$0x7], $0x4000, s4, s3, $0x38;
	[tilespmem:$0x10800] =	vst v63  }
0x5e: {  	_ =	swait.ge [sflag:s10], $0x4000  }
0x5f: {  	[sflag:s10] =	ssyncset.done $0x0  }
0x60: {  	[sflag:s10] =	ssyncadd.s32 $0xFFFFC000  }
0x61: {  	[tilespmem:s6], [sflag:$0x3] =	stream.indirect.gather [hbm4b:s2+s3], $0x80, s23, s3, $0xb8;
	[tilespmem:$0x10800] =	vst v63  }
0x62: {  	_ =	swait.ge [sflag:s8], $0x4000  }
0x63: {  	[sflag:s8] =	ssyncset.done $0x0  }
0x64: {  	s0 =	rddreg [dreg:$0xc];
	[sflag:s8] =	ssyncadd.s32 $0xFFFFC000  }
0x65: {  	[hbm4b:s0+s3] =	stream.strided.scatter [tilespmem:s5], [sflag:$0x8], $0x4000, s4, s3, $0x38;
	[tilespmem:$0x10800] =	vst v63  }
0x66: {  	_ =	swait.ge [sflag:s7], $0x4000  }
0x67: {  	[sflag:s7] =	ssyncset.done $0x0  }
0x68: {  	[sflag:s7] =	ssyncadd.s32 $0xFFFFC000  }
0x69: {  	[tilespmem:s5], [sflag:$0x4] =	stream.indirect.gather [hbm4b:s2+s3], $0x80, s21, s3, $0xb8;
	[tilespmem:$0x10800] =	vst v63  }
0x6a: {  	_ =	swait.ge [sflag:s16], $0x4000  }
0x6b: {  	[sflag:s16] =	ssyncset.done $0x0  }
0x6c: {  	s0 =	rddreg [dreg:$0xd];
	[sflag:s16] =	ssyncadd.s32 $0xFFFFC000  }
0x6d: {  	[hbm4b:s0+s3] =	stream.strided.scatter [tilespmem:s12], [sflag:$0x5], $0x4000, s4, s3, $0x38;
	[tilespmem:$0x10800] =	vst v63  }
0x6e: {  	_ =	swait.ge [sflag:s15], $0x4000  }
0x6f: {  	[sflag:s15] =	ssyncset.done $0x0  }
0x70: {  	[sflag:s15] =	ssyncadd.s32 $0xFFFFC000  }
0x71: {  	[tilespmem:s12], [sflag:$0x1] =	stream.indirect.gather [hbm4b:s2+s3], $0x80, s20, s3, $0xb8;
	[tilespmem:$0x10800] =	vst v63  }
0x72: {  	_ =	swait.ge [sflag:s14], $0x4000  }
0x73: {  	[sflag:s14] =	ssyncset.done $0x0  }
0x74: {  	s0 =	rddreg [dreg:$0xe];
	[sflag:s14] =	ssyncadd.s32 $0xFFFFC000  }
0x75: {  	[hbm4b:s0+s3] =	stream.strided.scatter [tilespmem:s9], [sflag:$0x6], $0x4000, s4, s3, $0x38;
	[tilespmem:$0x10800] =	vst v63  }
0x76: {  	_ =	swait.ge [sflag:s13], $0x4000  }
0x77: {  	[sflag:s13] =	ssyncset.done $0x0  }
0x78: {  	[sflag:s13] =	ssyncadd.s32 $0xFFFFC000  }
0x79: {  	[tilespmem:s9], [sflag:$0x2] =	stream.indirect.gather [hbm4b:s2+s3], $0x80, s19, s3, $0xb8;
	[tilespmem:$0x10800] =	vst v63  }
0x7a: {  	_ =	swait.ge [sflag:s11], $0x4000  }
0x7b: {  	[sflag:s11] =	ssyncset.done $0x0  }
0x7c: {  	s0 =	rddreg [dreg:$0xf];
	[sflag:s11] =	ssyncadd.s32 $0xFFFFC000  }
0x7d: {  	[hbm4b:s0+s3] =	stream.strided.scatter [tilespmem:s6], [sflag:$0x7], $0x4000, s4, s3, $0x38;
	[tilespmem:$0x10800] =	vst v63  }
0x7e: {  	_ =	swait.ge [sflag:s10], $0x4000  }
0x7f: {  	[sflag:s10] =	ssyncset.done $0x0  }
0x80: {  	[sflag:s10] =	ssyncadd.s32 $0xFFFFC000  }
0x81: {  	[tilespmem:s6], [sflag:$0x3] =	stream.indirect.gather [hbm4b:s2+s3], $0x80, s18, s3, $0xb8;
	[tilespmem:$0x10800] =	vst v63  }
0x82: {  	_ =	swait.ge [sflag:s8], $0x4000  }
0x83: {  	[sflag:s8] =	ssyncset.done $0x0  }
0x84: {  	s0 =	rddreg [dreg:$0x10];
	[sflag:s8] =	ssyncadd.s32 $0xFFFFC000  }
0x85: {  	[hbm4b:s0+s3] =	stream.strided.scatter [tilespmem:s5], [sflag:$0x8], $0x4000, s4, s3, $0x38;
	[tilespmem:$0x10800] =	vst v63  }
0x86: {  	_ =	swait.ge [sflag:s7], $0x4000  }
0x87: {  	[sflag:s7] =	ssyncset.done $0x0  }
0x88: {  	[sflag:s7] =	ssyncadd.s32 $0xFFFFC000  }
0x89: {  	[tilespmem:s5], [sflag:$0x4] =	stream.indirect.gather [hbm4b:s2+s3], $0x80, s17, s3, $0xb8;
	[tilespmem:$0x10800] =	vst v63  }
0x8a: {  	_ =	swait.ge [sflag:s16], $0x4000  }
0x8b: {  	[sflag:s16] =	ssyncset.done $0x0  }
0x8c: {  	s0 =	rddreg [dreg:$0x11];
	[sflag:s16] =	ssyncadd.s32 $0xFFFFC000  }
0x8d: {  	[hbm4b:s0+s3] =	stream.strided.scatter [tilespmem:s12], [sflag:$0x5], $0x4000, s4, s3, $0x38;
	[tilespmem:$0x10800] =	vst v63  }
0x8e: {  	_ =	swait.ge [sflag:s15], $0x4000  }
0x8f: {  	[sflag:s15] =	ssyncset.done $0x0  }
0x90: {  	[sflag:s15] =	ssyncadd.s32 $0xFFFFC000  }
0x91: {  	_ =	swait.ge [sflag:s14], $0x4000  }
0x92: {  	[sflag:s14] =	ssyncset.done $0x0  }
0x93: {  	s0 =	rddreg [dreg:$0x12];
	[sflag:s14] =	ssyncadd.s32 $0xFFFFC000  }
0x94: {  	[hbm4b:s0+s3] =	stream.strided.scatter [tilespmem:s9], [sflag:$0x6], $0x4000, s4, s3, $0x38;
	[tilespmem:$0x10800] =	vst v63  }
0x95: {  	_ =	swait.ge [sflag:s13], $0x4000  }
0x96: {  	[sflag:s13] =	ssyncset.done $0x0  }
0x97: {  	[sflag:s13] =	ssyncadd.s32 $0xFFFFC000  }
0x98: {  	_ =	swait.ge [sflag:s11], $0x4000  }
0x99: {  	[sflag:s11] =	ssyncset.done $0x0  }
0x9a: {  	s0 =	rddreg [dreg:$0x13];
	[sflag:s11] =	ssyncadd.s32 $0xFFFFC000  }
0x9b: {  	[hbm4b:s0+s3] =	stream.strided.scatter [tilespmem:s6], [sflag:$0x7], $0x4000, s4, s3, $0x38;
	[tilespmem:$0x10800] =	vst v63  }
0x9c: {  	_ =	swait.ge [sflag:s10], $0x4000  }
0x9d: {  	[sflag:s10] =	ssyncset.done $0x0  }
0x9e: {  	[sflag:s10] =	ssyncadd.s32 $0xFFFFC000  }
0x9f: {  	p1 =	sne.s32 s1, $0x1;
	_ =	swait.ge [sflag:s8], $0x4000  }
.Ltmp1:
0xa0: {  	[sflag:s8] =	ssyncset.done $0x0;
	(pc) =	sbr.rel @!p1 .LBB2_3-.Ltmp1, $4  }
0xa1: {  	s0 =	rddreg [dreg:$0x14];
	[sflag:s8] =	ssyncadd.s32 $0xFFFFC000  }
0xa2: {  	[hbm4b:s0+s3] =	stream.strided.scatter [tilespmem:s5], [sflag:$0x8], $0x4000, s4, s3, $0x38;
	[tilespmem:$0x10800] =	vst v63  }
0xa3: {  	s1 =	sadd.s32 $0xFFFFFFFF, s1;
	_ =	swait.ge [sflag:s7], $0x4000  }
0xa4: {  	p0 =	por $0x1, $0x1;
	s0 =	rddreg [dreg:$0x4];
	[sflag:s7] =	ssyncset.done $0x0  }
.LBB2_2:
0xa5: {  	[sflag:s7] =	ssyncadd.s32 $0xFFFFC000  }
0xa6: {  	[tilespmem:s22], [sflag:$0x9] =	stream.linear.gather [hbm4b:s0+s22], $0x800, $0x38;
	[tilespmem:$0x10800] =	vst v63  }
0xa7: {  	_ =	swait.ge [sflag:s31], $0x800  }
0xa8: {  	[sflag:s31] =	ssyncset.done $0x0  }
0xa9: {  	[sflag:s31] =	ssyncadd.s32 $0xFFFFF800  }
0xaa: {  	[tilespmem:s12], [sflag:$0x1] =	stream.indirect.gather [hbm4b:s2+s3], $0x80, s22, s3, $0xb8;
	[tilespmem:$0x10800] =	vst v63  }
0xab: {  	_ = 	snop  }
0xac: {  	[tilespmem:s9], [sflag:$0x2] =	stream.indirect.gather [hbm4b:s2+s3], $0x80, s4, s3, $0xb8;
	[tilespmem:$0x10800] =	vst v63  }
0xad: {  	_ = 	snop  }
0xae: {  	[tilespmem:s6], [sflag:$0x3] =	stream.indirect.gather [hbm4b:s2+s3], $0x80, s3, s3, $0xb8;
	[tilespmem:$0x10800] =	vst v63  }
0xaf: {  	s0 =	rddreg [dreg:$0x15]  }
0xb0: {  	[tilespmem:s5], [sflag:$0x4] =	stream.indirect.gather [hbm4b:s2+s3], $0x80, s0, s3, $0xb8;
	[tilespmem:$0x10800] =	vst v63  }
0xb1: {  	_ =	swait.ge [sflag:s16], $0x4000  }
0xb2: {  	[sflag:s16] =	ssyncset.done $0x0  }
0xb3: {  	s0 =	rddreg [dreg:$0x5];
	[sflag:s16] =	ssyncadd.s32 $0xFFFFC000  }
0xb4: {  	[hbm4b:s0+s3] =	stream.strided.scatter [tilespmem:s12], [sflag:$0x5], $0x4000, s4, s3, $0x38;
	[tilespmem:$0x10800] =	vst v63  }
0xb5: {  	_ =	swait.ge [sflag:s15], $0x4000  }
0xb6: {  	[sflag:s15] =	ssyncset.done $0x0  }
0xb7: {  	[sflag:s15] =	ssyncadd.s32 $0xFFFFC000  }
0xb8: {  	[tilespmem:s12], [sflag:$0x1] =	stream.indirect.gather [hbm4b:s2+s3], $0x80, s30, s3, $0xb8;
	[tilespmem:$0x10800] =	vst v63  }
0xb9: {  	_ =	swait.ge [sflag:s14], $0x4000  }
0xba: {  	[sflag:s14] =	ssyncset.done $0x0  }
0xbb: {  	s0 =	rddreg [dreg:$0x6];
	[sflag:s14] =	ssyncadd.s32 $0xFFFFC000  }
0xbc: {  	[hbm4b:s0+s3] =	stream.strided.scatter [tilespmem:s9], [sflag:$0x6], $0x4000, s4, s3, $0x38;
	[tilespmem:$0x10800] =	vst v63  }
0xbd: {  	_ =	swait.ge [sflag:s13], $0x4000  }
0xbe: {  	[sflag:s13] =	ssyncset.done $0x0  }
0xbf: {  	[sflag:s13] =	ssyncadd.s32 $0xFFFFC000  }
0xc0: {  	[tilespmem:s9], [sflag:$0x2] =	stream.indirect.gather [hbm4b:s2+s3], $0x80, s29, s3, $0xb8;
	[tilespmem:$0x10800] =	vst v63  }
0xc1: {  	_ =	swait.ge [sflag:s11], $0x4000  }
0xc2: {  	[sflag:s11] =	ssyncset.done $0x0  }
0xc3: {  	s0 =	rddreg [dreg:$0x7];
	[sflag:s11] =	ssyncadd.s32 $0xFFFFC000  }
0xc4: {  	[hbm4b:s0+s3] =	stream.strided.scatter [tilespmem:s6], [sflag:$0x7], $0x4000, s4, s3, $0x38;
	[tilespmem:$0x10800] =	vst v63  }
0xc5: {  	_ =	swait.ge [sflag:s10], $0x4000  }
0xc6: {  	[sflag:s10] =	ssyncset.done $0x0  }
0xc7: {  	[sflag:s10] =	ssyncadd.s32 $0xFFFFC000  }
0xc8: {  	[tilespmem:s6], [sflag:$0x3] =	stream.indirect.gather [hbm4b:s2+s3], $0x80, s28, s3, $0xb8;
	[tilespmem:$0x10800] =	vst v63  }
0xc9: {  	_ =	swait.ge [sflag:s8], $0x4000  }
0xca: {  	[sflag:s8] =	ssyncset.done $0x0  }
0xcb: {  	s0 =	rddreg [dreg:$0x8];
	[sflag:s8] =	ssyncadd.s32 $0xFFFFC000  }
0xcc: {  	[hbm4b:s0+s3] =	stream.strided.scatter [tilespmem:s5], [sflag:$0x8], $0x4000, s4, s3, $0x38;
	[tilespmem:$0x10800] =	vst v63  }
0xcd: {  	_ =	swait.ge [sflag:s7], $0x4000  }
0xce: {  	[sflag:s7] =	ssyncset.done $0x0  }
0xcf: {  	[sflag:s7] =	ssyncadd.s32 $0xFFFFC000  }
0xd0: {  	[tilespmem:s5], [sflag:$0x4] =	stream.indirect.gather [hbm4b:s2+s3], $0x80, s26, s3, $0xb8;
	[tilespmem:$0x10800] =	vst v63  }
0xd1: {  	_ =	swait.ge [sflag:s16], $0x4000  }
0xd2: {  	[sflag:s16] =	ssyncset.done $0x0  }
0xd3: {  	s0 =	rddreg [dreg:$0x9];
	[sflag:s16] =	ssyncadd.s32 $0xFFFFC000  }
0xd4: {  	[hbm4b:s0+s3] =	stream.strided.scatter [tilespmem:s12], [sflag:$0x5], $0x4000, s4, s3, $0x38;
	[tilespmem:$0x10800] =	vst v63  }
0xd5: {  	_ =	swait.ge [sflag:s15], $0x4000  }
0xd6: {  	[sflag:s15] =	ssyncset.done $0x0  }
0xd7: {  	[sflag:s15] =	ssyncadd.s32 $0xFFFFC000  }
0xd8: {  	[tilespmem:s12], [sflag:$0x1] =	stream.indirect.gather [hbm4b:s2+s3], $0x80, s25, s3, $0xb8;
	[tilespmem:$0x10800] =	vst v63  }
0xd9: {  	_ =	swait.ge [sflag:s14], $0x4000  }
0xda: {  	[sflag:s14] =	ssyncset.done $0x0  }
0xdb: {  	s0 =	rddreg [dreg:$0xa];
	[sflag:s14] =	ssyncadd.s32 $0xFFFFC000  }
0xdc: {  	[hbm4b:s0+s3] =	stream.strided.scatter [tilespmem:s9], [sflag:$0x6], $0x4000, s4, s3, $0x38;
	[tilespmem:$0x10800] =	vst v63  }
0xdd: {  	_ =	swait.ge [sflag:s13], $0x4000  }
0xde: {  	[sflag:s13] =	ssyncset.done $0x0  }
0xdf: {  	[sflag:s13] =	ssyncadd.s32 $0xFFFFC000  }
0xe0: {  	[tilespmem:s9], [sflag:$0x2] =	stream.indirect.gather [hbm4b:s2+s3], $0x80, s24, s3, $0xb8;
	[tilespmem:$0x10800] =	vst v63  }
0xe1: {  	_ =	swait.ge [sflag:s11], $0x4000  }
0xe2: {  	[sflag:s11] =	ssyncset.done $0x0  }
0xe3: {  	s0 =	rddreg [dreg:$0xb];
	[sflag:s11] =	ssyncadd.s32 $0xFFFFC000  }
0xe4: {  	[hbm4b:s0+s3] =	stream.strided.scatter [tilespmem:s6], [sflag:$0x7], $0x4000, s4, s3, $0x38;
	[tilespmem:$0x10800] =	vst v63  }
0xe5: {  	_ =	swait.ge [sflag:s10], $0x4000  }
0xe6: {  	[sflag:s10] =	ssyncset.done $0x0  }
0xe7: {  	[sflag:s10] =	ssyncadd.s32 $0xFFFFC000  }
0xe8: {  	[tilespmem:s6], [sflag:$0x3] =	stream.indirect.gather [hbm4b:s2+s3], $0x80, s23, s3, $0xb8;
	[tilespmem:$0x10800] =	vst v63  }
0xe9: {  	_ =	swait.ge [sflag:s8], $0x4000  }
0xea: {  	[sflag:s8] =	ssyncset.done $0x0  }
0xeb: {  	s0 =	rddreg [dreg:$0xc];
	[sflag:s8] =	ssyncadd.s32 $0xFFFFC000  }
0xec: {  	[hbm4b:s0+s3] =	stream.strided.scatter [tilespmem:s5], [sflag:$0x8], $0x4000, s4, s3, $0x38;
	[tilespmem:$0x10800] =	vst v63  }
0xed: {  	_ =	swait.ge [sflag:s7], $0x4000  }
0xee: {  	[sflag:s7] =	ssyncset.done $0x0  }
0xef: {  	[sflag:s7] =	ssyncadd.s32 $0xFFFFC000  }
0xf0: {  	[tilespmem:s5], [sflag:$0x4] =	stream.indirect.gather [hbm4b:s2+s3], $0x80, s21, s3, $0xb8;
	[tilespmem:$0x10800] =	vst v63  }
0xf1: {  	_ =	swait.ge [sflag:s16], $0x4000  }
0xf2: {  	[sflag:s16] =	ssyncset.done $0x0  }
0xf3: {  	s0 =	rddreg [dreg:$0xd];
	[sflag:s16] =	ssyncadd.s32 $0xFFFFC000  }
0xf4: {  	[hbm4b:s0+s3] =	stream.strided.scatter [tilespmem:s12], [sflag:$0x5], $0x4000, s4, s3, $0x38;
	[tilespmem:$0x10800] =	vst v63  }
0xf5: {  	_ =	swait.ge [sflag:s15], $0x4000  }
0xf6: {  	[sflag:s15] =	ssyncset.done $0x0  }
0xf7: {  	[sflag:s15] =	ssyncadd.s32 $0xFFFFC000  }
0xf8: {  	[tilespmem:s12], [sflag:$0x1] =	stream.indirect.gather [hbm4b:s2+s3], $0x80, s20, s3, $0xb8;
	[tilespmem:$0x10800] =	vst v63  }
0xf9: {  	_ =	swait.ge [sflag:s14], $0x4000  }
0xfa: {  	[sflag:s14] =	ssyncset.done $0x0  }
0xfb: {  	s0 =	rddreg [dreg:$0xe];
	[sflag:s14] =	ssyncadd.s32 $0xFFFFC000  }
0xfc: {  	[hbm4b:s0+s3] =	stream.strided.scatter [tilespmem:s9], [sflag:$0x6], $0x4000, s4, s3, $0x38;
	[tilespmem:$0x10800] =	vst v63  }
0xfd: {  	_ =	swait.ge [sflag:s13], $0x4000  }
0xfe: {  	[sflag:s13] =	ssyncset.done $0x0  }
0xff: {  	[sflag:s13] =	ssyncadd.s32 $0xFFFFC000  }
0x100: {  	[tilespmem:s9], [sflag:$0x2] =	stream.indirect.gather [hbm4b:s2+s3], $0x80, s19, s3, $0xb8;
	[tilespmem:$0x10800] =	vst v63  }
0x101: {  	_ =	swait.ge [sflag:s11], $0x4000  }
0x102: {  	[sflag:s11] =	ssyncset.done $0x0  }
0x103: {  	s0 =	rddreg [dreg:$0xf];
	[sflag:s11] =	ssyncadd.s32 $0xFFFFC000  }
0x104: {  	[hbm4b:s0+s3] =	stream.strided.scatter [tilespmem:s6], [sflag:$0x7], $0x4000, s4, s3, $0x38;
	[tilespmem:$0x10800] =	vst v63  }
0x105: {  	_ =	swait.ge [sflag:s10], $0x4000  }
0x106: {  	[sflag:s10] =	ssyncset.done $0x0  }
0x107: {  	[sflag:s10] =	ssyncadd.s32 $0xFFFFC000  }
0x108: {  	[tilespmem:s6], [sflag:$0x3] =	stream.indirect.gather [hbm4b:s2+s3], $0x80, s18, s3, $0xb8;
	[tilespmem:$0x10800] =	vst v63  }
0x109: {  	_ =	swait.ge [sflag:s8], $0x4000  }
0x10a: {  	[sflag:s8] =	ssyncset.done $0x0  }
0x10b: {  	s0 =	rddreg [dreg:$0x10];
	[sflag:s8] =	ssyncadd.s32 $0xFFFFC000  }
0x10c: {  	[hbm4b:s0+s3] =	stream.strided.scatter [tilespmem:s5], [sflag:$0x8], $0x4000, s4, s3, $0x38;
	[tilespmem:$0x10800] =	vst v63  }
0x10d: {  	_ =	swait.ge [sflag:s7], $0x4000  }
0x10e: {  	[sflag:s7] =	ssyncset.done $0x0  }
0x10f: {  	[sflag:s7] =	ssyncadd.s32 $0xFFFFC000  }
0x110: {  	[tilespmem:s5], [sflag:$0x4] =	stream.indirect.gather [hbm4b:s2+s3], $0x80, s17, s3, $0xb8;
	[tilespmem:$0x10800] =	vst v63  }
0x111: {  	_ =	swait.ge [sflag:s16], $0x4000  }
0x112: {  	[sflag:s16] =	ssyncset.done $0x0  }
0x113: {  	s0 =	rddreg [dreg:$0x11];
	[sflag:s16] =	ssyncadd.s32 $0xFFFFC000  }
0x114: {  	[hbm4b:s0+s3] =	stream.strided.scatter [tilespmem:s12], [sflag:$0x5], $0x4000, s4, s3, $0x38;
	[tilespmem:$0x10800] =	vst v63  }
0x115: {  	_ =	swait.ge [sflag:s15], $0x4000  }
0x116: {  	[sflag:s15] =	ssyncset.done $0x0  }
0x117: {  	[sflag:s15] =	ssyncadd.s32 $0xFFFFC000  }
0x118: {  	_ =	swait.ge [sflag:s14], $0x4000  }
0x119: {  	[sflag:s14] =	ssyncset.done $0x0  }
0x11a: {  	s0 =	rddreg [dreg:$0x12];
	[sflag:s14] =	ssyncadd.s32 $0xFFFFC000  }
0x11b: {  	[hbm4b:s0+s3] =	stream.strided.scatter [tilespmem:s9], [sflag:$0x6], $0x4000, s4, s3, $0x38;
	[tilespmem:$0x10800] =	vst v63  }
0x11c: {  	_ =	swait.ge [sflag:s13], $0x4000  }
0x11d: {  	[sflag:s13] =	ssyncset.done $0x0  }
0x11e: {  	[sflag:s13] =	ssyncadd.s32 $0xFFFFC000  }
0x11f: {  	_ =	swait.ge [sflag:s11], $0x4000  }
0x120: {  	[sflag:s11] =	ssyncset.done $0x0  }
0x121: {  	s0 =	rddreg [dreg:$0x13];
	[sflag:s11] =	ssyncadd.s32 $0xFFFFC000  }
0x122: {  	[hbm4b:s0+s3] =	stream.strided.scatter [tilespmem:s6], [sflag:$0x7], $0x4000, s4, s3, $0x38;
	[tilespmem:$0x10800] =	vst v63  }
0x123: {  	_ =	swait.ge [sflag:s10], $0x4000  }
0x124: {  	[sflag:s10] =	ssyncset.done $0x0  }
0x125: {  	[sflag:s10] =	ssyncadd.s32 $0xFFFFC000  }
0x126: {  	p1 =	sne.s32 s1, $0x1;
	_ =	swait.ge [sflag:s8], $0x4000  }
.Ltmp2:
0x127: {  	[sflag:s8] =	ssyncset.done $0x0;
	(pc) =	sbr.rel @p1 .LBB2_2-.Ltmp2, $4  }
0x128: {  	s0 =	rddreg [dreg:$0x14];
	[sflag:s8] =	ssyncadd.s32 $0xFFFFC000  }
0x129: {  	[hbm4b:s0+s3] =	stream.strided.scatter [tilespmem:s5], [sflag:$0x8], $0x4000, s4, s3, $0x38;
	[tilespmem:$0x10800] =	vst v63  }
0x12a: {  	_ =	swait.ge [sflag:s7], $0x4000  }
0x12b: {  	s1 =	sadd.s32 $0xFFFFFFFF, s1;
	s0 =	rddreg [dreg:$0x4];
	[sflag:s7] =	ssyncset.done $0x0  }
.LBB2_3:
0x12c: {  	[sflag:s7] =	ssyncadd.s32 @p0 $0xFFFFC000  }
0x12d: {  	[tilespmem:s22], [sflag:$0x9] =	stream.linear.gather [hbm4b:s0+s22], $0x800, $0x38;
	[tilespmem:$0x10800] =	vst v63  }
0x12e: {  	_ =	swait.ge [sflag:s31], $0x800  }
0x12f: {  	[sflag:s31] =	ssyncset.done $0x0  }
0x130: {  	[sflag:s31] =	ssyncadd.s32 $0xFFFFF800  }
0x131: {  	[tilespmem:s12], [sflag:$0x1] =	stream.indirect.gather [hbm4b:s2+s3], $0x80, s22, s3, $0xb8;
	[tilespmem:$0x10800] =	vst v63  }
0x132: {  	_ = 	snop  }
0x133: {  	[tilespmem:s9], [sflag:$0x2] =	stream.indirect.gather [hbm4b:s2+s3], $0x80, s4, s3, $0xb8;
	[tilespmem:$0x10800] =	vst v63  }
0x134: {  	_ = 	snop  }
0x135: {  	[tilespmem:s6], [sflag:$0x3] =	stream.indirect.gather [hbm4b:s2+s3], $0x80, s3, s3, $0xb8;
	[tilespmem:$0x10800] =	vst v63  }
0x136: {  	s22 =	rddreg [dreg:$0x15]  }
0x137: {  	[tilespmem:s5], [sflag:$0x4] =	stream.indirect.gather [hbm4b:s2+s3], $0x80, s22, s3, $0xb8;
	[tilespmem:$0x10800] =	vst v63  }
0x138: {  	_ =	swait.ge [sflag:s16], $0x4000  }
0x139: {  	[sflag:s16] =	ssyncset.done $0x0  }
0x13a: {  	s31 =	rddreg [dreg:$0x5];
	[sflag:s16] =	ssyncadd.s32 $0xFFFFC000  }
0x13b: {  	[hbm4b:s31+s3] =	stream.strided.scatter [tilespmem:s12], [sflag:$0x5], $0x4000, s4, s3, $0x38;
	[tilespmem:$0x10800] =	vst v63  }
0x13c: {  	_ =	swait.ge [sflag:s15], $0x4000  }
0x13d: {  	[sflag:s15] =	ssyncset.done $0x0  }
0x13e: {  	[sflag:s15] =	ssyncadd.s32 $0xFFFFC000  }
0x13f: {  	[tilespmem:s12], [sflag:$0x1] =	stream.indirect.gather [hbm4b:s2+s3], $0x80, s30, s3, $0xb8;
	[tilespmem:$0x10800] =	vst v63  }
0x140: {  	_ =	swait.ge [sflag:s14], $0x4000  }
0x141: {  	[sflag:s14] =	ssyncset.done $0x0  }
0x142: {  	s1 =	rddreg [dreg:$0x6];
	[sflag:s14] =	ssyncadd.s32 $0xFFFFC000  }
0x143: {  	[hbm4b:s1+s3] =	stream.strided.scatter [tilespmem:s9], [sflag:$0x6], $0x4000, s4, s3, $0x38;
	[tilespmem:$0x10800] =	vst v63  }
0x144: {  	_ =	swait.ge [sflag:s13], $0x4000  }
0x145: {  	[sflag:s13] =	ssyncset.done $0x0  }
0x146: {  	[sflag:s13] =	ssyncadd.s32 $0xFFFFC000  }
0x147: {  	[tilespmem:s9], [sflag:$0x2] =	stream.indirect.gather [hbm4b:s2+s3], $0x80, s29, s3, $0xb8;
	[tilespmem:$0x10800] =	vst v63  }
0x148: {  	_ =	swait.ge [sflag:s11], $0x4000  }
0x149: {  	[sflag:s11] =	ssyncset.done $0x0  }
0x14a: {  	s22 =	rddreg [dreg:$0x7];
	[sflag:s11] =	ssyncadd.s32 $0xFFFFC000  }
0x14b: {  	[hbm4b:s22+s3] =	stream.strided.scatter [tilespmem:s6], [sflag:$0x7], $0x4000, s4, s3, $0x38;
	[tilespmem:$0x10800] =	vst v63  }
0x14c: {  	_ =	swait.ge [sflag:s10], $0x4000  }
0x14d: {  	[sflag:s10] =	ssyncset.done $0x0  }
0x14e: {  	[sflag:s10] =	ssyncadd.s32 $0xFFFFC000  }
0x14f: {  	[tilespmem:s6], [sflag:$0x3] =	stream.indirect.gather [hbm4b:s2+s3], $0x80, s28, s3, $0xb8;
	[tilespmem:$0x10800] =	vst v63  }
0x150: {  	_ =	swait.ge [sflag:s8], $0x4000  }
0x151: {  	[sflag:s8] =	ssyncset.done $0x0  }
0x152: {  	s28 =	rddreg [dreg:$0x8];
	[sflag:s8] =	ssyncadd.s32 $0xFFFFC000  }
0x153: {  	[hbm4b:s28+s3] =	stream.strided.scatter [tilespmem:s5], [sflag:$0x8], $0x4000, s4, s3, $0x38;
	[tilespmem:$0x10800] =	vst v63  }
0x154: {  	_ =	swait.ge [sflag:s7], $0x4000  }
0x155: {  	[sflag:s7] =	ssyncset.done $0x0  }
0x156: {  	[sflag:s7] =	ssyncadd.s32 $0xFFFFC000  }
0x157: {  	[tilespmem:s5], [sflag:$0x4] =	stream.indirect.gather [hbm4b:s2+s3], $0x80, s26, s3, $0xb8;
	[tilespmem:$0x10800] =	vst v63  }
0x158: {  	_ =	swait.ge [sflag:s16], $0x4000  }
0x159: {  	[sflag:s16] =	ssyncset.done $0x0  }
0x15a: {  	s29 =	rddreg [dreg:$0x9];
	[sflag:s16] =	ssyncadd.s32 $0xFFFFC000  }
0x15b: {  	[hbm4b:s29+s3] =	stream.strided.scatter [tilespmem:s12], [sflag:$0x5], $0x4000, s4, s3, $0x38;
	[tilespmem:$0x10800] =	vst v63  }
0x15c: {  	_ =	swait.ge [sflag:s15], $0x4000  }
0x15d: {  	[sflag:s15] =	ssyncset.done $0x0  }
0x15e: {  	[sflag:s15] =	ssyncadd.s32 $0xFFFFC000  }
0x15f: {  	[tilespmem:s12], [sflag:$0x1] =	stream.indirect.gather [hbm4b:s2+s3], $0x80, s25, s3, $0xb8;
	[tilespmem:$0x10800] =	vst v63  }
0x160: {  	_ =	swait.ge [sflag:s14], $0x4000  }
0x161: {  	[sflag:s14] =	ssyncset.done $0x0  }
0x162: {  	s30 =	rddreg [dreg:$0xa];
	[sflag:s14] =	ssyncadd.s32 $0xFFFFC000  }
0x163: {  	[hbm4b:s30+s3] =	stream.strided.scatter [tilespmem:s9], [sflag:$0x6], $0x4000, s4, s3, $0x38;
	[tilespmem:$0x10800] =	vst v63  }
0x164: {  	_ =	swait.ge [sflag:s13], $0x4000  }
0x165: {  	[sflag:s13] =	ssyncset.done $0x0  }
0x166: {  	[sflag:s13] =	ssyncadd.s32 $0xFFFFC000  }
0x167: {  	[tilespmem:s9], [sflag:$0x2] =	stream.indirect.gather [hbm4b:s2+s3], $0x80, s24, s3, $0xb8;
	[tilespmem:$0x10800] =	vst v63  }
0x168: {  	_ =	swait.ge [sflag:s11], $0x4000  }
0x169: {  	[sflag:s11] =	ssyncset.done $0x0  }
0x16a: {  	s31 =	rddreg [dreg:$0xb];
	[sflag:s11] =	ssyncadd.s32 $0xFFFFC000  }
0x16b: {  	[hbm4b:s31+s3] =	stream.strided.scatter [tilespmem:s6], [sflag:$0x7], $0x4000, s4, s3, $0x38;
	[tilespmem:$0x10800] =	vst v63  }
0x16c: {  	_ =	swait.ge [sflag:s10], $0x4000  }
0x16d: {  	[sflag:s10] =	ssyncset.done $0x0  }
0x16e: {  	[sflag:s10] =	ssyncadd.s32 $0xFFFFC000  }
0x16f: {  	[tilespmem:s6], [sflag:$0x3] =	stream.indirect.gather [hbm4b:s2+s3], $0x80, s23, s3, $0xb8;
	[tilespmem:$0x10800] =	vst v63  }
0x170: {  	_ =	swait.ge [sflag:s8], $0x4000  }
0x171: {  	[sflag:s8] =	ssyncset.done $0x0  }
0x172: {  	s1 =	rddreg [dreg:$0xc];
	[sflag:s8] =	ssyncadd.s32 $0xFFFFC000  }
0x173: {  	[hbm4b:s1+s3] =	stream.strided.scatter [tilespmem:s5], [sflag:$0x8], $0x4000, s4, s3, $0x38;
	[tilespmem:$0x10800] =	vst v63  }
0x174: {  	_ =	swait.ge [sflag:s7], $0x4000  }
0x175: {  	[sflag:s7] =	ssyncset.done $0x0  }
0x176: {  	[sflag:s7] =	ssyncadd.s32 $0xFFFFC000  }
0x177: {  	[tilespmem:s5], [sflag:$0x4] =	stream.indirect.gather [hbm4b:s2+s3], $0x80, s21, s3, $0xb8;
	[tilespmem:$0x10800] =	vst v63  }
0x178: {  	_ =	swait.ge [sflag:s16], $0x4000  }
0x179: {  	[sflag:s16] =	ssyncset.done $0x0  }
0x17a: {  	s22 =	rddreg [dreg:$0xd];
	[sflag:s16] =	ssyncadd.s32 $0xFFFFC000  }
0x17b: {  	[hbm4b:s22+s3] =	stream.strided.scatter [tilespmem:s12], [sflag:$0x5], $0x4000, s4, s3, $0x38;
	[tilespmem:$0x10800] =	vst v63  }
0x17c: {  	_ =	swait.ge [sflag:s15], $0x4000  }
0x17d: {  	[sflag:s15] =	ssyncset.done $0x0  }
0x17e: {  	[sflag:s15] =	ssyncadd.s32 $0xFFFFC000  }
0x17f: {  	[tilespmem:s12], [sflag:$0x1] =	stream.indirect.gather [hbm4b:s2+s3], $0x80, s20, s3, $0xb8;
	[tilespmem:$0x10800] =	vst v63  }
0x180: {  	_ =	swait.ge [sflag:s14], $0x4000  }
0x181: {  	[sflag:s14] =	ssyncset.done $0x0  }
0x182: {  	s23 =	rddreg [dreg:$0xe];
	[sflag:s14] =	ssyncadd.s32 $0xFFFFC000  }
0x183: {  	[hbm4b:s23+s3] =	stream.strided.scatter [tilespmem:s9], [sflag:$0x6], $0x4000, s4, s3, $0x38;
	[tilespmem:$0x10800] =	vst v63  }
0x184: {  	_ =	swait.ge [sflag:s13], $0x4000  }
0x185: {  	[sflag:s13] =	ssyncset.done $0x0  }
0x186: {  	[sflag:s13] =	ssyncadd.s32 $0xFFFFC000  }
0x187: {  	[tilespmem:s9], [sflag:$0x2] =	stream.indirect.gather [hbm4b:s2+s3], $0x80, s19, s3, $0xb8;
	[tilespmem:$0x10800] =	vst v63  }
0x188: {  	_ =	swait.ge [sflag:s11], $0x4000  }
0x189: {  	[sflag:s11] =	ssyncset.done $0x0  }
0x18a: {  	s24 =	rddreg [dreg:$0xf];
	[sflag:s11] =	ssyncadd.s32 $0xFFFFC000  }
0x18b: {  	[hbm4b:s24+s3] =	stream.strided.scatter [tilespmem:s6], [sflag:$0x7], $0x4000, s4, s3, $0x38;
	[tilespmem:$0x10800] =	vst v63  }
0x18c: {  	_ =	swait.ge [sflag:s10], $0x4000  }
0x18d: {  	[sflag:s10] =	ssyncset.done $0x0  }
0x18e: {  	[sflag:s10] =	ssyncadd.s32 $0xFFFFC000  }
0x18f: {  	[tilespmem:s6], [sflag:$0x3] =	stream.indirect.gather [hbm4b:s2+s3], $0x80, s18, s3, $0xb8;
	[tilespmem:$0x10800] =	vst v63  }
0x190: {  	_ =	swait.ge [sflag:s8], $0x4000  }
0x191: {  	[sflag:s8] =	ssyncset.done $0x0  }
0x192: {  	s25 =	rddreg [dreg:$0x10];
	[sflag:s8] =	ssyncadd.s32 $0xFFFFC000  }
0x193: {  	[hbm4b:s25+s3] =	stream.strided.scatter [tilespmem:s5], [sflag:$0x8], $0x4000, s4, s3, $0x38;
	[tilespmem:$0x10800] =	vst v63  }
0x194: {  	_ =	swait.ge [sflag:s7], $0x4000  }
0x195: {  	[sflag:s7] =	ssyncset.done $0x0  }
0x196: {  	[sflag:s7] =	ssyncadd.s32 $0xFFFFC000  }
0x197: {  	[tilespmem:s5], [sflag:$0x4] =	stream.indirect.gather [hbm4b:s2+s3], $0x80, s17, s3, $0xb8;
	[tilespmem:$0x10800] =	vst v63  }
0x198: {  	_ =	swait.ge [sflag:s16], $0x4000  }
0x199: {  	[sflag:s16] =	ssyncset.done $0x0  }
0x19a: {  	s26 =	rddreg [dreg:$0x11];
	[sflag:s16] =	ssyncadd.s32 $0xFFFFC000  }
0x19b: {  	[hbm4b:s26+s3] =	stream.strided.scatter [tilespmem:s12], [sflag:$0x5], $0x4000, s4, s3, $0x38;
	[tilespmem:$0x10800] =	vst v63  }
0x19c: {  	_ =	swait.ge [sflag:s15], $0x4000  }
0x19d: {  	[sflag:s15] =	ssyncset.done $0x0  }
0x19e: {  	[sflag:s15] =	ssyncadd.s32 $0xFFFFC000  }
0x19f: {  	_ =	swait.ge [sflag:s14], $0x4000  }
0x1a0: {  	[sflag:s14] =	ssyncset.done $0x0  }
0x1a1: {  	s28 =	rddreg [dreg:$0x12];
	[sflag:s14] =	ssyncadd.s32 $0xFFFFC000  }
0x1a2: {  	[hbm4b:s28+s3] =	stream.strided.scatter [tilespmem:s9], [sflag:$0x6], $0x4000, s4, s3, $0x38;
	[tilespmem:$0x10800] =	vst v63  }
0x1a3: {  	_ =	swait.ge [sflag:s13], $0x4000  }
0x1a4: {  	[sflag:s13] =	ssyncset.done $0x0  }
0x1a5: {  	[sflag:s13] =	ssyncadd.s32 $0xFFFFC000  }
0x1a6: {  	_ =	swait.ge [sflag:s11], $0x4000  }
0x1a7: {  	[sflag:s11] =	ssyncset.done $0x0  }
0x1a8: {  	s29 =	rddreg [dreg:$0x13];
	[sflag:s11] =	ssyncadd.s32 $0xFFFFC000  }
0x1a9: {  	[hbm4b:s29+s3] =	stream.strided.scatter [tilespmem:s6], [sflag:$0x7], $0x4000, s4, s3, $0x38;
	[tilespmem:$0x10800] =	vst v63  }
0x1aa: {  	_ =	swait.ge [sflag:s10], $0x4000  }
0x1ab: {  	[sflag:s10] =	ssyncset.done $0x0  }
0x1ac: {  	[sflag:s10] =	ssyncadd.s32 $0xFFFFC000  }
0x1ad: {  	_ =	swait.ge [sflag:s8], $0x4000  }
0x1ae: {  	[sflag:s8] =	ssyncset.done $0x0  }
0x1af: {  	s30 =	rddreg [dreg:$0x14];
	[sflag:s8] =	ssyncadd.s32 $0xFFFFC000  }
0x1b0: {  	[hbm4b:s30+s3] =	stream.strided.scatter [tilespmem:s5], [sflag:$0x8], $0x4000, s4, s3, $0x38;
	[tilespmem:$0x10800] =	vst v63  }
0x1b1: {  	_ =	swait.ge [sflag:s7], $0x4000  }
0x1b2: {  	[sflag:s7] =	ssyncset.done $0x0  }
0x1b3: {  	[sflag:s7] =	ssyncadd.s32 $0xFFFFC000  }
0x1b4: {  	_ =	sfence.sel $0x180000  }
0x1b5: {  	[bflag:$0x0] =	sbarrier.arrive $0xFFFF  }
0x1b6: {  	_ =	strace $0x90000047  }
0x1b7: {  	s31 =	stileid.u32;
	[bflag:$0x2] =	sbarrier.arrive $0xFFFF  }
0x1b8: {  	p0 =	sne.s32 s31, $0x0;
	s0 =	rddreg [dreg:$0x3]  }
0x1b9: {  	s0 =	sadd.s32 @!p0 $0x100000, s0  }
0x1ba: {  	[sflag:s0] =	ssyncadd.tile.s32 @!p0 $0x1;
	_ =	shalt  }
.Lfunc_end2:
_tile_overlayer_lowered:
.L_overlay_start_2:
0x1bb: {  	(tag) =	ssettag $0x2  }
0x1bc: {  	s0 =	rddreg [dreg:$0x0];
	s2 =	stileid.u32  }
0x1bd: {  	s1 =	rddreg [dreg:$0x1];
	p0 =	sne.s32 s2, $0x0  }
0x1be: {  	s3 =	rddreg [dreg:$0x2];
	[bflag:$0x3] =	sbarrier.arrive $0xFFFF;
	s2 =	simm.s32 @!p0 $0x1C09  }
0x1bf: {  	[timem:s3], [sflag:s2] =	dma.local @!p0 [hbm:s0], s1  }
0x1c0: {  	s0 =	simm.s32 @!p0 $0x9  }
0x1c1: {  	_ =	swait.ge @!p0 [sflag:s0], s1  }
0x1c2: {  	s1 =	ssub.s32 @!p0 $0x0, s1;
	[sflag:s0] =	ssyncset.done @!p0 $0x0  }
0x1c3: {  	[sflag:s0] =	ssyncadd.s32 @!p0 s1  }
0x1c4: {  	[bflag:$0x3] =	sbarrier.arrive $0xFFFF  }
0x1c5: {  	_ =	shalt  }

// kernel: kernel.9.cloned.1.call-start
scs
__scs_entry_jumppad:
0x0: {  	(pc) =	sbr.rel $0x88, $3  }
0x1: {  	(tag) =	ssettag $0x0;
	lr =	simm.s32 $0x1  }
0x2: {  	[smem:$0x3F9E] =	sst lr;
	_ =	strace $0xD0000000  }
0x3: {  	_ = 	snop  }
0x4: {  	_ = 	snop  }
0x5: {  	_ = 	snop  }
0x6: {  	_ = 	snop  }
0x7: {  	_ = 	snop  }
__scs_overlays_trampoline_lowered:
0x8: {  	[smem:$0x3FAD] =	sst s0  }
0x9: {  	[smem:$0x3FAE] =	sst s1  }
0xa: {  	[smem:$0x3FAF] =	sst s2  }
0xb: {  	[smem:$0x3FB0] =	sst s3  }
0xc: {  	[smem:$0x3FB1] =	sst s4  }
0xd: {  	[smem:$0x3FB2] =	sst s5  }
0xe: {  	[smem:$0x3FB3] =	sst s6  }
0xf: {  	[smem:$0x3FB4] =	sst s7  }
0x10: {  	[smem:$0x3FB5] =	sst s8  }
0x11: {  	[smem:$0x3FB6] =	sst s9;
	s0 =	simm.s32 @!p0 $0x0  }
0x12: {  	s1 =	sld [smem:$0x3F9C];
	s0 =	simm.s32 @p0 $0x1  }
0x13: {  	[smem:$0x3FB7] =	sst s0;
	s0 =	simm.s32 @!p1 $0x0  }
0x14: {  	s2 =	sld [smem:$0x3F9B];
	s0 =	simm.s32 @p1 $0x1  }
0x15: {  	[smem:$0x3FB8] =	sst s0;
	s0 =	simm.s32 @!p2 $0x0  }
0x16: {  	s3 =	sld [smem:$0x3FDB];
	s0 =	simm.s32 @p2 $0x1  }
0x17: {  	s4 =	simm.s32 $0x1BF5;
	[smem:$0x3FBA] =	sst s0  }
0x18: {  	s0 =	sld [smem:$0x3F9D];
	_ =	swait.ge [sflag:s4], $0x0  }
0x19: {  	s7 =	sld [smem:$0x3F9E]  }
0x1a: {  	s8 =	sadd.s32 $0xFFFFE003, lr  }
0x1b: {  	s9 =	sadd.s32 $0xFFFFFEF7, lr;
	s5 =	simm.s32 $0xFFFFFFFF;
	p2 =	slt.u32 s8, $0xFFFFF086  }
0x1c: {  	p1 =	slt.u32 s9, $0xF7A;
	s5 =	simm.s32 @!p2 $0x0  }
0x1d: {  	s5 =	simm.s32 @p1 $0x1;
	p0 =	seq.s32 s7, s2  }
0x1e: {  	s7 =	smul.u32 @!p0 $0xF7A, s2;
	p2 =	seq.s32 @!p0 s5, $0x0  }
0x1f: {  	s9 =	smul.u32 $0xF7A, s1;
	s8 =	simm.s32 @!p0 $0x1BF5;
	p2 =	por !p2, p0  }
0x20: {  	[sflag:s8] =	ssyncset.s32 @!p0 $0xFFFFF086;
	s6 =	sadd.s32 @!p0 s3, s7;
	s7 =	simm.s32 @!p0 $0x108  }
0x21: {  	s3 =	sadd.s32 s3, s9;
	s6 =	sadd.s32 @!p0 $0x88, s6;
	s7 =	simm.s32 @p2 $0x1082  }
0x22: {  	[simem:s7], [sflag:s8] =	dma.local @!p0 [hbm:s6], $0xF7A  }
0x23: {  	s9 =	sor.u32 $0xD0000000, s2;
	s6 =	simm.s32 $0x108;
	_ =	swait.ge @!p0 [sflag:s8], $0x0  }
0x24: {  	s3 =	sadd.s32 $0x88, s3;
	s6 =	simm.s32 @!p1 $0x1082;
	[sflag:s4] =	ssyncset.s32 $0xFFFFF086  }
0x25: {  	[simem:s6], [sflag:s4] =	dma.local [hbm:s3], $0xF7A  }
0x26: {  	[smem:$0x3F9E] =	sst s1;
	(tag) =	ssettag s2;
	_ =	strace s9  }
0x27: {  	s1 =	sld [smem:$0x3FAE]  }
0x28: {  	s2 =	sld [smem:$0x3FAF]  }
0x29: {  	s4 =	sld [smem:$0x3FB1]  }
0x2a: {  	p0 =	seq.s32 s5, $0x0;
	s5 =	sld [smem:$0x3FB2]  }
0x2b: {  	s6 =	sld [smem:$0x3FB3]  }
0x2c: {  	s7 =	sld [smem:$0x3FB4]  }
0x2d: {  	s3 =	simm.s32 $0x108;
	s8 =	sld [smem:$0x3FB5]  }
0x2e: {  	s3 =	simm.s32 @!p0 $0x1082;
	s9 =	sld [smem:$0x3FB6]  }
0x2f: {  	lr =	sadd.s32 s0, s3;
	s0 =	sld [smem:$0x3FAD]  }
0x30: {  	s3 =	sld [smem:$0x3FB0]  }
0x31: {  	[smem:$0x3FB9] =	sst s10  }
0x32: {  	s10 =	sld [smem:$0x3FB7];
	_ =	sdelay $0x3  }
0x33: {  	p0 =	seq.s32 s10, $0x1;
	s10 =	sld [smem:$0x3FB9];
	_ =	sdelay $0x3  }
0x34: {  	[smem:$0x3FB9] =	sst s10  }
0x35: {  	s10 =	sld [smem:$0x3FB8];
	_ =	sdelay $0x3  }
0x36: {  	p1 =	seq.s32 s10, $0x1;
	s10 =	sld [smem:$0x3FB9];
	_ =	sdelay $0x3  }
0x37: {  	[smem:$0x3FB9] =	sst s10  }
0x38: {  	s10 =	sld [smem:$0x3FBA]  }
0x39: {  	_ = 	snop;
	(pc) =	sbr.ind lr, $3  }
0x3a: {  	_ = 	snop  }
0x3b: {  	_ = 	snop  }
0x3c: {  	p2 =	seq.s32 s10, $0x1;
	s10 =	sld [smem:$0x3FB9]  }
0x3d: {  	_ =	shalt  }
0x3e: {  	_ =	shalt  }
0x3f: {  	_ =	shalt  }
0x40: {  	_ =	shalt  }
0x41: {  	_ =	shalt  }
0x42: {  	_ =	shalt  }
0x43: {  	_ =	shalt  }
0x44: {  	_ =	shalt  }
0x45: {  	_ =	shalt  }
0x46: {  	_ =	shalt  }
0x47: {  	_ =	shalt  }
0x48: {  	_ =	shalt  }
0x49: {  	_ =	shalt  }
0x4a: {  	_ =	shalt  }
0x4b: {  	_ =	shalt  }
0x4c: {  	_ =	shalt  }
0x4d: {  	_ =	shalt  }
0x4e: {  	_ =	shalt  }
0x4f: {  	_ =	shalt  }
0x50: {  	_ =	shalt  }
0x51: {  	_ =	shalt  }
0x52: {  	_ =	shalt  }
0x53: {  	_ =	shalt  }
0x54: {  	_ =	shalt  }
0x55: {  	_ =	shalt  }
0x56: {  	_ =	shalt  }
0x57: {  	_ =	shalt  }
0x58: {  	_ =	shalt  }
0x59: {  	_ =	shalt  }
0x5a: {  	_ =	shalt  }
0x5b: {  	_ =	shalt  }
0x5c: {  	_ =	shalt  }
0x5d: {  	_ =	shalt  }
0x5e: {  	_ =	shalt  }
0x5f: {  	_ =	shalt  }
0x60: {  	_ =	shalt  }
0x61: {  	_ =	shalt  }
0x62: {  	_ =	shalt  }
0x63: {  	_ =	shalt  }
0x64: {  	_ =	shalt  }
0x65: {  	_ =	shalt  }
0x66: {  	_ =	shalt  }
0x67: {  	_ =	shalt  }
0x68: {  	_ =	shalt  }
0x69: {  	_ =	shalt  }
0x6a: {  	_ =	shalt  }
0x6b: {  	_ =	shalt  }
0x6c: {  	_ =	shalt  }
0x6d: {  	_ =	shalt  }
0x6e: {  	_ =	shalt  }
0x6f: {  	_ =	shalt  }
0x70: {  	_ =	shalt  }
0x71: {  	_ =	shalt  }
0x72: {  	_ =	shalt  }
0x73: {  	_ =	shalt  }
0x74: {  	_ =	shalt  }
0x75: {  	_ =	shalt  }
0x76: {  	_ =	shalt  }
0x77: {  	_ =	shalt  }
0x78: {  	_ =	shalt  }
0x79: {  	_ =	shalt  }
0x7a: {  	_ =	shalt  }
0x7b: {  	_ =	shalt  }
0x7c: {  	_ =	shalt  }
0x7d: {  	_ =	shalt  }
0x7e: {  	_ =	shalt  }
0x7f: {  	_ =	shalt  }
0x80: {  	_ =	shalt  }
0x81: {  	_ =	shalt  }
0x82: {  	_ =	shalt  }
0x83: {  	_ =	shalt  }
0x84: {  	_ =	shalt  }
0x85: {  	_ =	shalt  }
0x86: {  	_ =	shalt  }
0x87: {  	_ =	shalt  }
.Lfunc_end0:
.L_simem_size_0:
called_computation.1_lowered:
.L_overlay_start_0:
0x88: {  	s2 =	sld [smem:$0x3FD9]  }
0x89: {  	s3 =	sld [smem:$0x3FFE];
	_ =	sdelay $0x1  }
0x8a: {  	s1 =	srdreg.scid  }
0x8b: {  	s0 =	sand.u32 $0x1, s1  }
0x8c: {  	s17 =	sshll.u32 s0, $0xA;
	s2 =	sadd.s32 s3, s2  }
0x8d: {  	s2 =	sadd.s32 s2, s17  }
0x8e: {  	[smem:$0x3FC5] =	sst s2  }
0x8f: {  	_ = 	snop  }
0x90: {  	s2 =	sld [smem:$0x3FC9]  }
0x91: {  	s18 =	sld [smem:$0x3FD0];
	(tm) =	ssettm $0x1  }
0x92: {  	s4 =	sld [smem:$0x3FFB];
	_ =	sdelay $0x3  }
0x93: {  	_ =	strace s4  }
0x94: {  	s4 =	sld [smem:$0x3FFC];
	_ =	sdelay $0x3  }
0x95: {  	_ =	strace s4  }
0x96: {  	s4 =	sld [smem:$0x3FFD];
	_ =	sdelay $0x3  }
0x97: {  	_ =	strace s4  }
0x98: {  	_ =	strace $0x8FFFFFFF  }
0x99: {  	s19 =	sld [smem:$0x3FDB];
	_ =	sdelay $0x1  }
0x9a: {  	s5 =	simm.s32 $_scs_section_size  }
0x9b: {  	s6 =	simm.s32 $_size__tile_overlayer_lowered;
	s7 =	simm.s32 $_tile_overlayer_lowered  }
0x9c: {  	s22 =	simm.s32 $0x1BFF;
	s21 =	sshll.u32 s7, $0x1;
	s4 =	sadd.s32 s5, s19  }
0x9d: {  	s8 =	simm.s32 $0x0;
	s20 =	sshll.u32 s6, $0x1;
	s6 =	sadd.s32 s21, s4  }
0x9e: {  	[timem:s8], [sflag:s22] =	dma.local [hbm:s6], s20  }
0x9f: {  	_ =	swait.ge [sflag:s22], s20  }
0xa0: {  	s5 =	ssub.s32 $0x0, s20;
	[sflag:s22] =	ssyncset.done $0x0  }
0xa1: {  	[sflag:s22] =	ssyncadd.s32 s5;
	_ =	sdelay $0x1  }
0xa2: {  	s23 =	simm.s32 $0x1B8B  }
0xa3: {  	_ =	swait.ge [sflag:s23], $0x1  }
0xa4: {  	[sflag:s23] =	ssyncset.done $0x0  }
0xa5: {  	s25 =	simm.s32 $0x1B8E;
	s24 =	sld [smem:$0x3FFE];
	[sflag:s23] =	ssyncadd.s32 $0xFFFFFFFF  }
0xa6: {  	s26 =	simm.s32 $execute0_lowered;
	[smem:$0x3FD2] =	sst s25  }
0xa7: {  	s6 =	sshll.u32 s26, $0x1;
	_ =	strace $0x80000049;
	[dreg:$0x1] =	wrdreg $0xFFFFFFFF  }
0xa8: {  	s28 =	simm.s32 $_size_execute0_lowered;
	s4 =	sadd.s32 s4, s6;
	[dreg:$0x0] =	wrdreg $0x0  }
0xa9: {  	s6 =	sshll.u32 s28, $0x1;
	[dreg:$0x2] =	wrdreg s4  }
0xaa: {  	[dreg:$0x3] =	wrdreg s6  }
0xab: {  	[dreg:$0x4] =	wrdreg $0xC0  }
0xac: {  	_ =	task [dreg:s8], $0x5FFFF  }
0xad: {  	[dreg:$0x1] =	wrdreg $0xFFFFFFFF  }
0xae: {  	[dreg:$0x0] =	wrdreg $0x60  }
0xaf: {  	[dreg:$0x2] =	wrdreg s2  }
0xb0: {  	[dreg:$0x3] =	wrdreg s24  }
0xb1: {  	[dreg:$0x4] =	wrdreg s18  }
0xb2: {  	[dreg:$0x5] =	wrdreg $0x9  }
0xb3: {  	_ =	task.clear_ibuf [dreg:s8], $0x6FFFF;
	_ =	strace $0x90000049  }
0xb4: {  	s29 =	simm.s32 $0x9;
	_ =	strace $0x8000004B  }
0xb5: {  	_ =	swait.ge [sflag:s29], $0x1  }
0xb6: {  	[sflag:s29] =	ssyncadd.s32 $0xFFFFFFFF  }
0xb7: {  	_ =	strace $0x9000004B  }
0xb8: {  	_ =	sfence  }
0xb9: {  	s30 =	sld [smem:$0x0];
	_ =	sdelay $0x2  }
0xba: {  	s31 =	sshll.u32 s1, $0xD;
	s1 =	sshrl.u32 s1, $0x2  }
0xbb: {  	s3 =	sand.u32 $0x4000, s31;
	s1 =	sadd.s32 s1, s30  }
0xbc: {  	s0 =	sor.u32 s3, s0;
	s1 =	sshll.u32 s1, $0x11  }
0xbd: {  	s0 =	sor.u32 s1, s0  }
0xbe: {  	s0 =	sadd.s32 $0x8F2B, s0  }
0xbf: {  	[sflag:s0] =	ssyncadd.remote.s32 $0x1  }
0xc0: {  	_ =	sfence.sel $0xFFFF  }
0xc1: {  	[dreg:$0x0] =	wrdreg $0xFFFFFFFF;
	(pc) =	sbr.abs _section_cstart, $3  }
0xc2: {  	[dreg:$0x1] =	wrdreg $0xFFFFFFFF  }
0xc3: {  	_ =	task.clear_ibuf [dreg:s8], $0x2FFFF;
	_ =	strace $0x9FFFFFFF  }
0xc4: {  	(tm) =	ssettm $0x7FFFFFFF  }
0xc5: {  	_ =	shalt  }
tec
execute0_lowered:
.L_overlay_start_1:
0x0: {  	(tag) =	ssettag $0x1  }
0x1: {  	s1 =	srdreg.scid;
	s0 =	stileid.u32  }
0x2: {  	s1 =	sand.u32 $0x1, s1;
	s2 =	sshll.u32 s0, $0x1  }
0x3: {  	s12 =	sor.u32 s1, s2  }
0x4: {  	p1 =	seq.s32 s1, $0x1;
	p0 =	seq.s32 s12, $0x0  }
0x5: {  	p0 =	por !p0, !p1  }
0x6: {  	s3 =	simm.s32 $0x1;
	p0 =	por !p0, !p0  }
0x7: {  	s3 =	simm.s32 @!p0 $0x0  }
0x8: {  	s3 =	ssub.s32 s0, s3  }
0x9: {  	s4 =	rddreg [dreg:$0x1];
	s5 =	sshll.u32 s3, $0x8  }
0xa: {  	s13 =	rddreg [dreg:$0x2];
	s21 =	simm.s32 $0x0;
	s6 =	sand.u32 $0x1FFFFF00, s5  }
0xb: {  	[smem:$0x7FF] =	sst s21;
	s22 =	sshll.u32 s12, $0x7;
	s4 =	sadd.s32 s6, s4  }
0xc: {  	s2 =	rddreg [dreg:$0x0];
	s7 =	sadd.s32 $0x3200, s4;
	s4 =	ssub.s32 s22, s5  }
0xd: {  	_ =	strace $0x8000004A;
	[dreg:$0x4] =	wrdreg s7;
	s5 =	sadd.s32 $0x100, s4  }
0xe: {  	s23 =	sadd.s32 $0x200, s4;
	[dreg:$0x5] =	wrdreg s5  }
0xf: {  	[dreg:$0x6] =	wrdreg s23  }
0x10: {  	s24 =	sadd.s32 $0x300, s4;
	s25 =	rddreg [dreg:$0x4]  }
0x11: {  	s26 =	sadd.s32 $0x400, s4;
	[dreg:$0x7] =	wrdreg s24  }
0x12: {  	[dreg:$0x8] =	wrdreg s26;
	s5 =	simm.s32 $0x9  }
0x13: {  	[tilespmem:s21], [sflag:$0x9] =	stream.linear.gather [hbm4b:s25+s21], $0x800, $0x38;
	[tilespmem:$0x10800] =	vst v63  }
0x14: {  	_ =	swait.ge [sflag:s5], $0x800  }
0x15: {  	[sflag:s5] =	ssyncset.done $0x0  }
0x16: {  	s6 =	simm.s32 $0x80;
	s7 =	simm.s32 $0x800;
	[sflag:s5] =	ssyncadd.s32 $0xFFFFF800  }
0x17: {  	[tilespmem:s7], [sflag:$0x1] =	stream.indirect.gather [hbm4b:s2+s6], $0x80, s4, s6, $0xb8;
	[tilespmem:$0x10800] =	vst v63  }
0x18: {  	s8 =	simm.s32 $0x4800;
	s9 =	rddreg [dreg:$0x5]  }
0x19: {  	[tilespmem:s8], [sflag:$0x2] =	stream.indirect.gather [hbm4b:s2+s6], $0x80, s9, s6, $0xb8;
	[tilespmem:$0x10800] =	vst v63  }
0x1a: {  	s10 =	rddreg [dreg:$0x6];
	s9 =	simm.s32 $0x8800  }
0x1b: {  	[tilespmem:s9], [sflag:$0x3] =	stream.indirect.gather [hbm4b:s2+s6], $0x80, s10, s6, $0xb8;
	[tilespmem:$0x10800] =	vst v63  }
0x1c: {  	s11 =	simm.s32 $0xC800;
	s14 =	rddreg [dreg:$0x7];
	s10 =	simm.s32 $0x1  }
0x1d: {  	[tilespmem:s11], [sflag:$0x4] =	stream.indirect.gather [hbm4b:s2+s6], $0x80, s14, s6, $0xb8;
	[tilespmem:$0x10800] =	vst v63  }
0x1e: {  	s12 =	sshll.u32 s12, $0xE;
	_ =	swait.ge [sflag:s10], $0x4000  }
0x1f: {  	s12 =	sadd.s32 s13, s12;
	[sflag:s10] =	ssyncset.done $0x0  }
0x20: {  	s13 =	simm.s32 $0x400;
	s14 =	simm.s32 $0x5;
	[sflag:s10] =	ssyncadd.s32 $0xFFFFC000  }
0x21: {  	[hbm4b:s12+s6] =	stream.strided.scatter [tilespmem:s7], [sflag:$0x5], $0x4000, s13, s6, $0x38;
	[tilespmem:$0x10800] =	vst v63  }
0x22: {  	_ =	swait.ge [sflag:s14], $0x4000  }
0x23: {  	[sflag:s14] =	ssyncset.done $0x0  }
0x24: {  	s15 =	simm.s32 $0x2;
	s16 =	rddreg [dreg:$0x8];
	[sflag:s14] =	ssyncadd.s32 $0xFFFFC000  }
0x25: {  	[tilespmem:s7], [sflag:$0x1] =	stream.indirect.gather [hbm4b:s2+s6], $0x80, s16, s6, $0xb8;
	[tilespmem:$0x10800] =	vst v63  }
0x26: {  	_ =	swait.ge [sflag:s15], $0x4000  }
0x27: {  	[sflag:s15] =	ssyncset.done $0x0  }
0x28: {  	s17 =	simm.s32 $0x6;
	s16 =	sadd.s32 $0x10, s12;
	[sflag:s15] =	ssyncadd.s32 $0xFFFFC000  }
0x29: {  	[hbm4b:s16+s6] =	stream.strided.scatter [tilespmem:s8], [sflag:$0x6], $0x4000, s13, s6, $0x38;
	[tilespmem:$0x10800] =	vst v63  }
0x2a: {  	_ =	swait.ge [sflag:s17], $0x4000  }
0x2b: {  	[sflag:s17] =	ssyncset.done $0x0  }
0x2c: {  	s19 =	simm.s32 $0x3;
	s18 =	sadd.s32 $0x500, s4;
	[sflag:s17] =	ssyncadd.s32 $0xFFFFC000  }
0x2d: {  	[tilespmem:s8], [sflag:$0x2] =	stream.indirect.gather [hbm4b:s2+s6], $0x80, s18, s6, $0xb8;
	[tilespmem:$0x10800] =	vst v63  }
0x2e: {  	_ =	swait.ge [sflag:s19], $0x4000  }
0x2f: {  	[sflag:s19] =	ssyncset.done $0x0  }
0x30: {  	s20 =	sadd.s32 $0x20, s12;
	s21 =	simm.s32 $0x7;
	[sflag:s19] =	ssyncadd.s32 $0xFFFFC000  }
0x31: {  	[hbm4b:s20+s6] =	stream.strided.scatter [tilespmem:s9], [sflag:$0x7], $0x4000, s13, s6, $0x38;
	[tilespmem:$0x10800] =	vst v63  }
0x32: {  	_ =	swait.ge [sflag:s21], $0x4000  }
0x33: {  	[sflag:s21] =	ssyncset.done $0x0  }
0x34: {  	s22 =	sadd.s32 $0x600, s4;
	s23 =	simm.s32 $0x4;
	[sflag:s21] =	ssyncadd.s32 $0xFFFFC000  }
0x35: {  	[tilespmem:s9], [sflag:$0x3] =	stream.indirect.gather [hbm4b:s2+s6], $0x80, s22, s6, $0xb8;
	[tilespmem:$0x10800] =	vst v63  }
0x36: {  	_ =	swait.ge [sflag:s23], $0x4000  }
0x37: {  	[sflag:s23] =	ssyncset.done $0x0  }
0x38: {  	s24 =	sadd.s32 $0x30, s12;
	s25 =	simm.s32 $0x8;
	[sflag:s23] =	ssyncadd.s32 $0xFFFFC000  }
0x39: {  	[hbm4b:s24+s6] =	stream.strided.scatter [tilespmem:s11], [sflag:$0x8], $0x4000, s13, s6, $0x38;
	[tilespmem:$0x10800] =	vst v63  }
0x3a: {  	_ =	swait.ge [sflag:s25], $0x4000  }
0x3b: {  	[sflag:s25] =	ssyncset.done $0x0  }
0x3c: {  	s26 =	sadd.s32 $0x700, s4;
	[sflag:s25] =	ssyncadd.s32 $0xFFFFC000  }
0x3d: {  	[tilespmem:s11], [sflag:$0x4] =	stream.indirect.gather [hbm4b:s2+s6], $0x80, s26, s6, $0xb8;
	[tilespmem:$0x10800] =	vst v63  }
0x3e: {  	_ =	swait.ge [sflag:s10], $0x4000  }
0x3f: {  	[sflag:s10] =	ssyncset.done $0x0  }
0x40: {  	s28 =	sadd.s32 $0x40, s12;
	[sflag:s10] =	ssyncadd.s32 $0xFFFFC000  }
0x41: {  	[hbm4b:s28+s6] =	stream.strided.scatter [tilespmem:s7], [sflag:$0x5], $0x4000, s13, s6, $0x38;
	[tilespmem:$0x10800] =	vst v63  }
0x42: {  	_ =	swait.ge [sflag:s14], $0x4000  }
0x43: {  	[sflag:s14] =	ssyncset.done $0x0  }
0x44: {  	[sflag:s14] =	ssyncadd.s32 $0xFFFFC000  }
0x45: {  	_ =	swait.ge [sflag:s15], $0x4000  }
0x46: {  	[sflag:s15] =	ssyncset.done $0x0  }
0x47: {  	s29 =	sadd.s32 $0x50, s12;
	[sflag:s15] =	ssyncadd.s32 $0xFFFFC000  }
0x48: {  	[hbm4b:s29+s6] =	stream.strided.scatter [tilespmem:s8], [sflag:$0x6], $0x4000, s13, s6, $0x38;
	[tilespmem:$0x10800] =	vst v63  }
0x49: {  	_ =	swait.ge [sflag:s17], $0x4000  }
0x4a: {  	[sflag:s17] =	ssyncset.done $0x0  }
0x4b: {  	[sflag:s17] =	ssyncadd.s32 $0xFFFFC000  }
0x4c: {  	_ =	swait.ge [sflag:s19], $0x4000  }
0x4d: {  	s1 =	ssub.s32 $0x2, s1;
	[sflag:s19] =	ssyncset.done $0x0  }
0x4e: {  	s31 =	sshrl.u32 s1, $0x1;
	s30 =	sadd.s32 $0x60, s12;
	[sflag:s19] =	ssyncadd.s32 $0xFFFFC000  }
0x4f: {  	[hbm4b:s30+s6] =	stream.strided.scatter [tilespmem:s9], [sflag:$0x7], $0x4000, s13, s6, $0x38;
	[tilespmem:$0x10800] =	vst v63  }
0x50: {  	s1 =	ssub.s32 s1, s31;
	_ =	swait.ge [sflag:s21], $0x4000  }
0x51: {  	s1 =	smax.u32 s1, $0x1;
	[sflag:s21] =	ssyncset.done $0x0  }
0x52: {  	p0 =	sne.s32 s1, $0x1;
	[sflag:s21] =	ssyncadd.s32 $0xFFFFC000  }
.Ltmp0:
0x53: {  	_ =	swait.ge [sflag:s23], $0x4000;
	(pc) =	sbr.rel @!p0 .LBB2_2-.Ltmp0, $4  }
0x54: {  	[sflag:s23] =	ssyncset.done $0x0  }
0x55: {  	s31 =	sadd.s32 $0x70, s12;
	[sflag:s23] =	ssyncadd.s32 $0xFFFFC000  }
0x56: {  	[hbm4b:s31+s6] =	stream.strided.scatter [tilespmem:s11], [sflag:$0x8], $0x4000, s13, s6, $0x38;
	[tilespmem:$0x10800] =	vst v63  }
0x57: {  	s1 =	sadd.s32 $0xFFFFFFFF, s1;
	_ =	swait.ge [sflag:s25], $0x4000  }
.LBB2_1:
0x58: {  	[sflag:s25] =	ssyncset.done $0x0  }
0x59: {  	s0 =	rddreg [dreg:$0x4];
	s3 =	simm.s32 $0x0;
	[sflag:s25] =	ssyncadd.s32 $0xFFFFC000  }
0x5a: {  	[tilespmem:s3], [sflag:$0x9] =	stream.linear.gather [hbm4b:s0+s3], $0x800, $0x38;
	[tilespmem:$0x10800] =	vst v63  }
0x5b: {  	_ =	swait.ge [sflag:s5], $0x800  }
0x5c: {  	[sflag:s5] =	ssyncset.done $0x0  }
0x5d: {  	[sflag:s5] =	ssyncadd.s32 $0xFFFFF800  }
0x5e: {  	[tilespmem:s7], [sflag:$0x1] =	stream.indirect.gather [hbm4b:s2+s6], $0x80, s4, s6, $0xb8;
	[tilespmem:$0x10800] =	vst v63  }
0x5f: {  	s0 =	rddreg [dreg:$0x5]  }
0x60: {  	[tilespmem:s8], [sflag:$0x2] =	stream.indirect.gather [hbm4b:s2+s6], $0x80, s0, s6, $0xb8;
	[tilespmem:$0x10800] =	vst v63  }
0x61: {  	s3 =	rddreg [dreg:$0x6]  }
0x62: {  	[tilespmem:s9], [sflag:$0x3] =	stream.indirect.gather [hbm4b:s2+s6], $0x80, s3, s6, $0xb8;
	[tilespmem:$0x10800] =	vst v63  }
0x63: {  	s0 =	rddreg [dreg:$0x7]  }
0x64: {  	[tilespmem:s11], [sflag:$0x4] =	stream.indirect.gather [hbm4b:s2+s6], $0x80, s0, s6, $0xb8;
	[tilespmem:$0x10800] =	vst v63  }
0x65: {  	_ =	swait.ge [sflag:s10], $0x4000  }
0x66: {  	[sflag:s10] =	ssyncset.done $0x0  }
0x67: {  	[sflag:s10] =	ssyncadd.s32 $0xFFFFC000  }
0x68: {  	[hbm4b:s12+s6] =	stream.strided.scatter [tilespmem:s7], [sflag:$0x5], $0x4000, s13, s6, $0x38;
	[tilespmem:$0x10800] =	vst v63  }
0x69: {  	_ =	swait.ge [sflag:s14], $0x4000  }
0x6a: {  	[sflag:s14] =	ssyncset.done $0x0  }
0x6b: {  	s3 =	rddreg [dreg:$0x8];
	[sflag:s14] =	ssyncadd.s32 $0xFFFFC000  }
0x6c: {  	[tilespmem:s7], [sflag:$0x1] =	stream.indirect.gather [hbm4b:s2+s6], $0x80, s3, s6, $0xb8;
	[tilespmem:$0x10800] =	vst v63  }
0x6d: {  	_ =	swait.ge [sflag:s15], $0x4000  }
0x6e: {  	[sflag:s15] =	ssyncset.done $0x0  }
0x6f: {  	[sflag:s15] =	ssyncadd.s32 $0xFFFFC000  }
0x70: {  	[hbm4b:s16+s6] =	stream.strided.scatter [tilespmem:s8], [sflag:$0x6], $0x4000, s13, s6, $0x38;
	[tilespmem:$0x10800] =	vst v63  }
0x71: {  	_ =	swait.ge [sflag:s17], $0x4000  }
0x72: {  	[sflag:s17] =	ssyncset.done $0x0  }
0x73: {  	[sflag:s17] =	ssyncadd.s32 $0xFFFFC000  }
0x74: {  	[tilespmem:s8], [sflag:$0x2] =	stream.indirect.gather [hbm4b:s2+s6], $0x80, s18, s6, $0xb8;
	[tilespmem:$0x10800] =	vst v63  }
0x75: {  	_ =	swait.ge [sflag:s19], $0x4000  }
0x76: {  	[sflag:s19] =	ssyncset.done $0x0  }
0x77: {  	[sflag:s19] =	ssyncadd.s32 $0xFFFFC000  }
0x78: {  	[hbm4b:s20+s6] =	stream.strided.scatter [tilespmem:s9], [sflag:$0x7], $0x4000, s13, s6, $0x38;
	[tilespmem:$0x10800] =	vst v63  }
0x79: {  	_ =	swait.ge [sflag:s21], $0x4000  }
0x7a: {  	[sflag:s21] =	ssyncset.done $0x0  }
0x7b: {  	[sflag:s21] =	ssyncadd.s32 $0xFFFFC000  }
0x7c: {  	[tilespmem:s9], [sflag:$0x3] =	stream.indirect.gather [hbm4b:s2+s6], $0x80, s22, s6, $0xb8;
	[tilespmem:$0x10800] =	vst v63  }
0x7d: {  	_ =	swait.ge [sflag:s23], $0x4000  }
0x7e: {  	[sflag:s23] =	ssyncset.done $0x0  }
0x7f: {  	[sflag:s23] =	ssyncadd.s32 $0xFFFFC000  }
0x80: {  	[hbm4b:s24+s6] =	stream.strided.scatter [tilespmem:s11], [sflag:$0x8], $0x4000, s13, s6, $0x38;
	[tilespmem:$0x10800] =	vst v63  }
0x81: {  	_ =	swait.ge [sflag:s25], $0x4000  }
0x82: {  	[sflag:s25] =	ssyncset.done $0x0  }
0x83: {  	[sflag:s25] =	ssyncadd.s32 $0xFFFFC000  }
0x84: {  	[tilespmem:s11], [sflag:$0x4] =	stream.indirect.gather [hbm4b:s2+s6], $0x80, s26, s6, $0xb8;
	[tilespmem:$0x10800] =	vst v63  }
0x85: {  	_ =	swait.ge [sflag:s10], $0x4000  }
0x86: {  	[sflag:s10] =	ssyncset.done $0x0  }
0x87: {  	[sflag:s10] =	ssyncadd.s32 $0xFFFFC000  }
0x88: {  	[hbm4b:s28+s6] =	stream.strided.scatter [tilespmem:s7], [sflag:$0x5], $0x4000, s13, s6, $0x38;
	[tilespmem:$0x10800] =	vst v63  }
0x89: {  	_ =	swait.ge [sflag:s14], $0x4000  }
0x8a: {  	[sflag:s14] =	ssyncset.done $0x0  }
0x8b: {  	[sflag:s14] =	ssyncadd.s32 $0xFFFFC000  }
0x8c: {  	_ =	swait.ge [sflag:s15], $0x4000  }
0x8d: {  	[sflag:s15] =	ssyncset.done $0x0  }
0x8e: {  	[sflag:s15] =	ssyncadd.s32 $0xFFFFC000  }
0x8f: {  	[hbm4b:s29+s6] =	stream.strided.scatter [tilespmem:s8], [sflag:$0x6], $0x4000, s13, s6, $0x38;
	[tilespmem:$0x10800] =	vst v63  }
0x90: {  	_ =	swait.ge [sflag:s17], $0x4000  }
0x91: {  	[sflag:s17] =	ssyncset.done $0x0  }
0x92: {  	[sflag:s17] =	ssyncadd.s32 $0xFFFFC000  }
0x93: {  	_ =	swait.ge [sflag:s19], $0x4000  }
0x94: {  	[sflag:s19] =	ssyncset.done $0x0  }
0x95: {  	[sflag:s19] =	ssyncadd.s32 $0xFFFFC000  }
0x96: {  	[hbm4b:s30+s6] =	stream.strided.scatter [tilespmem:s9], [sflag:$0x7], $0x4000, s13, s6, $0x38;
	[tilespmem:$0x10800] =	vst v63  }
0x97: {  	_ =	swait.ge [sflag:s21], $0x4000  }
0x98: {  	[sflag:s21] =	ssyncset.done $0x0  }
0x99: {  	p0 =	sne.s32 s1, $0x1;
	[sflag:s21] =	ssyncadd.s32 $0xFFFFC000  }
.Ltmp1:
0x9a: {  	_ =	swait.ge [sflag:s23], $0x4000;
	(pc) =	sbr.rel @p0 .LBB2_1-.Ltmp1, $4  }
0x9b: {  	[sflag:s23] =	ssyncset.done $0x0  }
0x9c: {  	[sflag:s23] =	ssyncadd.s32 $0xFFFFC000  }
0x9d: {  	[hbm4b:s31+s6] =	stream.strided.scatter [tilespmem:s11], [sflag:$0x8], $0x4000, s13, s6, $0x38;
	[tilespmem:$0x10800] =	vst v63  }
0x9e: {  	s1 =	sadd.s32 $0xFFFFFFFF, s1;
	_ =	swait.ge [sflag:s25], $0x4000  }
.LBB2_2:
0x9f: {  	[sflag:s25] =	ssyncset.done $0x0  }
0xa0: {  	[sflag:s25] =	ssyncadd.s32 $0xFFFFC000  }
0xa1: {  	_ =	sfence.sel $0x180000  }
0xa2: {  	[bflag:$0x0] =	sbarrier.arrive $0xFFFF  }
0xa3: {  	_ =	strace $0x9000004A  }
0xa4: {  	s0 =	stileid.u32;
	[bflag:$0x2] =	sbarrier.arrive $0xFFFF  }
0xa5: {  	p0 =	sne.s32 s0, $0x0;
	s0 =	rddreg [dreg:$0x3]  }
0xa6: {  	s0 =	sadd.s32 @!p0 $0x100000, s0  }
0xa7: {  	[sflag:s0] =	ssyncadd.tile.s32 @!p0 $0x1;
	_ =	shalt  }
.Lfunc_end2:
_tile_overlayer_lowered:
.L_overlay_start_2:
0xa8: {  	(tag) =	ssettag $0x2  }
0xa9: {  	s0 =	rddreg [dreg:$0x0];
	s2 =	stileid.u32  }
0xaa: {  	s1 =	rddreg [dreg:$0x1];
	p0 =	sne.s32 s2, $0x0  }
0xab: {  	s3 =	rddreg [dreg:$0x2];
	[bflag:$0x3] =	sbarrier.arrive $0xFFFF;
	s2 =	simm.s32 @!p0 $0x1C09  }
0xac: {  	[timem:s3], [sflag:s2] =	dma.local @!p0 [hbm:s0], s1  }
0xad: {  	s0 =	simm.s32 @!p0 $0x9  }
0xae: {  	_ =	swait.ge @!p0 [sflag:s0], s1  }
0xaf: {  	s1 =	ssub.s32 @!p0 $0x0, s1;
	[sflag:s0] =	ssyncset.done @!p0 $0x0  }
0xb0: {  	[sflag:s0] =	ssyncadd.s32 @!p0 s1  }
0xb1: {  	[bflag:$0x3] =	sbarrier.arrive $0xFFFF  }
0xb2: {  	_ =	shalt  }

</sc_bundles>
